<compile_context>
chip_gen: v7x
topology: tpu7x:2x2x1
jax: 0.10.2.dev20260603
libtpu: 0.0.44.dev20260713+nightly
codegen_flags: <defaults>
</compile_context>

<pallas_src>
import functools

import jax
import jax.numpy as jnp
from jax import lax
from jax.experimental import pallas as pl
from jax.experimental.pallas import tpu as pltpu
from jax.experimental.pallas import tpu_sc as plsc

_N = 100000
_E = 3200000
_OUT = 4
_LANE = 128
_NC = 2
_NS = 16
_ROWS = 25600
_RPW = _ROWS // (_NC * _NS)
_RC = 40
_NCHUNK = _RPW // _RC
_PADN = 7680
_PADR = 10
_DSL = 6248
_DSL_LAST = _N - (_NS - 1) * _DSL

_mesh = plsc.VectorSubcoreMesh(core_axis_name="core", subcore_axis_name="subcore")
_sc_params = pltpu.CompilerParams(use_tc_tiling_on_sc=False)


def _per_tile_slice(s, fn):

    @pl.when(s < _NS - 1)
    def _():
        fn(s * _DSL, _DSL)

    @pl.when(s == _NS - 1)
    def _():
        fn((_NS - 1) * _DSL, _DSL_LAST)


@functools.partial(
    pl.kernel,
    out_type=(
        jax.ShapeDtypeStruct((_N, 1), jnp.float32),
        jax.ShapeDtypeStruct((_N, 1), jnp.float32),
    ),
    mesh=_mesh,
    scratch_types=[
        pltpu.VMEM((_RC, _LANE), jnp.int32),
        pltpu.VMEM((_LANE, 1), jnp.float32),
        pltpu.VMEM_SHARED((_N, 1), jnp.float32),
        [pltpu.SemaphoreType.DMA] * 4,
    ],
    compiler_params=_sc_params,
)
def _deg_kernel(edges, zeros, ones, deg0, deg1, idxv, onesv, degsp, dsems):
    c = lax.axis_index("core")
    s = lax.axis_index("subcore")
    w = c * _NS + s

    pltpu.sync_copy(ones, onesv)

    def _zero(start, size):
        pltpu.sync_copy(zeros.at[pl.ds(start, size)],
                        degsp.at[pl.ds(start, size)])

    _per_tile_slice(s, _zero)
    plsc.subcore_barrier()

    @pl.loop(0, _NCHUNK)
    def _chunk(ci):
        row0 = w * _RPW + ci * _RC
        pltpu.sync_copy(edges.at[1, pl.ds(row0, _RC)], idxv)

        pend = [None] * 4
        for j in range(_RC):
            b = j % 4
            if pend[b] is not None:
                pend[b].wait()
            pend[b] = pltpu.async_copy(onesv, degsp.at[idxv.at[j]],
                                       dsems[b], add=True)
        for b in range(4):
            pend[b].wait()

    plsc.subcore_barrier()

    def _read(start, size):
        @pl.when(c == 0)
        def _():
            pltpu.sync_copy(degsp.at[pl.ds(start, size)],
                            deg0.at[pl.ds(start, size)])

        @pl.when(c == 1)
        def _():
            pltpu.sync_copy(degsp.at[pl.ds(start, size)],
                            deg1.at[pl.ds(start, size)])

    _per_tile_slice(s, _read)


@functools.partial(
    pl.kernel,
    out_type=(
        jax.ShapeDtypeStruct((_N, _OUT), jnp.float32),
        jax.ShapeDtypeStruct((_N, _OUT), jnp.float32),
    ),
    mesh=_mesh,
    scratch_types=[
        pltpu.VMEM((_RC, _LANE), jnp.int32),
        pltpu.VMEM((_RC, _LANE), jnp.int32),
        [pltpu.VMEM((_LANE, _OUT), jnp.float32)] * 4,
        pltpu.VMEM_SHARED((_N, _OUT), jnp.float32),
        pltpu.VMEM_SHARED((_N, _OUT), jnp.float32),
        [pltpu.SemaphoreType.DMA] * 4,
        [pltpu.SemaphoreType.DMA] * 4,
    ],
    compiler_params=_sc_params,
)
def _agg_kernel(edges, p, acc0, acc1, srcv, dstv, bufs, psp, accsp,
                gsems, ssems):
    c = lax.axis_index("core")
    s = lax.axis_index("subcore")
    w = c * _NS + s

    def _stage(start, size):
        pltpu.sync_copy(p.at[pl.ds(start, size)], psp.at[pl.ds(start, size)])
        pltpu.sync_copy(p.at[pl.ds(start, size)], accsp.at[pl.ds(start, size)])

    _per_tile_slice(s, _stage)
    plsc.subcore_barrier()

    @pl.loop(0, _NCHUNK)
    def _chunk(ci):
        row0 = w * _RPW + ci * _RC
        pltpu.sync_copy(edges.at[0, pl.ds(row0, _RC)], srcv)
        pltpu.sync_copy(edges.at[1, pl.ds(row0, _RC)], dstv)

        nb = 4
        pend_g = [None] * nb
        pend_s = [None] * nb
        for j in range(nb - 1):
            pend_g[j] = pltpu.async_copy(psp.at[srcv.at[j]], bufs[j],
                                         gsems[j])
        for j in range(_RC):
            b = j % nb
            ahead = j + nb - 1
            if ahead < _RC:
                ab = ahead % nb
                if pend_s[ab] is not None:
                    pend_s[ab].wait()
                pend_g[ab] = pltpu.async_copy(psp.at[srcv.at[ahead]],
                                              bufs[ab], gsems[ab])
            pend_g[b].wait()
            pend_s[b] = pltpu.async_copy(bufs[b], accsp.at[dstv.at[j]],
                                         ssems[b], add=True)
        for b in range(nb):
            if pend_s[b] is not None:
                pend_s[b].wait()

    plsc.subcore_barrier()

    def _read(start, size):
        @pl.when(c == 0)
        def _():
            pltpu.sync_copy(accsp.at[pl.ds(start, size)],
                            acc0.at[pl.ds(start, size)])

        @pl.when(c == 1)
        def _():
            pltpu.sync_copy(accsp.at[pl.ds(start, size)],
                            acc1.at[pl.ds(start, size)])

    _per_tile_slice(s, _read)


_BN = 5000


def _mm_body(x_ref, w_ref, h_ref):
    h_ref[...] = jnp.dot(x_ref[...], w_ref[...],
                         preferred_element_type=jnp.float32)


_mm = pl.pallas_call(
    _mm_body,
    grid=(_N // _BN,),
    in_specs=[
        pl.BlockSpec((_BN, 16), lambda i: (i, 0)),
        pl.BlockSpec((16, _OUT), lambda i: (0, 0)),
    ],
    out_specs=pl.BlockSpec((_BN, _OUT), lambda i: (i, 0)),
    out_shape=jax.ShapeDtypeStruct((_N, _OUT), jnp.float32),
)


def _scale_body(d0_ref, d1_ref, h_ref, p_ref, dis_ref):
    i = pl.program_id(0)
    gid = lax.broadcasted_iota(jnp.int32, (_BN, 1), 0) + i * _BN
    mask = (gid < _PADN).astype(jnp.float32)
    degt = d0_ref[...] + d1_ref[...] + 1.0 - float(_PADR) * mask
    dis = lax.rsqrt(degt)
    p_ref[...] = h_ref[...] * dis
    dis_ref[...] = dis


_scale = pl.pallas_call(
    _scale_body,
    grid=(_N // _BN,),
    in_specs=[
        pl.BlockSpec((_BN, 1), lambda i: (i, 0)),
        pl.BlockSpec((_BN, 1), lambda i: (i, 0)),
        pl.BlockSpec((_BN, _OUT), lambda i: (i, 0)),
    ],
    out_specs=[
        pl.BlockSpec((_BN, _OUT), lambda i: (i, 0)),
        pl.BlockSpec((_BN, 1), lambda i: (i, 0)),
    ],
    out_shape=[
        jax.ShapeDtypeStruct((_N, _OUT), jnp.float32),
        jax.ShapeDtypeStruct((_N, 1), jnp.float32),
    ],
)


def _fin_body(a0_ref, a1_ref, p_ref, dis_ref, b_ref, o_ref):
    i = pl.program_id(0)
    gid = lax.broadcasted_iota(jnp.int32, (_BN, 1), 0) + i * _BN
    mask = (gid < _PADN).astype(jnp.float32)
    o_ref[...] = dis_ref[...] * (
        a0_ref[...] + a1_ref[...] - p_ref[...] * (1.0 + float(_PADR) * mask)
    ) + b_ref[...]


_fin = pl.pallas_call(
    _fin_body,
    grid=(_N // _BN,),
    in_specs=[
        pl.BlockSpec((_BN, _OUT), lambda i: (i, 0)),
        pl.BlockSpec((_BN, _OUT), lambda i: (i, 0)),
        pl.BlockSpec((_BN, _OUT), lambda i: (i, 0)),
        pl.BlockSpec((_BN, 1), lambda i: (i, 0)),
        pl.BlockSpec((1, _OUT), lambda i: (0, 0)),
    ],
    out_specs=pl.BlockSpec((_BN, _OUT), lambda i: (i, 0)),
    out_shape=jax.ShapeDtypeStruct((_N, _OUT), jnp.float32),
)


@jax.jit
def kernel(x, edge_index, W, b):
    pad = jnp.tile(jnp.arange(_PADN, dtype=jnp.int32), _PADR)
    edges = jnp.concatenate(
        [edge_index, jnp.stack([pad, pad])], axis=1
    ).reshape(2, _ROWS, _LANE)
    zeros = jnp.zeros((_N, 1), jnp.float32)
    ones = jnp.ones((_LANE, 1), jnp.float32)

    h = _mm(x, W)
    deg0, deg1 = _deg_kernel(edges, zeros, ones)
    p, dis = _scale(deg0, deg1, h)
    acc0, acc1 = _agg_kernel(edges, p)
    out = _fin(acc0, acc1, p, dis, b.reshape(1, _OUT))
    return out

# --- scband reference (transcript-rebuilt; emitter-appended) ---
"""Pipeline reference for scband-policy-net-39032662786374 (READ-ONLY COPY).

The authoritative reference and input builder live on the scoring server;
editing this copy changes nothing except your own understanding.
"""

import jax, jax.numpy as jnp
import numpy as np

N_NODES = 100000
N_EDGES = 3200000
IN_CH = 16
OUT_CH = 4


def setup_inputs(seed: int = 0) -> dict:
    key = jax.random.key(seed)
    k1, k2, k3 = jax.random.split(key, 3)
    x = jax.random.normal(k1, (N_NODES, IN_CH), dtype=jnp.float32)
    # int32 used to avoid requiring jax x64 mode; values identical in range
    edge_index = jax.random.randint(k2, (2, N_EDGES), 0, N_NODES, dtype=jnp.int32)
    # GCNConv linear weight (applied as x @ W) + bias, per torch_geometric GCNConv(16, 4)
    W = jax.random.normal(k3, (IN_CH, OUT_CH), dtype=jnp.float32) * (1.0 / np.sqrt(IN_CH))
    b = jnp.zeros((OUT_CH,), dtype=jnp.float32)
    return {"x": x, "edge_index": edge_index, "W": W, "b": b}


def reference(x, edge_index, W, b):
    n = x.shape[0]
    src = edge_index[0]
    dst = edge_index[1]
    # add self-loops (GCNConv default add_self_loops=True)
    loop = jnp.arange(n, dtype=src.dtype)
    src = jnp.concatenate([src, loop])
    dst = jnp.concatenate([dst, loop])
    # symmetric normalization D^{-1/2} (A+I) D^{-1/2}
    deg = jax.ops.segment_sum(jnp.ones_like(src, dtype=x.dtype), dst, num_segments=n)
    deg_inv_sqrt = jnp.where(deg > 0, jax.lax.rsqrt(jnp.maximum(deg, 1e-12)), 0.0)
    norm = deg_inv_sqrt[src] * deg_inv_sqrt[dst]
    # GCNConv applies the linear transform first, then propagates
    h = x @ W
    msgs = h[src] * norm[:, None]
    out = jax.ops.segment_sum(msgs, dst, num_segments=n) + b
    # torch.flatten(x, start_dim=1) is a no-op on [N, 4]
    return out.reshape(out.shape[0], -1)

if __name__ == "__main__":
    import jax
    _d = setup_inputs()
    print(jax.jit(kernel)(*tuple(_d.values())))

</pallas_src>

<mosaic_0001>
#map = affine_map<(d0, d1) -> (0, 0, 0)>
#map1 = affine_map<(d0, d1) -> (0, 0)>
module attributes {stable_mosaic.version = 14 : i64} {
  func.func @_deg_kernel(%arg0: i32, %arg1: i32, %arg2: memref<2x25600x128xi32, #tpu.memory_space<hbm>>, %arg3: memref<100000x1xf32, #tpu.memory_space<hbm>>, %arg4: memref<128x1xf32, #tpu.memory_space<hbm>>, %arg5: memref<100000x1xf32, #tpu.memory_space<hbm>>, %arg6: memref<100000x1xf32, #tpu.memory_space<hbm>>, %arg7: memref<40x128xi32, #tpu.memory_space<vmem>>, %arg8: memref<128x1xf32, #tpu.memory_space<vmem>>, %arg9: memref<100000x1xf32, #tpu.memory_space<vmem_shared>>, %arg10: memref<!tpu.dma_semaphore, #tpu.memory_space<semaphore_mem>>, %arg11: memref<!tpu.dma_semaphore, #tpu.memory_space<semaphore_mem>>, %arg12: memref<!tpu.dma_semaphore, #tpu.memory_space<semaphore_mem>>, %arg13: memref<!tpu.dma_semaphore, #tpu.memory_space<semaphore_mem>>) attributes {dimension_semantics = [#tpu.dimension_semantics<core_parallel>, #tpu.dimension_semantics<subcore_parallel>], iteration_bounds = array<i64: 2, 16>, scalar_prefetch = 0 : i64, scratch_operands = 7 : i64, tpu.core_type = #tpu.core_type<sc_vector_subcore>, window_params = [{transform_indices = #map}, {transform_indices = #map1}, {transform_indices = #map1}, {transform_indices = #map1}, {transform_indices = #map1}]} {
    %mul3A = arith.constant 16 : i32
    %mul3A_0 = arith.muli %arg0, %mul3A : i32
    %add3A = arith.addi %mul3A_0, %arg1 : i32
    "tpu.region"() ({
      %run_scoped3A = tpu.sem_alloc : memref<!tpu.dma_semaphore, #tpu.memory_space<semaphore_mem>>
      tpu.enqueue_dma source(%arg4 : memref<128x1xf32, #tpu.memory_space<hbm>>) target(%arg8 : memref<128x1xf32, #tpu.memory_space<vmem>>) target_semaphore(%run_scoped3A : memref<!tpu.dma_semaphore, #tpu.memory_space<semaphore_mem>>)
      tpu.wait_dma2 semaphore(%run_scoped3A : memref<!tpu.dma_semaphore, #tpu.memory_space<semaphore_mem>>) src(%arg4 : memref<128x1xf32, #tpu.memory_space<hbm>>) dst(%arg8 : memref<128x1xf32, #tpu.memory_space<vmem>>)
      tpu.yield
    }) : () -> ()
    %lt3A = arith.constant 15 : i32
    %lt3A_1 = arith.cmpi slt, %arg1, %lt3A : i32
    %convert_element_type3A = arith.extui %lt3A_1 : i1 to i32
    %cond3A = arith.constant 0 : i32
    %cond3A_2 = arith.cmpi ne, %convert_element_type3A, %cond3A : i32
    scf.if %cond3A_2 {
      %mul3A_22 = arith.constant 6248 : i32
      %mul3A_23 = arith.muli %arg1, %mul3A_22 : i32
      "tpu.region"() ({
        %run_scoped3A = tpu.sem_alloc : memref<!tpu.dma_semaphore, #tpu.memory_space<semaphore_mem>>
        %dma_start3A = arith.constant 0 : i32
        %dma_start3A_24 = tpu.memref_slice %arg9[%mul3A_23, %dma_start3A] : memref<100000x1xf32, #tpu.memory_space<vmem_shared>> -> memref<6248x1xf32, #tpu.memory_space<vmem_shared>>
        %dma_start3A_25 = arith.constant 0 : i32
        %dma_start3A_26 = tpu.memref_slice %arg3[%mul3A_23, %dma_start3A_25] : memref<100000x1xf32, #tpu.memory_space<hbm>> -> memref<6248x1xf32, #tpu.memory_space<hbm>>
        tpu.enqueue_dma source(%dma_start3A_26 : memref<6248x1xf32, #tpu.memory_space<hbm>>) target(%dma_start3A_24 : memref<6248x1xf32, #tpu.memory_space<vmem_shared>>) target_semaphore(%run_scoped3A : memref<!tpu.dma_semaphore, #tpu.memory_space<semaphore_mem>>)
        %dma_wait3A = arith.constant 0 : i32
        %dma_wait3A_27 = tpu.memref_slice %arg9[%mul3A_23, %dma_wait3A] : memref<100000x1xf32, #tpu.memory_space<vmem_shared>> -> memref<6248x1xf32, #tpu.memory_space<vmem_shared>>
        %dma_wait3A_28 = arith.constant 0 : i32
        %dma_wait3A_29 = tpu.memref_slice %arg3[%mul3A_23, %dma_wait3A_28] : memref<100000x1xf32, #tpu.memory_space<hbm>> -> memref<6248x1xf32, #tpu.memory_space<hbm>>
        tpu.wait_dma2 semaphore(%run_scoped3A : memref<!tpu.dma_semaphore, #tpu.memory_space<semaphore_mem>>) src(%dma_wait3A_29 : memref<6248x1xf32, #tpu.memory_space<hbm>>) dst(%dma_wait3A_27 : memref<6248x1xf32, #tpu.memory_space<vmem_shared>>)
        tpu.yield
      }) : () -> ()
    } else {
    }
    %eq3A = arith.constant 15 : i32
    %eq3A_3 = arith.cmpi eq, %arg1, %eq3A : i32
    %convert_element_type3A_4 = arith.extui %eq3A_3 : i1 to i32
    %cond3A_5 = arith.constant 0 : i32
    %cond3A_6 = arith.cmpi ne, %convert_element_type3A_4, %cond3A_5 : i32
    scf.if %cond3A_6 {
      "tpu.region"() ({
        %run_scoped3A = tpu.sem_alloc : memref<!tpu.dma_semaphore, #tpu.memory_space<semaphore_mem>>
        %dma_start3A = arith.constant 93720 : i32
        %dma_start3A_22 = arith.constant 0 : i32
        %dma_start3A_23 = tpu.memref_slice %arg9[%dma_start3A, %dma_start3A_22] : memref<100000x1xf32, #tpu.memory_space<vmem_shared>> -> memref<6280x1xf32, #tpu.memory_space<vmem_shared>>
        %dma_start3A_24 = arith.constant 93720 : i32
        %dma_start3A_25 = arith.constant 0 : i32
        %dma_start3A_26 = tpu.memref_slice %arg3[%dma_start3A_24, %dma_start3A_25] : memref<100000x1xf32, #tpu.memory_space<hbm>> -> memref<6280x1xf32, #tpu.memory_space<hbm>>
        tpu.enqueue_dma source(%dma_start3A_26 : memref<6280x1xf32, #tpu.memory_space<hbm>>) target(%dma_start3A_23 : memref<6280x1xf32, #tpu.memory_space<vmem_shared>>) target_semaphore(%run_scoped3A : memref<!tpu.dma_semaphore, #tpu.memory_space<semaphore_mem>>)
        %dma_wait3A = arith.constant 93720 : i32
        %dma_wait3A_27 = arith.constant 0 : i32
        %dma_wait3A_28 = tpu.memref_slice %arg9[%dma_wait3A, %dma_wait3A_27] : memref<100000x1xf32, #tpu.memory_space<vmem_shared>> -> memref<6280x1xf32, #tpu.memory_space<vmem_shared>>
        %dma_wait3A_29 = arith.constant 93720 : i32
        %dma_wait3A_30 = arith.constant 0 : i32
        %dma_wait3A_31 = tpu.memref_slice %arg3[%dma_wait3A_29, %dma_wait3A_30] : memref<100000x1xf32, #tpu.memory_space<hbm>> -> memref<6280x1xf32, #tpu.memory_space<hbm>>
        tpu.wait_dma2 semaphore(%run_scoped3A : memref<!tpu.dma_semaphore, #tpu.memory_space<semaphore_mem>>) src(%dma_wait3A_31 : memref<6280x1xf32, #tpu.memory_space<hbm>>) dst(%dma_wait3A_28 : memref<6280x1xf32, #tpu.memory_space<vmem_shared>>)
        tpu.yield
      }) : () -> ()
    } else {
    }
    %barrier3A = arith.constant 0 : index
    tpu.barrier barrier_id(%barrier3A)
    %scan3A = arith.constant 0 : i32
    %scan3A_7 = arith.constant 20 : i32
    %scan3A_8 = arith.addi %scan3A, %scan3A_7 : i32
    %scan3A_9 = arith.constant 1 : i32
    scf.for %scan3A_22 = %scan3A to %scan3A_8 step %scan3A_9  : i32 {
      %mul3A_23 = arith.constant 1 : i32
      %mul3A_24 = arith.muli %scan3A_22, %mul3A_23 : i32
      %add3A_25 = arith.constant 0 : i32
      %add3A_26 = arith.addi %add3A_25, %mul3A_24 : i32
      %mul3A_27 = arith.constant 800 : i32
      %mul3A_28 = arith.muli %add3A, %mul3A_27 : i32
      %mul3A_29 = arith.constant 40 : i32
      %mul3A_30 = arith.muli %add3A_26, %mul3A_29 : i32
      %add3A_31 = arith.addi %mul3A_28, %mul3A_30 : i32
      %run_scoped3A = arith.constant 1 : i32
      "tpu.region"() ({
        %run_scoped3A_590 = tpu.sem_alloc : memref<!tpu.dma_semaphore, #tpu.memory_space<semaphore_mem>>
        %dma_start3A_591 = arith.constant 0 : i32
        %dma_start3A_592 = tpu.memref_slice %arg2[%run_scoped3A, %add3A_31, %dma_start3A_591] : memref<2x25600x128xi32, #tpu.memory_space<hbm>> -> memref<1x40x128xi32, #tpu.memory_space<hbm>>
        %dma_start3A_593 = tpu.memref_squeeze %dma_start3A_592 : memref<1x40x128xi32, #tpu.memory_space<hbm>> -> memref<40x128xi32, #tpu.memory_space<hbm>>
        %dma_start3A_594 = arith.constant 0 : i32
        %dma_start3A_595 = tpu.memref_slice %arg2[%run_scoped3A, %add3A_31, %dma_start3A_594] : memref<2x25600x128xi32, #tpu.memory_space<hbm>> -> memref<1x40x128xi32, #tpu.memory_space<hbm>>
        %dma_start3A_596 = tpu.memref_squeeze %dma_start3A_595 : memref<1x40x128xi32, #tpu.memory_space<hbm>> -> memref<40x128xi32, #tpu.memory_space<hbm>>
        tpu.enqueue_dma source(%dma_start3A_596 : memref<40x128xi32, #tpu.memory_space<hbm>>) target(%arg7 : memref<40x128xi32, #tpu.memory_space<vmem>>) target_semaphore(%run_scoped3A_590 : memref<!tpu.dma_semaphore, #tpu.memory_space<semaphore_mem>>)
        %dma_wait3A_597 = arith.constant 0 : i32
        %dma_wait3A_598 = tpu.memref_slice %arg2[%run_scoped3A, %add3A_31, %dma_wait3A_597] : memref<2x25600x128xi32, #tpu.memory_space<hbm>> -> memref<1x40x128xi32, #tpu.memory_space<hbm>>
        %dma_wait3A_599 = tpu.memref_squeeze %dma_wait3A_598 : memref<1x40x128xi32, #tpu.memory_space<hbm>> -> memref<40x128xi32, #tpu.memory_space<hbm>>
        %dma_wait3A_600 = arith.constant 0 : i32
        %dma_wait3A_601 = tpu.memref_slice %arg2[%run_scoped3A, %add3A_31, %dma_wait3A_600] : memref<2x25600x128xi32, #tpu.memory_space<hbm>> -> memref<1x40x128xi32, #tpu.memory_space<hbm>>
        %dma_wait3A_602 = tpu.memref_squeeze %dma_wait3A_601 : memref<1x40x128xi32, #tpu.memory_space<hbm>> -> memref<40x128xi32, #tpu.memory_space<hbm>>
        tpu.wait_dma2 semaphore(%run_scoped3A_590 : memref<!tpu.dma_semaphore, #tpu.memory_space<semaphore_mem>>) src(%dma_wait3A_602 : memref<40x128xi32, #tpu.memory_space<hbm>>) dst(%arg7 : memref<40x128xi32, #tpu.memory_space<vmem>>)
        tpu.yield
      }) : () -> ()
      %dma_start3A = arith.constant 0 : i32
      %dma_start3A_32 = arith.constant 0 : i32
      %dma_start3A_33 = tpu.memref_slice %arg7[%dma_start3A, %dma_start3A_32] : memref<40x128xi32, #tpu.memory_space<vmem>> -> memref<1x128xi32, #tpu.memory_space<vmem>>
      %dma_start3A_34 = tpu.memref_squeeze %dma_start3A_33 : memref<1x128xi32, #tpu.memory_space<vmem>> -> memref<128xi32, #tpu.memory_space<vmem>>
      %dma_start3A_35 = arith.constant 0 : i32
      %dma_start3A_36 = arith.constant 0 : i32
      %dma_start3A_37 = tpu.memref_slice %arg9[%dma_start3A_35, %dma_start3A_36] : memref<100000x1xf32, #tpu.memory_space<vmem_shared>> -> memref<100000x1xf32, #tpu.memory_space<vmem_shared>>
      tpu.enqueue_indirect_dma source(%arg8 : memref<128x1xf32, #tpu.memory_space<vmem>>) target(%dma_start3A_37 : memref<100000x1xf32, #tpu.memory_space<vmem_shared>>) offsets(%dma_start3A_34 : memref<128xi32, #tpu.memory_space<vmem>>) semaphore(%arg10 : memref<!tpu.dma_semaphore, #tpu.memory_space<semaphore_mem>>) {add = true}
      %dma_start3A_38 = arith.constant 1 : i32
      %dma_start3A_39 = arith.constant 0 : i32
      %dma_start3A_40 = tpu.memref_slice %arg7[%dma_start3A_38, %dma_start3A_39] : memref<40x128xi32, #tpu.memory_space<vmem>> -> memref<1x128xi32, #tpu.memory_space<vmem>>
      %dma_start3A_41 = tpu.memref_squeeze %dma_start3A_40 : memref<1x128xi32, #tpu.memory_space<vmem>> -> memref<128xi32, #tpu.memory_space<vmem>>
      %dma_start3A_42 = arith.constant 0 : i32
      %dma_start3A_43 = arith.constant 0 : i32
      %dma_start3A_44 = tpu.memref_slice %arg9[%dma_start3A_42, %dma_start3A_43] : memref<100000x1xf32, #tpu.memory_space<vmem_shared>> -> memref<100000x1xf32, #tpu.memory_space<vmem_shared>>
      tpu.enqueue_indirect_dma source(%arg8 : memref<128x1xf32, #tpu.memory_space<vmem>>) target(%dma_start3A_44 : memref<100000x1xf32, #tpu.memory_space<vmem_shared>>) offsets(%dma_start3A_41 : memref<128xi32, #tpu.memory_space<vmem>>) semaphore(%arg11 : memref<!tpu.dma_semaphore, #tpu.memory_space<semaphore_mem>>) {add = true}
      %dma_start3A_45 = arith.constant 2 : i32
      %dma_start3A_46 = arith.constant 0 : i32
      %dma_start3A_47 = tpu.memref_slice %arg7[%dma_start3A_45, %dma_start3A_46] : memref<40x128xi32, #tpu.memory_space<vmem>> -> memref<1x128xi32, #tpu.memory_space<vmem>>
      %dma_start3A_48 = tpu.memref_squeeze %dma_start3A_47 : memref<1x128xi32, #tpu.memory_space<vmem>> -> memref<128xi32, #tpu.memory_space<vmem>>
      %dma_start3A_49 = arith.constant 0 : i32
      %dma_start3A_50 = arith.constant 0 : i32
      %dma_start3A_51 = tpu.memref_slice %arg9[%dma_start3A_49, %dma_start3A_50] : memref<100000x1xf32, #tpu.memory_space<vmem_shared>> -> memref<100000x1xf32, #tpu.memory_space<vmem_shared>>
      tpu.enqueue_indirect_dma source(%arg8 : memref<128x1xf32, #tpu.memory_space<vmem>>) target(%dma_start3A_51 : memref<100000x1xf32, #tpu.memory_space<vmem_shared>>) offsets(%dma_start3A_48 : memref<128xi32, #tpu.memory_space<vmem>>) semaphore(%arg12 : memref<!tpu.dma_semaphore, #tpu.memory_space<semaphore_mem>>) {add = true}
      %dma_start3A_52 = arith.constant 3 : i32
      %dma_start3A_53 = arith.constant 0 : i32
      %dma_start3A_54 = tpu.memref_slice %arg7[%dma_start3A_52, %dma_start3A_53] : memref<40x128xi32, #tpu.memory_space<vmem>> -> memref<1x128xi32, #tpu.memory_space<vmem>>
      %dma_start3A_55 = tpu.memref_squeeze %dma_start3A_54 : memref<1x128xi32, #tpu.memory_space<vmem>> -> memref<128xi32, #tpu.memory_space<vmem>>
      %dma_start3A_56 = arith.constant 0 : i32
      %dma_start3A_57 = arith.constant 0 : i32
      %dma_start3A_58 = tpu.memref_slice %arg9[%dma_start3A_56, %dma_start3A_57] : memref<100000x1xf32, #tpu.memory_space<vmem_shared>> -> memref<100000x1xf32, #tpu.memory_space<vmem_shared>>
      tpu.enqueue_indirect_dma source(%arg8 : memref<128x1xf32, #tpu.memory_space<vmem>>) target(%dma_start3A_58 : memref<100000x1xf32, #tpu.memory_space<vmem_shared>>) offsets(%dma_start3A_55 : memref<128xi32, #tpu.memory_space<vmem>>) semaphore(%arg13 : memref<!tpu.dma_semaphore, #tpu.memory_space<semaphore_mem>>) {add = true}
      %dma_wait3A = arith.constant 0 : i32
      %dma_wait3A_59 = arith.constant 0 : i32
      %dma_wait3A_60 = tpu.memref_slice %arg7[%dma_wait3A, %dma_wait3A_59] : memref<40x128xi32, #tpu.memory_space<vmem>> -> memref<1x128xi32, #tpu.memory_space<vmem>>
      %dma_wait3A_61 = tpu.memref_squeeze %dma_wait3A_60 : memref<1x128xi32, #tpu.memory_space<vmem>> -> memref<128xi32, #tpu.memory_space<vmem>>
      %dma_wait3A_62 = arith.constant 0 : i32
      %dma_wait3A_63 = arith.constant 0 : i32
      %dma_wait3A_64 = tpu.memref_slice %arg9[%dma_wait3A_62, %dma_wait3A_63] : memref<100000x1xf32, #tpu.memory_space<vmem_shared>> -> memref<100000x1xf32, #tpu.memory_space<vmem_shared>>
      tpu.wait_indirect_dma semaphore(%arg10 : memref<!tpu.dma_semaphore, #tpu.memory_space<semaphore_mem>>) src(%arg8 : memref<128x1xf32, #tpu.memory_space<vmem>>) dst(%dma_wait3A_64 : memref<100000x1xf32, #tpu.memory_space<vmem_shared>>)
      %dma_start3A_65 = arith.constant 4 : i32
      %dma_start3A_66 = arith.constant 0 : i32
      %dma_start3A_67 = tpu.memref_slice %arg7[%dma_start3A_65, %dma_start3A_66] : memref<40x128xi32, #tpu.memory_space<vmem>> -> memref<1x128xi32, #tpu.memory_space<vmem>>
      %dma_start3A_68 = tpu.memref_squeeze %dma_start3A_67 : memref<1x128xi32, #tpu.memory_space<vmem>> -> memref<128xi32, #tpu.memory_space<vmem>>
      %dma_start3A_69 = arith.constant 0 : i32
      %dma_start3A_70 = arith.constant 0 : i32
      %dma_start3A_71 = tpu.memref_slice %arg9[%dma_start3A_69, %dma_start3A_70] : memref<100000x1xf32, #tpu.memory_space<vmem_shared>> -> memref<100000x1xf32, #tpu.memory_space<vmem_shared>>
      tpu.enqueue_indirect_dma source(%arg8 : memref<128x1xf32, #tpu.memory_space<vmem>>) target(%dma_start3A_71 : memref<100000x1xf32, #tpu.memory_space<vmem_shared>>) offsets(%dma_start3A_68 : memref<128xi32, #tpu.memory_space<vmem>>) semaphore(%arg10 : memref<!tpu.dma_semaphore, #tpu.memory_space<semaphore_mem>>) {add = true}
      %dma_wait3A_72 = arith.constant 1 : i32
      %dma_wait3A_73 = arith.constant 0 : i32
      %dma_wait3A_74 = tpu.memref_slice %arg7[%dma_wait3A_72, %dma_wait3A_73] : memref<40x128xi32, #tpu.memory_space<vmem>> -> memref<1x128xi32, #tpu.memory_space<vmem>>
      %dma_wait3A_75 = tpu.memref_squeeze %dma_wait3A_74 : memref<1x128xi32, #tpu.memory_space<vmem>> -> memref<128xi32, #tpu.memory_space<vmem>>
      %dma_wait3A_76 = arith.constant 0 : i32
      %dma_wait3A_77 = arith.constant 0 : i32
      %dma_wait3A_78 = tpu.memref_slice %arg9[%dma_wait3A_76, %dma_wait3A_77] : memref<100000x1xf32, #tpu.memory_space<vmem_shared>> -> memref<100000x1xf32, #tpu.memory_space<vmem_shared>>
      tpu.wait_indirect_dma semaphore(%arg11 : memref<!tpu.dma_semaphore, #tpu.memory_space<semaphore_mem>>) src(%arg8 : memref<128x1xf32, #tpu.memory_space<vmem>>) dst(%dma_wait3A_78 : memref<100000x1xf32, #tpu.memory_space<vmem_shared>>)
      %dma_start3A_79 = arith.constant 5 : i32
      %dma_start3A_80 = arith.constant 0 : i32
      %dma_start3A_81 = tpu.memref_slice %arg7[%dma_start3A_79, %dma_start3A_80] : memref<40x128xi32, #tpu.memory_space<vmem>> -> memref<1x128xi32, #tpu.memory_space<vmem>>
      %dma_start3A_82 = tpu.memref_squeeze %dma_start3A_81 : memref<1x128xi32, #tpu.memory_space<vmem>> -> memref<128xi32, #tpu.memory_space<vmem>>
      %dma_start3A_83 = arith.constant 0 : i32
      %dma_start3A_84 = arith.constant 0 : i32
      %dma_start3A_85 = tpu.memref_slice %arg9[%dma_start3A_83, %dma_start3A_84] : memref<100000x1xf32, #tpu.memory_space<vmem_shared>> -> memref<100000x1xf32, #tpu.memory_space<vmem_shared>>
      tpu.enqueue_indirect_dma source(%arg8 : memref<128x1xf32, #tpu.memory_space<vmem>>) target(%dma_start3A_85 : memref<100000x1xf32, #tpu.memory_space<vmem_shared>>) offsets(%dma_start3A_82 : memref<128xi32, #tpu.memory_space<vmem>>) semaphore(%arg11 : memref<!tpu.dma_semaphore, #tpu.memory_space<semaphore_mem>>) {add = true}
      %dma_wait3A_86 = arith.constant 2 : i32
      %dma_wait3A_87 = arith.constant 0 : i32
      %dma_wait3A_88 = tpu.memref_slice %arg7[%dma_wait3A_86, %dma_wait3A_87] : memref<40x128xi32, #tpu.memory_space<vmem>> -> memref<1x128xi32, #tpu.memory_space<vmem>>
      %dma_wait3A_89 = tpu.memref_squeeze %dma_wait3A_88 : memref<1x128xi32, #tpu.memory_space<vmem>> -> memref<128xi32, #tpu.memory_space<vmem>>
      %dma_wait3A_90 = arith.constant 0 : i32
      %dma_wait3A_91 = arith.constant 0 : i32
      %dma_wait3A_92 = tpu.memref_slice %arg9[%dma_wait3A_90, %dma_wait3A_91] : memref<100000x1xf32, #tpu.memory_space<vmem_shared>> -> memref<100000x1xf32, #tpu.memory_space<vmem_shared>>
      tpu.wait_indirect_dma semaphore(%arg12 : memref<!tpu.dma_semaphore, #tpu.memory_space<semaphore_mem>>) src(%arg8 : memref<128x1xf32, #tpu.memory_space<vmem>>) dst(%dma_wait3A_92 : memref<100000x1xf32, #tpu.memory_space<vmem_shared>>)
      %dma_start3A_93 = arith.constant 6 : i32
      %dma_start3A_94 = arith.constant 0 : i32
      %dma_start3A_95 = tpu.memref_slice %arg7[%dma_start3A_93, %dma_start3A_94] : memref<40x128xi32, #tpu.memory_space<vmem>> -> memref<1x128xi32, #tpu.memory_space<vmem>>
      %dma_start3A_96 = tpu.memref_squeeze %dma_start3A_95 : memref<1x128xi32, #tpu.memory_space<vmem>> -> memref<128xi32, #tpu.memory_space<vmem>>
      %dma_start3A_97 = arith.constant 0 : i32
      %dma_start3A_98 = arith.constant 0 : i32
      %dma_start3A_99 = tpu.memref_slice %arg9[%dma_start3A_97, %dma_start3A_98] : memref<100000x1xf32, #tpu.memory_space<vmem_shared>> -> memref<100000x1xf32, #tpu.memory_space<vmem_shared>>
      tpu.enqueue_indirect_dma source(%arg8 : memref<128x1xf32, #tpu.memory_space<vmem>>) target(%dma_start3A_99 : memref<100000x1xf32, #tpu.memory_space<vmem_shared>>) offsets(%dma_start3A_96 : memref<128xi32, #tpu.memory_space<vmem>>) semaphore(%arg12 : memref<!tpu.dma_semaphore, #tpu.memory_space<semaphore_mem>>) {add = true}
      %dma_wait3A_100 = arith.constant 3 : i32
      %dma_wait3A_101 = arith.constant 0 : i32
      %dma_wait3A_102 = tpu.memref_slice %arg7[%dma_wait3A_100, %dma_wait3A_101] : memref<40x128xi32, #tpu.memory_space<vmem>> -> memref<1x128xi32, #tpu.memory_space<vmem>>
      %dma_wait3A_103 = tpu.memref_squeeze %dma_wait3A_102 : memref<1x128xi32, #tpu.memory_space<vmem>> -> memref<128xi32, #tpu.memory_space<vmem>>
      %dma_wait3A_104 = arith.constant 0 : i32
      %dma_wait3A_105 = arith.constant 0 : i32
      %dma_wait3A_106 = tpu.memref_slice %arg9[%dma_wait3A_104, %dma_wait3A_105] : memref<100000x1xf32, #tpu.memory_space<vmem_shared>> -> memref<100000x1xf32, #tpu.memory_space<vmem_shared>>
      tpu.wait_indirect_dma semaphore(%arg13 : memref<!tpu.dma_semaphore, #tpu.memory_space<semaphore_mem>>) src(%arg8 : memref<128x1xf32, #tpu.memory_space<vmem>>) dst(%dma_wait3A_106 : memref<100000x1xf32, #tpu.memory_space<vmem_shared>>)
      %dma_start3A_107 = arith.constant 7 : i32
      %dma_start3A_108 = arith.constant 0 : i32
      %dma_start3A_109 = tpu.memref_slice %arg7[%dma_start3A_107, %dma_start3A_108] : memref<40x128xi32, #tpu.memory_space<vmem>> -> memref<1x128xi32, #tpu.memory_space<vmem>>
      %dma_start3A_110 = tpu.memref_squeeze %dma_start3A_109 : memref<1x128xi32, #tpu.memory_space<vmem>> -> memref<128xi32, #tpu.memory_space<vmem>>
      %dma_start3A_111 = arith.constant 0 : i32
      %dma_start3A_112 = arith.constant 0 : i32
      %dma_start3A_113 = tpu.memref_slice %arg9[%dma_start3A_111, %dma_start3A_112] : memref<100000x1xf32, #tpu.memory_space<vmem_shared>> -> memref<100000x1xf32, #tpu.memory_space<vmem_shared>>
      tpu.enqueue_indirect_dma source(%arg8 : memref<128x1xf32, #tpu.memory_space<vmem>>) target(%dma_start3A_113 : memref<100000x1xf32, #tpu.memory_space<vmem_shared>>) offsets(%dma_start3A_110 : memref<128xi32, #tpu.memory_space<vmem>>) semaphore(%arg13 : memref<!tpu.dma_semaphore, #tpu.memory_space<semaphore_mem>>) {add = true}
      %dma_wait3A_114 = arith.constant 4 : i32
      %dma_wait3A_115 = arith.constant 0 : i32
      %dma_wait3A_116 = tpu.memref_slice %arg7[%dma_wait3A_114, %dma_wait3A_115] : memref<40x128xi32, #tpu.memory_space<vmem>> -> memref<1x128xi32, #tpu.memory_space<vmem>>
      %dma_wait3A_117 = tpu.memref_squeeze %dma_wait3A_116 : memref<1x128xi32, #tpu.memory_space<vmem>> -> memref<128xi32, #tpu.memory_space<vmem>>
      %dma_wait3A_118 = arith.constant 0 : i32
      %dma_wait3A_119 = arith.constant 0 : i32
      %dma_wait3A_120 = tpu.memref_slice %arg9[%dma_wait3A_118, %dma_wait3A_119] : memref<100000x1xf32, #tpu.memory_space<vmem_shared>> -> memref<100000x1xf32, #tpu.memory_space<vmem_shared>>
      tpu.wait_indirect_dma semaphore(%arg10 : memref<!tpu.dma_semaphore, #tpu.memory_space<semaphore_mem>>) src(%arg8 : memref<128x1xf32, #tpu.memory_space<vmem>>) dst(%dma_wait3A_120 : memref<100000x1xf32, #tpu.memory_space<vmem_shared>>)
      %dma_start3A_121 = arith.constant 8 : i32
      %dma_start3A_122 = arith.constant 0 : i32
      %dma_start3A_123 = tpu.memref_slice %arg7[%dma_start3A_121, %dma_start3A_122] : memref<40x128xi32, #tpu.memory_space<vmem>> -> memref<1x128xi32, #tpu.memory_space<vmem>>
      %dma_start3A_124 = tpu.memref_squeeze %dma_start3A_123 : memref<1x128xi32, #tpu.memory_space<vmem>> -> memref<128xi32, #tpu.memory_space<vmem>>
      %dma_start3A_125 = arith.constant 0 : i32
      %dma_start3A_126 = arith.constant 0 : i32
      %dma_start3A_127 = tpu.memref_slice %arg9[%dma_start3A_125, %dma_start3A_126] : memref<100000x1xf32, #tpu.memory_space<vmem_shared>> -> memref<100000x1xf32, #tpu.memory_space<vmem_shared>>
      tpu.enqueue_indirect_dma source(%arg8 : memref<128x1xf32, #tpu.memory_space<vmem>>) target(%dma_start3A_127 : memref<100000x1xf32, #tpu.memory_space<vmem_shared>>) offsets(%dma_start3A_124 : memref<128xi32, #tpu.memory_space<vmem>>) semaphore(%arg10 : memref<!tpu.dma_semaphore, #tpu.memory_space<semaphore_mem>>) {add = true}
      %dma_wait3A_128 = arith.constant 5 : i32
      %dma_wait3A_129 = arith.constant 0 : i32
      %dma_wait3A_130 = tpu.memref_slice %arg7[%dma_wait3A_128, %dma_wait3A_129] : memref<40x128xi32, #tpu.memory_space<vmem>> -> memref<1x128xi32, #tpu.memory_space<vmem>>
      %dma_wait3A_131 = tpu.memref_squeeze %dma_wait3A_130 : memref<1x128xi32, #tpu.memory_space<vmem>> -> memref<128xi32, #tpu.memory_space<vmem>>
      %dma_wait3A_132 = arith.constant 0 : i32
      %dma_wait3A_133 = arith.constant 0 : i32
      %dma_wait3A_134 = tpu.memref_slice %arg9[%dma_wait3A_132, %dma_wait3A_133] : memref<100000x1xf32, #tpu.memory_space<vmem_shared>> -> memref<100000x1xf32, #tpu.memory_space<vmem_shared>>
      tpu.wait_indirect_dma semaphore(%arg11 : memref<!tpu.dma_semaphore, #tpu.memory_space<semaphore_mem>>) src(%arg8 : memref<128x1xf32, #tpu.memory_space<vmem>>) dst(%dma_wait3A_134 : memref<100000x1xf32, #tpu.memory_space<vmem_shared>>)
      %dma_start3A_135 = arith.constant 9 : i32
      %dma_start3A_136 = arith.constant 0 : i32
      %dma_start3A_137 = tpu.memref_slice %arg7[%dma_start3A_135, %dma_start3A_136] : memref<40x128xi32, #tpu.memory_space<vmem>> -> memref<1x128xi32, #tpu.memory_space<vmem>>
      %dma_start3A_138 = tpu.memref_squeeze %dma_start3A_137 : memref<1x128xi32, #tpu.memory_space<vmem>> -> memref<128xi32, #tpu.memory_space<vmem>>
      %dma_start3A_139 = arith.constant 0 : i32
      %dma_start3A_140 = arith.constant 0 : i32
      %dma_start3A_141 = tpu.memref_slice %arg9[%dma_start3A_139, %dma_start3A_140] : memref<100000x1xf32, #tpu.memory_space<vmem_shared>> -> memref<100000x1xf32, #tpu.memory_space<vmem_shared>>
      tpu.enqueue_indirect_dma source(%arg8 : memref<128x1xf32, #tpu.memory_space<vmem>>) target(%dma_start3A_141 : memref<100000x1xf32, #tpu.memory_space<vmem_shared>>) offsets(%dma_start3A_138 : memref<128xi32, #tpu.memory_space<vmem>>) semaphore(%arg11 : memref<!tpu.dma_semaphore, #tpu.memory_space<semaphore_mem>>) {add = true}
      %dma_wait3A_142 = arith.constant 6 : i32
      %dma_wait3A_143 = arith.constant 0 : i32
      %dma_wait3A_144 = tpu.memref_slice %arg7[%dma_wait3A_142, %dma_wait3A_143] : memref<40x128xi32, #tpu.memory_space<vmem>> -> memref<1x128xi32, #tpu.memory_space<vmem>>
      %dma_wait3A_145 = tpu.memref_squeeze %dma_wait3A_144 : memref<1x128xi32, #tpu.memory_space<vmem>> -> memref<128xi32, #tpu.memory_space<vmem>>
      %dma_wait3A_146 = arith.constant 0 : i32
      %dma_wait3A_147 = arith.constant 0 : i32
      %dma_wait3A_148 = tpu.memref_slice %arg9[%dma_wait3A_146, %dma_wait3A_147] : memref<100000x1xf32, #tpu.memory_space<vmem_shared>> -> memref<100000x1xf32, #tpu.memory_space<vmem_shared>>
      tpu.wait_indirect_dma semaphore(%arg12 : memref<!tpu.dma_semaphore, #tpu.memory_space<semaphore_mem>>) src(%arg8 : memref<128x1xf32, #tpu.memory_space<vmem>>) dst(%dma_wait3A_148 : memref<100000x1xf32, #tpu.memory_space<vmem_shared>>)
      %dma_start3A_149 = arith.constant 10 : i32
      %dma_start3A_150 = arith.constant 0 : i32
      %dma_start3A_151 = tpu.memref_slice %arg7[%dma_start3A_149, %dma_start3A_150] : memref<40x128xi32, #tpu.memory_space<vmem>> -> memref<1x128xi32, #tpu.memory_space<vmem>>
      %dma_start3A_152 = tpu.memref_squeeze %dma_start3A_151 : memref<1x128xi32, #tpu.memory_space<vmem>> -> memref<128xi32, #tpu.memory_space<vmem>>
      %dma_start3A_153 = arith.constant 0 : i32
      %dma_start3A_154 = arith.constant 0 : i32
      %dma_start3A_155 = tpu.memref_slice %arg9[%dma_start3A_153, %dma_start3A_154] : memref<100000x1xf32, #tpu.memory_space<vmem_shared>> -> memref<100000x1xf32, #tpu.memory_space<vmem_shared>>
      tpu.enqueue_indirect_dma source(%arg8 : memref<128x1xf32, #tpu.memory_space<vmem>>) target(%dma_start3A_155 : memref<100000x1xf32, #tpu.memory_space<vmem_shared>>) offsets(%dma_start3A_152 : memref<128xi32, #tpu.memory_space<vmem>>) semaphore(%arg12 : memref<!tpu.dma_semaphore, #tpu.memory_space<semaphore_mem>>) {add = true}
      %dma_wait3A_156 = arith.constant 7 : i32
      %dma_wait3A_157 = arith.constant 0 : i32
      %dma_wait3A_158 = tpu.memref_slice %arg7[%dma_wait3A_156, %dma_wait3A_157] : memref<40x128xi32, #tpu.memory_space<vmem>> -> memref<1x128xi32, #tpu.memory_space<vmem>>
      %dma_wait3A_159 = tpu.memref_squeeze %dma_wait3A_158 : memref<1x128xi32, #tpu.memory_space<vmem>> -> memref<128xi32, #tpu.memory_space<vmem>>
      %dma_wait3A_160 = arith.constant 0 : i32
      %dma_wait3A_161 = arith.constant 0 : i32
      %dma_wait3A_162 = tpu.memref_slice %arg9[%dma_wait3A_160, %dma_wait3A_161] : memref<100000x1xf32, #tpu.memory_space<vmem_shared>> -> memref<100000x1xf32, #tpu.memory_space<vmem_shared>>
      tpu.wait_indirect_dma semaphore(%arg13 : memref<!tpu.dma_semaphore, #tpu.memory_space<semaphore_mem>>) src(%arg8 : memref<128x1xf32, #tpu.memory_space<vmem>>) dst(%dma_wait3A_162 : memref<100000x1xf32, #tpu.memory_space<vmem_shared>>)
      %dma_start3A_163 = arith.constant 11 : i32
      %dma_start3A_164 = arith.constant 0 : i32
      %dma_start3A_165 = tpu.memref_slice %arg7[%dma_start3A_163, %dma_start3A_164] : memref<40x128xi32, #tpu.memory_space<vmem>> -> memref<1x128xi32, #tpu.memory_space<vmem>>
      %dma_start3A_166 = tpu.memref_squeeze %dma_start3A_165 : memref<1x128xi32, #tpu.memory_space<vmem>> -> memref<128xi32, #tpu.memory_space<vmem>>
      %dma_start3A_167 = arith.constant 0 : i32
      %dma_start3A_168 = arith.constant 0 : i32
      %dma_start3A_169 = tpu.memref_slice %arg9[%dma_start3A_167, %dma_start3A_168] : memref<100000x1xf32, #tpu.memory_space<vmem_shared>> -> memref<100000x1xf32, #tpu.memory_space<vmem_shared>>
      tpu.enqueue_indirect_dma source(%arg8 : memref<128x1xf32, #tpu.memory_space<vmem>>) target(%dma_start3A_169 : memref<100000x1xf32, #tpu.memory_space<vmem_shared>>) offsets(%dma_start3A_166 : memref<128xi32, #tpu.memory_space<vmem>>) semaphore(%arg13 : memref<!tpu.dma_semaphore, #tpu.memory_space<semaphore_mem>>) {add = true}
      %dma_wait3A_170 = arith.constant 8 : i32
      %dma_wait3A_171 = arith.constant 0 : i32
      %dma_wait3A_172 = tpu.memref_slice %arg7[%dma_wait3A_170, %dma_wait3A_171] : memref<40x128xi32, #tpu.memory_space<vmem>> -> memref<1x128xi32, #tpu.memory_space<vmem>>
      %dma_wait3A_173 = tpu.memref_squeeze %dma_wait3A_172 : memref<1x128xi32, #tpu.memory_space<vmem>> -> memref<128xi32, #tpu.memory_space<vmem>>
      %dma_wait3A_174 = arith.constant 0 : i32
      %dma_wait3A_175 = arith.constant 0 : i32
      %dma_wait3A_176 = tpu.memref_slice %arg9[%dma_wait3A_174, %dma_wait3A_175] : memref<100000x1xf32, #tpu.memory_space<vmem_shared>> -> memref<100000x1xf32, #tpu.memory_space<vmem_shared>>
      tpu.wait_indirect_dma semaphore(%arg10 : memref<!tpu.dma_semaphore, #tpu.memory_space<semaphore_mem>>) src(%arg8 : memref<128x1xf32, #tpu.memory_space<vmem>>) dst(%dma_wait3A_176 : memref<100000x1xf32, #tpu.memory_space<vmem_shared>>)
      %dma_start3A_177 = arith.constant 12 : i32
      %dma_start3A_178 = arith.constant 0 : i32
      %dma_start3A_179 = tpu.memref_slice %arg7[%dma_start3A_177, %dma_start3A_178] : memref<40x128xi32, #tpu.memory_space<vmem>> -> memref<1x128xi32, #tpu.memory_space<vmem>>
      %dma_start3A_180 = tpu.memref_squeeze %dma_start3A_179 : memref<1x128xi32, #tpu.memory_space<vmem>> -> memref<128xi32, #tpu.memory_space<vmem>>
      %dma_start3A_181 = arith.constant 0 : i32
      %dma_start3A_182 = arith.constant 0 : i32
      %dma_start3A_183 = tpu.memref_slice %arg9[%dma_start3A_181, %dma_start3A_182] : memref<100000x1xf32, #tpu.memory_space<vmem_shared>> -> memref<100000x1xf32, #tpu.memory_space<vmem_shared>>
      tpu.enqueue_indirect_dma source(%arg8 : memref<128x1xf32, #tpu.memory_space<vmem>>) target(%dma_start3A_183 : memref<100000x1xf32, #tpu.memory_space<vmem_shared>>) offsets(%dma_start3A_180 : memref<128xi32, #tpu.memory_space<vmem>>) semaphore(%arg10 : memref<!tpu.dma_semaphore, #tpu.memory_space<semaphore_mem>>) {add = true}
      %dma_wait3A_184 = arith.constant 9 : i32
      %dma_wait3A_185 = arith.constant 0 : i32
      %dma_wait3A_186 = tpu.memref_slice %arg7[%dma_wait3A_184, %dma_wait3A_185] : memref<40x128xi32, #tpu.memory_space<vmem>> -> memref<1x128xi32, #tpu.memory_space<vmem>>
      %dma_wait3A_187 = tpu.memref_squeeze %dma_wait3A_186 : memref<1x128xi32, #tpu.memory_space<vmem>> -> memref<128xi32, #tpu.memory_space<vmem>>
      %dma_wait3A_188 = arith.constant 0 : i32
      %dma_wait3A_189 = arith.constant 0 : i32
      %dma_wait3A_190 = tpu.memref_slice %arg9[%dma_wait3A_188, %dma_wait3A_189] : memref<100000x1xf32, #tpu.memory_space<vmem_shared>> -> memref<100000x1xf32, #tpu.memory_space<vmem_shared>>
      tpu.wait_indirect_dma semaphore(%arg11 : memref<!tpu.dma_semaphore, #tpu.memory_space<semaphore_mem>>) src(%arg8 : memref<128x1xf32, #tpu.memory_space<vmem>>) dst(%dma_wait3A_190 : memref<100000x1xf32, #tpu.memory_space<vmem_shared>>)
      %dma_start3A_191 = arith.constant 13 : i32
      %dma_start3A_192 = arith.constant 0 : i32
      %dma_start3A_193 = tpu.memref_slice %arg7[%dma_start3A_191, %dma_start3A_192] : memref<40x128xi32, #tpu.memory_space<vmem>> -> memref<1x128xi32, #tpu.memory_space<vmem>>
      %dma_start3A_194 = tpu.memref_squeeze %dma_start3A_193 : memref<1x128xi32, #tpu.memory_space<vmem>> -> memref<128xi32, #tpu.memory_space<vmem>>
      %dma_start3A_195 = arith.constant 0 : i32
      %dma_start3A_196 = arith.constant 0 : i32
      %dma_start3A_197 = tpu.memref_slice %arg9[%dma_start3A_195, %dma_start3A_196] : memref<100000x1xf32, #tpu.memory_space<vmem_shared>> -> memref<100000x1xf32, #tpu.memory_space<vmem_shared>>
      tpu.enqueue_indirect_dma source(%arg8 : memref<128x1xf32, #tpu.memory_space<vmem>>) target(%dma_start3A_197 : memref<100000x1xf32, #tpu.memory_space<vmem_shared>>) offsets(%dma_start3A_194 : memref<128xi32, #tpu.memory_space<vmem>>) semaphore(%arg11 : memref<!tpu.dma_semaphore, #tpu.memory_space<semaphore_mem>>) {add = true}
      %dma_wait3A_198 = arith.constant 10 : i32
      %dma_wait3A_199 = arith.constant 0 : i32
      %dma_wait3A_200 = tpu.memref_slice %arg7[%dma_wait3A_198, %dma_wait3A_199] : memref<40x128xi32, #tpu.memory_space<vmem>> -> memref<1x128xi32, #tpu.memory_space<vmem>>
      %dma_wait3A_201 = tpu.memref_squeeze %dma_wait3A_200 : memref<1x128xi32, #tpu.memory_space<vmem>> -> memref<128xi32, #tpu.memory_space<vmem>>
      %dma_wait3A_202 = arith.constant 0 : i32
      %dma_wait3A_203 = arith.constant 0 : i32
      %dma_wait3A_204 = tpu.memref_slice %arg9[%dma_wait3A_202, %dma_wait3A_203] : memref<100000x1xf32, #tpu.memory_space<vmem_shared>> -> memref<100000x1xf32, #tpu.memory_space<vmem_shared>>
      tpu.wait_indirect_dma semaphore(%arg12 : memref<!tpu.dma_semaphore, #tpu.memory_space<semaphore_mem>>) src(%arg8 : memref<128x1xf32, #tpu.memory_space<vmem>>) dst(%dma_wait3A_204 : memref<100000x1xf32, #tpu.memory_space<vmem_shared>>)
      %dma_start3A_205 = arith.constant 14 : i32
      %dma_start3A_206 = arith.constant 0 : i32
      %dma_start3A_207 = tpu.memref_slice %arg7[%dma_start3A_205, %dma_start3A_206] : memref<40x128xi32, #tpu.memory_space<vmem>> -> memref<1x128xi32, #tpu.memory_space<vmem>>
      %dma_start3A_208 = tpu.memref_squeeze %dma_start3A_207 : memref<1x128xi32, #tpu.memory_space<vmem>> -> memref<128xi32, #tpu.memory_space<vmem>>
      %dma_start3A_209 = arith.constant 0 : i32
      %dma_start3A_210 = arith.constant 0 : i32
      %dma_start3A_211 = tpu.memref_slice %arg9[%dma_start3A_209, %dma_start3A_210] : memref<100000x1xf32, #tpu.memory_space<vmem_shared>> -> memref<100000x1xf32, #tpu.memory_space<vmem_shared>>
      tpu.enqueue_indirect_dma source(%arg8 : memref<128x1xf32, #tpu.memory_space<vmem>>) target(%dma_start3A_211 : memref<100000x1xf32, #tpu.memory_space<vmem_shared>>) offsets(%dma_start3A_208 : memref<128xi32, #tpu.memory_space<vmem>>) semaphore(%arg12 : memref<!tpu.dma_semaphore, #tpu.memory_space<semaphore_mem>>) {add = true}
      %dma_wait3A_212 = arith.constant 11 : i32
      %dma_wait3A_213 = arith.constant 0 : i32
      %dma_wait3A_214 = tpu.memref_slice %arg7[%dma_wait3A_212, %dma_wait3A_213] : memref<40x128xi32, #tpu.memory_space<vmem>> -> memref<1x128xi32, #tpu.memory_space<vmem>>
      %dma_wait3A_215 = tpu.memref_squeeze %dma_wait3A_214 : memref<1x128xi32, #tpu.memory_space<vmem>> -> memref<128xi32, #tpu.memory_space<vmem>>
      %dma_wait3A_216 = arith.constant 0 : i32
      %dma_wait3A_217 = arith.constant 0 : i32
      %dma_wait3A_218 = tpu.memref_slice %arg9[%dma_wait3A_216, %dma_wait3A_217] : memref<100000x1xf32, #tpu.memory_space<vmem_shared>> -> memref<100000x1xf32, #tpu.memory_space<vmem_shared>>
      tpu.wait_indirect_dma semaphore(%arg13 : memref<!tpu.dma_semaphore, #tpu.memory_space<semaphore_mem>>) src(%arg8 : memref<128x1xf32, #tpu.memory_space<vmem>>) dst(%dma_wait3A_218 : memref<100000x1xf32, #tpu.memory_space<vmem_shared>>)
      %dma_start3A_219 = arith.constant 15 : i32
      %dma_start3A_220 = arith.constant 0 : i32
      %dma_start3A_221 = tpu.memref_slice %arg7[%dma_start3A_219, %dma_start3A_220] : memref<40x128xi32, #tpu.memory_space<vmem>> -> memref<1x128xi32, #tpu.memory_space<vmem>>
      %dma_start3A_222 = tpu.memref_squeeze %dma_start3A_221 : memref<1x128xi32, #tpu.memory_space<vmem>> -> memref<128xi32, #tpu.memory_space<vmem>>
      %dma_start3A_223 = arith.constant 0 : i32
      %dma_start3A_224 = arith.constant 0 : i32
      %dma_start3A_225 = tpu.memref_slice %arg9[%dma_start3A_223, %dma_start3A_224] : memref<100000x1xf32, #tpu.memory_space<vmem_shared>> -> memref<100000x1xf32, #tpu.memory_space<vmem_shared>>
      tpu.enqueue_indirect_dma source(%arg8 : memref<128x1xf32, #tpu.memory_space<vmem>>) target(%dma_start3A_225 : memref<100000x1xf32, #tpu.memory_space<vmem_shared>>) offsets(%dma_start3A_222 : memref<128xi32, #tpu.memory_space<vmem>>) semaphore(%arg13 : memref<!tpu.dma_semaphore, #tpu.memory_space<semaphore_mem>>) {add = true}
      %dma_wait3A_226 = arith.constant 12 : i32
      %dma_wait3A_227 = arith.constant 0 : i32
      %dma_wait3A_228 = tpu.memref_slice %arg7[%dma_wait3A_226, %dma_wait3A_227] : memref<40x128xi32, #tpu.memory_space<vmem>> -> memref<1x128xi32, #tpu.memory_space<vmem>>
      %dma_wait3A_229 = tpu.memref_squeeze %dma_wait3A_228 : memref<1x128xi32, #tpu.memory_space<vmem>> -> memref<128xi32, #tpu.memory_space<vmem>>
      %dma_wait3A_230 = arith.constant 0 : i32
      %dma_wait3A_231 = arith.constant 0 : i32
      %dma_wait3A_232 = tpu.memref_slice %arg9[%dma_wait3A_230, %dma_wait3A_231] : memref<100000x1xf32, #tpu.memory_space<vmem_shared>> -> memref<100000x1xf32, #tpu.memory_space<vmem_shared>>
      tpu.wait_indirect_dma semaphore(%arg10 : memref<!tpu.dma_semaphore, #tpu.memory_space<semaphore_mem>>) src(%arg8 : memref<128x1xf32, #tpu.memory_space<vmem>>) dst(%dma_wait3A_232 : memref<100000x1xf32, #tpu.memory_space<vmem_shared>>)
      %dma_start3A_233 = arith.constant 16 : i32
      %dma_start3A_234 = arith.constant 0 : i32
      %dma_start3A_235 = tpu.memref_slice %arg7[%dma_start3A_233, %dma_start3A_234] : memref<40x128xi32, #tpu.memory_space<vmem>> -> memref<1x128xi32, #tpu.memory_space<vmem>>
      %dma_start3A_236 = tpu.memref_squeeze %dma_start3A_235 : memref<1x128xi32, #tpu.memory_space<vmem>> -> memref<128xi32, #tpu.memory_space<vmem>>
      %dma_start3A_237 = arith.constant 0 : i32
      %dma_start3A_238 = arith.constant 0 : i32
      %dma_start3A_239 = tpu.memref_slice %arg9[%dma_start3A_237, %dma_start3A_238] : memref<100000x1xf32, #tpu.memory_space<vmem_shared>> -> memref<100000x1xf32, #tpu.memory_space<vmem_shared>>
      tpu.enqueue_indirect_dma source(%arg8 : memref<128x1xf32, #tpu.memory_space<vmem>>) target(%dma_start3A_239 : memref<100000x1xf32, #tpu.memory_space<vmem_shared>>) offsets(%dma_start3A_236 : memref<128xi32, #tpu.memory_space<vmem>>) semaphore(%arg10 : memref<!tpu.dma_semaphore, #tpu.memory_space<semaphore_mem>>) {add = true}
      %dma_wait3A_240 = arith.constant 13 : i32
      %dma_wait3A_241 = arith.constant 0 : i32
      %dma_wait3A_242 = tpu.memref_slice %arg7[%dma_wait3A_240, %dma_wait3A_241] : memref<40x128xi32, #tpu.memory_space<vmem>> -> memref<1x128xi32, #tpu.memory_space<vmem>>
      %dma_wait3A_243 = tpu.memref_squeeze %dma_wait3A_242 : memref<1x128xi32, #tpu.memory_space<vmem>> -> memref<128xi32, #tpu.memory_space<vmem>>
      %dma_wait3A_244 = arith.constant 0 : i32
      %dma_wait3A_245 = arith.constant 0 : i32
      %dma_wait3A_246 = tpu.memref_slice %arg9[%dma_wait3A_244, %dma_wait3A_245] : memref<100000x1xf32, #tpu.memory_space<vmem_shared>> -> memref<100000x1xf32, #tpu.memory_space<vmem_shared>>
      tpu.wait_indirect_dma semaphore(%arg11 : memref<!tpu.dma_semaphore, #tpu.memory_space<semaphore_mem>>) src(%arg8 : memref<128x1xf32, #tpu.memory_space<vmem>>) dst(%dma_wait3A_246 : memref<100000x1xf32, #tpu.memory_space<vmem_shared>>)
      %dma_start3A_247 = arith.constant 17 : i32
      %dma_start3A_248 = arith.constant 0 : i32
      %dma_start3A_249 = tpu.memref_slice %arg7[%dma_start3A_247, %dma_start3A_248] : memref<40x128xi32, #tpu.memory_space<vmem>> -> memref<1x128xi32, #tpu.memory_space<vmem>>
      %dma_start3A_250 = tpu.memref_squeeze %dma_start3A_249 : memref<1x128xi32, #tpu.memory_space<vmem>> -> memref<128xi32, #tpu.memory_space<vmem>>
      %dma_start3A_251 = arith.constant 0 : i32
      %dma_start3A_252 = arith.constant 0 : i32
      %dma_start3A_253 = tpu.memref_slice %arg9[%dma_start3A_251, %dma_start3A_252] : memref<100000x1xf32, #tpu.memory_space<vmem_shared>> -> memref<100000x1xf32, #tpu.memory_space<vmem_shared>>
      tpu.enqueue_indirect_dma source(%arg8 : memref<128x1xf32, #tpu.memory_space<vmem>>) target(%dma_start3A_253 : memref<100000x1xf32, #tpu.memory_space<vmem_shared>>) offsets(%dma_start3A_250 : memref<128xi32, #tpu.memory_space<vmem>>) semaphore(%arg11 : memref<!tpu.dma_semaphore, #tpu.memory_space<semaphore_mem>>) {add = true}
      %dma_wait3A_254 = arith.constant 14 : i32
      %dma_wait3A_255 = arith.constant 0 : i32
      %dma_wait3A_256 = tpu.memref_slice %arg7[%dma_wait3A_254, %dma_wait3A_255] : memref<40x128xi32, #tpu.memory_space<vmem>> -> memref<1x128xi32, #tpu.memory_space<vmem>>
      %dma_wait3A_257 = tpu.memref_squeeze %dma_wait3A_256 : memref<1x128xi32, #tpu.memory_space<vmem>> -> memref<128xi32, #tpu.memory_space<vmem>>
      %dma_wait3A_258 = arith.constant 0 : i32
      %dma_wait3A_259 = arith.constant 0 : i32
      %dma_wait3A_260 = tpu.memref_slice %arg9[%dma_wait3A_258, %dma_wait3A_259] : memref<100000x1xf32, #tpu.memory_space<vmem_shared>> -> memref<100000x1xf32, #tpu.memory_space<vmem_shared>>
      tpu.wait_indirect_dma semaphore(%arg12 : memref<!tpu.dma_semaphore, #tpu.memory_space<semaphore_mem>>) src(%arg8 : memref<128x1xf32, #tpu.memory_space<vmem>>) dst(%dma_wait3A_260 : memref<100000x1xf32, #tpu.memory_space<vmem_shared>>)
      %dma_start3A_261 = arith.constant 18 : i32
      %dma_start3A_262 = arith.constant 0 : i32
      %dma_start3A_263 = tpu.memref_slice %arg7[%dma_start3A_261, %dma_start3A_262] : memref<40x128xi32, #tpu.memory_space<vmem>> -> memref<1x128xi32, #tpu.memory_space<vmem>>
      %dma_start3A_264 = tpu.memref_squeeze %dma_start3A_263 : memref<1x128xi32, #tpu.memory_space<vmem>> -> memref<128xi32, #tpu.memory_space<vmem>>
      %dma_start3A_265 = arith.constant 0 : i32
      %dma_start3A_266 = arith.constant 0 : i32
      %dma_start3A_267 = tpu.memref_slice %arg9[%dma_start3A_265, %dma_start3A_266] : memref<100000x1xf32, #tpu.memory_space<vmem_shared>> -> memref<100000x1xf32, #tpu.memory_space<vmem_shared>>
      tpu.enqueue_indirect_dma source(%arg8 : memref<128x1xf32, #tpu.memory_space<vmem>>) target(%dma_start3A_267 : memref<100000x1xf32, #tpu.memory_space<vmem_shared>>) offsets(%dma_start3A_264 : memref<128xi32, #tpu.memory_space<vmem>>) semaphore(%arg12 : memref<!tpu.dma_semaphore, #tpu.memory_space<semaphore_mem>>) {add = true}
      %dma_wait3A_268 = arith.constant 15 : i32
      %dma_wait3A_269 = arith.constant 0 : i32
      %dma_wait3A_270 = tpu.memref_slice %arg7[%dma_wait3A_268, %dma_wait3A_269] : memref<40x128xi32, #tpu.memory_space<vmem>> -> memref<1x128xi32, #tpu.memory_space<vmem>>
      %dma_wait3A_271 = tpu.memref_squeeze %dma_wait3A_270 : memref<1x128xi32, #tpu.memory_space<vmem>> -> memref<128xi32, #tpu.memory_space<vmem>>
      %dma_wait3A_272 = arith.constant 0 : i32
      %dma_wait3A_273 = arith.constant 0 : i32
      %dma_wait3A_274 = tpu.memref_slice %arg9[%dma_wait3A_272, %dma_wait3A_273] : memref<100000x1xf32, #tpu.memory_space<vmem_shared>> -> memref<100000x1xf32, #tpu.memory_space<vmem_shared>>
      tpu.wait_indirect_dma semaphore(%arg13 : memref<!tpu.dma_semaphore, #tpu.memory_space<semaphore_mem>>) src(%arg8 : memref<128x1xf32, #tpu.memory_space<vmem>>) dst(%dma_wait3A_274 : memref<100000x1xf32, #tpu.memory_space<vmem_shared>>)
      %dma_start3A_275 = arith.constant 19 : i32
      %dma_start3A_276 = arith.constant 0 : i32
      %dma_start3A_277 = tpu.memref_slice %arg7[%dma_start3A_275, %dma_start3A_276] : memref<40x128xi32, #tpu.memory_space<vmem>> -> memref<1x128xi32, #tpu.memory_space<vmem>>
      %dma_start3A_278 = tpu.memref_squeeze %dma_start3A_277 : memref<1x128xi32, #tpu.memory_space<vmem>> -> memref<128xi32, #tpu.memory_space<vmem>>
      %dma_start3A_279 = arith.constant 0 : i32
      %dma_start3A_280 = arith.constant 0 : i32
      %dma_start3A_281 = tpu.memref_slice %arg9[%dma_start3A_279, %dma_start3A_280] : memref<100000x1xf32, #tpu.memory_space<vmem_shared>> -> memref<100000x1xf32, #tpu.memory_space<vmem_shared>>
      tpu.enqueue_indirect_dma source(%arg8 : memref<128x1xf32, #tpu.memory_space<vmem>>) target(%dma_start3A_281 : memref<100000x1xf32, #tpu.memory_space<vmem_shared>>) offsets(%dma_start3A_278 : memref<128xi32, #tpu.memory_space<vmem>>) semaphore(%arg13 : memref<!tpu.dma_semaphore, #tpu.memory_space<semaphore_mem>>) {add = true}
      %dma_wait3A_282 = arith.constant 16 : i32
      %dma_wait3A_283 = arith.constant 0 : i32
      %dma_wait3A_284 = tpu.memref_slice %arg7[%dma_wait3A_282, %dma_wait3A_283] : memref<40x128xi32, #tpu.memory_space<vmem>> -> memref<1x128xi32, #tpu.memory_space<vmem>>
      %dma_wait3A_285 = tpu.memref_squeeze %dma_wait3A_284 : memref<1x128xi32, #tpu.memory_space<vmem>> -> memref<128xi32, #tpu.memory_space<vmem>>
      %dma_wait3A_286 = arith.constant 0 : i32
      %dma_wait3A_287 = arith.constant 0 : i32
      %dma_wait3A_288 = tpu.memref_slice %arg9[%dma_wait3A_286, %dma_wait3A_287] : memref<100000x1xf32, #tpu.memory_space<vmem_shared>> -> memref<100000x1xf32, #tpu.memory_space<vmem_shared>>
      tpu.wait_indirect_dma semaphore(%arg10 : memref<!tpu.dma_semaphore, #tpu.memory_space<semaphore_mem>>) src(%arg8 : memref<128x1xf32, #tpu.memory_space<vmem>>) dst(%dma_wait3A_288 : memref<100000x1xf32, #tpu.memory_space<vmem_shared>>)
      %dma_start3A_289 = arith.constant 20 : i32
      %dma_start3A_290 = arith.constant 0 : i32
      %dma_start3A_291 = tpu.memref_slice %arg7[%dma_start3A_289, %dma_start3A_290] : memref<40x128xi32, #tpu.memory_space<vmem>> -> memref<1x128xi32, #tpu.memory_space<vmem>>
      %dma_start3A_292 = tpu.memref_squeeze %dma_start3A_291 : memref<1x128xi32, #tpu.memory_space<vmem>> -> memref<128xi32, #tpu.memory_space<vmem>>
      %dma_start3A_293 = arith.constant 0 : i32
      %dma_start3A_294 = arith.constant 0 : i32
      %dma_start3A_295 = tpu.memref_slice %arg9[%dma_start3A_293, %dma_start3A_294] : memref<100000x1xf32, #tpu.memory_space<vmem_shared>> -> memref<100000x1xf32, #tpu.memory_space<vmem_shared>>
      tpu.enqueue_indirect_dma source(%arg8 : memref<128x1xf32, #tpu.memory_space<vmem>>) target(%dma_start3A_295 : memref<100000x1xf32, #tpu.memory_space<vmem_shared>>) offsets(%dma_start3A_292 : memref<128xi32, #tpu.memory_space<vmem>>) semaphore(%arg10 : memref<!tpu.dma_semaphore, #tpu.memory_space<semaphore_mem>>) {add = true}
      %dma_wait3A_296 = arith.constant 17 : i32
      %dma_wait3A_297 = arith.constant 0 : i32
      %dma_wait3A_298 = tpu.memref_slice %arg7[%dma_wait3A_296, %dma_wait3A_297] : memref<40x128xi32, #tpu.memory_space<vmem>> -> memref<1x128xi32, #tpu.memory_space<vmem>>
      %dma_wait3A_299 = tpu.memref_squeeze %dma_wait3A_298 : memref<1x128xi32, #tpu.memory_space<vmem>> -> memref<128xi32, #tpu.memory_space<vmem>>
      %dma_wait3A_300 = arith.constant 0 : i32
      %dma_wait3A_301 = arith.constant 0 : i32
      %dma_wait3A_302 = tpu.memref_slice %arg9[%dma_wait3A_300, %dma_wait3A_301] : memref<100000x1xf32, #tpu.memory_space<vmem_shared>> -> memref<100000x1xf32, #tpu.memory_space<vmem_shared>>
      tpu.wait_indirect_dma semaphore(%arg11 : memref<!tpu.dma_semaphore, #tpu.memory_space<semaphore_mem>>) src(%arg8 : memref<128x1xf32, #tpu.memory_space<vmem>>) dst(%dma_wait3A_302 : memref<100000x1xf32, #tpu.memory_space<vmem_shared>>)
      %dma_start3A_303 = arith.constant 21 : i32
      %dma_start3A_304 = arith.constant 0 : i32
      %dma_start3A_305 = tpu.memref_slice %arg7[%dma_start3A_303, %dma_start3A_304] : memref<40x128xi32, #tpu.memory_space<vmem>> -> memref<1x128xi32, #tpu.memory_space<vmem>>
      %dma_start3A_306 = tpu.memref_squeeze %dma_start3A_305 : memref<1x128xi32, #tpu.memory_space<vmem>> -> memref<128xi32, #tpu.memory_space<vmem>>
      %dma_start3A_307 = arith.constant 0 : i32
      %dma_start3A_308 = arith.constant 0 : i32
      %dma_start3A_309 = tpu.memref_slice %arg9[%dma_start3A_307, %dma_start3A_308] : memref<100000x1xf32, #tpu.memory_space<vmem_shared>> -> memref<100000x1xf32, #tpu.memory_space<vmem_shared>>
      tpu.enqueue_indirect_dma source(%arg8 : memref<128x1xf32, #tpu.memory_space<vmem>>) target(%dma_start3A_309 : memref<100000x1xf32, #tpu.memory_space<vmem_shared>>) offsets(%dma_start3A_306 : memref<128xi32, #tpu.memory_space<vmem>>) semaphore(%arg11 : memref<!tpu.dma_semaphore, #tpu.memory_space<semaphore_mem>>) {add = true}
      %dma_wait3A_310 = arith.constant 18 : i32
      %dma_wait3A_311 = arith.constant 0 : i32
      %dma_wait3A_312 = tpu.memref_slice %arg7[%dma_wait3A_310, %dma_wait3A_311] : memref<40x128xi32, #tpu.memory_space<vmem>> -> memref<1x128xi32, #tpu.memory_space<vmem>>
      %dma_wait3A_313 = tpu.memref_squeeze %dma_wait3A_312 : memref<1x128xi32, #tpu.memory_space<vmem>> -> memref<128xi32, #tpu.memory_space<vmem>>
      %dma_wait3A_314 = arith.constant 0 : i32
      %dma_wait3A_315 = arith.constant 0 : i32
      %dma_wait3A_316 = tpu.memref_slice %arg9[%dma_wait3A_314, %dma_wait3A_315] : memref<100000x1xf32, #tpu.memory_space<vmem_shared>> -> memref<100000x1xf32, #tpu.memory_space<vmem_shared>>
      tpu.wait_indirect_dma semaphore(%arg12 : memref<!tpu.dma_semaphore, #tpu.memory_space<semaphore_mem>>) src(%arg8 : memref<128x1xf32, #tpu.memory_space<vmem>>) dst(%dma_wait3A_316 : memref<100000x1xf32, #tpu.memory_space<vmem_shared>>)
      %dma_start3A_317 = arith.constant 22 : i32
      %dma_start3A_318 = arith.constant 0 : i32
      %dma_start3A_319 = tpu.memref_slice %arg7[%dma_start3A_317, %dma_start3A_318] : memref<40x128xi32, #tpu.memory_space<vmem>> -> memref<1x128xi32, #tpu.memory_space<vmem>>
      %dma_start3A_320 = tpu.memref_squeeze %dma_start3A_319 : memref<1x128xi32, #tpu.memory_space<vmem>> -> memref<128xi32, #tpu.memory_space<vmem>>
      %dma_start3A_321 = arith.constant 0 : i32
      %dma_start3A_322 = arith.constant 0 : i32
      %dma_start3A_323 = tpu.memref_slice %arg9[%dma_start3A_321, %dma_start3A_322] : memref<100000x1xf32, #tpu.memory_space<vmem_shared>> -> memref<100000x1xf32, #tpu.memory_space<vmem_shared>>
      tpu.enqueue_indirect_dma source(%arg8 : memref<128x1xf32, #tpu.memory_space<vmem>>) target(%dma_start3A_323 : memref<100000x1xf32, #tpu.memory_space<vmem_shared>>) offsets(%dma_start3A_320 : memref<128xi32, #tpu.memory_space<vmem>>) semaphore(%arg12 : memref<!tpu.dma_semaphore, #tpu.memory_space<semaphore_mem>>) {add = true}
      %dma_wait3A_324 = arith.constant 19 : i32
      %dma_wait3A_325 = arith.constant 0 : i32
      %dma_wait3A_326 = tpu.memref_slice %arg7[%dma_wait3A_324, %dma_wait3A_325] : memref<40x128xi32, #tpu.memory_space<vmem>> -> memref<1x128xi32, #tpu.memory_space<vmem>>
      %dma_wait3A_327 = tpu.memref_squeeze %dma_wait3A_326 : memref<1x128xi32, #tpu.memory_space<vmem>> -> memref<128xi32, #tpu.memory_space<vmem>>
      %dma_wait3A_328 = arith.constant 0 : i32
      %dma_wait3A_329 = arith.constant 0 : i32
      %dma_wait3A_330 = tpu.memref_slice %arg9[%dma_wait3A_328, %dma_wait3A_329] : memref<100000x1xf32, #tpu.memory_space<vmem_shared>> -> memref<100000x1xf32, #tpu.memory_space<vmem_shared>>
      tpu.wait_indirect_dma semaphore(%arg13 : memref<!tpu.dma_semaphore, #tpu.memory_space<semaphore_mem>>) src(%arg8 : memref<128x1xf32, #tpu.memory_space<vmem>>) dst(%dma_wait3A_330 : memref<100000x1xf32, #tpu.memory_space<vmem_shared>>)
      %dma_start3A_331 = arith.constant 23 : i32
      %dma_start3A_332 = arith.constant 0 : i32
      %dma_start3A_333 = tpu.memref_slice %arg7[%dma_start3A_331, %dma_start3A_332] : memref<40x128xi32, #tpu.memory_space<vmem>> -> memref<1x128xi32, #tpu.memory_space<vmem>>
      %dma_start3A_334 = tpu.memref_squeeze %dma_start3A_333 : memref<1x128xi32, #tpu.memory_space<vmem>> -> memref<128xi32, #tpu.memory_space<vmem>>
      %dma_start3A_335 = arith.constant 0 : i32
      %dma_start3A_336 = arith.constant 0 : i32
      %dma_start3A_337 = tpu.memref_slice %arg9[%dma_start3A_335, %dma_start3A_336] : memref<100000x1xf32, #tpu.memory_space<vmem_shared>> -> memref<100000x1xf32, #tpu.memory_space<vmem_shared>>
      tpu.enqueue_indirect_dma source(%arg8 : memref<128x1xf32, #tpu.memory_space<vmem>>) target(%dma_start3A_337 : memref<100000x1xf32, #tpu.memory_space<vmem_shared>>) offsets(%dma_start3A_334 : memref<128xi32, #tpu.memory_space<vmem>>) semaphore(%arg13 : memref<!tpu.dma_semaphore, #tpu.memory_space<semaphore_mem>>) {add = true}
      %dma_wait3A_338 = arith.constant 20 : i32
      %dma_wait3A_339 = arith.constant 0 : i32
      %dma_wait3A_340 = tpu.memref_slice %arg7[%dma_wait3A_338, %dma_wait3A_339] : memref<40x128xi32, #tpu.memory_space<vmem>> -> memref<1x128xi32, #tpu.memory_space<vmem>>
      %dma_wait3A_341 = tpu.memref_squeeze %dma_wait3A_340 : memref<1x128xi32, #tpu.memory_space<vmem>> -> memref<128xi32, #tpu.memory_space<vmem>>
      %dma_wait3A_342 = arith.constant 0 : i32
      %dma_wait3A_343 = arith.constant 0 : i32
      %dma_wait3A_344 = tpu.memref_slice %arg9[%dma_wait3A_342, %dma_wait3A_343] : memref<100000x1xf32, #tpu.memory_space<vmem_shared>> -> memref<100000x1xf32, #tpu.memory_space<vmem_shared>>
      tpu.wait_indirect_dma semaphore(%arg10 : memref<!tpu.dma_semaphore, #tpu.memory_space<semaphore_mem>>) src(%arg8 : memref<128x1xf32, #tpu.memory_space<vmem>>) dst(%dma_wait3A_344 : memref<100000x1xf32, #tpu.memory_space<vmem_shared>>)
      %dma_start3A_345 = arith.constant 24 : i32
      %dma_start3A_346 = arith.constant 0 : i32
      %dma_start3A_347 = tpu.memref_slice %arg7[%dma_start3A_345, %dma_start3A_346] : memref<40x128xi32, #tpu.memory_space<vmem>> -> memref<1x128xi32, #tpu.memory_space<vmem>>
      %dma_start3A_348 = tpu.memref_squeeze %dma_start3A_347 : memref<1x128xi32, #tpu.memory_space<vmem>> -> memref<128xi32, #tpu.memory_space<vmem>>
      %dma_start3A_349 = arith.constant 0 : i32
      %dma_start3A_350 = arith.constant 0 : i32
      %dma_start3A_351 = tpu.memref_slice %arg9[%dma_start3A_349, %dma_start3A_350] : memref<100000x1xf32, #tpu.memory_space<vmem_shared>> -> memref<100000x1xf32, #tpu.memory_space<vmem_shared>>
      tpu.enqueue_indirect_dma source(%arg8 : memref<128x1xf32, #tpu.memory_space<vmem>>) target(%dma_start3A_351 : memref<100000x1xf32, #tpu.memory_space<vmem_shared>>) offsets(%dma_start3A_348 : memref<128xi32, #tpu.memory_space<vmem>>) semaphore(%arg10 : memref<!tpu.dma_semaphore, #tpu.memory_space<semaphore_mem>>) {add = true}
      %dma_wait3A_352 = arith.constant 21 : i32
      %dma_wait3A_353 = arith.constant 0 : i32
      %dma_wait3A_354 = tpu.memref_slice %arg7[%dma_wait3A_352, %dma_wait3A_353] : memref<40x128xi32, #tpu.memory_space<vmem>> -> memref<1x128xi32, #tpu.memory_space<vmem>>
      %dma_wait3A_355 = tpu.memref_squeeze %dma_wait3A_354 : memref<1x128xi32, #tpu.memory_space<vmem>> -> memref<128xi32, #tpu.memory_space<vmem>>
      %dma_wait3A_356 = arith.constant 0 : i32
      %dma_wait3A_357 = arith.constant 0 : i32
      %dma_wait3A_358 = tpu.memref_slice %arg9[%dma_wait3A_356, %dma_wait3A_357] : memref<100000x1xf32, #tpu.memory_space<vmem_shared>> -> memref<100000x1xf32, #tpu.memory_space<vmem_shared>>
      tpu.wait_indirect_dma semaphore(%arg11 : memref<!tpu.dma_semaphore, #tpu.memory_space<semaphore_mem>>) src(%arg8 : memref<128x1xf32, #tpu.memory_space<vmem>>) dst(%dma_wait3A_358 : memref<100000x1xf32, #tpu.memory_space<vmem_shared>>)
      %dma_start3A_359 = arith.constant 25 : i32
      %dma_start3A_360 = arith.constant 0 : i32
      %dma_start3A_361 = tpu.memref_slice %arg7[%dma_start3A_359, %dma_start3A_360] : memref<40x128xi32, #tpu.memory_space<vmem>> -> memref<1x128xi32, #tpu.memory_space<vmem>>
      %dma_start3A_362 = tpu.memref_squeeze %dma_start3A_361 : memref<1x128xi32, #tpu.memory_space<vmem>> -> memref<128xi32, #tpu.memory_space<vmem>>
      %dma_start3A_363 = arith.constant 0 : i32
      %dma_start3A_364 = arith.constant 0 : i32
      %dma_start3A_365 = tpu.memref_slice %arg9[%dma_start3A_363, %dma_start3A_364] : memref<100000x1xf32, #tpu.memory_space<vmem_shared>> -> memref<100000x1xf32, #tpu.memory_space<vmem_shared>>
      tpu.enqueue_indirect_dma source(%arg8 : memref<128x1xf32, #tpu.memory_space<vmem>>) target(%dma_start3A_365 : memref<100000x1xf32, #tpu.memory_space<vmem_shared>>) offsets(%dma_start3A_362 : memref<128xi32, #tpu.memory_space<vmem>>) semaphore(%arg11 : memref<!tpu.dma_semaphore, #tpu.memory_space<semaphore_mem>>) {add = true}
      %dma_wait3A_366 = arith.constant 22 : i32
      %dma_wait3A_367 = arith.constant 0 : i32
      %dma_wait3A_368 = tpu.memref_slice %arg7[%dma_wait3A_366, %dma_wait3A_367] : memref<40x128xi32, #tpu.memory_space<vmem>> -> memref<1x128xi32, #tpu.memory_space<vmem>>
      %dma_wait3A_369 = tpu.memref_squeeze %dma_wait3A_368 : memref<1x128xi32, #tpu.memory_space<vmem>> -> memref<128xi32, #tpu.memory_space<vmem>>
      %dma_wait3A_370 = arith.constant 0 : i32
      %dma_wait3A_371 = arith.constant 0 : i32
      %dma_wait3A_372 = tpu.memref_slice %arg9[%dma_wait3A_370, %dma_wait3A_371] : memref<100000x1xf32, #tpu.memory_space<vmem_shared>> -> memref<100000x1xf32, #tpu.memory_space<vmem_shared>>
      tpu.wait_indirect_dma semaphore(%arg12 : memref<!tpu.dma_semaphore, #tpu.memory_space<semaphore_mem>>) src(%arg8 : memref<128x1xf32, #tpu.memory_space<vmem>>) dst(%dma_wait3A_372 : memref<100000x1xf32, #tpu.memory_space<vmem_shared>>)
      %dma_start3A_373 = arith.constant 26 : i32
      %dma_start3A_374 = arith.constant 0 : i32
      %dma_start3A_375 = tpu.memref_slice %arg7[%dma_start3A_373, %dma_start3A_374] : memref<40x128xi32, #tpu.memory_space<vmem>> -> memref<1x128xi32, #tpu.memory_space<vmem>>
      %dma_start3A_376 = tpu.memref_squeeze %dma_start3A_375 : memref<1x128xi32, #tpu.memory_space<vmem>> -> memref<128xi32, #tpu.memory_space<vmem>>
      %dma_start3A_377 = arith.constant 0 : i32
      %dma_start3A_378 = arith.constant 0 : i32
      %dma_start3A_379 = tpu.memref_slice %arg9[%dma_start3A_377, %dma_start3A_378] : memref<100000x1xf32, #tpu.memory_space<vmem_shared>> -> memref<100000x1xf32, #tpu.memory_space<vmem_shared>>
      tpu.enqueue_indirect_dma source(%arg8 : memref<128x1xf32, #tpu.memory_space<vmem>>) target(%dma_start3A_379 : memref<100000x1xf32, #tpu.memory_space<vmem_shared>>) offsets(%dma_start3A_376 : memref<128xi32, #tpu.memory_space<vmem>>) semaphore(%arg12 : memref<!tpu.dma_semaphore, #tpu.memory_space<semaphore_mem>>) {add = true}
      %dma_wait3A_380 = arith.constant 23 : i32
      %dma_wait3A_381 = arith.constant 0 : i32
      %dma_wait3A_382 = tpu.memref_slice %arg7[%dma_wait3A_380, %dma_wait3A_381] : memref<40x128xi32, #tpu.memory_space<vmem>> -> memref<1x128xi32, #tpu.memory_space<vmem>>
      %dma_wait3A_383 = tpu.memref_squeeze %dma_wait3A_382 : memref<1x128xi32, #tpu.memory_space<vmem>> -> memref<128xi32, #tpu.memory_space<vmem>>
      %dma_wait3A_384 = arith.constant 0 : i32
      %dma_wait3A_385 = arith.constant 0 : i32
      %dma_wait3A_386 = tpu.memref_slice %arg9[%dma_wait3A_384, %dma_wait3A_385] : memref<100000x1xf32, #tpu.memory_space<vmem_shared>> -> memref<100000x1xf32, #tpu.memory_space<vmem_shared>>
      tpu.wait_indirect_dma semaphore(%arg13 : memref<!tpu.dma_semaphore, #tpu.memory_space<semaphore_mem>>) src(%arg8 : memref<128x1xf32, #tpu.memory_space<vmem>>) dst(%dma_wait3A_386 : memref<100000x1xf32, #tpu.memory_space<vmem_shared>>)
      %dma_start3A_387 = arith.constant 27 : i32
      %dma_start3A_388 = arith.constant 0 : i32
      %dma_start3A_389 = tpu.memref_slice %arg7[%dma_start3A_387, %dma_start3A_388] : memref<40x128xi32, #tpu.memory_space<vmem>> -> memref<1x128xi32, #tpu.memory_space<vmem>>
      %dma_start3A_390 = tpu.memref_squeeze %dma_start3A_389 : memref<1x128xi32, #tpu.memory_space<vmem>> -> memref<128xi32, #tpu.memory_space<vmem>>
      %dma_start3A_391 = arith.constant 0 : i32
      %dma_start3A_392 = arith.constant 0 : i32
      %dma_start3A_393 = tpu.memref_slice %arg9[%dma_start3A_391, %dma_start3A_392] : memref<100000x1xf32, #tpu.memory_space<vmem_shared>> -> memref<100000x1xf32, #tpu.memory_space<vmem_shared>>
      tpu.enqueue_indirect_dma source(%arg8 : memref<128x1xf32, #tpu.memory_space<vmem>>) target(%dma_start3A_393 : memref<100000x1xf32, #tpu.memory_space<vmem_shared>>) offsets(%dma_start3A_390 : memref<128xi32, #tpu.memory_space<vmem>>) semaphore(%arg13 : memref<!tpu.dma_semaphore, #tpu.memory_space<semaphore_mem>>) {add = true}
      %dma_wait3A_394 = arith.constant 24 : i32
      %dma_wait3A_395 = arith.constant 0 : i32
      %dma_wait3A_396 = tpu.memref_slice %arg7[%dma_wait3A_394, %dma_wait3A_395] : memref<40x128xi32, #tpu.memory_space<vmem>> -> memref<1x128xi32, #tpu.memory_space<vmem>>
      %dma_wait3A_397 = tpu.memref_squeeze %dma_wait3A_396 : memref<1x128xi32, #tpu.memory_space<vmem>> -> memref<128xi32, #tpu.memory_space<vmem>>
      %dma_wait3A_398 = arith.constant 0 : i32
      %dma_wait3A_399 = arith.constant 0 : i32
      %dma_wait3A_400 = tpu.memref_slice %arg9[%dma_wait3A_398, %dma_wait3A_399] : memref<100000x1xf32, #tpu.memory_space<vmem_shared>> -> memref<100000x1xf32, #tpu.memory_space<vmem_shared>>
      tpu.wait_indirect_dma semaphore(%arg10 : memref<!tpu.dma_semaphore, #tpu.memory_space<semaphore_mem>>) src(%arg8 : memref<128x1xf32, #tpu.memory_space<vmem>>) dst(%dma_wait3A_400 : memref<100000x1xf32, #tpu.memory_space<vmem_shared>>)
      %dma_start3A_401 = arith.constant 28 : i32
      %dma_start3A_402 = arith.constant 0 : i32
      %dma_start3A_403 = tpu.memref_slice %arg7[%dma_start3A_401, %dma_start3A_402] : memref<40x128xi32, #tpu.memory_space<vmem>> -> memref<1x128xi32, #tpu.memory_space<vmem>>
      %dma_start3A_404 = tpu.memref_squeeze %dma_start3A_403 : memref<1x128xi32, #tpu.memory_space<vmem>> -> memref<128xi32, #tpu.memory_space<vmem>>
      %dma_start3A_405 = arith.constant 0 : i32
      %dma_start3A_406 = arith.constant 0 : i32
      %dma_start3A_407 = tpu.memref_slice %arg9[%dma_start3A_405, %dma_start3A_406] : memref<100000x1xf32, #tpu.memory_space<vmem_shared>> -> memref<100000x1xf32, #tpu.memory_space<vmem_shared>>
      tpu.enqueue_indirect_dma source(%arg8 : memref<128x1xf32, #tpu.memory_space<vmem>>) target(%dma_start3A_407 : memref<100000x1xf32, #tpu.memory_space<vmem_shared>>) offsets(%dma_start3A_404 : memref<128xi32, #tpu.memory_space<vmem>>) semaphore(%arg10 : memref<!tpu.dma_semaphore, #tpu.memory_space<semaphore_mem>>) {add = true}
      %dma_wait3A_408 = arith.constant 25 : i32
      %dma_wait3A_409 = arith.constant 0 : i32
      %dma_wait3A_410 = tpu.memref_slice %arg7[%dma_wait3A_408, %dma_wait3A_409] : memref<40x128xi32, #tpu.memory_space<vmem>> -> memref<1x128xi32, #tpu.memory_space<vmem>>
      %dma_wait3A_411 = tpu.memref_squeeze %dma_wait3A_410 : memref<1x128xi32, #tpu.memory_space<vmem>> -> memref<128xi32, #tpu.memory_space<vmem>>
      %dma_wait3A_412 = arith.constant 0 : i32
      %dma_wait3A_413 = arith.constant 0 : i32
      %dma_wait3A_414 = tpu.memref_slice %arg9[%dma_wait3A_412, %dma_wait3A_413] : memref<100000x1xf32, #tpu.memory_space<vmem_shared>> -> memref<100000x1xf32, #tpu.memory_space<vmem_shared>>
      tpu.wait_indirect_dma semaphore(%arg11 : memref<!tpu.dma_semaphore, #tpu.memory_space<semaphore_mem>>) src(%arg8 : memref<128x1xf32, #tpu.memory_space<vmem>>) dst(%dma_wait3A_414 : memref<100000x1xf32, #tpu.memory_space<vmem_shared>>)
      %dma_start3A_415 = arith.constant 29 : i32
      %dma_start3A_416 = arith.constant 0 : i32
      %dma_start3A_417 = tpu.memref_slice %arg7[%dma_start3A_415, %dma_start3A_416] : memref<40x128xi32, #tpu.memory_space<vmem>> -> memref<1x128xi32, #tpu.memory_space<vmem>>
      %dma_start3A_418 = tpu.memref_squeeze %dma_start3A_417 : memref<1x128xi32, #tpu.memory_space<vmem>> -> memref<128xi32, #tpu.memory_space<vmem>>
      %dma_start3A_419 = arith.constant 0 : i32
      %dma_start3A_420 = arith.constant 0 : i32
      %dma_start3A_421 = tpu.memref_slice %arg9[%dma_start3A_419, %dma_start3A_420] : memref<100000x1xf32, #tpu.memory_space<vmem_shared>> -> memref<100000x1xf32, #tpu.memory_space<vmem_shared>>
      tpu.enqueue_indirect_dma source(%arg8 : memref<128x1xf32, #tpu.memory_space<vmem>>) target(%dma_start3A_421 : memref<100000x1xf32, #tpu.memory_space<vmem_shared>>) offsets(%dma_start3A_418 : memref<128xi32, #tpu.memory_space<vmem>>) semaphore(%arg11 : memref<!tpu.dma_semaphore, #tpu.memory_space<semaphore_mem>>) {add = true}
      %dma_wait3A_422 = arith.constant 26 : i32
      %dma_wait3A_423 = arith.constant 0 : i32
      %dma_wait3A_424 = tpu.memref_slice %arg7[%dma_wait3A_422, %dma_wait3A_423] : memref<40x128xi32, #tpu.memory_space<vmem>> -> memref<1x128xi32, #tpu.memory_space<vmem>>
      %dma_wait3A_425 = tpu.memref_squeeze %dma_wait3A_424 : memref<1x128xi32, #tpu.memory_space<vmem>> -> memref<128xi32, #tpu.memory_space<vmem>>
      %dma_wait3A_426 = arith.constant 0 : i32
      %dma_wait3A_427 = arith.constant 0 : i32
      %dma_wait3A_428 = tpu.memref_slice %arg9[%dma_wait3A_426, %dma_wait3A_427] : memref<100000x1xf32, #tpu.memory_space<vmem_shared>> -> memref<100000x1xf32, #tpu.memory_space<vmem_shared>>
      tpu.wait_indirect_dma semaphore(%arg12 : memref<!tpu.dma_semaphore, #tpu.memory_space<semaphore_mem>>) src(%arg8 : memref<128x1xf32, #tpu.memory_space<vmem>>) dst(%dma_wait3A_428 : memref<100000x1xf32, #tpu.memory_space<vmem_shared>>)
      %dma_start3A_429 = arith.constant 30 : i32
      %dma_start3A_430 = arith.constant 0 : i32
      %dma_start3A_431 = tpu.memref_slice %arg7[%dma_start3A_429, %dma_start3A_430] : memref<40x128xi32, #tpu.memory_space<vmem>> -> memref<1x128xi32, #tpu.memory_space<vmem>>
      %dma_start3A_432 = tpu.memref_squeeze %dma_start3A_431 : memref<1x128xi32, #tpu.memory_space<vmem>> -> memref<128xi32, #tpu.memory_space<vmem>>
      %dma_start3A_433 = arith.constant 0 : i32
      %dma_start3A_434 = arith.constant 0 : i32
      %dma_start3A_435 = tpu.memref_slice %arg9[%dma_start3A_433, %dma_start3A_434] : memref<100000x1xf32, #tpu.memory_space<vmem_shared>> -> memref<100000x1xf32, #tpu.memory_space<vmem_shared>>
      tpu.enqueue_indirect_dma source(%arg8 : memref<128x1xf32, #tpu.memory_space<vmem>>) target(%dma_start3A_435 : memref<100000x1xf32, #tpu.memory_space<vmem_shared>>) offsets(%dma_start3A_432 : memref<128xi32, #tpu.memory_space<vmem>>) semaphore(%arg12 : memref<!tpu.dma_semaphore, #tpu.memory_space<semaphore_mem>>) {add = true}
      %dma_wait3A_436 = arith.constant 27 : i32
      %dma_wait3A_437 = arith.constant 0 : i32
      %dma_wait3A_438 = tpu.memref_slice %arg7[%dma_wait3A_436, %dma_wait3A_437] : memref<40x128xi32, #tpu.memory_space<vmem>> -> memref<1x128xi32, #tpu.memory_space<vmem>>
      %dma_wait3A_439 = tpu.memref_squeeze %dma_wait3A_438 : memref<1x128xi32, #tpu.memory_space<vmem>> -> memref<128xi32, #tpu.memory_space<vmem>>
      %dma_wait3A_440 = arith.constant 0 : i32
      %dma_wait3A_441 = arith.constant 0 : i32
      %dma_wait3A_442 = tpu.memref_slice %arg9[%dma_wait3A_440, %dma_wait3A_441] : memref<100000x1xf32, #tpu.memory_space<vmem_shared>> -> memref<100000x1xf32, #tpu.memory_space<vmem_shared>>
      tpu.wait_indirect_dma semaphore(%arg13 : memref<!tpu.dma_semaphore, #tpu.memory_space<semaphore_mem>>) src(%arg8 : memref<128x1xf32, #tpu.memory_space<vmem>>) dst(%dma_wait3A_442 : memref<100000x1xf32, #tpu.memory_space<vmem_shared>>)
      %dma_start3A_443 = arith.constant 31 : i32
      %dma_start3A_444 = arith.constant 0 : i32
      %dma_start3A_445 = tpu.memref_slice %arg7[%dma_start3A_443, %dma_start3A_444] : memref<40x128xi32, #tpu.memory_space<vmem>> -> memref<1x128xi32, #tpu.memory_space<vmem>>
      %dma_start3A_446 = tpu.memref_squeeze %dma_start3A_445 : memref<1x128xi32, #tpu.memory_space<vmem>> -> memref<128xi32, #tpu.memory_space<vmem>>
      %dma_start3A_447 = arith.constant 0 : i32
      %dma_start3A_448 = arith.constant 0 : i32
      %dma_start3A_449 = tpu.memref_slice %arg9[%dma_start3A_447, %dma_start3A_448] : memref<100000x1xf32, #tpu.memory_space<vmem_shared>> -> memref<100000x1xf32, #tpu.memory_space<vmem_shared>>
      tpu.enqueue_indirect_dma source(%arg8 : memref<128x1xf32, #tpu.memory_space<vmem>>) target(%dma_start3A_449 : memref<100000x1xf32, #tpu.memory_space<vmem_shared>>) offsets(%dma_start3A_446 : memref<128xi32, #tpu.memory_space<vmem>>) semaphore(%arg13 : memref<!tpu.dma_semaphore, #tpu.memory_space<semaphore_mem>>) {add = true}
      %dma_wait3A_450 = arith.constant 28 : i32
      %dma_wait3A_451 = arith.constant 0 : i32
      %dma_wait3A_452 = tpu.memref_slice %arg7[%dma_wait3A_450, %dma_wait3A_451] : memref<40x128xi32, #tpu.memory_space<vmem>> -> memref<1x128xi32, #tpu.memory_space<vmem>>
      %dma_wait3A_453 = tpu.memref_squeeze %dma_wait3A_452 : memref<1x128xi32, #tpu.memory_space<vmem>> -> memref<128xi32, #tpu.memory_space<vmem>>
      %dma_wait3A_454 = arith.constant 0 : i32
      %dma_wait3A_455 = arith.constant 0 : i32
      %dma_wait3A_456 = tpu.memref_slice %arg9[%dma_wait3A_454, %dma_wait3A_455] : memref<100000x1xf32, #tpu.memory_space<vmem_shared>> -> memref<100000x1xf32, #tpu.memory_space<vmem_shared>>
      tpu.wait_indirect_dma semaphore(%arg10 : memref<!tpu.dma_semaphore, #tpu.memory_space<semaphore_mem>>) src(%arg8 : memref<128x1xf32, #tpu.memory_space<vmem>>) dst(%dma_wait3A_456 : memref<100000x1xf32, #tpu.memory_space<vmem_shared>>)
      %dma_start3A_457 = arith.constant 32 : i32
      %dma_start3A_458 = arith.constant 0 : i32
      %dma_start3A_459 = tpu.memref_slice %arg7[%dma_start3A_457, %dma_start3A_458] : memref<40x128xi32, #tpu.memory_space<vmem>> -> memref<1x128xi32, #tpu.memory_space<vmem>>
      %dma_start3A_460 = tpu.memref_squeeze %dma_start3A_459 : memref<1x128xi32, #tpu.memory_space<vmem>> -> memref<128xi32, #tpu.memory_space<vmem>>
      %dma_start3A_461 = arith.constant 0 : i32
      %dma_start3A_462 = arith.constant 0 : i32
      %dma_start3A_463 = tpu.memref_slice %arg9[%dma_start3A_461, %dma_start3A_462] : memref<100000x1xf32, #tpu.memory_space<vmem_shared>> -> memref<100000x1xf32, #tpu.memory_space<vmem_shared>>
      tpu.enqueue_indirect_dma source(%arg8 : memref<128x1xf32, #tpu.memory_space<vmem>>) target(%dma_start3A_463 : memref<100000x1xf32, #tpu.memory_space<vmem_shared>>) offsets(%dma_start3A_460 : memref<128xi32, #tpu.memory_space<vmem>>) semaphore(%arg10 : memref<!tpu.dma_semaphore, #tpu.memory_space<semaphore_mem>>) {add = true}
      %dma_wait3A_464 = arith.constant 29 : i32
      %dma_wait3A_465 = arith.constant 0 : i32
      %dma_wait3A_466 = tpu.memref_slice %arg7[%dma_wait3A_464, %dma_wait3A_465] : memref<40x128xi32, #tpu.memory_space<vmem>> -> memref<1x128xi32, #tpu.memory_space<vmem>>
      %dma_wait3A_467 = tpu.memref_squeeze %dma_wait3A_466 : memref<1x128xi32, #tpu.memory_space<vmem>> -> memref<128xi32, #tpu.memory_space<vmem>>
      %dma_wait3A_468 = arith.constant 0 : i32
      %dma_wait3A_469 = arith.constant 0 : i32
      %dma_wait3A_470 = tpu.memref_slice %arg9[%dma_wait3A_468, %dma_wait3A_469] : memref<100000x1xf32, #tpu.memory_space<vmem_shared>> -> memref<100000x1xf32, #tpu.memory_space<vmem_shared>>
      tpu.wait_indirect_dma semaphore(%arg11 : memref<!tpu.dma_semaphore, #tpu.memory_space<semaphore_mem>>) src(%arg8 : memref<128x1xf32, #tpu.memory_space<vmem>>) dst(%dma_wait3A_470 : memref<100000x1xf32, #tpu.memory_space<vmem_shared>>)
      %dma_start3A_471 = arith.constant 33 : i32
      %dma_start3A_472 = arith.constant 0 : i32
      %dma_start3A_473 = tpu.memref_slice %arg7[%dma_start3A_471, %dma_start3A_472] : memref<40x128xi32, #tpu.memory_space<vmem>> -> memref<1x128xi32, #tpu.memory_space<vmem>>
      %dma_start3A_474 = tpu.memref_squeeze %dma_start3A_473 : memref<1x128xi32, #tpu.memory_space<vmem>> -> memref<128xi32, #tpu.memory_space<vmem>>
      %dma_start3A_475 = arith.constant 0 : i32
      %dma_start3A_476 = arith.constant 0 : i32
      %dma_start3A_477 = tpu.memref_slice %arg9[%dma_start3A_475, %dma_start3A_476] : memref<100000x1xf32, #tpu.memory_space<vmem_shared>> -> memref<100000x1xf32, #tpu.memory_space<vmem_shared>>
      tpu.enqueue_indirect_dma source(%arg8 : memref<128x1xf32, #tpu.memory_space<vmem>>) target(%dma_start3A_477 : memref<100000x1xf32, #tpu.memory_space<vmem_shared>>) offsets(%dma_start3A_474 : memref<128xi32, #tpu.memory_space<vmem>>) semaphore(%arg11 : memref<!tpu.dma_semaphore, #tpu.memory_space<semaphore_mem>>) {add = true}
      %dma_wait3A_478 = arith.constant 30 : i32
      %dma_wait3A_479 = arith.constant 0 : i32
      %dma_wait3A_480 = tpu.memref_slice %arg7[%dma_wait3A_478, %dma_wait3A_479] : memref<40x128xi32, #tpu.memory_space<vmem>> -> memref<1x128xi32, #tpu.memory_space<vmem>>
      %dma_wait3A_481 = tpu.memref_squeeze %dma_wait3A_480 : memref<1x128xi32, #tpu.memory_space<vmem>> -> memref<128xi32, #tpu.memory_space<vmem>>
      %dma_wait3A_482 = arith.constant 0 : i32
      %dma_wait3A_483 = arith.constant 0 : i32
      %dma_wait3A_484 = tpu.memref_slice %arg9[%dma_wait3A_482, %dma_wait3A_483] : memref<100000x1xf32, #tpu.memory_space<vmem_shared>> -> memref<100000x1xf32, #tpu.memory_space<vmem_shared>>
      tpu.wait_indirect_dma semaphore(%arg12 : memref<!tpu.dma_semaphore, #tpu.memory_space<semaphore_mem>>) src(%arg8 : memref<128x1xf32, #tpu.memory_space<vmem>>) dst(%dma_wait3A_484 : memref<100000x1xf32, #tpu.memory_space<vmem_shared>>)
      %dma_start3A_485 = arith.constant 34 : i32
      %dma_start3A_486 = arith.constant 0 : i32
      %dma_start3A_487 = tpu.memref_slice %arg7[%dma_start3A_485, %dma_start3A_486] : memref<40x128xi32, #tpu.memory_space<vmem>> -> memref<1x128xi32, #tpu.memory_space<vmem>>
      %dma_start3A_488 = tpu.memref_squeeze %dma_start3A_487 : memref<1x128xi32, #tpu.memory_space<vmem>> -> memref<128xi32, #tpu.memory_space<vmem>>
      %dma_start3A_489 = arith.constant 0 : i32
      %dma_start3A_490 = arith.constant 0 : i32
      %dma_start3A_491 = tpu.memref_slice %arg9[%dma_start3A_489, %dma_start3A_490] : memref<100000x1xf32, #tpu.memory_space<vmem_shared>> -> memref<100000x1xf32, #tpu.memory_space<vmem_shared>>
      tpu.enqueue_indirect_dma source(%arg8 : memref<128x1xf32, #tpu.memory_space<vmem>>) target(%dma_start3A_491 : memref<100000x1xf32, #tpu.memory_space<vmem_shared>>) offsets(%dma_start3A_488 : memref<128xi32, #tpu.memory_space<vmem>>) semaphore(%arg12 : memref<!tpu.dma_semaphore, #tpu.memory_space<semaphore_mem>>) {add = true}
      %dma_wait3A_492 = arith.constant 31 : i32
      %dma_wait3A_493 = arith.constant 0 : i32
      %dma_wait3A_494 = tpu.memref_slice %arg7[%dma_wait3A_492, %dma_wait3A_493] : memref<40x128xi32, #tpu.memory_space<vmem>> -> memref<1x128xi32, #tpu.memory_space<vmem>>
      %dma_wait3A_495 = tpu.memref_squeeze %dma_wait3A_494 : memref<1x128xi32, #tpu.memory_space<vmem>> -> memref<128xi32, #tpu.memory_space<vmem>>
      %dma_wait3A_496 = arith.constant 0 : i32
      %dma_wait3A_497 = arith.constant 0 : i32
      %dma_wait3A_498 = tpu.memref_slice %arg9[%dma_wait3A_496, %dma_wait3A_497] : memref<100000x1xf32, #tpu.memory_space<vmem_shared>> -> memref<100000x1xf32, #tpu.memory_space<vmem_shared>>
      tpu.wait_indirect_dma semaphore(%arg13 : memref<!tpu.dma_semaphore, #tpu.memory_space<semaphore_mem>>) src(%arg8 : memref<128x1xf32, #tpu.memory_space<vmem>>) dst(%dma_wait3A_498 : memref<100000x1xf32, #tpu.memory_space<vmem_shared>>)
      %dma_start3A_499 = arith.constant 35 : i32
      %dma_start3A_500 = arith.constant 0 : i32
      %dma_start3A_501 = tpu.memref_slice %arg7[%dma_start3A_499, %dma_start3A_500] : memref<40x128xi32, #tpu.memory_space<vmem>> -> memref<1x128xi32, #tpu.memory_space<vmem>>
      %dma_start3A_502 = tpu.memref_squeeze %dma_start3A_501 : memref<1x128xi32, #tpu.memory_space<vmem>> -> memref<128xi32, #tpu.memory_space<vmem>>
      %dma_start3A_503 = arith.constant 0 : i32
      %dma_start3A_504 = arith.constant 0 : i32
      %dma_start3A_505 = tpu.memref_slice %arg9[%dma_start3A_503, %dma_start3A_504] : memref<100000x1xf32, #tpu.memory_space<vmem_shared>> -> memref<100000x1xf32, #tpu.memory_space<vmem_shared>>
      tpu.enqueue_indirect_dma source(%arg8 : memref<128x1xf32, #tpu.memory_space<vmem>>) target(%dma_start3A_505 : memref<100000x1xf32, #tpu.memory_space<vmem_shared>>) offsets(%dma_start3A_502 : memref<128xi32, #tpu.memory_space<vmem>>) semaphore(%arg13 : memref<!tpu.dma_semaphore, #tpu.memory_space<semaphore_mem>>) {add = true}
      %dma_wait3A_506 = arith.constant 32 : i32
      %dma_wait3A_507 = arith.constant 0 : i32
      %dma_wait3A_508 = tpu.memref_slice %arg7[%dma_wait3A_506, %dma_wait3A_507] : memref<40x128xi32, #tpu.memory_space<vmem>> -> memref<1x128xi32, #tpu.memory_space<vmem>>
      %dma_wait3A_509 = tpu.memref_squeeze %dma_wait3A_508 : memref<1x128xi32, #tpu.memory_space<vmem>> -> memref<128xi32, #tpu.memory_space<vmem>>
      %dma_wait3A_510 = arith.constant 0 : i32
      %dma_wait3A_511 = arith.constant 0 : i32
      %dma_wait3A_512 = tpu.memref_slice %arg9[%dma_wait3A_510, %dma_wait3A_511] : memref<100000x1xf32, #tpu.memory_space<vmem_shared>> -> memref<100000x1xf32, #tpu.memory_space<vmem_shared>>
      tpu.wait_indirect_dma semaphore(%arg10 : memref<!tpu.dma_semaphore, #tpu.memory_space<semaphore_mem>>) src(%arg8 : memref<128x1xf32, #tpu.memory_space<vmem>>) dst(%dma_wait3A_512 : memref<100000x1xf32, #tpu.memory_space<vmem_shared>>)
      %dma_start3A_513 = arith.constant 36 : i32
      %dma_start3A_514 = arith.constant 0 : i32
      %dma_start3A_515 = tpu.memref_slice %arg7[%dma_start3A_513, %dma_start3A_514] : memref<40x128xi32, #tpu.memory_space<vmem>> -> memref<1x128xi32, #tpu.memory_space<vmem>>
      %dma_start3A_516 = tpu.memref_squeeze %dma_start3A_515 : memref<1x128xi32, #tpu.memory_space<vmem>> -> memref<128xi32, #tpu.memory_space<vmem>>
      %dma_start3A_517 = arith.constant 0 : i32
      %dma_start3A_518 = arith.constant 0 : i32
      %dma_start3A_519 = tpu.memref_slice %arg9[%dma_start3A_517, %dma_start3A_518] : memref<100000x1xf32, #tpu.memory_space<vmem_shared>> -> memref<100000x1xf32, #tpu.memory_space<vmem_shared>>
      tpu.enqueue_indirect_dma source(%arg8 : memref<128x1xf32, #tpu.memory_space<vmem>>) target(%dma_start3A_519 : memref<100000x1xf32, #tpu.memory_space<vmem_shared>>) offsets(%dma_start3A_516 : memref<128xi32, #tpu.memory_space<vmem>>) semaphore(%arg10 : memref<!tpu.dma_semaphore, #tpu.memory_space<semaphore_mem>>) {add = true}
      %dma_wait3A_520 = arith.constant 33 : i32
      %dma_wait3A_521 = arith.constant 0 : i32
      %dma_wait3A_522 = tpu.memref_slice %arg7[%dma_wait3A_520, %dma_wait3A_521] : memref<40x128xi32, #tpu.memory_space<vmem>> -> memref<1x128xi32, #tpu.memory_space<vmem>>
      %dma_wait3A_523 = tpu.memref_squeeze %dma_wait3A_522 : memref<1x128xi32, #tpu.memory_space<vmem>> -> memref<128xi32, #tpu.memory_space<vmem>>
      %dma_wait3A_524 = arith.constant 0 : i32
      %dma_wait3A_525 = arith.constant 0 : i32
      %dma_wait3A_526 = tpu.memref_slice %arg9[%dma_wait3A_524, %dma_wait3A_525] : memref<100000x1xf32, #tpu.memory_space<vmem_shared>> -> memref<100000x1xf32, #tpu.memory_space<vmem_shared>>
      tpu.wait_indirect_dma semaphore(%arg11 : memref<!tpu.dma_semaphore, #tpu.memory_space<semaphore_mem>>) src(%arg8 : memref<128x1xf32, #tpu.memory_space<vmem>>) dst(%dma_wait3A_526 : memref<100000x1xf32, #tpu.memory_space<vmem_shared>>)
      %dma_start3A_527 = arith.constant 37 : i32
      %dma_start3A_528 = arith.constant 0 : i32
      %dma_start3A_529 = tpu.memref_slice %arg7[%dma_start3A_527, %dma_start3A_528] : memref<40x128xi32, #tpu.memory_space<vmem>> -> memref<1x128xi32, #tpu.memory_space<vmem>>
      %dma_start3A_530 = tpu.memref_squeeze %dma_start3A_529 : memref<1x128xi32, #tpu.memory_space<vmem>> -> memref<128xi32, #tpu.memory_space<vmem>>
      %dma_start3A_531 = arith.constant 0 : i32
      %dma_start3A_532 = arith.constant 0 : i32
      %dma_start3A_533 = tpu.memref_slice %arg9[%dma_start3A_531, %dma_start3A_532] : memref<100000x1xf32, #tpu.memory_space<vmem_shared>> -> memref<100000x1xf32, #tpu.memory_space<vmem_shared>>
      tpu.enqueue_indirect_dma source(%arg8 : memref<128x1xf32, #tpu.memory_space<vmem>>) target(%dma_start3A_533 : memref<100000x1xf32, #tpu.memory_space<vmem_shared>>) offsets(%dma_start3A_530 : memref<128xi32, #tpu.memory_space<vmem>>) semaphore(%arg11 : memref<!tpu.dma_semaphore, #tpu.memory_space<semaphore_mem>>) {add = true}
      %dma_wait3A_534 = arith.constant 34 : i32
      %dma_wait3A_535 = arith.constant 0 : i32
      %dma_wait3A_536 = tpu.memref_slice %arg7[%dma_wait3A_534, %dma_wait3A_535] : memref<40x128xi32, #tpu.memory_space<vmem>> -> memref<1x128xi32, #tpu.memory_space<vmem>>
      %dma_wait3A_537 = tpu.memref_squeeze %dma_wait3A_536 : memref<1x128xi32, #tpu.memory_space<vmem>> -> memref<128xi32, #tpu.memory_space<vmem>>
      %dma_wait3A_538 = arith.constant 0 : i32
      %dma_wait3A_539 = arith.constant 0 : i32
      %dma_wait3A_540 = tpu.memref_slice %arg9[%dma_wait3A_538, %dma_wait3A_539] : memref<100000x1xf32, #tpu.memory_space<vmem_shared>> -> memref<100000x1xf32, #tpu.memory_space<vmem_shared>>
      tpu.wait_indirect_dma semaphore(%arg12 : memref<!tpu.dma_semaphore, #tpu.memory_space<semaphore_mem>>) src(%arg8 : memref<128x1xf32, #tpu.memory_space<vmem>>) dst(%dma_wait3A_540 : memref<100000x1xf32, #tpu.memory_space<vmem_shared>>)
      %dma_start3A_541 = arith.constant 38 : i32
      %dma_start3A_542 = arith.constant 0 : i32
      %dma_start3A_543 = tpu.memref_slice %arg7[%dma_start3A_541, %dma_start3A_542] : memref<40x128xi32, #tpu.memory_space<vmem>> -> memref<1x128xi32, #tpu.memory_space<vmem>>
      %dma_start3A_544 = tpu.memref_squeeze %dma_start3A_543 : memref<1x128xi32, #tpu.memory_space<vmem>> -> memref<128xi32, #tpu.memory_space<vmem>>
      %dma_start3A_545 = arith.constant 0 : i32
      %dma_start3A_546 = arith.constant 0 : i32
      %dma_start3A_547 = tpu.memref_slice %arg9[%dma_start3A_545, %dma_start3A_546] : memref<100000x1xf32, #tpu.memory_space<vmem_shared>> -> memref<100000x1xf32, #tpu.memory_space<vmem_shared>>
      tpu.enqueue_indirect_dma source(%arg8 : memref<128x1xf32, #tpu.memory_space<vmem>>) target(%dma_start3A_547 : memref<100000x1xf32, #tpu.memory_space<vmem_shared>>) offsets(%dma_start3A_544 : memref<128xi32, #tpu.memory_space<vmem>>) semaphore(%arg12 : memref<!tpu.dma_semaphore, #tpu.memory_space<semaphore_mem>>) {add = true}
      %dma_wait3A_548 = arith.constant 35 : i32
      %dma_wait3A_549 = arith.constant 0 : i32
      %dma_wait3A_550 = tpu.memref_slice %arg7[%dma_wait3A_548, %dma_wait3A_549] : memref<40x128xi32, #tpu.memory_space<vmem>> -> memref<1x128xi32, #tpu.memory_space<vmem>>
      %dma_wait3A_551 = tpu.memref_squeeze %dma_wait3A_550 : memref<1x128xi32, #tpu.memory_space<vmem>> -> memref<128xi32, #tpu.memory_space<vmem>>
      %dma_wait3A_552 = arith.constant 0 : i32
      %dma_wait3A_553 = arith.constant 0 : i32
      %dma_wait3A_554 = tpu.memref_slice %arg9[%dma_wait3A_552, %dma_wait3A_553] : memref<100000x1xf32, #tpu.memory_space<vmem_shared>> -> memref<100000x1xf32, #tpu.memory_space<vmem_shared>>
      tpu.wait_indirect_dma semaphore(%arg13 : memref<!tpu.dma_semaphore, #tpu.memory_space<semaphore_mem>>) src(%arg8 : memref<128x1xf32, #tpu.memory_space<vmem>>) dst(%dma_wait3A_554 : memref<100000x1xf32, #tpu.memory_space<vmem_shared>>)
      %dma_start3A_555 = arith.constant 39 : i32
      %dma_start3A_556 = arith.constant 0 : i32
      %dma_start3A_557 = tpu.memref_slice %arg7[%dma_start3A_555, %dma_start3A_556] : memref<40x128xi32, #tpu.memory_space<vmem>> -> memref<1x128xi32, #tpu.memory_space<vmem>>
      %dma_start3A_558 = tpu.memref_squeeze %dma_start3A_557 : memref<1x128xi32, #tpu.memory_space<vmem>> -> memref<128xi32, #tpu.memory_space<vmem>>
      %dma_start3A_559 = arith.constant 0 : i32
      %dma_start3A_560 = arith.constant 0 : i32
      %dma_start3A_561 = tpu.memref_slice %arg9[%dma_start3A_559, %dma_start3A_560] : memref<100000x1xf32, #tpu.memory_space<vmem_shared>> -> memref<100000x1xf32, #tpu.memory_space<vmem_shared>>
      tpu.enqueue_indirect_dma source(%arg8 : memref<128x1xf32, #tpu.memory_space<vmem>>) target(%dma_start3A_561 : memref<100000x1xf32, #tpu.memory_space<vmem_shared>>) offsets(%dma_start3A_558 : memref<128xi32, #tpu.memory_space<vmem>>) semaphore(%arg13 : memref<!tpu.dma_semaphore, #tpu.memory_space<semaphore_mem>>) {add = true}
      %dma_wait3A_562 = arith.constant 36 : i32
      %dma_wait3A_563 = arith.constant 0 : i32
      %dma_wait3A_564 = tpu.memref_slice %arg7[%dma_wait3A_562, %dma_wait3A_563] : memref<40x128xi32, #tpu.memory_space<vmem>> -> memref<1x128xi32, #tpu.memory_space<vmem>>
      %dma_wait3A_565 = tpu.memref_squeeze %dma_wait3A_564 : memref<1x128xi32, #tpu.memory_space<vmem>> -> memref<128xi32, #tpu.memory_space<vmem>>
      %dma_wait3A_566 = arith.constant 0 : i32
      %dma_wait3A_567 = arith.constant 0 : i32
      %dma_wait3A_568 = tpu.memref_slice %arg9[%dma_wait3A_566, %dma_wait3A_567] : memref<100000x1xf32, #tpu.memory_space<vmem_shared>> -> memref<100000x1xf32, #tpu.memory_space<vmem_shared>>
      tpu.wait_indirect_dma semaphore(%arg10 : memref<!tpu.dma_semaphore, #tpu.memory_space<semaphore_mem>>) src(%arg8 : memref<128x1xf32, #tpu.memory_space<vmem>>) dst(%dma_wait3A_568 : memref<100000x1xf32, #tpu.memory_space<vmem_shared>>)
      %dma_wait3A_569 = arith.constant 37 : i32
      %dma_wait3A_570 = arith.constant 0 : i32
      %dma_wait3A_571 = tpu.memref_slice %arg7[%dma_wait3A_569, %dma_wait3A_570] : memref<40x128xi32, #tpu.memory_space<vmem>> -> memref<1x128xi32, #tpu.memory_space<vmem>>
      %dma_wait3A_572 = tpu.memref_squeeze %dma_wait3A_571 : memref<1x128xi32, #tpu.memory_space<vmem>> -> memref<128xi32, #tpu.memory_space<vmem>>
      %dma_wait3A_573 = arith.constant 0 : i32
      %dma_wait3A_574 = arith.constant 0 : i32
      %dma_wait3A_575 = tpu.memref_slice %arg9[%dma_wait3A_573, %dma_wait3A_574] : memref<100000x1xf32, #tpu.memory_space<vmem_shared>> -> memref<100000x1xf32, #tpu.memory_space<vmem_shared>>
      tpu.wait_indirect_dma semaphore(%arg11 : memref<!tpu.dma_semaphore, #tpu.memory_space<semaphore_mem>>) src(%arg8 : memref<128x1xf32, #tpu.memory_space<vmem>>) dst(%dma_wait3A_575 : memref<100000x1xf32, #tpu.memory_space<vmem_shared>>)
      %dma_wait3A_576 = arith.constant 38 : i32
      %dma_wait3A_577 = arith.constant 0 : i32
      %dma_wait3A_578 = tpu.memref_slice %arg7[%dma_wait3A_576, %dma_wait3A_577] : memref<40x128xi32, #tpu.memory_space<vmem>> -> memref<1x128xi32, #tpu.memory_space<vmem>>
      %dma_wait3A_579 = tpu.memref_squeeze %dma_wait3A_578 : memref<1x128xi32, #tpu.memory_space<vmem>> -> memref<128xi32, #tpu.memory_space<vmem>>
      %dma_wait3A_580 = arith.constant 0 : i32
      %dma_wait3A_581 = arith.constant 0 : i32
      %dma_wait3A_582 = tpu.memref_slice %arg9[%dma_wait3A_580, %dma_wait3A_581] : memref<100000x1xf32, #tpu.memory_space<vmem_shared>> -> memref<100000x1xf32, #tpu.memory_space<vmem_shared>>
      tpu.wait_indirect_dma semaphore(%arg12 : memref<!tpu.dma_semaphore, #tpu.memory_space<semaphore_mem>>) src(%arg8 : memref<128x1xf32, #tpu.memory_space<vmem>>) dst(%dma_wait3A_582 : memref<100000x1xf32, #tpu.memory_space<vmem_shared>>)
      %dma_wait3A_583 = arith.constant 39 : i32
      %dma_wait3A_584 = arith.constant 0 : i32
      %dma_wait3A_585 = tpu.memref_slice %arg7[%dma_wait3A_583, %dma_wait3A_584] : memref<40x128xi32, #tpu.memory_space<vmem>> -> memref<1x128xi32, #tpu.memory_space<vmem>>
      %dma_wait3A_586 = tpu.memref_squeeze %dma_wait3A_585 : memref<1x128xi32, #tpu.memory_space<vmem>> -> memref<128xi32, #tpu.memory_space<vmem>>
      %dma_wait3A_587 = arith.constant 0 : i32
      %dma_wait3A_588 = arith.constant 0 : i32
      %dma_wait3A_589 = tpu.memref_slice %arg9[%dma_wait3A_587, %dma_wait3A_588] : memref<100000x1xf32, #tpu.memory_space<vmem_shared>> -> memref<100000x1xf32, #tpu.memory_space<vmem_shared>>
      tpu.wait_indirect_dma semaphore(%arg13 : memref<!tpu.dma_semaphore, #tpu.memory_space<semaphore_mem>>) src(%arg8 : memref<128x1xf32, #tpu.memory_space<vmem>>) dst(%dma_wait3A_589 : memref<100000x1xf32, #tpu.memory_space<vmem_shared>>)
    }
    %scan3A_10 = arith.constant 20 : i32
    %barrier3A_11 = arith.constant 0 : index
    tpu.barrier barrier_id(%barrier3A_11)
    %lt3A_12 = arith.constant 15 : i32
    %lt3A_13 = arith.cmpi slt, %arg1, %lt3A_12 : i32
    %convert_element_type3A_14 = arith.extui %lt3A_13 : i1 to i32
    %cond3A_15 = arith.constant 0 : i32
    %cond3A_16 = arith.cmpi ne, %convert_element_type3A_14, %cond3A_15 : i32
    scf.if %cond3A_16 {
      %mul3A_22 = arith.constant 6248 : i32
      %mul3A_23 = arith.muli %arg1, %mul3A_22 : i32
      %eq3A_24 = arith.constant 0 : i32
      %eq3A_25 = arith.cmpi eq, %arg0, %eq3A_24 : i32
      %convert_element_type3A_26 = arith.extui %eq3A_25 : i1 to i32
      %cond3A_27 = arith.constant 0 : i32
      %cond3A_28 = arith.cmpi ne, %convert_element_type3A_26, %cond3A_27 : i32
      scf.if %cond3A_28 {
        "tpu.region"() ({
          %run_scoped3A = tpu.sem_alloc : memref<!tpu.dma_semaphore, #tpu.memory_space<semaphore_mem>>
          %dma_start3A = arith.constant 0 : i32
          %dma_start3A_34 = tpu.memref_slice %arg5[%mul3A_23, %dma_start3A] : memref<100000x1xf32, #tpu.memory_space<hbm>> -> memref<6248x1xf32, #tpu.memory_space<hbm>>
          %dma_start3A_35 = arith.constant 0 : i32
          %dma_start3A_36 = tpu.memref_slice %arg9[%mul3A_23, %dma_start3A_35] : memref<100000x1xf32, #tpu.memory_space<vmem_shared>> -> memref<6248x1xf32, #tpu.memory_space<vmem_shared>>
          tpu.enqueue_dma source(%dma_start3A_36 : memref<6248x1xf32, #tpu.memory_space<vmem_shared>>) target(%dma_start3A_34 : memref<6248x1xf32, #tpu.memory_space<hbm>>) target_semaphore(%run_scoped3A : memref<!tpu.dma_semaphore, #tpu.memory_space<semaphore_mem>>)
          %dma_wait3A = arith.constant 0 : i32
          %dma_wait3A_37 = tpu.memref_slice %arg5[%mul3A_23, %dma_wait3A] : memref<100000x1xf32, #tpu.memory_space<hbm>> -> memref<6248x1xf32, #tpu.memory_space<hbm>>
          %dma_wait3A_38 = arith.constant 0 : i32
          %dma_wait3A_39 = tpu.memref_slice %arg9[%mul3A_23, %dma_wait3A_38] : memref<100000x1xf32, #tpu.memory_space<vmem_shared>> -> memref<6248x1xf32, #tpu.memory_space<vmem_shared>>
          tpu.wait_dma2 semaphore(%run_scoped3A : memref<!tpu.dma_semaphore, #tpu.memory_space<semaphore_mem>>) src(%dma_wait3A_39 : memref<6248x1xf32, #tpu.memory_space<vmem_shared>>) dst(%dma_wait3A_37 : memref<6248x1xf32, #tpu.memory_space<hbm>>)
          tpu.yield
        }) : () -> ()
      } else {
      }
      %eq3A_29 = arith.constant 1 : i32
      %eq3A_30 = arith.cmpi eq, %arg0, %eq3A_29 : i32
      %convert_element_type3A_31 = arith.extui %eq3A_30 : i1 to i32
      %cond3A_32 = arith.constant 0 : i32
      %cond3A_33 = arith.cmpi ne, %convert_element_type3A_31, %cond3A_32 : i32
      scf.if %cond3A_33 {
        "tpu.region"() ({
          %run_scoped3A = tpu.sem_alloc : memref<!tpu.dma_semaphore, #tpu.memory_space<semaphore_mem>>
          %dma_start3A = arith.constant 0 : i32
          %dma_start3A_34 = tpu.memref_slice %arg6[%mul3A_23, %dma_start3A] : memref<100000x1xf32, #tpu.memory_space<hbm>> -> memref<6248x1xf32, #tpu.memory_space<hbm>>
          %dma_start3A_35 = arith.constant 0 : i32
          %dma_start3A_36 = tpu.memref_slice %arg9[%mul3A_23, %dma_start3A_35] : memref<100000x1xf32, #tpu.memory_space<vmem_shared>> -> memref<6248x1xf32, #tpu.memory_space<vmem_shared>>
          tpu.enqueue_dma source(%dma_start3A_36 : memref<6248x1xf32, #tpu.memory_space<vmem_shared>>) target(%dma_start3A_34 : memref<6248x1xf32, #tpu.memory_space<hbm>>) target_semaphore(%run_scoped3A : memref<!tpu.dma_semaphore, #tpu.memory_space<semaphore_mem>>)
          %dma_wait3A = arith.constant 0 : i32
          %dma_wait3A_37 = tpu.memref_slice %arg6[%mul3A_23, %dma_wait3A] : memref<100000x1xf32, #tpu.memory_space<hbm>> -> memref<6248x1xf32, #tpu.memory_space<hbm>>
          %dma_wait3A_38 = arith.constant 0 : i32
          %dma_wait3A_39 = tpu.memref_slice %arg9[%mul3A_23, %dma_wait3A_38] : memref<100000x1xf32, #tpu.memory_space<vmem_shared>> -> memref<6248x1xf32, #tpu.memory_space<vmem_shared>>
          tpu.wait_dma2 semaphore(%run_scoped3A : memref<!tpu.dma_semaphore, #tpu.memory_space<semaphore_mem>>) src(%dma_wait3A_39 : memref<6248x1xf32, #tpu.memory_space<vmem_shared>>) dst(%dma_wait3A_37 : memref<6248x1xf32, #tpu.memory_space<hbm>>)
          tpu.yield
        }) : () -> ()
      } else {
      }
    } else {
    }
    %eq3A_17 = arith.constant 15 : i32
    %eq3A_18 = arith.cmpi eq, %arg1, %eq3A_17 : i32
    %convert_element_type3A_19 = arith.extui %eq3A_18 : i1 to i32
    %cond3A_20 = arith.constant 0 : i32
    %cond3A_21 = arith.cmpi ne, %convert_element_type3A_19, %cond3A_20 : i32
    scf.if %cond3A_21 {
      %eq3A_22 = arith.constant 0 : i32
      %eq3A_23 = arith.cmpi eq, %arg0, %eq3A_22 : i32
      %convert_element_type3A_24 = arith.extui %eq3A_23 : i1 to i32
      %cond3A_25 = arith.constant 0 : i32
      %cond3A_26 = arith.cmpi ne, %convert_element_type3A_24, %cond3A_25 : i32
      scf.if %cond3A_26 {
        "tpu.region"() ({
          %run_scoped3A = tpu.sem_alloc : memref<!tpu.dma_semaphore, #tpu.memory_space<semaphore_mem>>
          %dma_start3A = arith.constant 93720 : i32
          %dma_start3A_32 = arith.constant 0 : i32
          %dma_start3A_33 = tpu.memref_slice %arg5[%dma_start3A, %dma_start3A_32] : memref<100000x1xf32, #tpu.memory_space<hbm>> -> memref<6280x1xf32, #tpu.memory_space<hbm>>
          %dma_start3A_34 = arith.constant 93720 : i32
          %dma_start3A_35 = arith.constant 0 : i32
          %dma_start3A_36 = tpu.memref_slice %arg9[%dma_start3A_34, %dma_start3A_35] : memref<100000x1xf32, #tpu.memory_space<vmem_shared>> -> memref<6280x1xf32, #tpu.memory_space<vmem_shared>>
          tpu.enqueue_dma source(%dma_start3A_36 : memref<6280x1xf32, #tpu.memory_space<vmem_shared>>) target(%dma_start3A_33 : memref<6280x1xf32, #tpu.memory_space<hbm>>) target_semaphore(%run_scoped3A : memref<!tpu.dma_semaphore, #tpu.memory_space<semaphore_mem>>)
          %dma_wait3A = arith.constant 93720 : i32
          %dma_wait3A_37 = arith.constant 0 : i32
          %dma_wait3A_38 = tpu.memref_slice %arg5[%dma_wait3A, %dma_wait3A_37] : memref<100000x1xf32, #tpu.memory_space<hbm>> -> memref<6280x1xf32, #tpu.memory_space<hbm>>
          %dma_wait3A_39 = arith.constant 93720 : i32
          %dma_wait3A_40 = arith.constant 0 : i32
          %dma_wait3A_41 = tpu.memref_slice %arg9[%dma_wait3A_39, %dma_wait3A_40] : memref<100000x1xf32, #tpu.memory_space<vmem_shared>> -> memref<6280x1xf32, #tpu.memory_space<vmem_shared>>
          tpu.wait_dma2 semaphore(%run_scoped3A : memref<!tpu.dma_semaphore, #tpu.memory_space<semaphore_mem>>) src(%dma_wait3A_41 : memref<6280x1xf32, #tpu.memory_space<vmem_shared>>) dst(%dma_wait3A_38 : memref<6280x1xf32, #tpu.memory_space<hbm>>)
          tpu.yield
        }) : () -> ()
      } else {
      }
      %eq3A_27 = arith.constant 1 : i32
      %eq3A_28 = arith.cmpi eq, %arg0, %eq3A_27 : i32
      %convert_element_type3A_29 = arith.extui %eq3A_28 : i1 to i32
      %cond3A_30 = arith.constant 0 : i32
      %cond3A_31 = arith.cmpi ne, %convert_element_type3A_29, %cond3A_30 : i32
      scf.if %cond3A_31 {
        "tpu.region"() ({
          %run_scoped3A = tpu.sem_alloc : memref<!tpu.dma_semaphore, #tpu.memory_space<semaphore_mem>>
          %dma_start3A = arith.constant 93720 : i32
          %dma_start3A_32 = arith.constant 0 : i32
          %dma_start3A_33 = tpu.memref_slice %arg6[%dma_start3A, %dma_start3A_32] : memref<100000x1xf32, #tpu.memory_space<hbm>> -> memref<6280x1xf32, #tpu.memory_space<hbm>>
          %dma_start3A_34 = arith.constant 93720 : i32
          %dma_start3A_35 = arith.constant 0 : i32
          %dma_start3A_36 = tpu.memref_slice %arg9[%dma_start3A_34, %dma_start3A_35] : memref<100000x1xf32, #tpu.memory_space<vmem_shared>> -> memref<6280x1xf32, #tpu.memory_space<vmem_shared>>
          tpu.enqueue_dma source(%dma_start3A_36 : memref<6280x1xf32, #tpu.memory_space<vmem_shared>>) target(%dma_start3A_33 : memref<6280x1xf32, #tpu.memory_space<hbm>>) target_semaphore(%run_scoped3A : memref<!tpu.dma_semaphore, #tpu.memory_space<semaphore_mem>>)
          %dma_wait3A = arith.constant 93720 : i32
          %dma_wait3A_37 = arith.constant 0 : i32
          %dma_wait3A_38 = tpu.memref_slice %arg6[%dma_wait3A, %dma_wait3A_37] : memref<100000x1xf32, #tpu.memory_space<hbm>> -> memref<6280x1xf32, #tpu.memory_space<hbm>>
          %dma_wait3A_39 = arith.constant 93720 : i32
          %dma_wait3A_40 = arith.constant 0 : i32
          %dma_wait3A_41 = tpu.memref_slice %arg9[%dma_wait3A_39, %dma_wait3A_40] : memref<100000x1xf32, #tpu.memory_space<vmem_shared>> -> memref<6280x1xf32, #tpu.memory_space<vmem_shared>>
          tpu.wait_dma2 semaphore(%run_scoped3A : memref<!tpu.dma_semaphore, #tpu.memory_space<semaphore_mem>>) src(%dma_wait3A_41 : memref<6280x1xf32, #tpu.memory_space<vmem_shared>>) dst(%dma_wait3A_38 : memref<6280x1xf32, #tpu.memory_space<hbm>>)
          tpu.yield
        }) : () -> ()
      } else {
      }
    } else {
    }
    return
  }
}

#map = affine_map<(d0, d1) -> (0, 0, 0)>
#map1 = affine_map<(d0, d1) -> (0, 0)>
module attributes {stable_mosaic.version = 14 : i64} {
  func.func @_agg_kernel(%arg0: i32, %arg1: i32, %arg2: memref<2x25600x128xi32, #tpu.memory_space<hbm>>, %arg3: memref<100000x4xf32, #tpu.memory_space<hbm>>, %arg4: memref<100000x4xf32, #tpu.memory_space<hbm>>, %arg5: memref<100000x4xf32, #tpu.memory_space<hbm>>, %arg6: memref<40x128xi32, #tpu.memory_space<vmem>>, %arg7: memref<40x128xi32, #tpu.memory_space<vmem>>, %arg8: memref<128x4xf32, #tpu.memory_space<vmem>>, %arg9: memref<128x4xf32, #tpu.memory_space<vmem>>, %arg10: memref<128x4xf32, #tpu.memory_space<vmem>>, %arg11: memref<128x4xf32, #tpu.memory_space<vmem>>, %arg12: memref<100000x4xf32, #tpu.memory_space<vmem_shared>>, %arg13: memref<100000x4xf32, #tpu.memory_space<vmem_shared>>, %arg14: memref<!tpu.dma_semaphore, #tpu.memory_space<semaphore_mem>>, %arg15: memref<!tpu.dma_semaphore, #tpu.memory_space<semaphore_mem>>, %arg16: memref<!tpu.dma_semaphore, #tpu.memory_space<semaphore_mem>>, %arg17: memref<!tpu.dma_semaphore, #tpu.memory_space<semaphore_mem>>, %arg18: memref<!tpu.dma_semaphore, #tpu.memory_space<semaphore_mem>>, %arg19: memref<!tpu.dma_semaphore, #tpu.memory_space<semaphore_mem>>, %arg20: memref<!tpu.dma_semaphore, #tpu.memory_space<semaphore_mem>>, %arg21: memref<!tpu.dma_semaphore, #tpu.memory_space<semaphore_mem>>) attributes {dimension_semantics = [#tpu.dimension_semantics<core_parallel>, #tpu.dimension_semantics<subcore_parallel>], iteration_bounds = array<i64: 2, 16>, scalar_prefetch = 0 : i64, scratch_operands = 16 : i64, tpu.core_type = #tpu.core_type<sc_vector_subcore>, window_params = [{transform_indices = #map}, {transform_indices = #map1}, {transform_indices = #map1}, {transform_indices = #map1}]} {
    %mul3A = arith.constant 16 : i32
    %mul3A_0 = arith.muli %arg0, %mul3A : i32
    %add3A = arith.addi %mul3A_0, %arg1 : i32
    %lt3A = arith.constant 15 : i32
    %lt3A_1 = arith.cmpi slt, %arg1, %lt3A : i32
    %convert_element_type3A = arith.extui %lt3A_1 : i1 to i32
    %cond3A = arith.constant 0 : i32
    %cond3A_2 = arith.cmpi ne, %convert_element_type3A, %cond3A : i32
    scf.if %cond3A_2 {
      %mul3A_22 = arith.constant 6248 : i32
      %mul3A_23 = arith.muli %arg1, %mul3A_22 : i32
      "tpu.region"() ({
        %run_scoped3A = tpu.sem_alloc : memref<!tpu.dma_semaphore, #tpu.memory_space<semaphore_mem>>
        %dma_start3A = arith.constant 0 : i32
        %dma_start3A_24 = tpu.memref_slice %arg12[%mul3A_23, %dma_start3A] : memref<100000x4xf32, #tpu.memory_space<vmem_shared>> -> memref<6248x4xf32, #tpu.memory_space<vmem_shared>>
        %dma_start3A_25 = arith.constant 0 : i32
        %dma_start3A_26 = tpu.memref_slice %arg3[%mul3A_23, %dma_start3A_25] : memref<100000x4xf32, #tpu.memory_space<hbm>> -> memref<6248x4xf32, #tpu.memory_space<hbm>>
        tpu.enqueue_dma source(%dma_start3A_26 : memref<6248x4xf32, #tpu.memory_space<hbm>>) target(%dma_start3A_24 : memref<6248x4xf32, #tpu.memory_space<vmem_shared>>) target_semaphore(%run_scoped3A : memref<!tpu.dma_semaphore, #tpu.memory_space<semaphore_mem>>)
        %dma_wait3A = arith.constant 0 : i32
        %dma_wait3A_27 = tpu.memref_slice %arg12[%mul3A_23, %dma_wait3A] : memref<100000x4xf32, #tpu.memory_space<vmem_shared>> -> memref<6248x4xf32, #tpu.memory_space<vmem_shared>>
        %dma_wait3A_28 = arith.constant 0 : i32
        %dma_wait3A_29 = tpu.memref_slice %arg3[%mul3A_23, %dma_wait3A_28] : memref<100000x4xf32, #tpu.memory_space<hbm>> -> memref<6248x4xf32, #tpu.memory_space<hbm>>
        tpu.wait_dma2 semaphore(%run_scoped3A : memref<!tpu.dma_semaphore, #tpu.memory_space<semaphore_mem>>) src(%dma_wait3A_29 : memref<6248x4xf32, #tpu.memory_space<hbm>>) dst(%dma_wait3A_27 : memref<6248x4xf32, #tpu.memory_space<vmem_shared>>)
        tpu.yield
      }) : () -> ()
      "tpu.region"() ({
        %run_scoped3A = tpu.sem_alloc : memref<!tpu.dma_semaphore, #tpu.memory_space<semaphore_mem>>
        %dma_start3A = arith.constant 0 : i32
        %dma_start3A_24 = tpu.memref_slice %arg13[%mul3A_23, %dma_start3A] : memref<100000x4xf32, #tpu.memory_space<vmem_shared>> -> memref<6248x4xf32, #tpu.memory_space<vmem_shared>>
        %dma_start3A_25 = arith.constant 0 : i32
        %dma_start3A_26 = tpu.memref_slice %arg3[%mul3A_23, %dma_start3A_25] : memref<100000x4xf32, #tpu.memory_space<hbm>> -> memref<6248x4xf32, #tpu.memory_space<hbm>>
        tpu.enqueue_dma source(%dma_start3A_26 : memref<6248x4xf32, #tpu.memory_space<hbm>>) target(%dma_start3A_24 : memref<6248x4xf32, #tpu.memory_space<vmem_shared>>) target_semaphore(%run_scoped3A : memref<!tpu.dma_semaphore, #tpu.memory_space<semaphore_mem>>)
        %dma_wait3A = arith.constant 0 : i32
        %dma_wait3A_27 = tpu.memref_slice %arg13[%mul3A_23, %dma_wait3A] : memref<100000x4xf32, #tpu.memory_space<vmem_shared>> -> memref<6248x4xf32, #tpu.memory_space<vmem_shared>>
        %dma_wait3A_28 = arith.constant 0 : i32
        %dma_wait3A_29 = tpu.memref_slice %arg3[%mul3A_23, %dma_wait3A_28] : memref<100000x4xf32, #tpu.memory_space<hbm>> -> memref<6248x4xf32, #tpu.memory_space<hbm>>
        tpu.wait_dma2 semaphore(%run_scoped3A : memref<!tpu.dma_semaphore, #tpu.memory_space<semaphore_mem>>) src(%dma_wait3A_29 : memref<6248x4xf32, #tpu.memory_space<hbm>>) dst(%dma_wait3A_27 : memref<6248x4xf32, #tpu.memory_space<vmem_shared>>)
        tpu.yield
      }) : () -> ()
    } else {
    }
    %eq3A = arith.constant 15 : i32
    %eq3A_3 = arith.cmpi eq, %arg1, %eq3A : i32
    %convert_element_type3A_4 = arith.extui %eq3A_3 : i1 to i32
    %cond3A_5 = arith.constant 0 : i32
    %cond3A_6 = arith.cmpi ne, %convert_element_type3A_4, %cond3A_5 : i32
    scf.if %cond3A_6 {
      "tpu.region"() ({
        %run_scoped3A = tpu.sem_alloc : memref<!tpu.dma_semaphore, #tpu.memory_space<semaphore_mem>>
        %dma_start3A = arith.constant 93720 : i32
        %dma_start3A_22 = arith.constant 0 : i32
        %dma_start3A_23 = tpu.memref_slice %arg12[%dma_start3A, %dma_start3A_22] : memref<100000x4xf32, #tpu.memory_space<vmem_shared>> -> memref<6280x4xf32, #tpu.memory_space<vmem_shared>>
        %dma_start3A_24 = arith.constant 93720 : i32
        %dma_start3A_25 = arith.constant 0 : i32
        %dma_start3A_26 = tpu.memref_slice %arg3[%dma_start3A_24, %dma_start3A_25] : memref<100000x4xf32, #tpu.memory_space<hbm>> -> memref<6280x4xf32, #tpu.memory_space<hbm>>
        tpu.enqueue_dma source(%dma_start3A_26 : memref<6280x4xf32, #tpu.memory_space<hbm>>) target(%dma_start3A_23 : memref<6280x4xf32, #tpu.memory_space<vmem_shared>>) target_semaphore(%run_scoped3A : memref<!tpu.dma_semaphore, #tpu.memory_space<semaphore_mem>>)
        %dma_wait3A = arith.constant 93720 : i32
        %dma_wait3A_27 = arith.constant 0 : i32
        %dma_wait3A_28 = tpu.memref_slice %arg12[%dma_wait3A, %dma_wait3A_27] : memref<100000x4xf32, #tpu.memory_space<vmem_shared>> -> memref<6280x4xf32, #tpu.memory_space<vmem_shared>>
        %dma_wait3A_29 = arith.constant 93720 : i32
        %dma_wait3A_30 = arith.constant 0 : i32
        %dma_wait3A_31 = tpu.memref_slice %arg3[%dma_wait3A_29, %dma_wait3A_30] : memref<100000x4xf32, #tpu.memory_space<hbm>> -> memref<6280x4xf32, #tpu.memory_space<hbm>>
        tpu.wait_dma2 semaphore(%run_scoped3A : memref<!tpu.dma_semaphore, #tpu.memory_space<semaphore_mem>>) src(%dma_wait3A_31 : memref<6280x4xf32, #tpu.memory_space<hbm>>) dst(%dma_wait3A_28 : memref<6280x4xf32, #tpu.memory_space<vmem_shared>>)
        tpu.yield
      }) : () -> ()
      "tpu.region"() ({
        %run_scoped3A = tpu.sem_alloc : memref<!tpu.dma_semaphore, #tpu.memory_space<semaphore_mem>>
        %dma_start3A = arith.constant 93720 : i32
        %dma_start3A_22 = arith.constant 0 : i32
        %dma_start3A_23 = tpu.memref_slice %arg13[%dma_start3A, %dma_start3A_22] : memref<100000x4xf32, #tpu.memory_space<vmem_shared>> -> memref<6280x4xf32, #tpu.memory_space<vmem_shared>>
        %dma_start3A_24 = arith.constant 93720 : i32
        %dma_start3A_25 = arith.constant 0 : i32
        %dma_start3A_26 = tpu.memref_slice %arg3[%dma_start3A_24, %dma_start3A_25] : memref<100000x4xf32, #tpu.memory_space<hbm>> -> memref<6280x4xf32, #tpu.memory_space<hbm>>
        tpu.enqueue_dma source(%dma_start3A_26 : memref<6280x4xf32, #tpu.memory_space<hbm>>) target(%dma_start3A_23 : memref<6280x4xf32, #tpu.memory_space<vmem_shared>>) target_semaphore(%run_scoped3A : memref<!tpu.dma_semaphore, #tpu.memory_space<semaphore_mem>>)
        %dma_wait3A = arith.constant 93720 : i32
        %dma_wait3A_27 = arith.constant 0 : i32
        %dma_wait3A_28 = tpu.memref_slice %arg13[%dma_wait3A, %dma_wait3A_27] : memref<100000x4xf32, #tpu.memory_space<vmem_shared>> -> memref<6280x4xf32, #tpu.memory_space<vmem_shared>>
        %dma_wait3A_29 = arith.constant 93720 : i32
        %dma_wait3A_30 = arith.constant 0 : i32
        %dma_wait3A_31 = tpu.memref_slice %arg3[%dma_wait3A_29, %dma_wait3A_30] : memref<100000x4xf32, #tpu.memory_space<hbm>> -> memref<6280x4xf32, #tpu.memory_space<hbm>>
        tpu.wait_dma2 semaphore(%run_scoped3A : memref<!tpu.dma_semaphore, #tpu.memory_space<semaphore_mem>>) src(%dma_wait3A_31 : memref<6280x4xf32, #tpu.memory_space<hbm>>) dst(%dma_wait3A_28 : memref<6280x4xf32, #tpu.memory_space<vmem_shared>>)
        tpu.yield
      }) : () -> ()
    } else {
    }
    %barrier3A = arith.constant 0 : index
    tpu.barrier barrier_id(%barrier3A)
    %scan3A = arith.constant 0 : i32
    %scan3A_7 = arith.constant 20 : i32
    %scan3A_8 = arith.addi %scan3A, %scan3A_7 : i32
    %scan3A_9 = arith.constant 1 : i32
    scf.for %scan3A_22 = %scan3A to %scan3A_8 step %scan3A_9  : i32 {
      %mul3A_23 = arith.constant 1 : i32
      %mul3A_24 = arith.muli %scan3A_22, %mul3A_23 : i32
      %add3A_25 = arith.constant 0 : i32
      %add3A_26 = arith.addi %add3A_25, %mul3A_24 : i32
      %mul3A_27 = arith.constant 800 : i32
      %mul3A_28 = arith.muli %add3A, %mul3A_27 : i32
      %mul3A_29 = arith.constant 40 : i32
      %mul3A_30 = arith.muli %add3A_26, %mul3A_29 : i32
      %add3A_31 = arith.addi %mul3A_28, %mul3A_30 : i32
      %run_scoped3A = arith.constant 0 : i32
      "tpu.region"() ({
        %run_scoped3A_1151 = tpu.sem_alloc : memref<!tpu.dma_semaphore, #tpu.memory_space<semaphore_mem>>
        %dma_start3A_1152 = arith.constant 0 : i32
        %dma_start3A_1153 = tpu.memref_slice %arg2[%run_scoped3A, %add3A_31, %dma_start3A_1152] : memref<2x25600x128xi32, #tpu.memory_space<hbm>> -> memref<1x40x128xi32, #tpu.memory_space<hbm>>
        %dma_start3A_1154 = tpu.memref_squeeze %dma_start3A_1153 : memref<1x40x128xi32, #tpu.memory_space<hbm>> -> memref<40x128xi32, #tpu.memory_space<hbm>>
        %dma_start3A_1155 = arith.constant 0 : i32
        %dma_start3A_1156 = tpu.memref_slice %arg2[%run_scoped3A, %add3A_31, %dma_start3A_1155] : memref<2x25600x128xi32, #tpu.memory_space<hbm>> -> memref<1x40x128xi32, #tpu.memory_space<hbm>>
        %dma_start3A_1157 = tpu.memref_squeeze %dma_start3A_1156 : memref<1x40x128xi32, #tpu.memory_space<hbm>> -> memref<40x128xi32, #tpu.memory_space<hbm>>
        tpu.enqueue_dma source(%dma_start3A_1157 : memref<40x128xi32, #tpu.memory_space<hbm>>) target(%arg6 : memref<40x128xi32, #tpu.memory_space<vmem>>) target_semaphore(%run_scoped3A_1151 : memref<!tpu.dma_semaphore, #tpu.memory_space<semaphore_mem>>)
        %dma_wait3A_1158 = arith.constant 0 : i32
        %dma_wait3A_1159 = tpu.memref_slice %arg2[%run_scoped3A, %add3A_31, %dma_wait3A_1158] : memref<2x25600x128xi32, #tpu.memory_space<hbm>> -> memref<1x40x128xi32, #tpu.memory_space<hbm>>
        %dma_wait3A_1160 = tpu.memref_squeeze %dma_wait3A_1159 : memref<1x40x128xi32, #tpu.memory_space<hbm>> -> memref<40x128xi32, #tpu.memory_space<hbm>>
        %dma_wait3A_1161 = arith.constant 0 : i32
        %dma_wait3A_1162 = tpu.memref_slice %arg2[%run_scoped3A, %add3A_31, %dma_wait3A_1161] : memref<2x25600x128xi32, #tpu.memory_space<hbm>> -> memref<1x40x128xi32, #tpu.memory_space<hbm>>
        %dma_wait3A_1163 = tpu.memref_squeeze %dma_wait3A_1162 : memref<1x40x128xi32, #tpu.memory_space<hbm>> -> memref<40x128xi32, #tpu.memory_space<hbm>>
        tpu.wait_dma2 semaphore(%run_scoped3A_1151 : memref<!tpu.dma_semaphore, #tpu.memory_space<semaphore_mem>>) src(%dma_wait3A_1163 : memref<40x128xi32, #tpu.memory_space<hbm>>) dst(%arg6 : memref<40x128xi32, #tpu.memory_space<vmem>>)
        tpu.yield
      }) : () -> ()
      %run_scoped3A_32 = arith.constant 1 : i32
      "tpu.region"() ({
        %run_scoped3A_1151 = tpu.sem_alloc : memref<!tpu.dma_semaphore, #tpu.memory_space<semaphore_mem>>
        %dma_start3A_1152 = arith.constant 0 : i32
        %dma_start3A_1153 = tpu.memref_slice %arg2[%run_scoped3A_32, %add3A_31, %dma_start3A_1152] : memref<2x25600x128xi32, #tpu.memory_space<hbm>> -> memref<1x40x128xi32, #tpu.memory_space<hbm>>
        %dma_start3A_1154 = tpu.memref_squeeze %dma_start3A_1153 : memref<1x40x128xi32, #tpu.memory_space<hbm>> -> memref<40x128xi32, #tpu.memory_space<hbm>>
        %dma_start3A_1155 = arith.constant 0 : i32
        %dma_start3A_1156 = tpu.memref_slice %arg2[%run_scoped3A_32, %add3A_31, %dma_start3A_1155] : memref<2x25600x128xi32, #tpu.memory_space<hbm>> -> memref<1x40x128xi32, #tpu.memory_space<hbm>>
        %dma_start3A_1157 = tpu.memref_squeeze %dma_start3A_1156 : memref<1x40x128xi32, #tpu.memory_space<hbm>> -> memref<40x128xi32, #tpu.memory_space<hbm>>
        tpu.enqueue_dma source(%dma_start3A_1157 : memref<40x128xi32, #tpu.memory_space<hbm>>) target(%arg7 : memref<40x128xi32, #tpu.memory_space<vmem>>) target_semaphore(%run_scoped3A_1151 : memref<!tpu.dma_semaphore, #tpu.memory_space<semaphore_mem>>)
        %dma_wait3A_1158 = arith.constant 0 : i32
        %dma_wait3A_1159 = tpu.memref_slice %arg2[%run_scoped3A_32, %add3A_31, %dma_wait3A_1158] : memref<2x25600x128xi32, #tpu.memory_space<hbm>> -> memref<1x40x128xi32, #tpu.memory_space<hbm>>
        %dma_wait3A_1160 = tpu.memref_squeeze %dma_wait3A_1159 : memref<1x40x128xi32, #tpu.memory_space<hbm>> -> memref<40x128xi32, #tpu.memory_space<hbm>>
        %dma_wait3A_1161 = arith.constant 0 : i32
        %dma_wait3A_1162 = tpu.memref_slice %arg2[%run_scoped3A_32, %add3A_31, %dma_wait3A_1161] : memref<2x25600x128xi32, #tpu.memory_space<hbm>> -> memref<1x40x128xi32, #tpu.memory_space<hbm>>
        %dma_wait3A_1163 = tpu.memref_squeeze %dma_wait3A_1162 : memref<1x40x128xi32, #tpu.memory_space<hbm>> -> memref<40x128xi32, #tpu.memory_space<hbm>>
        tpu.wait_dma2 semaphore(%run_scoped3A_1151 : memref<!tpu.dma_semaphore, #tpu.memory_space<semaphore_mem>>) src(%dma_wait3A_1163 : memref<40x128xi32, #tpu.memory_space<hbm>>) dst(%arg7 : memref<40x128xi32, #tpu.memory_space<vmem>>)
        tpu.yield
      }) : () -> ()
      %dma_start3A = arith.constant 0 : i32
      %dma_start3A_33 = arith.constant 0 : i32
      %dma_start3A_34 = tpu.memref_slice %arg6[%dma_start3A, %dma_start3A_33] : memref<40x128xi32, #tpu.memory_space<vmem>> -> memref<1x128xi32, #tpu.memory_space<vmem>>
      %dma_start3A_35 = tpu.memref_squeeze %dma_start3A_34 : memref<1x128xi32, #tpu.memory_space<vmem>> -> memref<128xi32, #tpu.memory_space<vmem>>
      %dma_start3A_36 = arith.constant 0 : i32
      %dma_start3A_37 = arith.constant 0 : i32
      %dma_start3A_38 = tpu.memref_slice %arg12[%dma_start3A_36, %dma_start3A_37] : memref<100000x4xf32, #tpu.memory_space<vmem_shared>> -> memref<100000x4xf32, #tpu.memory_space<vmem_shared>>
      tpu.enqueue_indirect_dma source(%dma_start3A_38 : memref<100000x4xf32, #tpu.memory_space<vmem_shared>>) target(%arg8 : memref<128x4xf32, #tpu.memory_space<vmem>>) offsets(%dma_start3A_35 : memref<128xi32, #tpu.memory_space<vmem>>) semaphore(%arg14 : memref<!tpu.dma_semaphore, #tpu.memory_space<semaphore_mem>>)
      %dma_start3A_39 = arith.constant 1 : i32
      %dma_start3A_40 = arith.constant 0 : i32
      %dma_start3A_41 = tpu.memref_slice %arg6[%dma_start3A_39, %dma_start3A_40] : memref<40x128xi32, #tpu.memory_space<vmem>> -> memref<1x128xi32, #tpu.memory_space<vmem>>
      %dma_start3A_42 = tpu.memref_squeeze %dma_start3A_41 : memref<1x128xi32, #tpu.memory_space<vmem>> -> memref<128xi32, #tpu.memory_space<vmem>>
      %dma_start3A_43 = arith.constant 0 : i32
      %dma_start3A_44 = arith.constant 0 : i32
      %dma_start3A_45 = tpu.memref_slice %arg12[%dma_start3A_43, %dma_start3A_44] : memref<100000x4xf32, #tpu.memory_space<vmem_shared>> -> memref<100000x4xf32, #tpu.memory_space<vmem_shared>>
      tpu.enqueue_indirect_dma source(%dma_start3A_45 : memref<100000x4xf32, #tpu.memory_space<vmem_shared>>) target(%arg9 : memref<128x4xf32, #tpu.memory_space<vmem>>) offsets(%dma_start3A_42 : memref<128xi32, #tpu.memory_space<vmem>>) semaphore(%arg15 : memref<!tpu.dma_semaphore, #tpu.memory_space<semaphore_mem>>)
      %dma_start3A_46 = arith.constant 2 : i32
      %dma_start3A_47 = arith.constant 0 : i32
      %dma_start3A_48 = tpu.memref_slice %arg6[%dma_start3A_46, %dma_start3A_47] : memref<40x128xi32, #tpu.memory_space<vmem>> -> memref<1x128xi32, #tpu.memory_space<vmem>>
      %dma_start3A_49 = tpu.memref_squeeze %dma_start3A_48 : memref<1x128xi32, #tpu.memory_space<vmem>> -> memref<128xi32, #tpu.memory_space<vmem>>
      %dma_start3A_50 = arith.constant 0 : i32
      %dma_start3A_51 = arith.constant 0 : i32
      %dma_start3A_52 = tpu.memref_slice %arg12[%dma_start3A_50, %dma_start3A_51] : memref<100000x4xf32, #tpu.memory_space<vmem_shared>> -> memref<100000x4xf32, #tpu.memory_space<vmem_shared>>
      tpu.enqueue_indirect_dma source(%dma_start3A_52 : memref<100000x4xf32, #tpu.memory_space<vmem_shared>>) target(%arg10 : memref<128x4xf32, #tpu.memory_space<vmem>>) offsets(%dma_start3A_49 : memref<128xi32, #tpu.memory_space<vmem>>) semaphore(%arg16 : memref<!tpu.dma_semaphore, #tpu.memory_space<semaphore_mem>>)
      %dma_start3A_53 = arith.constant 3 : i32
      %dma_start3A_54 = arith.constant 0 : i32
      %dma_start3A_55 = tpu.memref_slice %arg6[%dma_start3A_53, %dma_start3A_54] : memref<40x128xi32, #tpu.memory_space<vmem>> -> memref<1x128xi32, #tpu.memory_space<vmem>>
      %dma_start3A_56 = tpu.memref_squeeze %dma_start3A_55 : memref<1x128xi32, #tpu.memory_space<vmem>> -> memref<128xi32, #tpu.memory_space<vmem>>
      %dma_start3A_57 = arith.constant 0 : i32
      %dma_start3A_58 = arith.constant 0 : i32
      %dma_start3A_59 = tpu.memref_slice %arg12[%dma_start3A_57, %dma_start3A_58] : memref<100000x4xf32, #tpu.memory_space<vmem_shared>> -> memref<100000x4xf32, #tpu.memory_space<vmem_shared>>
      tpu.enqueue_indirect_dma source(%dma_start3A_59 : memref<100000x4xf32, #tpu.memory_space<vmem_shared>>) target(%arg11 : memref<128x4xf32, #tpu.memory_space<vmem>>) offsets(%dma_start3A_56 : memref<128xi32, #tpu.memory_space<vmem>>) semaphore(%arg17 : memref<!tpu.dma_semaphore, #tpu.memory_space<semaphore_mem>>)
      %dma_wait3A = arith.constant 0 : i32
      %dma_wait3A_60 = arith.constant 0 : i32
      %dma_wait3A_61 = tpu.memref_slice %arg6[%dma_wait3A, %dma_wait3A_60] : memref<40x128xi32, #tpu.memory_space<vmem>> -> memref<1x128xi32, #tpu.memory_space<vmem>>
      %dma_wait3A_62 = tpu.memref_squeeze %dma_wait3A_61 : memref<1x128xi32, #tpu.memory_space<vmem>> -> memref<128xi32, #tpu.memory_space<vmem>>
      %dma_wait3A_63 = arith.constant 0 : i32
      %dma_wait3A_64 = arith.constant 0 : i32
      %dma_wait3A_65 = tpu.memref_slice %arg12[%dma_wait3A_63, %dma_wait3A_64] : memref<100000x4xf32, #tpu.memory_space<vmem_shared>> -> memref<100000x4xf32, #tpu.memory_space<vmem_shared>>
      tpu.wait_indirect_dma semaphore(%arg14 : memref<!tpu.dma_semaphore, #tpu.memory_space<semaphore_mem>>) src(%dma_wait3A_65 : memref<100000x4xf32, #tpu.memory_space<vmem_shared>>) dst(%arg8 : memref<128x4xf32, #tpu.memory_space<vmem>>)
      %dma_start3A_66 = arith.constant 0 : i32
      %dma_start3A_67 = arith.constant 0 : i32
      %dma_start3A_68 = tpu.memref_slice %arg7[%dma_start3A_66, %dma_start3A_67] : memref<40x128xi32, #tpu.memory_space<vmem>> -> memref<1x128xi32, #tpu.memory_space<vmem>>
      %dma_start3A_69 = tpu.memref_squeeze %dma_start3A_68 : memref<1x128xi32, #tpu.memory_space<vmem>> -> memref<128xi32, #tpu.memory_space<vmem>>
      %dma_start3A_70 = arith.constant 0 : i32
      %dma_start3A_71 = arith.constant 0 : i32
      %dma_start3A_72 = tpu.memref_slice %arg13[%dma_start3A_70, %dma_start3A_71] : memref<100000x4xf32, #tpu.memory_space<vmem_shared>> -> memref<100000x4xf32, #tpu.memory_space<vmem_shared>>
      tpu.enqueue_indirect_dma source(%arg8 : memref<128x4xf32, #tpu.memory_space<vmem>>) target(%dma_start3A_72 : memref<100000x4xf32, #tpu.memory_space<vmem_shared>>) offsets(%dma_start3A_69 : memref<128xi32, #tpu.memory_space<vmem>>) semaphore(%arg18 : memref<!tpu.dma_semaphore, #tpu.memory_space<semaphore_mem>>) {add = true}
      %dma_wait3A_73 = arith.constant 0 : i32
      %dma_wait3A_74 = arith.constant 0 : i32
      %dma_wait3A_75 = tpu.memref_slice %arg7[%dma_wait3A_73, %dma_wait3A_74] : memref<40x128xi32, #tpu.memory_space<vmem>> -> memref<1x128xi32, #tpu.memory_space<vmem>>
      %dma_wait3A_76 = tpu.memref_squeeze %dma_wait3A_75 : memref<1x128xi32, #tpu.memory_space<vmem>> -> memref<128xi32, #tpu.memory_space<vmem>>
      %dma_wait3A_77 = arith.constant 0 : i32
      %dma_wait3A_78 = arith.constant 0 : i32
      %dma_wait3A_79 = tpu.memref_slice %arg13[%dma_wait3A_77, %dma_wait3A_78] : memref<100000x4xf32, #tpu.memory_space<vmem_shared>> -> memref<100000x4xf32, #tpu.memory_space<vmem_shared>>
      tpu.wait_indirect_dma semaphore(%arg18 : memref<!tpu.dma_semaphore, #tpu.memory_space<semaphore_mem>>) src(%arg8 : memref<128x4xf32, #tpu.memory_space<vmem>>) dst(%dma_wait3A_79 : memref<100000x4xf32, #tpu.memory_space<vmem_shared>>)
      %dma_start3A_80 = arith.constant 4 : i32
      %dma_start3A_81 = arith.constant 0 : i32
      %dma_start3A_82 = tpu.memref_slice %arg6[%dma_start3A_80, %dma_start3A_81] : memref<40x128xi32, #tpu.memory_space<vmem>> -> memref<1x128xi32, #tpu.memory_space<vmem>>
      %dma_start3A_83 = tpu.memref_squeeze %dma_start3A_82 : memref<1x128xi32, #tpu.memory_space<vmem>> -> memref<128xi32, #tpu.memory_space<vmem>>
      %dma_start3A_84 = arith.constant 0 : i32
      %dma_start3A_85 = arith.constant 0 : i32
      %dma_start3A_86 = tpu.memref_slice %arg12[%dma_start3A_84, %dma_start3A_85] : memref<100000x4xf32, #tpu.memory_space<vmem_shared>> -> memref<100000x4xf32, #tpu.memory_space<vmem_shared>>
      tpu.enqueue_indirect_dma source(%dma_start3A_86 : memref<100000x4xf32, #tpu.memory_space<vmem_shared>>) target(%arg8 : memref<128x4xf32, #tpu.memory_space<vmem>>) offsets(%dma_start3A_83 : memref<128xi32, #tpu.memory_space<vmem>>) semaphore(%arg14 : memref<!tpu.dma_semaphore, #tpu.memory_space<semaphore_mem>>)
      %dma_wait3A_87 = arith.constant 1 : i32
      %dma_wait3A_88 = arith.constant 0 : i32
      %dma_wait3A_89 = tpu.memref_slice %arg6[%dma_wait3A_87, %dma_wait3A_88] : memref<40x128xi32, #tpu.memory_space<vmem>> -> memref<1x128xi32, #tpu.memory_space<vmem>>
      %dma_wait3A_90 = tpu.memref_squeeze %dma_wait3A_89 : memref<1x128xi32, #tpu.memory_space<vmem>> -> memref<128xi32, #tpu.memory_space<vmem>>
      %dma_wait3A_91 = arith.constant 0 : i32
      %dma_wait3A_92 = arith.constant 0 : i32
      %dma_wait3A_93 = tpu.memref_slice %arg12[%dma_wait3A_91, %dma_wait3A_92] : memref<100000x4xf32, #tpu.memory_space<vmem_shared>> -> memref<100000x4xf32, #tpu.memory_space<vmem_shared>>
      tpu.wait_indirect_dma semaphore(%arg15 : memref<!tpu.dma_semaphore, #tpu.memory_space<semaphore_mem>>) src(%dma_wait3A_93 : memref<100000x4xf32, #tpu.memory_space<vmem_shared>>) dst(%arg9 : memref<128x4xf32, #tpu.memory_space<vmem>>)
      %dma_start3A_94 = arith.constant 1 : i32
      %dma_start3A_95 = arith.constant 0 : i32
      %dma_start3A_96 = tpu.memref_slice %arg7[%dma_start3A_94, %dma_start3A_95] : memref<40x128xi32, #tpu.memory_space<vmem>> -> memref<1x128xi32, #tpu.memory_space<vmem>>
      %dma_start3A_97 = tpu.memref_squeeze %dma_start3A_96 : memref<1x128xi32, #tpu.memory_space<vmem>> -> memref<128xi32, #tpu.memory_space<vmem>>
      %dma_start3A_98 = arith.constant 0 : i32
      %dma_start3A_99 = arith.constant 0 : i32
      %dma_start3A_100 = tpu.memref_slice %arg13[%dma_start3A_98, %dma_start3A_99] : memref<100000x4xf32, #tpu.memory_space<vmem_shared>> -> memref<100000x4xf32, #tpu.memory_space<vmem_shared>>
      tpu.enqueue_indirect_dma source(%arg9 : memref<128x4xf32, #tpu.memory_space<vmem>>) target(%dma_start3A_100 : memref<100000x4xf32, #tpu.memory_space<vmem_shared>>) offsets(%dma_start3A_97 : memref<128xi32, #tpu.memory_space<vmem>>) semaphore(%arg19 : memref<!tpu.dma_semaphore, #tpu.memory_space<semaphore_mem>>) {add = true}
      %dma_wait3A_101 = arith.constant 1 : i32
      %dma_wait3A_102 = arith.constant 0 : i32
      %dma_wait3A_103 = tpu.memref_slice %arg7[%dma_wait3A_101, %dma_wait3A_102] : memref<40x128xi32, #tpu.memory_space<vmem>> -> memref<1x128xi32, #tpu.memory_space<vmem>>
      %dma_wait3A_104 = tpu.memref_squeeze %dma_wait3A_103 : memref<1x128xi32, #tpu.memory_space<vmem>> -> memref<128xi32, #tpu.memory_space<vmem>>
      %dma_wait3A_105 = arith.constant 0 : i32
      %dma_wait3A_106 = arith.constant 0 : i32
      %dma_wait3A_107 = tpu.memref_slice %arg13[%dma_wait3A_105, %dma_wait3A_106] : memref<100000x4xf32, #tpu.memory_space<vmem_shared>> -> memref<100000x4xf32, #tpu.memory_space<vmem_shared>>
      tpu.wait_indirect_dma semaphore(%arg19 : memref<!tpu.dma_semaphore, #tpu.memory_space<semaphore_mem>>) src(%arg9 : memref<128x4xf32, #tpu.memory_space<vmem>>) dst(%dma_wait3A_107 : memref<100000x4xf32, #tpu.memory_space<vmem_shared>>)
      %dma_start3A_108 = arith.constant 5 : i32
      %dma_start3A_109 = arith.constant 0 : i32
      %dma_start3A_110 = tpu.memref_slice %arg6[%dma_start3A_108, %dma_start3A_109] : memref<40x128xi32, #tpu.memory_space<vmem>> -> memref<1x128xi32, #tpu.memory_space<vmem>>
      %dma_start3A_111 = tpu.memref_squeeze %dma_start3A_110 : memref<1x128xi32, #tpu.memory_space<vmem>> -> memref<128xi32, #tpu.memory_space<vmem>>
      %dma_start3A_112 = arith.constant 0 : i32
      %dma_start3A_113 = arith.constant 0 : i32
      %dma_start3A_114 = tpu.memref_slice %arg12[%dma_start3A_112, %dma_start3A_113] : memref<100000x4xf32, #tpu.memory_space<vmem_shared>> -> memref<100000x4xf32, #tpu.memory_space<vmem_shared>>
      tpu.enqueue_indirect_dma source(%dma_start3A_114 : memref<100000x4xf32, #tpu.memory_space<vmem_shared>>) target(%arg9 : memref<128x4xf32, #tpu.memory_space<vmem>>) offsets(%dma_start3A_111 : memref<128xi32, #tpu.memory_space<vmem>>) semaphore(%arg15 : memref<!tpu.dma_semaphore, #tpu.memory_space<semaphore_mem>>)
      %dma_wait3A_115 = arith.constant 2 : i32
      %dma_wait3A_116 = arith.constant 0 : i32
      %dma_wait3A_117 = tpu.memref_slice %arg6[%dma_wait3A_115, %dma_wait3A_116] : memref<40x128xi32, #tpu.memory_space<vmem>> -> memref<1x128xi32, #tpu.memory_space<vmem>>
      %dma_wait3A_118 = tpu.memref_squeeze %dma_wait3A_117 : memref<1x128xi32, #tpu.memory_space<vmem>> -> memref<128xi32, #tpu.memory_space<vmem>>
      %dma_wait3A_119 = arith.constant 0 : i32
      %dma_wait3A_120 = arith.constant 0 : i32
      %dma_wait3A_121 = tpu.memref_slice %arg12[%dma_wait3A_119, %dma_wait3A_120] : memref<100000x4xf32, #tpu.memory_space<vmem_shared>> -> memref<100000x4xf32, #tpu.memory_space<vmem_shared>>
      tpu.wait_indirect_dma semaphore(%arg16 : memref<!tpu.dma_semaphore, #tpu.memory_space<semaphore_mem>>) src(%dma_wait3A_121 : memref<100000x4xf32, #tpu.memory_space<vmem_shared>>) dst(%arg10 : memref<128x4xf32, #tpu.memory_space<vmem>>)
      %dma_start3A_122 = arith.constant 2 : i32
      %dma_start3A_123 = arith.constant 0 : i32
      %dma_start3A_124 = tpu.memref_slice %arg7[%dma_start3A_122, %dma_start3A_123] : memref<40x128xi32, #tpu.memory_space<vmem>> -> memref<1x128xi32, #tpu.memory_space<vmem>>
      %dma_start3A_125 = tpu.memref_squeeze %dma_start3A_124 : memref<1x128xi32, #tpu.memory_space<vmem>> -> memref<128xi32, #tpu.memory_space<vmem>>
      %dma_start3A_126 = arith.constant 0 : i32
      %dma_start3A_127 = arith.constant 0 : i32
      %dma_start3A_128 = tpu.memref_slice %arg13[%dma_start3A_126, %dma_start3A_127] : memref<100000x4xf32, #tpu.memory_space<vmem_shared>> -> memref<100000x4xf32, #tpu.memory_space<vmem_shared>>
      tpu.enqueue_indirect_dma source(%arg10 : memref<128x4xf32, #tpu.memory_space<vmem>>) target(%dma_start3A_128 : memref<100000x4xf32, #tpu.memory_space<vmem_shared>>) offsets(%dma_start3A_125 : memref<128xi32, #tpu.memory_space<vmem>>) semaphore(%arg20 : memref<!tpu.dma_semaphore, #tpu.memory_space<semaphore_mem>>) {add = true}
      %dma_wait3A_129 = arith.constant 2 : i32
      %dma_wait3A_130 = arith.constant 0 : i32
      %dma_wait3A_131 = tpu.memref_slice %arg7[%dma_wait3A_129, %dma_wait3A_130] : memref<40x128xi32, #tpu.memory_space<vmem>> -> memref<1x128xi32, #tpu.memory_space<vmem>>
      %dma_wait3A_132 = tpu.memref_squeeze %dma_wait3A_131 : memref<1x128xi32, #tpu.memory_space<vmem>> -> memref<128xi32, #tpu.memory_space<vmem>>
      %dma_wait3A_133 = arith.constant 0 : i32
      %dma_wait3A_134 = arith.constant 0 : i32
      %dma_wait3A_135 = tpu.memref_slice %arg13[%dma_wait3A_133, %dma_wait3A_134] : memref<100000x4xf32, #tpu.memory_space<vmem_shared>> -> memref<100000x4xf32, #tpu.memory_space<vmem_shared>>
      tpu.wait_indirect_dma semaphore(%arg20 : memref<!tpu.dma_semaphore, #tpu.memory_space<semaphore_mem>>) src(%arg10 : memref<128x4xf32, #tpu.memory_space<vmem>>) dst(%dma_wait3A_135 : memref<100000x4xf32, #tpu.memory_space<vmem_shared>>)
      %dma_start3A_136 = arith.constant 6 : i32
      %dma_start3A_137 = arith.constant 0 : i32
      %dma_start3A_138 = tpu.memref_slice %arg6[%dma_start3A_136, %dma_start3A_137] : memref<40x128xi32, #tpu.memory_space<vmem>> -> memref<1x128xi32, #tpu.memory_space<vmem>>
      %dma_start3A_139 = tpu.memref_squeeze %dma_start3A_138 : memref<1x128xi32, #tpu.memory_space<vmem>> -> memref<128xi32, #tpu.memory_space<vmem>>
      %dma_start3A_140 = arith.constant 0 : i32
      %dma_start3A_141 = arith.constant 0 : i32
      %dma_start3A_142 = tpu.memref_slice %arg12[%dma_start3A_140, %dma_start3A_141] : memref<100000x4xf32, #tpu.memory_space<vmem_shared>> -> memref<100000x4xf32, #tpu.memory_space<vmem_shared>>
      tpu.enqueue_indirect_dma source(%dma_start3A_142 : memref<100000x4xf32, #tpu.memory_space<vmem_shared>>) target(%arg10 : memref<128x4xf32, #tpu.memory_space<vmem>>) offsets(%dma_start3A_139 : memref<128xi32, #tpu.memory_space<vmem>>) semaphore(%arg16 : memref<!tpu.dma_semaphore, #tpu.memory_space<semaphore_mem>>)
      %dma_wait3A_143 = arith.constant 3 : i32
      %dma_wait3A_144 = arith.constant 0 : i32
      %dma_wait3A_145 = tpu.memref_slice %arg6[%dma_wait3A_143, %dma_wait3A_144] : memref<40x128xi32, #tpu.memory_space<vmem>> -> memref<1x128xi32, #tpu.memory_space<vmem>>
      %dma_wait3A_146 = tpu.memref_squeeze %dma_wait3A_145 : memref<1x128xi32, #tpu.memory_space<vmem>> -> memref<128xi32, #tpu.memory_space<vmem>>
      %dma_wait3A_147 = arith.constant 0 : i32
      %dma_wait3A_148 = arith.constant 0 : i32
      %dma_wait3A_149 = tpu.memref_slice %arg12[%dma_wait3A_147, %dma_wait3A_148] : memref<100000x4xf32, #tpu.memory_space<vmem_shared>> -> memref<100000x4xf32, #tpu.memory_space<vmem_shared>>
      tpu.wait_indirect_dma semaphore(%arg17 : memref<!tpu.dma_semaphore, #tpu.memory_space<semaphore_mem>>) src(%dma_wait3A_149 : memref<100000x4xf32, #tpu.memory_space<vmem_shared>>) dst(%arg11 : memref<128x4xf32, #tpu.memory_space<vmem>>)
      %dma_start3A_150 = arith.constant 3 : i32
      %dma_start3A_151 = arith.constant 0 : i32
      %dma_start3A_152 = tpu.memref_slice %arg7[%dma_start3A_150, %dma_start3A_151] : memref<40x128xi32, #tpu.memory_space<vmem>> -> memref<1x128xi32, #tpu.memory_space<vmem>>
      %dma_start3A_153 = tpu.memref_squeeze %dma_start3A_152 : memref<1x128xi32, #tpu.memory_space<vmem>> -> memref<128xi32, #tpu.memory_space<vmem>>
      %dma_start3A_154 = arith.constant 0 : i32
      %dma_start3A_155 = arith.constant 0 : i32
      %dma_start3A_156 = tpu.memref_slice %arg13[%dma_start3A_154, %dma_start3A_155] : memref<100000x4xf32, #tpu.memory_space<vmem_shared>> -> memref<100000x4xf32, #tpu.memory_space<vmem_shared>>
      tpu.enqueue_indirect_dma source(%arg11 : memref<128x4xf32, #tpu.memory_space<vmem>>) target(%dma_start3A_156 : memref<100000x4xf32, #tpu.memory_space<vmem_shared>>) offsets(%dma_start3A_153 : memref<128xi32, #tpu.memory_space<vmem>>) semaphore(%arg21 : memref<!tpu.dma_semaphore, #tpu.memory_space<semaphore_mem>>) {add = true}
      %dma_wait3A_157 = arith.constant 3 : i32
      %dma_wait3A_158 = arith.constant 0 : i32
      %dma_wait3A_159 = tpu.memref_slice %arg7[%dma_wait3A_157, %dma_wait3A_158] : memref<40x128xi32, #tpu.memory_space<vmem>> -> memref<1x128xi32, #tpu.memory_space<vmem>>
      %dma_wait3A_160 = tpu.memref_squeeze %dma_wait3A_159 : memref<1x128xi32, #tpu.memory_space<vmem>> -> memref<128xi32, #tpu.memory_space<vmem>>
      %dma_wait3A_161 = arith.constant 0 : i32
      %dma_wait3A_162 = arith.constant 0 : i32
      %dma_wait3A_163 = tpu.memref_slice %arg13[%dma_wait3A_161, %dma_wait3A_162] : memref<100000x4xf32, #tpu.memory_space<vmem_shared>> -> memref<100000x4xf32, #tpu.memory_space<vmem_shared>>
      tpu.wait_indirect_dma semaphore(%arg21 : memref<!tpu.dma_semaphore, #tpu.memory_space<semaphore_mem>>) src(%arg11 : memref<128x4xf32, #tpu.memory_space<vmem>>) dst(%dma_wait3A_163 : memref<100000x4xf32, #tpu.memory_space<vmem_shared>>)
      %dma_start3A_164 = arith.constant 7 : i32
      %dma_start3A_165 = arith.constant 0 : i32
      %dma_start3A_166 = tpu.memref_slice %arg6[%dma_start3A_164, %dma_start3A_165] : memref<40x128xi32, #tpu.memory_space<vmem>> -> memref<1x128xi32, #tpu.memory_space<vmem>>
      %dma_start3A_167 = tpu.memref_squeeze %dma_start3A_166 : memref<1x128xi32, #tpu.memory_space<vmem>> -> memref<128xi32, #tpu.memory_space<vmem>>
      %dma_start3A_168 = arith.constant 0 : i32
      %dma_start3A_169 = arith.constant 0 : i32
      %dma_start3A_170 = tpu.memref_slice %arg12[%dma_start3A_168, %dma_start3A_169] : memref<100000x4xf32, #tpu.memory_space<vmem_shared>> -> memref<100000x4xf32, #tpu.memory_space<vmem_shared>>
      tpu.enqueue_indirect_dma source(%dma_start3A_170 : memref<100000x4xf32, #tpu.memory_space<vmem_shared>>) target(%arg11 : memref<128x4xf32, #tpu.memory_space<vmem>>) offsets(%dma_start3A_167 : memref<128xi32, #tpu.memory_space<vmem>>) semaphore(%arg17 : memref<!tpu.dma_semaphore, #tpu.memory_space<semaphore_mem>>)
      %dma_wait3A_171 = arith.constant 4 : i32
      %dma_wait3A_172 = arith.constant 0 : i32
      %dma_wait3A_173 = tpu.memref_slice %arg6[%dma_wait3A_171, %dma_wait3A_172] : memref<40x128xi32, #tpu.memory_space<vmem>> -> memref<1x128xi32, #tpu.memory_space<vmem>>
      %dma_wait3A_174 = tpu.memref_squeeze %dma_wait3A_173 : memref<1x128xi32, #tpu.memory_space<vmem>> -> memref<128xi32, #tpu.memory_space<vmem>>
      %dma_wait3A_175 = arith.constant 0 : i32
      %dma_wait3A_176 = arith.constant 0 : i32
      %dma_wait3A_177 = tpu.memref_slice %arg12[%dma_wait3A_175, %dma_wait3A_176] : memref<100000x4xf32, #tpu.memory_space<vmem_shared>> -> memref<100000x4xf32, #tpu.memory_space<vmem_shared>>
      tpu.wait_indirect_dma semaphore(%arg14 : memref<!tpu.dma_semaphore, #tpu.memory_space<semaphore_mem>>) src(%dma_wait3A_177 : memref<100000x4xf32, #tpu.memory_space<vmem_shared>>) dst(%arg8 : memref<128x4xf32, #tpu.memory_space<vmem>>)
      %dma_start3A_178 = arith.constant 4 : i32
      %dma_start3A_179 = arith.constant 0 : i32
      %dma_start3A_180 = tpu.memref_slice %arg7[%dma_start3A_178, %dma_start3A_179] : memref<40x128xi32, #tpu.memory_space<vmem>> -> memref<1x128xi32, #tpu.memory_space<vmem>>
      %dma_start3A_181 = tpu.memref_squeeze %dma_start3A_180 : memref<1x128xi32, #tpu.memory_space<vmem>> -> memref<128xi32, #tpu.memory_space<vmem>>
      %dma_start3A_182 = arith.constant 0 : i32
      %dma_start3A_183 = arith.constant 0 : i32
      %dma_start3A_184 = tpu.memref_slice %arg13[%dma_start3A_182, %dma_start3A_183] : memref<100000x4xf32, #tpu.memory_space<vmem_shared>> -> memref<100000x4xf32, #tpu.memory_space<vmem_shared>>
      tpu.enqueue_indirect_dma source(%arg8 : memref<128x4xf32, #tpu.memory_space<vmem>>) target(%dma_start3A_184 : memref<100000x4xf32, #tpu.memory_space<vmem_shared>>) offsets(%dma_start3A_181 : memref<128xi32, #tpu.memory_space<vmem>>) semaphore(%arg18 : memref<!tpu.dma_semaphore, #tpu.memory_space<semaphore_mem>>) {add = true}
      %dma_wait3A_185 = arith.constant 4 : i32
      %dma_wait3A_186 = arith.constant 0 : i32
      %dma_wait3A_187 = tpu.memref_slice %arg7[%dma_wait3A_185, %dma_wait3A_186] : memref<40x128xi32, #tpu.memory_space<vmem>> -> memref<1x128xi32, #tpu.memory_space<vmem>>
      %dma_wait3A_188 = tpu.memref_squeeze %dma_wait3A_187 : memref<1x128xi32, #tpu.memory_space<vmem>> -> memref<128xi32, #tpu.memory_space<vmem>>
      %dma_wait3A_189 = arith.constant 0 : i32
      %dma_wait3A_190 = arith.constant 0 : i32
      %dma_wait3A_191 = tpu.memref_slice %arg13[%dma_wait3A_189, %dma_wait3A_190] : memref<100000x4xf32, #tpu.memory_space<vmem_shared>> -> memref<100000x4xf32, #tpu.memory_space<vmem_shared>>
      tpu.wait_indirect_dma semaphore(%arg18 : memref<!tpu.dma_semaphore, #tpu.memory_space<semaphore_mem>>) src(%arg8 : memref<128x4xf32, #tpu.memory_space<vmem>>) dst(%dma_wait3A_191 : memref<100000x4xf32, #tpu.memory_space<vmem_shared>>)
      %dma_start3A_192 = arith.constant 8 : i32
      %dma_start3A_193 = arith.constant 0 : i32
      %dma_start3A_194 = tpu.memref_slice %arg6[%dma_start3A_192, %dma_start3A_193] : memref<40x128xi32, #tpu.memory_space<vmem>> -> memref<1x128xi32, #tpu.memory_space<vmem>>
      %dma_start3A_195 = tpu.memref_squeeze %dma_start3A_194 : memref<1x128xi32, #tpu.memory_space<vmem>> -> memref<128xi32, #tpu.memory_space<vmem>>
      %dma_start3A_196 = arith.constant 0 : i32
      %dma_start3A_197 = arith.constant 0 : i32
      %dma_start3A_198 = tpu.memref_slice %arg12[%dma_start3A_196, %dma_start3A_197] : memref<100000x4xf32, #tpu.memory_space<vmem_shared>> -> memref<100000x4xf32, #tpu.memory_space<vmem_shared>>
      tpu.enqueue_indirect_dma source(%dma_start3A_198 : memref<100000x4xf32, #tpu.memory_space<vmem_shared>>) target(%arg8 : memref<128x4xf32, #tpu.memory_space<vmem>>) offsets(%dma_start3A_195 : memref<128xi32, #tpu.memory_space<vmem>>) semaphore(%arg14 : memref<!tpu.dma_semaphore, #tpu.memory_space<semaphore_mem>>)
      %dma_wait3A_199 = arith.constant 5 : i32
      %dma_wait3A_200 = arith.constant 0 : i32
      %dma_wait3A_201 = tpu.memref_slice %arg6[%dma_wait3A_199, %dma_wait3A_200] : memref<40x128xi32, #tpu.memory_space<vmem>> -> memref<1x128xi32, #tpu.memory_space<vmem>>
      %dma_wait3A_202 = tpu.memref_squeeze %dma_wait3A_201 : memref<1x128xi32, #tpu.memory_space<vmem>> -> memref<128xi32, #tpu.memory_space<vmem>>
      %dma_wait3A_203 = arith.constant 0 : i32
      %dma_wait3A_204 = arith.constant 0 : i32
      %dma_wait3A_205 = tpu.memref_slice %arg12[%dma_wait3A_203, %dma_wait3A_204] : memref<100000x4xf32, #tpu.memory_space<vmem_shared>> -> memref<100000x4xf32, #tpu.memory_space<vmem_shared>>
      tpu.wait_indirect_dma semaphore(%arg15 : memref<!tpu.dma_semaphore, #tpu.memory_space<semaphore_mem>>) src(%dma_wait3A_205 : memref<100000x4xf32, #tpu.memory_space<vmem_shared>>) dst(%arg9 : memref<128x4xf32, #tpu.memory_space<vmem>>)
      %dma_start3A_206 = arith.constant 5 : i32
      %dma_start3A_207 = arith.constant 0 : i32
      %dma_start3A_208 = tpu.memref_slice %arg7[%dma_start3A_206, %dma_start3A_207] : memref<40x128xi32, #tpu.memory_space<vmem>> -> memref<1x128xi32, #tpu.memory_space<vmem>>
      %dma_start3A_209 = tpu.memref_squeeze %dma_start3A_208 : memref<1x128xi32, #tpu.memory_space<vmem>> -> memref<128xi32, #tpu.memory_space<vmem>>
      %dma_start3A_210 = arith.constant 0 : i32
      %dma_start3A_211 = arith.constant 0 : i32
      %dma_start3A_212 = tpu.memref_slice %arg13[%dma_start3A_210, %dma_start3A_211] : memref<100000x4xf32, #tpu.memory_space<vmem_shared>> -> memref<100000x4xf32, #tpu.memory_space<vmem_shared>>
      tpu.enqueue_indirect_dma source(%arg9 : memref<128x4xf32, #tpu.memory_space<vmem>>) target(%dma_start3A_212 : memref<100000x4xf32, #tpu.memory_space<vmem_shared>>) offsets(%dma_start3A_209 : memref<128xi32, #tpu.memory_space<vmem>>) semaphore(%arg19 : memref<!tpu.dma_semaphore, #tpu.memory_space<semaphore_mem>>) {add = true}
      %dma_wait3A_213 = arith.constant 5 : i32
      %dma_wait3A_214 = arith.constant 0 : i32
      %dma_wait3A_215 = tpu.memref_slice %arg7[%dma_wait3A_213, %dma_wait3A_214] : memref<40x128xi32, #tpu.memory_space<vmem>> -> memref<1x128xi32, #tpu.memory_space<vmem>>
      %dma_wait3A_216 = tpu.memref_squeeze %dma_wait3A_215 : memref<1x128xi32, #tpu.memory_space<vmem>> -> memref<128xi32, #tpu.memory_space<vmem>>
      %dma_wait3A_217 = arith.constant 0 : i32
      %dma_wait3A_218 = arith.constant 0 : i32
      %dma_wait3A_219 = tpu.memref_slice %arg13[%dma_wait3A_217, %dma_wait3A_218] : memref<100000x4xf32, #tpu.memory_space<vmem_shared>> -> memref<100000x4xf32, #tpu.memory_space<vmem_shared>>
      tpu.wait_indirect_dma semaphore(%arg19 : memref<!tpu.dma_semaphore, #tpu.memory_space<semaphore_mem>>) src(%arg9 : memref<128x4xf32, #tpu.memory_space<vmem>>) dst(%dma_wait3A_219 : memref<100000x4xf32, #tpu.memory_space<vmem_shared>>)
      %dma_start3A_220 = arith.constant 9 : i32
      %dma_start3A_221 = arith.constant 0 : i32
      %dma_start3A_222 = tpu.memref_slice %arg6[%dma_start3A_220, %dma_start3A_221] : memref<40x128xi32, #tpu.memory_space<vmem>> -> memref<1x128xi32, #tpu.memory_space<vmem>>
      %dma_start3A_223 = tpu.memref_squeeze %dma_start3A_222 : memref<1x128xi32, #tpu.memory_space<vmem>> -> memref<128xi32, #tpu.memory_space<vmem>>
      %dma_start3A_224 = arith.constant 0 : i32
      %dma_start3A_225 = arith.constant 0 : i32
      %dma_start3A_226 = tpu.memref_slice %arg12[%dma_start3A_224, %dma_start3A_225] : memref<100000x4xf32, #tpu.memory_space<vmem_shared>> -> memref<100000x4xf32, #tpu.memory_space<vmem_shared>>
      tpu.enqueue_indirect_dma source(%dma_start3A_226 : memref<100000x4xf32, #tpu.memory_space<vmem_shared>>) target(%arg9 : memref<128x4xf32, #tpu.memory_space<vmem>>) offsets(%dma_start3A_223 : memref<128xi32, #tpu.memory_space<vmem>>) semaphore(%arg15 : memref<!tpu.dma_semaphore, #tpu.memory_space<semaphore_mem>>)
      %dma_wait3A_227 = arith.constant 6 : i32
      %dma_wait3A_228 = arith.constant 0 : i32
      %dma_wait3A_229 = tpu.memref_slice %arg6[%dma_wait3A_227, %dma_wait3A_228] : memref<40x128xi32, #tpu.memory_space<vmem>> -> memref<1x128xi32, #tpu.memory_space<vmem>>
      %dma_wait3A_230 = tpu.memref_squeeze %dma_wait3A_229 : memref<1x128xi32, #tpu.memory_space<vmem>> -> memref<128xi32, #tpu.memory_space<vmem>>
      %dma_wait3A_231 = arith.constant 0 : i32
      %dma_wait3A_232 = arith.constant 0 : i32
      %dma_wait3A_233 = tpu.memref_slice %arg12[%dma_wait3A_231, %dma_wait3A_232] : memref<100000x4xf32, #tpu.memory_space<vmem_shared>> -> memref<100000x4xf32, #tpu.memory_space<vmem_shared>>
      tpu.wait_indirect_dma semaphore(%arg16 : memref<!tpu.dma_semaphore, #tpu.memory_space<semaphore_mem>>) src(%dma_wait3A_233 : memref<100000x4xf32, #tpu.memory_space<vmem_shared>>) dst(%arg10 : memref<128x4xf32, #tpu.memory_space<vmem>>)
      %dma_start3A_234 = arith.constant 6 : i32
      %dma_start3A_235 = arith.constant 0 : i32
      %dma_start3A_236 = tpu.memref_slice %arg7[%dma_start3A_234, %dma_start3A_235] : memref<40x128xi32, #tpu.memory_space<vmem>> -> memref<1x128xi32, #tpu.memory_space<vmem>>
      %dma_start3A_237 = tpu.memref_squeeze %dma_start3A_236 : memref<1x128xi32, #tpu.memory_space<vmem>> -> memref<128xi32, #tpu.memory_space<vmem>>
      %dma_start3A_238 = arith.constant 0 : i32
      %dma_start3A_239 = arith.constant 0 : i32
      %dma_start3A_240 = tpu.memref_slice %arg13[%dma_start3A_238, %dma_start3A_239] : memref<100000x4xf32, #tpu.memory_space<vmem_shared>> -> memref<100000x4xf32, #tpu.memory_space<vmem_shared>>
      tpu.enqueue_indirect_dma source(%arg10 : memref<128x4xf32, #tpu.memory_space<vmem>>) target(%dma_start3A_240 : memref<100000x4xf32, #tpu.memory_space<vmem_shared>>) offsets(%dma_start3A_237 : memref<128xi32, #tpu.memory_space<vmem>>) semaphore(%arg20 : memref<!tpu.dma_semaphore, #tpu.memory_space<semaphore_mem>>) {add = true}
      %dma_wait3A_241 = arith.constant 6 : i32
      %dma_wait3A_242 = arith.constant 0 : i32
      %dma_wait3A_243 = tpu.memref_slice %arg7[%dma_wait3A_241, %dma_wait3A_242] : memref<40x128xi32, #tpu.memory_space<vmem>> -> memref<1x128xi32, #tpu.memory_space<vmem>>
      %dma_wait3A_244 = tpu.memref_squeeze %dma_wait3A_243 : memref<1x128xi32, #tpu.memory_space<vmem>> -> memref<128xi32, #tpu.memory_space<vmem>>
      %dma_wait3A_245 = arith.constant 0 : i32
      %dma_wait3A_246 = arith.constant 0 : i32
      %dma_wait3A_247 = tpu.memref_slice %arg13[%dma_wait3A_245, %dma_wait3A_246] : memref<100000x4xf32, #tpu.memory_space<vmem_shared>> -> memref<100000x4xf32, #tpu.memory_space<vmem_shared>>
      tpu.wait_indirect_dma semaphore(%arg20 : memref<!tpu.dma_semaphore, #tpu.memory_space<semaphore_mem>>) src(%arg10 : memref<128x4xf32, #tpu.memory_space<vmem>>) dst(%dma_wait3A_247 : memref<100000x4xf32, #tpu.memory_space<vmem_shared>>)
      %dma_start3A_248 = arith.constant 10 : i32
      %dma_start3A_249 = arith.constant 0 : i32
      %dma_start3A_250 = tpu.memref_slice %arg6[%dma_start3A_248, %dma_start3A_249] : memref<40x128xi32, #tpu.memory_space<vmem>> -> memref<1x128xi32, #tpu.memory_space<vmem>>
      %dma_start3A_251 = tpu.memref_squeeze %dma_start3A_250 : memref<1x128xi32, #tpu.memory_space<vmem>> -> memref<128xi32, #tpu.memory_space<vmem>>
      %dma_start3A_252 = arith.constant 0 : i32
      %dma_start3A_253 = arith.constant 0 : i32
      %dma_start3A_254 = tpu.memref_slice %arg12[%dma_start3A_252, %dma_start3A_253] : memref<100000x4xf32, #tpu.memory_space<vmem_shared>> -> memref<100000x4xf32, #tpu.memory_space<vmem_shared>>
      tpu.enqueue_indirect_dma source(%dma_start3A_254 : memref<100000x4xf32, #tpu.memory_space<vmem_shared>>) target(%arg10 : memref<128x4xf32, #tpu.memory_space<vmem>>) offsets(%dma_start3A_251 : memref<128xi32, #tpu.memory_space<vmem>>) semaphore(%arg16 : memref<!tpu.dma_semaphore, #tpu.memory_space<semaphore_mem>>)
      %dma_wait3A_255 = arith.constant 7 : i32
      %dma_wait3A_256 = arith.constant 0 : i32
      %dma_wait3A_257 = tpu.memref_slice %arg6[%dma_wait3A_255, %dma_wait3A_256] : memref<40x128xi32, #tpu.memory_space<vmem>> -> memref<1x128xi32, #tpu.memory_space<vmem>>
      %dma_wait3A_258 = tpu.memref_squeeze %dma_wait3A_257 : memref<1x128xi32, #tpu.memory_space<vmem>> -> memref<128xi32, #tpu.memory_space<vmem>>
      %dma_wait3A_259 = arith.constant 0 : i32
      %dma_wait3A_260 = arith.constant 0 : i32
      %dma_wait3A_261 = tpu.memref_slice %arg12[%dma_wait3A_259, %dma_wait3A_260] : memref<100000x4xf32, #tpu.memory_space<vmem_shared>> -> memref<100000x4xf32, #tpu.memory_space<vmem_shared>>
      tpu.wait_indirect_dma semaphore(%arg17 : memref<!tpu.dma_semaphore, #tpu.memory_space<semaphore_mem>>) src(%dma_wait3A_261 : memref<100000x4xf32, #tpu.memory_space<vmem_shared>>) dst(%arg11 : memref<128x4xf32, #tpu.memory_space<vmem>>)
      %dma_start3A_262 = arith.constant 7 : i32
      %dma_start3A_263 = arith.constant 0 : i32
      %dma_start3A_264 = tpu.memref_slice %arg7[%dma_start3A_262, %dma_start3A_263] : memref<40x128xi32, #tpu.memory_space<vmem>> -> memref<1x128xi32, #tpu.memory_space<vmem>>
      %dma_start3A_265 = tpu.memref_squeeze %dma_start3A_264 : memref<1x128xi32, #tpu.memory_space<vmem>> -> memref<128xi32, #tpu.memory_space<vmem>>
      %dma_start3A_266 = arith.constant 0 : i32
      %dma_start3A_267 = arith.constant 0 : i32
      %dma_start3A_268 = tpu.memref_slice %arg13[%dma_start3A_266, %dma_start3A_267] : memref<100000x4xf32, #tpu.memory_space<vmem_shared>> -> memref<100000x4xf32, #tpu.memory_space<vmem_shared>>
      tpu.enqueue_indirect_dma source(%arg11 : memref<128x4xf32, #tpu.memory_space<vmem>>) target(%dma_start3A_268 : memref<100000x4xf32, #tpu.memory_space<vmem_shared>>) offsets(%dma_start3A_265 : memref<128xi32, #tpu.memory_space<vmem>>) semaphore(%arg21 : memref<!tpu.dma_semaphore, #tpu.memory_space<semaphore_mem>>) {add = true}
      %dma_wait3A_269 = arith.constant 7 : i32
      %dma_wait3A_270 = arith.constant 0 : i32
      %dma_wait3A_271 = tpu.memref_slice %arg7[%dma_wait3A_269, %dma_wait3A_270] : memref<40x128xi32, #tpu.memory_space<vmem>> -> memref<1x128xi32, #tpu.memory_space<vmem>>
      %dma_wait3A_272 = tpu.memref_squeeze %dma_wait3A_271 : memref<1x128xi32, #tpu.memory_space<vmem>> -> memref<128xi32, #tpu.memory_space<vmem>>
      %dma_wait3A_273 = arith.constant 0 : i32
      %dma_wait3A_274 = arith.constant 0 : i32
      %dma_wait3A_275 = tpu.memref_slice %arg13[%dma_wait3A_273, %dma_wait3A_274] : memref<100000x4xf32, #tpu.memory_space<vmem_shared>> -> memref<100000x4xf32, #tpu.memory_space<vmem_shared>>
      tpu.wait_indirect_dma semaphore(%arg21 : memref<!tpu.dma_semaphore, #tpu.memory_space<semaphore_mem>>) src(%arg11 : memref<128x4xf32, #tpu.memory_space<vmem>>) dst(%dma_wait3A_275 : memref<100000x4xf32, #tpu.memory_space<vmem_shared>>)
      %dma_start3A_276 = arith.constant 11 : i32
      %dma_start3A_277 = arith.constant 0 : i32
      %dma_start3A_278 = tpu.memref_slice %arg6[%dma_start3A_276, %dma_start3A_277] : memref<40x128xi32, #tpu.memory_space<vmem>> -> memref<1x128xi32, #tpu.memory_space<vmem>>
      %dma_start3A_279 = tpu.memref_squeeze %dma_start3A_278 : memref<1x128xi32, #tpu.memory_space<vmem>> -> memref<128xi32, #tpu.memory_space<vmem>>
      %dma_start3A_280 = arith.constant 0 : i32
      %dma_start3A_281 = arith.constant 0 : i32
      %dma_start3A_282 = tpu.memref_slice %arg12[%dma_start3A_280, %dma_start3A_281] : memref<100000x4xf32, #tpu.memory_space<vmem_shared>> -> memref<100000x4xf32, #tpu.memory_space<vmem_shared>>
      tpu.enqueue_indirect_dma source(%dma_start3A_282 : memref<100000x4xf32, #tpu.memory_space<vmem_shared>>) target(%arg11 : memref<128x4xf32, #tpu.memory_space<vmem>>) offsets(%dma_start3A_279 : memref<128xi32, #tpu.memory_space<vmem>>) semaphore(%arg17 : memref<!tpu.dma_semaphore, #tpu.memory_space<semaphore_mem>>)
      %dma_wait3A_283 = arith.constant 8 : i32
      %dma_wait3A_284 = arith.constant 0 : i32
      %dma_wait3A_285 = tpu.memref_slice %arg6[%dma_wait3A_283, %dma_wait3A_284] : memref<40x128xi32, #tpu.memory_space<vmem>> -> memref<1x128xi32, #tpu.memory_space<vmem>>
      %dma_wait3A_286 = tpu.memref_squeeze %dma_wait3A_285 : memref<1x128xi32, #tpu.memory_space<vmem>> -> memref<128xi32, #tpu.memory_space<vmem>>
      %dma_wait3A_287 = arith.constant 0 : i32
      %dma_wait3A_288 = arith.constant 0 : i32
      %dma_wait3A_289 = tpu.memref_slice %arg12[%dma_wait3A_287, %dma_wait3A_288] : memref<100000x4xf32, #tpu.memory_space<vmem_shared>> -> memref<100000x4xf32, #tpu.memory_space<vmem_shared>>
      tpu.wait_indirect_dma semaphore(%arg14 : memref<!tpu.dma_semaphore, #tpu.memory_space<semaphore_mem>>) src(%dma_wait3A_289 : memref<100000x4xf32, #tpu.memory_space<vmem_shared>>) dst(%arg8 : memref<128x4xf32, #tpu.memory_space<vmem>>)
      %dma_start3A_290 = arith.constant 8 : i32
      %dma_start3A_291 = arith.constant 0 : i32
      %dma_start3A_292 = tpu.memref_slice %arg7[%dma_start3A_290, %dma_start3A_291] : memref<40x128xi32, #tpu.memory_space<vmem>> -> memref<1x128xi32, #tpu.memory_space<vmem>>
      %dma_start3A_293 = tpu.memref_squeeze %dma_start3A_292 : memref<1x128xi32, #tpu.memory_space<vmem>> -> memref<128xi32, #tpu.memory_space<vmem>>
      %dma_start3A_294 = arith.constant 0 : i32
      %dma_start3A_295 = arith.constant 0 : i32
      %dma_start3A_296 = tpu.memref_slice %arg13[%dma_start3A_294, %dma_start3A_295] : memref<100000x4xf32, #tpu.memory_space<vmem_shared>> -> memref<100000x4xf32, #tpu.memory_space<vmem_shared>>
      tpu.enqueue_indirect_dma source(%arg8 : memref<128x4xf32, #tpu.memory_space<vmem>>) target(%dma_start3A_296 : memref<100000x4xf32, #tpu.memory_space<vmem_shared>>) offsets(%dma_start3A_293 : memref<128xi32, #tpu.memory_space<vmem>>) semaphore(%arg18 : memref<!tpu.dma_semaphore, #tpu.memory_space<semaphore_mem>>) {add = true}
      %dma_wait3A_297 = arith.constant 8 : i32
      %dma_wait3A_298 = arith.constant 0 : i32
      %dma_wait3A_299 = tpu.memref_slice %arg7[%dma_wait3A_297, %dma_wait3A_298] : memref<40x128xi32, #tpu.memory_space<vmem>> -> memref<1x128xi32, #tpu.memory_space<vmem>>
      %dma_wait3A_300 = tpu.memref_squeeze %dma_wait3A_299 : memref<1x128xi32, #tpu.memory_space<vmem>> -> memref<128xi32, #tpu.memory_space<vmem>>
      %dma_wait3A_301 = arith.constant 0 : i32
      %dma_wait3A_302 = arith.constant 0 : i32
      %dma_wait3A_303 = tpu.memref_slice %arg13[%dma_wait3A_301, %dma_wait3A_302] : memref<100000x4xf32, #tpu.memory_space<vmem_shared>> -> memref<100000x4xf32, #tpu.memory_space<vmem_shared>>
      tpu.wait_indirect_dma semaphore(%arg18 : memref<!tpu.dma_semaphore, #tpu.memory_space<semaphore_mem>>) src(%arg8 : memref<128x4xf32, #tpu.memory_space<vmem>>) dst(%dma_wait3A_303 : memref<100000x4xf32, #tpu.memory_space<vmem_shared>>)
      %dma_start3A_304 = arith.constant 12 : i32
      %dma_start3A_305 = arith.constant 0 : i32
      %dma_start3A_306 = tpu.memref_slice %arg6[%dma_start3A_304, %dma_start3A_305] : memref<40x128xi32, #tpu.memory_space<vmem>> -> memref<1x128xi32, #tpu.memory_space<vmem>>
      %dma_start3A_307 = tpu.memref_squeeze %dma_start3A_306 : memref<1x128xi32, #tpu.memory_space<vmem>> -> memref<128xi32, #tpu.memory_space<vmem>>
      %dma_start3A_308 = arith.constant 0 : i32
      %dma_start3A_309 = arith.constant 0 : i32
      %dma_start3A_310 = tpu.memref_slice %arg12[%dma_start3A_308, %dma_start3A_309] : memref<100000x4xf32, #tpu.memory_space<vmem_shared>> -> memref<100000x4xf32, #tpu.memory_space<vmem_shared>>
      tpu.enqueue_indirect_dma source(%dma_start3A_310 : memref<100000x4xf32, #tpu.memory_space<vmem_shared>>) target(%arg8 : memref<128x4xf32, #tpu.memory_space<vmem>>) offsets(%dma_start3A_307 : memref<128xi32, #tpu.memory_space<vmem>>) semaphore(%arg14 : memref<!tpu.dma_semaphore, #tpu.memory_space<semaphore_mem>>)
      %dma_wait3A_311 = arith.constant 9 : i32
      %dma_wait3A_312 = arith.constant 0 : i32
      %dma_wait3A_313 = tpu.memref_slice %arg6[%dma_wait3A_311, %dma_wait3A_312] : memref<40x128xi32, #tpu.memory_space<vmem>> -> memref<1x128xi32, #tpu.memory_space<vmem>>
      %dma_wait3A_314 = tpu.memref_squeeze %dma_wait3A_313 : memref<1x128xi32, #tpu.memory_space<vmem>> -> memref<128xi32, #tpu.memory_space<vmem>>
      %dma_wait3A_315 = arith.constant 0 : i32
      %dma_wait3A_316 = arith.constant 0 : i32
      %dma_wait3A_317 = tpu.memref_slice %arg12[%dma_wait3A_315, %dma_wait3A_316] : memref<100000x4xf32, #tpu.memory_space<vmem_shared>> -> memref<100000x4xf32, #tpu.memory_space<vmem_shared>>
      tpu.wait_indirect_dma semaphore(%arg15 : memref<!tpu.dma_semaphore, #tpu.memory_space<semaphore_mem>>) src(%dma_wait3A_317 : memref<100000x4xf32, #tpu.memory_space<vmem_shared>>) dst(%arg9 : memref<128x4xf32, #tpu.memory_space<vmem>>)
      %dma_start3A_318 = arith.constant 9 : i32
      %dma_start3A_319 = arith.constant 0 : i32
      %dma_start3A_320 = tpu.memref_slice %arg7[%dma_start3A_318, %dma_start3A_319] : memref<40x128xi32, #tpu.memory_space<vmem>> -> memref<1x128xi32, #tpu.memory_space<vmem>>
      %dma_start3A_321 = tpu.memref_squeeze %dma_start3A_320 : memref<1x128xi32, #tpu.memory_space<vmem>> -> memref<128xi32, #tpu.memory_space<vmem>>
      %dma_start3A_322 = arith.constant 0 : i32
      %dma_start3A_323 = arith.constant 0 : i32
      %dma_start3A_324 = tpu.memref_slice %arg13[%dma_start3A_322, %dma_start3A_323] : memref<100000x4xf32, #tpu.memory_space<vmem_shared>> -> memref<100000x4xf32, #tpu.memory_space<vmem_shared>>
      tpu.enqueue_indirect_dma source(%arg9 : memref<128x4xf32, #tpu.memory_space<vmem>>) target(%dma_start3A_324 : memref<100000x4xf32, #tpu.memory_space<vmem_shared>>) offsets(%dma_start3A_321 : memref<128xi32, #tpu.memory_space<vmem>>) semaphore(%arg19 : memref<!tpu.dma_semaphore, #tpu.memory_space<semaphore_mem>>) {add = true}
      %dma_wait3A_325 = arith.constant 9 : i32
      %dma_wait3A_326 = arith.constant 0 : i32
      %dma_wait3A_327 = tpu.memref_slice %arg7[%dma_wait3A_325, %dma_wait3A_326] : memref<40x128xi32, #tpu.memory_space<vmem>> -> memref<1x128xi32, #tpu.memory_space<vmem>>
      %dma_wait3A_328 = tpu.memref_squeeze %dma_wait3A_327 : memref<1x128xi32, #tpu.memory_space<vmem>> -> memref<128xi32, #tpu.memory_space<vmem>>
      %dma_wait3A_329 = arith.constant 0 : i32
      %dma_wait3A_330 = arith.constant 0 : i32
      %dma_wait3A_331 = tpu.memref_slice %arg13[%dma_wait3A_329, %dma_wait3A_330] : memref<100000x4xf32, #tpu.memory_space<vmem_shared>> -> memref<100000x4xf32, #tpu.memory_space<vmem_shared>>
      tpu.wait_indirect_dma semaphore(%arg19 : memref<!tpu.dma_semaphore, #tpu.memory_space<semaphore_mem>>) src(%arg9 : memref<128x4xf32, #tpu.memory_space<vmem>>) dst(%dma_wait3A_331 : memref<100000x4xf32, #tpu.memory_space<vmem_shared>>)
      %dma_start3A_332 = arith.constant 13 : i32
      %dma_start3A_333 = arith.constant 0 : i32
      %dma_start3A_334 = tpu.memref_slice %arg6[%dma_start3A_332, %dma_start3A_333] : memref<40x128xi32, #tpu.memory_space<vmem>> -> memref<1x128xi32, #tpu.memory_space<vmem>>
      %dma_start3A_335 = tpu.memref_squeeze %dma_start3A_334 : memref<1x128xi32, #tpu.memory_space<vmem>> -> memref<128xi32, #tpu.memory_space<vmem>>
      %dma_start3A_336 = arith.constant 0 : i32
      %dma_start3A_337 = arith.constant 0 : i32
      %dma_start3A_338 = tpu.memref_slice %arg12[%dma_start3A_336, %dma_start3A_337] : memref<100000x4xf32, #tpu.memory_space<vmem_shared>> -> memref<100000x4xf32, #tpu.memory_space<vmem_shared>>
      tpu.enqueue_indirect_dma source(%dma_start3A_338 : memref<100000x4xf32, #tpu.memory_space<vmem_shared>>) target(%arg9 : memref<128x4xf32, #tpu.memory_space<vmem>>) offsets(%dma_start3A_335 : memref<128xi32, #tpu.memory_space<vmem>>) semaphore(%arg15 : memref<!tpu.dma_semaphore, #tpu.memory_space<semaphore_mem>>)
      %dma_wait3A_339 = arith.constant 10 : i32
      %dma_wait3A_340 = arith.constant 0 : i32
      %dma_wait3A_341 = tpu.memref_slice %arg6[%dma_wait3A_339, %dma_wait3A_340] : memref<40x128xi32, #tpu.memory_space<vmem>> -> memref<1x128xi32, #tpu.memory_space<vmem>>
      %dma_wait3A_342 = tpu.memref_squeeze %dma_wait3A_341 : memref<1x128xi32, #tpu.memory_space<vmem>> -> memref<128xi32, #tpu.memory_space<vmem>>
      %dma_wait3A_343 = arith.constant 0 : i32
      %dma_wait3A_344 = arith.constant 0 : i32
      %dma_wait3A_345 = tpu.memref_slice %arg12[%dma_wait3A_343, %dma_wait3A_344] : memref<100000x4xf32, #tpu.memory_space<vmem_shared>> -> memref<100000x4xf32, #tpu.memory_space<vmem_shared>>
      tpu.wait_indirect_dma semaphore(%arg16 : memref<!tpu.dma_semaphore, #tpu.memory_space<semaphore_mem>>) src(%dma_wait3A_345 : memref<100000x4xf32, #tpu.memory_space<vmem_shared>>) dst(%arg10 : memref<128x4xf32, #tpu.memory_space<vmem>>)
      %dma_start3A_346 = arith.constant 10 : i32
      %dma_start3A_347 = arith.constant 0 : i32
      %dma_start3A_348 = tpu.memref_slice %arg7[%dma_start3A_346, %dma_start3A_347] : memref<40x128xi32, #tpu.memory_space<vmem>> -> memref<1x128xi32, #tpu.memory_space<vmem>>
      %dma_start3A_349 = tpu.memref_squeeze %dma_start3A_348 : memref<1x128xi32, #tpu.memory_space<vmem>> -> memref<128xi32, #tpu.memory_space<vmem>>
      %dma_start3A_350 = arith.constant 0 : i32
      %dma_start3A_351 = arith.constant 0 : i32
      %dma_start3A_352 = tpu.memref_slice %arg13[%dma_start3A_350, %dma_start3A_351] : memref<100000x4xf32, #tpu.memory_space<vmem_shared>> -> memref<100000x4xf32, #tpu.memory_space<vmem_shared>>
      tpu.enqueue_indirect_dma source(%arg10 : memref<128x4xf32, #tpu.memory_space<vmem>>) target(%dma_start3A_352 : memref<100000x4xf32, #tpu.memory_space<vmem_shared>>) offsets(%dma_start3A_349 : memref<128xi32, #tpu.memory_space<vmem>>) semaphore(%arg20 : memref<!tpu.dma_semaphore, #tpu.memory_space<semaphore_mem>>) {add = true}
      %dma_wait3A_353 = arith.constant 10 : i32
      %dma_wait3A_354 = arith.constant 0 : i32
      %dma_wait3A_355 = tpu.memref_slice %arg7[%dma_wait3A_353, %dma_wait3A_354] : memref<40x128xi32, #tpu.memory_space<vmem>> -> memref<1x128xi32, #tpu.memory_space<vmem>>
      %dma_wait3A_356 = tpu.memref_squeeze %dma_wait3A_355 : memref<1x128xi32, #tpu.memory_space<vmem>> -> memref<128xi32, #tpu.memory_space<vmem>>
      %dma_wait3A_357 = arith.constant 0 : i32
      %dma_wait3A_358 = arith.constant 0 : i32
      %dma_wait3A_359 = tpu.memref_slice %arg13[%dma_wait3A_357, %dma_wait3A_358] : memref<100000x4xf32, #tpu.memory_space<vmem_shared>> -> memref<100000x4xf32, #tpu.memory_space<vmem_shared>>
      tpu.wait_indirect_dma semaphore(%arg20 : memref<!tpu.dma_semaphore, #tpu.memory_space<semaphore_mem>>) src(%arg10 : memref<128x4xf32, #tpu.memory_space<vmem>>) dst(%dma_wait3A_359 : memref<100000x4xf32, #tpu.memory_space<vmem_shared>>)
      %dma_start3A_360 = arith.constant 14 : i32
      %dma_start3A_361 = arith.constant 0 : i32
      %dma_start3A_362 = tpu.memref_slice %arg6[%dma_start3A_360, %dma_start3A_361] : memref<40x128xi32, #tpu.memory_space<vmem>> -> memref<1x128xi32, #tpu.memory_space<vmem>>
      %dma_start3A_363 = tpu.memref_squeeze %dma_start3A_362 : memref<1x128xi32, #tpu.memory_space<vmem>> -> memref<128xi32, #tpu.memory_space<vmem>>
      %dma_start3A_364 = arith.constant 0 : i32
      %dma_start3A_365 = arith.constant 0 : i32
      %dma_start3A_366 = tpu.memref_slice %arg12[%dma_start3A_364, %dma_start3A_365] : memref<100000x4xf32, #tpu.memory_space<vmem_shared>> -> memref<100000x4xf32, #tpu.memory_space<vmem_shared>>
      tpu.enqueue_indirect_dma source(%dma_start3A_366 : memref<100000x4xf32, #tpu.memory_space<vmem_shared>>) target(%arg10 : memref<128x4xf32, #tpu.memory_space<vmem>>) offsets(%dma_start3A_363 : memref<128xi32, #tpu.memory_space<vmem>>) semaphore(%arg16 : memref<!tpu.dma_semaphore, #tpu.memory_space<semaphore_mem>>)
      %dma_wait3A_367 = arith.constant 11 : i32
      %dma_wait3A_368 = arith.constant 0 : i32
      %dma_wait3A_369 = tpu.memref_slice %arg6[%dma_wait3A_367, %dma_wait3A_368] : memref<40x128xi32, #tpu.memory_space<vmem>> -> memref<1x128xi32, #tpu.memory_space<vmem>>
      %dma_wait3A_370 = tpu.memref_squeeze %dma_wait3A_369 : memref<1x128xi32, #tpu.memory_space<vmem>> -> memref<128xi32, #tpu.memory_space<vmem>>
      %dma_wait3A_371 = arith.constant 0 : i32
      %dma_wait3A_372 = arith.constant 0 : i32
      %dma_wait3A_373 = tpu.memref_slice %arg12[%dma_wait3A_371, %dma_wait3A_372] : memref<100000x4xf32, #tpu.memory_space<vmem_shared>> -> memref<100000x4xf32, #tpu.memory_space<vmem_shared>>
      tpu.wait_indirect_dma semaphore(%arg17 : memref<!tpu.dma_semaphore, #tpu.memory_space<semaphore_mem>>) src(%dma_wait3A_373 : memref<100000x4xf32, #tpu.memory_space<vmem_shared>>) dst(%arg11 : memref<128x4xf32, #tpu.memory_space<vmem>>)
      %dma_start3A_374 = arith.constant 11 : i32
      %dma_start3A_375 = arith.constant 0 : i32
      %dma_start3A_376 = tpu.memref_slice %arg7[%dma_start3A_374, %dma_start3A_375] : memref<40x128xi32, #tpu.memory_space<vmem>> -> memref<1x128xi32, #tpu.memory_space<vmem>>
      %dma_start3A_377 = tpu.memref_squeeze %dma_start3A_376 : memref<1x128xi32, #tpu.memory_space<vmem>> -> memref<128xi32, #tpu.memory_space<vmem>>
      %dma_start3A_378 = arith.constant 0 : i32
      %dma_start3A_379 = arith.constant 0 : i32
      %dma_start3A_380 = tpu.memref_slice %arg13[%dma_start3A_378, %dma_start3A_379] : memref<100000x4xf32, #tpu.memory_space<vmem_shared>> -> memref<100000x4xf32, #tpu.memory_space<vmem_shared>>
      tpu.enqueue_indirect_dma source(%arg11 : memref<128x4xf32, #tpu.memory_space<vmem>>) target(%dma_start3A_380 : memref<100000x4xf32, #tpu.memory_space<vmem_shared>>) offsets(%dma_start3A_377 : memref<128xi32, #tpu.memory_space<vmem>>) semaphore(%arg21 : memref<!tpu.dma_semaphore, #tpu.memory_space<semaphore_mem>>) {add = true}
      %dma_wait3A_381 = arith.constant 11 : i32
      %dma_wait3A_382 = arith.constant 0 : i32
      %dma_wait3A_383 = tpu.memref_slice %arg7[%dma_wait3A_381, %dma_wait3A_382] : memref<40x128xi32, #tpu.memory_space<vmem>> -> memref<1x128xi32, #tpu.memory_space<vmem>>
      %dma_wait3A_384 = tpu.memref_squeeze %dma_wait3A_383 : memref<1x128xi32, #tpu.memory_space<vmem>> -> memref<128xi32, #tpu.memory_space<vmem>>
      %dma_wait3A_385 = arith.constant 0 : i32
      %dma_wait3A_386 = arith.constant 0 : i32
      %dma_wait3A_387 = tpu.memref_slice %arg13[%dma_wait3A_385, %dma_wait3A_386] : memref<100000x4xf32, #tpu.memory_space<vmem_shared>> -> memref<100000x4xf32, #tpu.memory_space<vmem_shared>>
      tpu.wait_indirect_dma semaphore(%arg21 : memref<!tpu.dma_semaphore, #tpu.memory_space<semaphore_mem>>) src(%arg11 : memref<128x4xf32, #tpu.memory_space<vmem>>) dst(%dma_wait3A_387 : memref<100000x4xf32, #tpu.memory_space<vmem_shared>>)
      %dma_start3A_388 = arith.constant 15 : i32
      %dma_start3A_389 = arith.constant 0 : i32
      %dma_start3A_390 = tpu.memref_slice %arg6[%dma_start3A_388, %dma_start3A_389] : memref<40x128xi32, #tpu.memory_space<vmem>> -> memref<1x128xi32, #tpu.memory_space<vmem>>
      %dma_start3A_391 = tpu.memref_squeeze %dma_start3A_390 : memref<1x128xi32, #tpu.memory_space<vmem>> -> memref<128xi32, #tpu.memory_space<vmem>>
      %dma_start3A_392 = arith.constant 0 : i32
      %dma_start3A_393 = arith.constant 0 : i32
      %dma_start3A_394 = tpu.memref_slice %arg12[%dma_start3A_392, %dma_start3A_393] : memref<100000x4xf32, #tpu.memory_space<vmem_shared>> -> memref<100000x4xf32, #tpu.memory_space<vmem_shared>>
      tpu.enqueue_indirect_dma source(%dma_start3A_394 : memref<100000x4xf32, #tpu.memory_space<vmem_shared>>) target(%arg11 : memref<128x4xf32, #tpu.memory_space<vmem>>) offsets(%dma_start3A_391 : memref<128xi32, #tpu.memory_space<vmem>>) semaphore(%arg17 : memref<!tpu.dma_semaphore, #tpu.memory_space<semaphore_mem>>)
      %dma_wait3A_395 = arith.constant 12 : i32
      %dma_wait3A_396 = arith.constant 0 : i32
      %dma_wait3A_397 = tpu.memref_slice %arg6[%dma_wait3A_395, %dma_wait3A_396] : memref<40x128xi32, #tpu.memory_space<vmem>> -> memref<1x128xi32, #tpu.memory_space<vmem>>
      %dma_wait3A_398 = tpu.memref_squeeze %dma_wait3A_397 : memref<1x128xi32, #tpu.memory_space<vmem>> -> memref<128xi32, #tpu.memory_space<vmem>>
      %dma_wait3A_399 = arith.constant 0 : i32
      %dma_wait3A_400 = arith.constant 0 : i32
      %dma_wait3A_401 = tpu.memref_slice %arg12[%dma_wait3A_399, %dma_wait3A_400] : memref<100000x4xf32, #tpu.memory_space<vmem_shared>> -> memref<100000x4xf32, #tpu.memory_space<vmem_shared>>
      tpu.wait_indirect_dma semaphore(%arg14 : memref<!tpu.dma_semaphore, #tpu.memory_space<semaphore_mem>>) src(%dma_wait3A_401 : memref<100000x4xf32, #tpu.memory_space<vmem_shared>>) dst(%arg8 : memref<128x4xf32, #tpu.memory_space<vmem>>)
      %dma_start3A_402 = arith.constant 12 : i32
      %dma_start3A_403 = arith.constant 0 : i32
      %dma_start3A_404 = tpu.memref_slice %arg7[%dma_start3A_402, %dma_start3A_403] : memref<40x128xi32, #tpu.memory_space<vmem>> -> memref<1x128xi32, #tpu.memory_space<vmem>>
      %dma_start3A_405 = tpu.memref_squeeze %dma_start3A_404 : memref<1x128xi32, #tpu.memory_space<vmem>> -> memref<128xi32, #tpu.memory_space<vmem>>
      %dma_start3A_406 = arith.constant 0 : i32
      %dma_start3A_407 = arith.constant 0 : i32
      %dma_start3A_408 = tpu.memref_slice %arg13[%dma_start3A_406, %dma_start3A_407] : memref<100000x4xf32, #tpu.memory_space<vmem_shared>> -> memref<100000x4xf32, #tpu.memory_space<vmem_shared>>
      tpu.enqueue_indirect_dma source(%arg8 : memref<128x4xf32, #tpu.memory_space<vmem>>) target(%dma_start3A_408 : memref<100000x4xf32, #tpu.memory_space<vmem_shared>>) offsets(%dma_start3A_405 : memref<128xi32, #tpu.memory_space<vmem>>) semaphore(%arg18 : memref<!tpu.dma_semaphore, #tpu.memory_space<semaphore_mem>>) {add = true}
      %dma_wait3A_409 = arith.constant 12 : i32
      %dma_wait3A_410 = arith.constant 0 : i32
      %dma_wait3A_411 = tpu.memref_slice %arg7[%dma_wait3A_409, %dma_wait3A_410] : memref<40x128xi32, #tpu.memory_space<vmem>> -> memref<1x128xi32, #tpu.memory_space<vmem>>
      %dma_wait3A_412 = tpu.memref_squeeze %dma_wait3A_411 : memref<1x128xi32, #tpu.memory_space<vmem>> -> memref<128xi32, #tpu.memory_space<vmem>>
      %dma_wait3A_413 = arith.constant 0 : i32
      %dma_wait3A_414 = arith.constant 0 : i32
      %dma_wait3A_415 = tpu.memref_slice %arg13[%dma_wait3A_413, %dma_wait3A_414] : memref<100000x4xf32, #tpu.memory_space<vmem_shared>> -> memref<100000x4xf32, #tpu.memory_space<vmem_shared>>
      tpu.wait_indirect_dma semaphore(%arg18 : memref<!tpu.dma_semaphore, #tpu.memory_space<semaphore_mem>>) src(%arg8 : memref<128x4xf32, #tpu.memory_space<vmem>>) dst(%dma_wait3A_415 : memref<100000x4xf32, #tpu.memory_space<vmem_shared>>)
      %dma_start3A_416 = arith.constant 16 : i32
      %dma_start3A_417 = arith.constant 0 : i32
      %dma_start3A_418 = tpu.memref_slice %arg6[%dma_start3A_416, %dma_start3A_417] : memref<40x128xi32, #tpu.memory_space<vmem>> -> memref<1x128xi32, #tpu.memory_space<vmem>>
      %dma_start3A_419 = tpu.memref_squeeze %dma_start3A_418 : memref<1x128xi32, #tpu.memory_space<vmem>> -> memref<128xi32, #tpu.memory_space<vmem>>
      %dma_start3A_420 = arith.constant 0 : i32
      %dma_start3A_421 = arith.constant 0 : i32
      %dma_start3A_422 = tpu.memref_slice %arg12[%dma_start3A_420, %dma_start3A_421] : memref<100000x4xf32, #tpu.memory_space<vmem_shared>> -> memref<100000x4xf32, #tpu.memory_space<vmem_shared>>
      tpu.enqueue_indirect_dma source(%dma_start3A_422 : memref<100000x4xf32, #tpu.memory_space<vmem_shared>>) target(%arg8 : memref<128x4xf32, #tpu.memory_space<vmem>>) offsets(%dma_start3A_419 : memref<128xi32, #tpu.memory_space<vmem>>) semaphore(%arg14 : memref<!tpu.dma_semaphore, #tpu.memory_space<semaphore_mem>>)
      %dma_wait3A_423 = arith.constant 13 : i32
      %dma_wait3A_424 = arith.constant 0 : i32
      %dma_wait3A_425 = tpu.memref_slice %arg6[%dma_wait3A_423, %dma_wait3A_424] : memref<40x128xi32, #tpu.memory_space<vmem>> -> memref<1x128xi32, #tpu.memory_space<vmem>>
      %dma_wait3A_426 = tpu.memref_squeeze %dma_wait3A_425 : memref<1x128xi32, #tpu.memory_space<vmem>> -> memref<128xi32, #tpu.memory_space<vmem>>
      %dma_wait3A_427 = arith.constant 0 : i32
      %dma_wait3A_428 = arith.constant 0 : i32
      %dma_wait3A_429 = tpu.memref_slice %arg12[%dma_wait3A_427, %dma_wait3A_428] : memref<100000x4xf32, #tpu.memory_space<vmem_shared>> -> memref<100000x4xf32, #tpu.memory_space<vmem_shared>>
      tpu.wait_indirect_dma semaphore(%arg15 : memref<!tpu.dma_semaphore, #tpu.memory_space<semaphore_mem>>) src(%dma_wait3A_429 : memref<100000x4xf32, #tpu.memory_space<vmem_shared>>) dst(%arg9 : memref<128x4xf32, #tpu.memory_space<vmem>>)
      %dma_start3A_430 = arith.constant 13 : i32
      %dma_start3A_431 = arith.constant 0 : i32
      %dma_start3A_432 = tpu.memref_slice %arg7[%dma_start3A_430, %dma_start3A_431] : memref<40x128xi32, #tpu.memory_space<vmem>> -> memref<1x128xi32, #tpu.memory_space<vmem>>
      %dma_start3A_433 = tpu.memref_squeeze %dma_start3A_432 : memref<1x128xi32, #tpu.memory_space<vmem>> -> memref<128xi32, #tpu.memory_space<vmem>>
      %dma_start3A_434 = arith.constant 0 : i32
      %dma_start3A_435 = arith.constant 0 : i32
      %dma_start3A_436 = tpu.memref_slice %arg13[%dma_start3A_434, %dma_start3A_435] : memref<100000x4xf32, #tpu.memory_space<vmem_shared>> -> memref<100000x4xf32, #tpu.memory_space<vmem_shared>>
      tpu.enqueue_indirect_dma source(%arg9 : memref<128x4xf32, #tpu.memory_space<vmem>>) target(%dma_start3A_436 : memref<100000x4xf32, #tpu.memory_space<vmem_shared>>) offsets(%dma_start3A_433 : memref<128xi32, #tpu.memory_space<vmem>>) semaphore(%arg19 : memref<!tpu.dma_semaphore, #tpu.memory_space<semaphore_mem>>) {add = true}
      %dma_wait3A_437 = arith.constant 13 : i32
      %dma_wait3A_438 = arith.constant 0 : i32
      %dma_wait3A_439 = tpu.memref_slice %arg7[%dma_wait3A_437, %dma_wait3A_438] : memref<40x128xi32, #tpu.memory_space<vmem>> -> memref<1x128xi32, #tpu.memory_space<vmem>>
      %dma_wait3A_440 = tpu.memref_squeeze %dma_wait3A_439 : memref<1x128xi32, #tpu.memory_space<vmem>> -> memref<128xi32, #tpu.memory_space<vmem>>
      %dma_wait3A_441 = arith.constant 0 : i32
      %dma_wait3A_442 = arith.constant 0 : i32
      %dma_wait3A_443 = tpu.memref_slice %arg13[%dma_wait3A_441, %dma_wait3A_442] : memref<100000x4xf32, #tpu.memory_space<vmem_shared>> -> memref<100000x4xf32, #tpu.memory_space<vmem_shared>>
      tpu.wait_indirect_dma semaphore(%arg19 : memref<!tpu.dma_semaphore, #tpu.memory_space<semaphore_mem>>) src(%arg9 : memref<128x4xf32, #tpu.memory_space<vmem>>) dst(%dma_wait3A_443 : memref<100000x4xf32, #tpu.memory_space<vmem_shared>>)
      %dma_start3A_444 = arith.constant 17 : i32
      %dma_start3A_445 = arith.constant 0 : i32
      %dma_start3A_446 = tpu.memref_slice %arg6[%dma_start3A_444, %dma_start3A_445] : memref<40x128xi32, #tpu.memory_space<vmem>> -> memref<1x128xi32, #tpu.memory_space<vmem>>
      %dma_start3A_447 = tpu.memref_squeeze %dma_start3A_446 : memref<1x128xi32, #tpu.memory_space<vmem>> -> memref<128xi32, #tpu.memory_space<vmem>>
      %dma_start3A_448 = arith.constant 0 : i32
      %dma_start3A_449 = arith.constant 0 : i32
      %dma_start3A_450 = tpu.memref_slice %arg12[%dma_start3A_448, %dma_start3A_449] : memref<100000x4xf32, #tpu.memory_space<vmem_shared>> -> memref<100000x4xf32, #tpu.memory_space<vmem_shared>>
      tpu.enqueue_indirect_dma source(%dma_start3A_450 : memref<100000x4xf32, #tpu.memory_space<vmem_shared>>) target(%arg9 : memref<128x4xf32, #tpu.memory_space<vmem>>) offsets(%dma_start3A_447 : memref<128xi32, #tpu.memory_space<vmem>>) semaphore(%arg15 : memref<!tpu.dma_semaphore, #tpu.memory_space<semaphore_mem>>)
      %dma_wait3A_451 = arith.constant 14 : i32
      %dma_wait3A_452 = arith.constant 0 : i32
      %dma_wait3A_453 = tpu.memref_slice %arg6[%dma_wait3A_451, %dma_wait3A_452] : memref<40x128xi32, #tpu.memory_space<vmem>> -> memref<1x128xi32, #tpu.memory_space<vmem>>
      %dma_wait3A_454 = tpu.memref_squeeze %dma_wait3A_453 : memref<1x128xi32, #tpu.memory_space<vmem>> -> memref<128xi32, #tpu.memory_space<vmem>>
      %dma_wait3A_455 = arith.constant 0 : i32
      %dma_wait3A_456 = arith.constant 0 : i32
      %dma_wait3A_457 = tpu.memref_slice %arg12[%dma_wait3A_455, %dma_wait3A_456] : memref<100000x4xf32, #tpu.memory_space<vmem_shared>> -> memref<100000x4xf32, #tpu.memory_space<vmem_shared>>
      tpu.wait_indirect_dma semaphore(%arg16 : memref<!tpu.dma_semaphore, #tpu.memory_space<semaphore_mem>>) src(%dma_wait3A_457 : memref<100000x4xf32, #tpu.memory_space<vmem_shared>>) dst(%arg10 : memref<128x4xf32, #tpu.memory_space<vmem>>)
      %dma_start3A_458 = arith.constant 14 : i32
      %dma_start3A_459 = arith.constant 0 : i32
      %dma_start3A_460 = tpu.memref_slice %arg7[%dma_start3A_458, %dma_start3A_459] : memref<40x128xi32, #tpu.memory_space<vmem>> -> memref<1x128xi32, #tpu.memory_space<vmem>>
      %dma_start3A_461 = tpu.memref_squeeze %dma_start3A_460 : memref<1x128xi32, #tpu.memory_space<vmem>> -> memref<128xi32, #tpu.memory_space<vmem>>
      %dma_start3A_462 = arith.constant 0 : i32
      %dma_start3A_463 = arith.constant 0 : i32
      %dma_start3A_464 = tpu.memref_slice %arg13[%dma_start3A_462, %dma_start3A_463] : memref<100000x4xf32, #tpu.memory_space<vmem_shared>> -> memref<100000x4xf32, #tpu.memory_space<vmem_shared>>
      tpu.enqueue_indirect_dma source(%arg10 : memref<128x4xf32, #tpu.memory_space<vmem>>) target(%dma_start3A_464 : memref<100000x4xf32, #tpu.memory_space<vmem_shared>>) offsets(%dma_start3A_461 : memref<128xi32, #tpu.memory_space<vmem>>) semaphore(%arg20 : memref<!tpu.dma_semaphore, #tpu.memory_space<semaphore_mem>>) {add = true}
      %dma_wait3A_465 = arith.constant 14 : i32
      %dma_wait3A_466 = arith.constant 0 : i32
      %dma_wait3A_467 = tpu.memref_slice %arg7[%dma_wait3A_465, %dma_wait3A_466] : memref<40x128xi32, #tpu.memory_space<vmem>> -> memref<1x128xi32, #tpu.memory_space<vmem>>
      %dma_wait3A_468 = tpu.memref_squeeze %dma_wait3A_467 : memref<1x128xi32, #tpu.memory_space<vmem>> -> memref<128xi32, #tpu.memory_space<vmem>>
      %dma_wait3A_469 = arith.constant 0 : i32
      %dma_wait3A_470 = arith.constant 0 : i32
      %dma_wait3A_471 = tpu.memref_slice %arg13[%dma_wait3A_469, %dma_wait3A_470] : memref<100000x4xf32, #tpu.memory_space<vmem_shared>> -> memref<100000x4xf32, #tpu.memory_space<vmem_shared>>
      tpu.wait_indirect_dma semaphore(%arg20 : memref<!tpu.dma_semaphore, #tpu.memory_space<semaphore_mem>>) src(%arg10 : memref<128x4xf32, #tpu.memory_space<vmem>>) dst(%dma_wait3A_471 : memref<100000x4xf32, #tpu.memory_space<vmem_shared>>)
      %dma_start3A_472 = arith.constant 18 : i32
      %dma_start3A_473 = arith.constant 0 : i32
      %dma_start3A_474 = tpu.memref_slice %arg6[%dma_start3A_472, %dma_start3A_473] : memref<40x128xi32, #tpu.memory_space<vmem>> -> memref<1x128xi32, #tpu.memory_space<vmem>>
      %dma_start3A_475 = tpu.memref_squeeze %dma_start3A_474 : memref<1x128xi32, #tpu.memory_space<vmem>> -> memref<128xi32, #tpu.memory_space<vmem>>
      %dma_start3A_476 = arith.constant 0 : i32
      %dma_start3A_477 = arith.constant 0 : i32
      %dma_start3A_478 = tpu.memref_slice %arg12[%dma_start3A_476, %dma_start3A_477] : memref<100000x4xf32, #tpu.memory_space<vmem_shared>> -> memref<100000x4xf32, #tpu.memory_space<vmem_shared>>
      tpu.enqueue_indirect_dma source(%dma_start3A_478 : memref<100000x4xf32, #tpu.memory_space<vmem_shared>>) target(%arg10 : memref<128x4xf32, #tpu.memory_space<vmem>>) offsets(%dma_start3A_475 : memref<128xi32, #tpu.memory_space<vmem>>) semaphore(%arg16 : memref<!tpu.dma_semaphore, #tpu.memory_space<semaphore_mem>>)
      %dma_wait3A_479 = arith.constant 15 : i32
      %dma_wait3A_480 = arith.constant 0 : i32
      %dma_wait3A_481 = tpu.memref_slice %arg6[%dma_wait3A_479, %dma_wait3A_480] : memref<40x128xi32, #tpu.memory_space<vmem>> -> memref<1x128xi32, #tpu.memory_space<vmem>>
      %dma_wait3A_482 = tpu.memref_squeeze %dma_wait3A_481 : memref<1x128xi32, #tpu.memory_space<vmem>> -> memref<128xi32, #tpu.memory_space<vmem>>
      %dma_wait3A_483 = arith.constant 0 : i32
      %dma_wait3A_484 = arith.constant 0 : i32
      %dma_wait3A_485 = tpu.memref_slice %arg12[%dma_wait3A_483, %dma_wait3A_484] : memref<100000x4xf32, #tpu.memory_space<vmem_shared>> -> memref<100000x4xf32, #tpu.memory_space<vmem_shared>>
      tpu.wait_indirect_dma semaphore(%arg17 : memref<!tpu.dma_semaphore, #tpu.memory_space<semaphore_mem>>) src(%dma_wait3A_485 : memref<100000x4xf32, #tpu.memory_space<vmem_shared>>) dst(%arg11 : memref<128x4xf32, #tpu.memory_space<vmem>>)
      %dma_start3A_486 = arith.constant 15 : i32
      %dma_start3A_487 = arith.constant 0 : i32
      %dma_start3A_488 = tpu.memref_slice %arg7[%dma_start3A_486, %dma_start3A_487] : memref<40x128xi32, #tpu.memory_space<vmem>> -> memref<1x128xi32, #tpu.memory_space<vmem>>
      %dma_start3A_489 = tpu.memref_squeeze %dma_start3A_488 : memref<1x128xi32, #tpu.memory_space<vmem>> -> memref<128xi32, #tpu.memory_space<vmem>>
      %dma_start3A_490 = arith.constant 0 : i32
      %dma_start3A_491 = arith.constant 0 : i32
      %dma_start3A_492 = tpu.memref_slice %arg13[%dma_start3A_490, %dma_start3A_491] : memref<100000x4xf32, #tpu.memory_space<vmem_shared>> -> memref<100000x4xf32, #tpu.memory_space<vmem_shared>>
      tpu.enqueue_indirect_dma source(%arg11 : memref<128x4xf32, #tpu.memory_space<vmem>>) target(%dma_start3A_492 : memref<100000x4xf32, #tpu.memory_space<vmem_shared>>) offsets(%dma_start3A_489 : memref<128xi32, #tpu.memory_space<vmem>>) semaphore(%arg21 : memref<!tpu.dma_semaphore, #tpu.memory_space<semaphore_mem>>) {add = true}
      %dma_wait3A_493 = arith.constant 15 : i32
      %dma_wait3A_494 = arith.constant 0 : i32
      %dma_wait3A_495 = tpu.memref_slice %arg7[%dma_wait3A_493, %dma_wait3A_494] : memref<40x128xi32, #tpu.memory_space<vmem>> -> memref<1x128xi32, #tpu.memory_space<vmem>>
      %dma_wait3A_496 = tpu.memref_squeeze %dma_wait3A_495 : memref<1x128xi32, #tpu.memory_space<vmem>> -> memref<128xi32, #tpu.memory_space<vmem>>
      %dma_wait3A_497 = arith.constant 0 : i32
      %dma_wait3A_498 = arith.constant 0 : i32
      %dma_wait3A_499 = tpu.memref_slice %arg13[%dma_wait3A_497, %dma_wait3A_498] : memref<100000x4xf32, #tpu.memory_space<vmem_shared>> -> memref<100000x4xf32, #tpu.memory_space<vmem_shared>>
      tpu.wait_indirect_dma semaphore(%arg21 : memref<!tpu.dma_semaphore, #tpu.memory_space<semaphore_mem>>) src(%arg11 : memref<128x4xf32, #tpu.memory_space<vmem>>) dst(%dma_wait3A_499 : memref<100000x4xf32, #tpu.memory_space<vmem_shared>>)
      %dma_start3A_500 = arith.constant 19 : i32
      %dma_start3A_501 = arith.constant 0 : i32
      %dma_start3A_502 = tpu.memref_slice %arg6[%dma_start3A_500, %dma_start3A_501] : memref<40x128xi32, #tpu.memory_space<vmem>> -> memref<1x128xi32, #tpu.memory_space<vmem>>
      %dma_start3A_503 = tpu.memref_squeeze %dma_start3A_502 : memref<1x128xi32, #tpu.memory_space<vmem>> -> memref<128xi32, #tpu.memory_space<vmem>>
      %dma_start3A_504 = arith.constant 0 : i32
      %dma_start3A_505 = arith.constant 0 : i32
      %dma_start3A_506 = tpu.memref_slice %arg12[%dma_start3A_504, %dma_start3A_505] : memref<100000x4xf32, #tpu.memory_space<vmem_shared>> -> memref<100000x4xf32, #tpu.memory_space<vmem_shared>>
      tpu.enqueue_indirect_dma source(%dma_start3A_506 : memref<100000x4xf32, #tpu.memory_space<vmem_shared>>) target(%arg11 : memref<128x4xf32, #tpu.memory_space<vmem>>) offsets(%dma_start3A_503 : memref<128xi32, #tpu.memory_space<vmem>>) semaphore(%arg17 : memref<!tpu.dma_semaphore, #tpu.memory_space<semaphore_mem>>)
      %dma_wait3A_507 = arith.constant 16 : i32
      %dma_wait3A_508 = arith.constant 0 : i32
      %dma_wait3A_509 = tpu.memref_slice %arg6[%dma_wait3A_507, %dma_wait3A_508] : memref<40x128xi32, #tpu.memory_space<vmem>> -> memref<1x128xi32, #tpu.memory_space<vmem>>
      %dma_wait3A_510 = tpu.memref_squeeze %dma_wait3A_509 : memref<1x128xi32, #tpu.memory_space<vmem>> -> memref<128xi32, #tpu.memory_space<vmem>>
      %dma_wait3A_511 = arith.constant 0 : i32
      %dma_wait3A_512 = arith.constant 0 : i32
      %dma_wait3A_513 = tpu.memref_slice %arg12[%dma_wait3A_511, %dma_wait3A_512] : memref<100000x4xf32, #tpu.memory_space<vmem_shared>> -> memref<100000x4xf32, #tpu.memory_space<vmem_shared>>
      tpu.wait_indirect_dma semaphore(%arg14 : memref<!tpu.dma_semaphore, #tpu.memory_space<semaphore_mem>>) src(%dma_wait3A_513 : memref<100000x4xf32, #tpu.memory_space<vmem_shared>>) dst(%arg8 : memref<128x4xf32, #tpu.memory_space<vmem>>)
      %dma_start3A_514 = arith.constant 16 : i32
      %dma_start3A_515 = arith.constant 0 : i32
      %dma_start3A_516 = tpu.memref_slice %arg7[%dma_start3A_514, %dma_start3A_515] : memref<40x128xi32, #tpu.memory_space<vmem>> -> memref<1x128xi32, #tpu.memory_space<vmem>>
      %dma_start3A_517 = tpu.memref_squeeze %dma_start3A_516 : memref<1x128xi32, #tpu.memory_space<vmem>> -> memref<128xi32, #tpu.memory_space<vmem>>
      %dma_start3A_518 = arith.constant 0 : i32
      %dma_start3A_519 = arith.constant 0 : i32
      %dma_start3A_520 = tpu.memref_slice %arg13[%dma_start3A_518, %dma_start3A_519] : memref<100000x4xf32, #tpu.memory_space<vmem_shared>> -> memref<100000x4xf32, #tpu.memory_space<vmem_shared>>
      tpu.enqueue_indirect_dma source(%arg8 : memref<128x4xf32, #tpu.memory_space<vmem>>) target(%dma_start3A_520 : memref<100000x4xf32, #tpu.memory_space<vmem_shared>>) offsets(%dma_start3A_517 : memref<128xi32, #tpu.memory_space<vmem>>) semaphore(%arg18 : memref<!tpu.dma_semaphore, #tpu.memory_space<semaphore_mem>>) {add = true}
      %dma_wait3A_521 = arith.constant 16 : i32
      %dma_wait3A_522 = arith.constant 0 : i32
      %dma_wait3A_523 = tpu.memref_slice %arg7[%dma_wait3A_521, %dma_wait3A_522] : memref<40x128xi32, #tpu.memory_space<vmem>> -> memref<1x128xi32, #tpu.memory_space<vmem>>
      %dma_wait3A_524 = tpu.memref_squeeze %dma_wait3A_523 : memref<1x128xi32, #tpu.memory_space<vmem>> -> memref<128xi32, #tpu.memory_space<vmem>>
      %dma_wait3A_525 = arith.constant 0 : i32
      %dma_wait3A_526 = arith.constant 0 : i32
      %dma_wait3A_527 = tpu.memref_slice %arg13[%dma_wait3A_525, %dma_wait3A_526] : memref<100000x4xf32, #tpu.memory_space<vmem_shared>> -> memref<100000x4xf32, #tpu.memory_space<vmem_shared>>
      tpu.wait_indirect_dma semaphore(%arg18 : memref<!tpu.dma_semaphore, #tpu.memory_space<semaphore_mem>>) src(%arg8 : memref<128x4xf32, #tpu.memory_space<vmem>>) dst(%dma_wait3A_527 : memref<100000x4xf32, #tpu.memory_space<vmem_shared>>)
      %dma_start3A_528 = arith.constant 20 : i32
      %dma_start3A_529 = arith.constant 0 : i32
      %dma_start3A_530 = tpu.memref_slice %arg6[%dma_start3A_528, %dma_start3A_529] : memref<40x128xi32, #tpu.memory_space<vmem>> -> memref<1x128xi32, #tpu.memory_space<vmem>>
      %dma_start3A_531 = tpu.memref_squeeze %dma_start3A_530 : memref<1x128xi32, #tpu.memory_space<vmem>> -> memref<128xi32, #tpu.memory_space<vmem>>
      %dma_start3A_532 = arith.constant 0 : i32
      %dma_start3A_533 = arith.constant 0 : i32
      %dma_start3A_534 = tpu.memref_slice %arg12[%dma_start3A_532, %dma_start3A_533] : memref<100000x4xf32, #tpu.memory_space<vmem_shared>> -> memref<100000x4xf32, #tpu.memory_space<vmem_shared>>
      tpu.enqueue_indirect_dma source(%dma_start3A_534 : memref<100000x4xf32, #tpu.memory_space<vmem_shared>>) target(%arg8 : memref<128x4xf32, #tpu.memory_space<vmem>>) offsets(%dma_start3A_531 : memref<128xi32, #tpu.memory_space<vmem>>) semaphore(%arg14 : memref<!tpu.dma_semaphore, #tpu.memory_space<semaphore_mem>>)
      %dma_wait3A_535 = arith.constant 17 : i32
      %dma_wait3A_536 = arith.constant 0 : i32
      %dma_wait3A_537 = tpu.memref_slice %arg6[%dma_wait3A_535, %dma_wait3A_536] : memref<40x128xi32, #tpu.memory_space<vmem>> -> memref<1x128xi32, #tpu.memory_space<vmem>>
      %dma_wait3A_538 = tpu.memref_squeeze %dma_wait3A_537 : memref<1x128xi32, #tpu.memory_space<vmem>> -> memref<128xi32, #tpu.memory_space<vmem>>
      %dma_wait3A_539 = arith.constant 0 : i32
      %dma_wait3A_540 = arith.constant 0 : i32
      %dma_wait3A_541 = tpu.memref_slice %arg12[%dma_wait3A_539, %dma_wait3A_540] : memref<100000x4xf32, #tpu.memory_space<vmem_shared>> -> memref<100000x4xf32, #tpu.memory_space<vmem_shared>>
      tpu.wait_indirect_dma semaphore(%arg15 : memref<!tpu.dma_semaphore, #tpu.memory_space<semaphore_mem>>) src(%dma_wait3A_541 : memref<100000x4xf32, #tpu.memory_space<vmem_shared>>) dst(%arg9 : memref<128x4xf32, #tpu.memory_space<vmem>>)
      %dma_start3A_542 = arith.constant 17 : i32
      %dma_start3A_543 = arith.constant 0 : i32
      %dma_start3A_544 = tpu.memref_slice %arg7[%dma_start3A_542, %dma_start3A_543] : memref<40x128xi32, #tpu.memory_space<vmem>> -> memref<1x128xi32, #tpu.memory_space<vmem>>
      %dma_start3A_545 = tpu.memref_squeeze %dma_start3A_544 : memref<1x128xi32, #tpu.memory_space<vmem>> -> memref<128xi32, #tpu.memory_space<vmem>>
      %dma_start3A_546 = arith.constant 0 : i32
      %dma_start3A_547 = arith.constant 0 : i32
      %dma_start3A_548 = tpu.memref_slice %arg13[%dma_start3A_546, %dma_start3A_547] : memref<100000x4xf32, #tpu.memory_space<vmem_shared>> -> memref<100000x4xf32, #tpu.memory_space<vmem_shared>>
      tpu.enqueue_indirect_dma source(%arg9 : memref<128x4xf32, #tpu.memory_space<vmem>>) target(%dma_start3A_548 : memref<100000x4xf32, #tpu.memory_space<vmem_shared>>) offsets(%dma_start3A_545 : memref<128xi32, #tpu.memory_space<vmem>>) semaphore(%arg19 : memref<!tpu.dma_semaphore, #tpu.memory_space<semaphore_mem>>) {add = true}
      %dma_wait3A_549 = arith.constant 17 : i32
      %dma_wait3A_550 = arith.constant 0 : i32
      %dma_wait3A_551 = tpu.memref_slice %arg7[%dma_wait3A_549, %dma_wait3A_550] : memref<40x128xi32, #tpu.memory_space<vmem>> -> memref<1x128xi32, #tpu.memory_space<vmem>>
      %dma_wait3A_552 = tpu.memref_squeeze %dma_wait3A_551 : memref<1x128xi32, #tpu.memory_space<vmem>> -> memref<128xi32, #tpu.memory_space<vmem>>
      %dma_wait3A_553 = arith.constant 0 : i32
      %dma_wait3A_554 = arith.constant 0 : i32
      %dma_wait3A_555 = tpu.memref_slice %arg13[%dma_wait3A_553, %dma_wait3A_554] : memref<100000x4xf32, #tpu.memory_space<vmem_shared>> -> memref<100000x4xf32, #tpu.memory_space<vmem_shared>>
      tpu.wait_indirect_dma semaphore(%arg19 : memref<!tpu.dma_semaphore, #tpu.memory_space<semaphore_mem>>) src(%arg9 : memref<128x4xf32, #tpu.memory_space<vmem>>) dst(%dma_wait3A_555 : memref<100000x4xf32, #tpu.memory_space<vmem_shared>>)
      %dma_start3A_556 = arith.constant 21 : i32
      %dma_start3A_557 = arith.constant 0 : i32
      %dma_start3A_558 = tpu.memref_slice %arg6[%dma_start3A_556, %dma_start3A_557] : memref<40x128xi32, #tpu.memory_space<vmem>> -> memref<1x128xi32, #tpu.memory_space<vmem>>
      %dma_start3A_559 = tpu.memref_squeeze %dma_start3A_558 : memref<1x128xi32, #tpu.memory_space<vmem>> -> memref<128xi32, #tpu.memory_space<vmem>>
      %dma_start3A_560 = arith.constant 0 : i32
      %dma_start3A_561 = arith.constant 0 : i32
      %dma_start3A_562 = tpu.memref_slice %arg12[%dma_start3A_560, %dma_start3A_561] : memref<100000x4xf32, #tpu.memory_space<vmem_shared>> -> memref<100000x4xf32, #tpu.memory_space<vmem_shared>>
      tpu.enqueue_indirect_dma source(%dma_start3A_562 : memref<100000x4xf32, #tpu.memory_space<vmem_shared>>) target(%arg9 : memref<128x4xf32, #tpu.memory_space<vmem>>) offsets(%dma_start3A_559 : memref<128xi32, #tpu.memory_space<vmem>>) semaphore(%arg15 : memref<!tpu.dma_semaphore, #tpu.memory_space<semaphore_mem>>)
      %dma_wait3A_563 = arith.constant 18 : i32
      %dma_wait3A_564 = arith.constant 0 : i32
      %dma_wait3A_565 = tpu.memref_slice %arg6[%dma_wait3A_563, %dma_wait3A_564] : memref<40x128xi32, #tpu.memory_space<vmem>> -> memref<1x128xi32, #tpu.memory_space<vmem>>
      %dma_wait3A_566 = tpu.memref_squeeze %dma_wait3A_565 : memref<1x128xi32, #tpu.memory_space<vmem>> -> memref<128xi32, #tpu.memory_space<vmem>>
      %dma_wait3A_567 = arith.constant 0 : i32
      %dma_wait3A_568 = arith.constant 0 : i32
      %dma_wait3A_569 = tpu.memref_slice %arg12[%dma_wait3A_567, %dma_wait3A_568] : memref<100000x4xf32, #tpu.memory_space<vmem_shared>> -> memref<100000x4xf32, #tpu.memory_space<vmem_shared>>
      tpu.wait_indirect_dma semaphore(%arg16 : memref<!tpu.dma_semaphore, #tpu.memory_space<semaphore_mem>>) src(%dma_wait3A_569 : memref<100000x4xf32, #tpu.memory_space<vmem_shared>>) dst(%arg10 : memref<128x4xf32, #tpu.memory_space<vmem>>)
      %dma_start3A_570 = arith.constant 18 : i32
      %dma_start3A_571 = arith.constant 0 : i32
      %dma_start3A_572 = tpu.memref_slice %arg7[%dma_start3A_570, %dma_start3A_571] : memref<40x128xi32, #tpu.memory_space<vmem>> -> memref<1x128xi32, #tpu.memory_space<vmem>>
      %dma_start3A_573 = tpu.memref_squeeze %dma_start3A_572 : memref<1x128xi32, #tpu.memory_space<vmem>> -> memref<128xi32, #tpu.memory_space<vmem>>
      %dma_start3A_574 = arith.constant 0 : i32
      %dma_start3A_575 = arith.constant 0 : i32
      %dma_start3A_576 = tpu.memref_slice %arg13[%dma_start3A_574, %dma_start3A_575] : memref<100000x4xf32, #tpu.memory_space<vmem_shared>> -> memref<100000x4xf32, #tpu.memory_space<vmem_shared>>
      tpu.enqueue_indirect_dma source(%arg10 : memref<128x4xf32, #tpu.memory_space<vmem>>) target(%dma_start3A_576 : memref<100000x4xf32, #tpu.memory_space<vmem_shared>>) offsets(%dma_start3A_573 : memref<128xi32, #tpu.memory_space<vmem>>) semaphore(%arg20 : memref<!tpu.dma_semaphore, #tpu.memory_space<semaphore_mem>>) {add = true}
      %dma_wait3A_577 = arith.constant 18 : i32
      %dma_wait3A_578 = arith.constant 0 : i32
      %dma_wait3A_579 = tpu.memref_slice %arg7[%dma_wait3A_577, %dma_wait3A_578] : memref<40x128xi32, #tpu.memory_space<vmem>> -> memref<1x128xi32, #tpu.memory_space<vmem>>
      %dma_wait3A_580 = tpu.memref_squeeze %dma_wait3A_579 : memref<1x128xi32, #tpu.memory_space<vmem>> -> memref<128xi32, #tpu.memory_space<vmem>>
      %dma_wait3A_581 = arith.constant 0 : i32
      %dma_wait3A_582 = arith.constant 0 : i32
      %dma_wait3A_583 = tpu.memref_slice %arg13[%dma_wait3A_581, %dma_wait3A_582] : memref<100000x4xf32, #tpu.memory_space<vmem_shared>> -> memref<100000x4xf32, #tpu.memory_space<vmem_shared>>
      tpu.wait_indirect_dma semaphore(%arg20 : memref<!tpu.dma_semaphore, #tpu.memory_space<semaphore_mem>>) src(%arg10 : memref<128x4xf32, #tpu.memory_space<vmem>>) dst(%dma_wait3A_583 : memref<100000x4xf32, #tpu.memory_space<vmem_shared>>)
      %dma_start3A_584 = arith.constant 22 : i32
      %dma_start3A_585 = arith.constant 0 : i32
      %dma_start3A_586 = tpu.memref_slice %arg6[%dma_start3A_584, %dma_start3A_585] : memref<40x128xi32, #tpu.memory_space<vmem>> -> memref<1x128xi32, #tpu.memory_space<vmem>>
      %dma_start3A_587 = tpu.memref_squeeze %dma_start3A_586 : memref<1x128xi32, #tpu.memory_space<vmem>> -> memref<128xi32, #tpu.memory_space<vmem>>
      %dma_start3A_588 = arith.constant 0 : i32
      %dma_start3A_589 = arith.constant 0 : i32
      %dma_start3A_590 = tpu.memref_slice %arg12[%dma_start3A_588, %dma_start3A_589] : memref<100000x4xf32, #tpu.memory_space<vmem_shared>> -> memref<100000x4xf32, #tpu.memory_space<vmem_shared>>
      tpu.enqueue_indirect_dma source(%dma_start3A_590 : memref<100000x4xf32, #tpu.memory_space<vmem_shared>>) target(%arg10 : memref<128x4xf32, #tpu.memory_space<vmem>>) offsets(%dma_start3A_587 : memref<128xi32, #tpu.memory_space<vmem>>) semaphore(%arg16 : memref<!tpu.dma_semaphore, #tpu.memory_space<semaphore_mem>>)
      %dma_wait3A_591 = arith.constant 19 : i32
      %dma_wait3A_592 = arith.constant 0 : i32
      %dma_wait3A_593 = tpu.memref_slice %arg6[%dma_wait3A_591, %dma_wait3A_592] : memref<40x128xi32, #tpu.memory_space<vmem>> -> memref<1x128xi32, #tpu.memory_space<vmem>>
      %dma_wait3A_594 = tpu.memref_squeeze %dma_wait3A_593 : memref<1x128xi32, #tpu.memory_space<vmem>> -> memref<128xi32, #tpu.memory_space<vmem>>
      %dma_wait3A_595 = arith.constant 0 : i32
      %dma_wait3A_596 = arith.constant 0 : i32
      %dma_wait3A_597 = tpu.memref_slice %arg12[%dma_wait3A_595, %dma_wait3A_596] : memref<100000x4xf32, #tpu.memory_space<vmem_shared>> -> memref<100000x4xf32, #tpu.memory_space<vmem_shared>>
      tpu.wait_indirect_dma semaphore(%arg17 : memref<!tpu.dma_semaphore, #tpu.memory_space<semaphore_mem>>) src(%dma_wait3A_597 : memref<100000x4xf32, #tpu.memory_space<vmem_shared>>) dst(%arg11 : memref<128x4xf32, #tpu.memory_space<vmem>>)
      %dma_start3A_598 = arith.constant 19 : i32
      %dma_start3A_599 = arith.constant 0 : i32
      %dma_start3A_600 = tpu.memref_slice %arg7[%dma_start3A_598, %dma_start3A_599] : memref<40x128xi32, #tpu.memory_space<vmem>> -> memref<1x128xi32, #tpu.memory_space<vmem>>
      %dma_start3A_601 = tpu.memref_squeeze %dma_start3A_600 : memref<1x128xi32, #tpu.memory_space<vmem>> -> memref<128xi32, #tpu.memory_space<vmem>>
      %dma_start3A_602 = arith.constant 0 : i32
      %dma_start3A_603 = arith.constant 0 : i32
      %dma_start3A_604 = tpu.memref_slice %arg13[%dma_start3A_602, %dma_start3A_603] : memref<100000x4xf32, #tpu.memory_space<vmem_shared>> -> memref<100000x4xf32, #tpu.memory_space<vmem_shared>>
      tpu.enqueue_indirect_dma source(%arg11 : memref<128x4xf32, #tpu.memory_space<vmem>>) target(%dma_start3A_604 : memref<100000x4xf32, #tpu.memory_space<vmem_shared>>) offsets(%dma_start3A_601 : memref<128xi32, #tpu.memory_space<vmem>>) semaphore(%arg21 : memref<!tpu.dma_semaphore, #tpu.memory_space<semaphore_mem>>) {add = true}
      %dma_wait3A_605 = arith.constant 19 : i32
      %dma_wait3A_606 = arith.constant 0 : i32
      %dma_wait3A_607 = tpu.memref_slice %arg7[%dma_wait3A_605, %dma_wait3A_606] : memref<40x128xi32, #tpu.memory_space<vmem>> -> memref<1x128xi32, #tpu.memory_space<vmem>>
      %dma_wait3A_608 = tpu.memref_squeeze %dma_wait3A_607 : memref<1x128xi32, #tpu.memory_space<vmem>> -> memref<128xi32, #tpu.memory_space<vmem>>
      %dma_wait3A_609 = arith.constant 0 : i32
      %dma_wait3A_610 = arith.constant 0 : i32
      %dma_wait3A_611 = tpu.memref_slice %arg13[%dma_wait3A_609, %dma_wait3A_610] : memref<100000x4xf32, #tpu.memory_space<vmem_shared>> -> memref<100000x4xf32, #tpu.memory_space<vmem_shared>>
      tpu.wait_indirect_dma semaphore(%arg21 : memref<!tpu.dma_semaphore, #tpu.memory_space<semaphore_mem>>) src(%arg11 : memref<128x4xf32, #tpu.memory_space<vmem>>) dst(%dma_wait3A_611 : memref<100000x4xf32, #tpu.memory_space<vmem_shared>>)
      %dma_start3A_612 = arith.constant 23 : i32
      %dma_start3A_613 = arith.constant 0 : i32
      %dma_start3A_614 = tpu.memref_slice %arg6[%dma_start3A_612, %dma_start3A_613] : memref<40x128xi32, #tpu.memory_space<vmem>> -> memref<1x128xi32, #tpu.memory_space<vmem>>
      %dma_start3A_615 = tpu.memref_squeeze %dma_start3A_614 : memref<1x128xi32, #tpu.memory_space<vmem>> -> memref<128xi32, #tpu.memory_space<vmem>>
      %dma_start3A_616 = arith.constant 0 : i32
      %dma_start3A_617 = arith.constant 0 : i32
      %dma_start3A_618 = tpu.memref_slice %arg12[%dma_start3A_616, %dma_start3A_617] : memref<100000x4xf32, #tpu.memory_space<vmem_shared>> -> memref<100000x4xf32, #tpu.memory_space<vmem_shared>>
      tpu.enqueue_indirect_dma source(%dma_start3A_618 : memref<100000x4xf32, #tpu.memory_space<vmem_shared>>) target(%arg11 : memref<128x4xf32, #tpu.memory_space<vmem>>) offsets(%dma_start3A_615 : memref<128xi32, #tpu.memory_space<vmem>>) semaphore(%arg17 : memref<!tpu.dma_semaphore, #tpu.memory_space<semaphore_mem>>)
      %dma_wait3A_619 = arith.constant 20 : i32
      %dma_wait3A_620 = arith.constant 0 : i32
      %dma_wait3A_621 = tpu.memref_slice %arg6[%dma_wait3A_619, %dma_wait3A_620] : memref<40x128xi32, #tpu.memory_space<vmem>> -> memref<1x128xi32, #tpu.memory_space<vmem>>
      %dma_wait3A_622 = tpu.memref_squeeze %dma_wait3A_621 : memref<1x128xi32, #tpu.memory_space<vmem>> -> memref<128xi32, #tpu.memory_space<vmem>>
      %dma_wait3A_623 = arith.constant 0 : i32
      %dma_wait3A_624 = arith.constant 0 : i32
      %dma_wait3A_625 = tpu.memref_slice %arg12[%dma_wait3A_623, %dma_wait3A_624] : memref<100000x4xf32, #tpu.memory_space<vmem_shared>> -> memref<100000x4xf32, #tpu.memory_space<vmem_shared>>
      tpu.wait_indirect_dma semaphore(%arg14 : memref<!tpu.dma_semaphore, #tpu.memory_space<semaphore_mem>>) src(%dma_wait3A_625 : memref<100000x4xf32, #tpu.memory_space<vmem_shared>>) dst(%arg8 : memref<128x4xf32, #tpu.memory_space<vmem>>)
      %dma_start3A_626 = arith.constant 20 : i32
      %dma_start3A_627 = arith.constant 0 : i32
      %dma_start3A_628 = tpu.memref_slice %arg7[%dma_start3A_626, %dma_start3A_627] : memref<40x128xi32, #tpu.memory_space<vmem>> -> memref<1x128xi32, #tpu.memory_space<vmem>>
      %dma_start3A_629 = tpu.memref_squeeze %dma_start3A_628 : memref<1x128xi32, #tpu.memory_space<vmem>> -> memref<128xi32, #tpu.memory_space<vmem>>
      %dma_start3A_630 = arith.constant 0 : i32
      %dma_start3A_631 = arith.constant 0 : i32
      %dma_start3A_632 = tpu.memref_slice %arg13[%dma_start3A_630, %dma_start3A_631] : memref<100000x4xf32, #tpu.memory_space<vmem_shared>> -> memref<100000x4xf32, #tpu.memory_space<vmem_shared>>
      tpu.enqueue_indirect_dma source(%arg8 : memref<128x4xf32, #tpu.memory_space<vmem>>) target(%dma_start3A_632 : memref<100000x4xf32, #tpu.memory_space<vmem_shared>>) offsets(%dma_start3A_629 : memref<128xi32, #tpu.memory_space<vmem>>) semaphore(%arg18 : memref<!tpu.dma_semaphore, #tpu.memory_space<semaphore_mem>>) {add = true}
      %dma_wait3A_633 = arith.constant 20 : i32
      %dma_wait3A_634 = arith.constant 0 : i32
      %dma_wait3A_635 = tpu.memref_slice %arg7[%dma_wait3A_633, %dma_wait3A_634] : memref<40x128xi32, #tpu.memory_space<vmem>> -> memref<1x128xi32, #tpu.memory_space<vmem>>
      %dma_wait3A_636 = tpu.memref_squeeze %dma_wait3A_635 : memref<1x128xi32, #tpu.memory_space<vmem>> -> memref<128xi32, #tpu.memory_space<vmem>>
      %dma_wait3A_637 = arith.constant 0 : i32
      %dma_wait3A_638 = arith.constant 0 : i32
      %dma_wait3A_639 = tpu.memref_slice %arg13[%dma_wait3A_637, %dma_wait3A_638] : memref<100000x4xf32, #tpu.memory_space<vmem_shared>> -> memref<100000x4xf32, #tpu.memory_space<vmem_shared>>
      tpu.wait_indirect_dma semaphore(%arg18 : memref<!tpu.dma_semaphore, #tpu.memory_space<semaphore_mem>>) src(%arg8 : memref<128x4xf32, #tpu.memory_space<vmem>>) dst(%dma_wait3A_639 : memref<100000x4xf32, #tpu.memory_space<vmem_shared>>)
      %dma_start3A_640 = arith.constant 24 : i32
      %dma_start3A_641 = arith.constant 0 : i32
      %dma_start3A_642 = tpu.memref_slice %arg6[%dma_start3A_640, %dma_start3A_641] : memref<40x128xi32, #tpu.memory_space<vmem>> -> memref<1x128xi32, #tpu.memory_space<vmem>>
      %dma_start3A_643 = tpu.memref_squeeze %dma_start3A_642 : memref<1x128xi32, #tpu.memory_space<vmem>> -> memref<128xi32, #tpu.memory_space<vmem>>
      %dma_start3A_644 = arith.constant 0 : i32
      %dma_start3A_645 = arith.constant 0 : i32
      %dma_start3A_646 = tpu.memref_slice %arg12[%dma_start3A_644, %dma_start3A_645] : memref<100000x4xf32, #tpu.memory_space<vmem_shared>> -> memref<100000x4xf32, #tpu.memory_space<vmem_shared>>
      tpu.enqueue_indirect_dma source(%dma_start3A_646 : memref<100000x4xf32, #tpu.memory_space<vmem_shared>>) target(%arg8 : memref<128x4xf32, #tpu.memory_space<vmem>>) offsets(%dma_start3A_643 : memref<128xi32, #tpu.memory_space<vmem>>) semaphore(%arg14 : memref<!tpu.dma_semaphore, #tpu.memory_space<semaphore_mem>>)
      %dma_wait3A_647 = arith.constant 21 : i32
      %dma_wait3A_648 = arith.constant 0 : i32
      %dma_wait3A_649 = tpu.memref_slice %arg6[%dma_wait3A_647, %dma_wait3A_648] : memref<40x128xi32, #tpu.memory_space<vmem>> -> memref<1x128xi32, #tpu.memory_space<vmem>>
      %dma_wait3A_650 = tpu.memref_squeeze %dma_wait3A_649 : memref<1x128xi32, #tpu.memory_space<vmem>> -> memref<128xi32, #tpu.memory_space<vmem>>
      %dma_wait3A_651 = arith.constant 0 : i32
      %dma_wait3A_652 = arith.constant 0 : i32
      %dma_wait3A_653 = tpu.memref_slice %arg12[%dma_wait3A_651, %dma_wait3A_652] : memref<100000x4xf32, #tpu.memory_space<vmem_shared>> -> memref<100000x4xf32, #tpu.memory_space<vmem_shared>>
      tpu.wait_indirect_dma semaphore(%arg15 : memref<!tpu.dma_semaphore, #tpu.memory_space<semaphore_mem>>) src(%dma_wait3A_653 : memref<100000x4xf32, #tpu.memory_space<vmem_shared>>) dst(%arg9 : memref<128x4xf32, #tpu.memory_space<vmem>>)
      %dma_start3A_654 = arith.constant 21 : i32
      %dma_start3A_655 = arith.constant 0 : i32
      %dma_start3A_656 = tpu.memref_slice %arg7[%dma_start3A_654, %dma_start3A_655] : memref<40x128xi32, #tpu.memory_space<vmem>> -> memref<1x128xi32, #tpu.memory_space<vmem>>
      %dma_start3A_657 = tpu.memref_squeeze %dma_start3A_656 : memref<1x128xi32, #tpu.memory_space<vmem>> -> memref<128xi32, #tpu.memory_space<vmem>>
      %dma_start3A_658 = arith.constant 0 : i32
      %dma_start3A_659 = arith.constant 0 : i32
      %dma_start3A_660 = tpu.memref_slice %arg13[%dma_start3A_658, %dma_start3A_659] : memref<100000x4xf32, #tpu.memory_space<vmem_shared>> -> memref<100000x4xf32, #tpu.memory_space<vmem_shared>>
      tpu.enqueue_indirect_dma source(%arg9 : memref<128x4xf32, #tpu.memory_space<vmem>>) target(%dma_start3A_660 : memref<100000x4xf32, #tpu.memory_space<vmem_shared>>) offsets(%dma_start3A_657 : memref<128xi32, #tpu.memory_space<vmem>>) semaphore(%arg19 : memref<!tpu.dma_semaphore, #tpu.memory_space<semaphore_mem>>) {add = true}
      %dma_wait3A_661 = arith.constant 21 : i32
      %dma_wait3A_662 = arith.constant 0 : i32
      %dma_wait3A_663 = tpu.memref_slice %arg7[%dma_wait3A_661, %dma_wait3A_662] : memref<40x128xi32, #tpu.memory_space<vmem>> -> memref<1x128xi32, #tpu.memory_space<vmem>>
      %dma_wait3A_664 = tpu.memref_squeeze %dma_wait3A_663 : memref<1x128xi32, #tpu.memory_space<vmem>> -> memref<128xi32, #tpu.memory_space<vmem>>
      %dma_wait3A_665 = arith.constant 0 : i32
      %dma_wait3A_666 = arith.constant 0 : i32
      %dma_wait3A_667 = tpu.memref_slice %arg13[%dma_wait3A_665, %dma_wait3A_666] : memref<100000x4xf32, #tpu.memory_space<vmem_shared>> -> memref<100000x4xf32, #tpu.memory_space<vmem_shared>>
      tpu.wait_indirect_dma semaphore(%arg19 : memref<!tpu.dma_semaphore, #tpu.memory_space<semaphore_mem>>) src(%arg9 : memref<128x4xf32, #tpu.memory_space<vmem>>) dst(%dma_wait3A_667 : memref<100000x4xf32, #tpu.memory_space<vmem_shared>>)
      %dma_start3A_668 = arith.constant 25 : i32
      %dma_start3A_669 = arith.constant 0 : i32
      %dma_start3A_670 = tpu.memref_slice %arg6[%dma_start3A_668, %dma_start3A_669] : memref<40x128xi32, #tpu.memory_space<vmem>> -> memref<1x128xi32, #tpu.memory_space<vmem>>
      %dma_start3A_671 = tpu.memref_squeeze %dma_start3A_670 : memref<1x128xi32, #tpu.memory_space<vmem>> -> memref<128xi32, #tpu.memory_space<vmem>>
      %dma_start3A_672 = arith.constant 0 : i32
      %dma_start3A_673 = arith.constant 0 : i32
      %dma_start3A_674 = tpu.memref_slice %arg12[%dma_start3A_672, %dma_start3A_673] : memref<100000x4xf32, #tpu.memory_space<vmem_shared>> -> memref<100000x4xf32, #tpu.memory_space<vmem_shared>>
      tpu.enqueue_indirect_dma source(%dma_start3A_674 : memref<100000x4xf32, #tpu.memory_space<vmem_shared>>) target(%arg9 : memref<128x4xf32, #tpu.memory_space<vmem>>) offsets(%dma_start3A_671 : memref<128xi32, #tpu.memory_space<vmem>>) semaphore(%arg15 : memref<!tpu.dma_semaphore, #tpu.memory_space<semaphore_mem>>)
      %dma_wait3A_675 = arith.constant 22 : i32
      %dma_wait3A_676 = arith.constant 0 : i32
      %dma_wait3A_677 = tpu.memref_slice %arg6[%dma_wait3A_675, %dma_wait3A_676] : memref<40x128xi32, #tpu.memory_space<vmem>> -> memref<1x128xi32, #tpu.memory_space<vmem>>
      %dma_wait3A_678 = tpu.memref_squeeze %dma_wait3A_677 : memref<1x128xi32, #tpu.memory_space<vmem>> -> memref<128xi32, #tpu.memory_space<vmem>>
      %dma_wait3A_679 = arith.constant 0 : i32
      %dma_wait3A_680 = arith.constant 0 : i32
      %dma_wait3A_681 = tpu.memref_slice %arg12[%dma_wait3A_679, %dma_wait3A_680] : memref<100000x4xf32, #tpu.memory_space<vmem_shared>> -> memref<100000x4xf32, #tpu.memory_space<vmem_shared>>
      tpu.wait_indirect_dma semaphore(%arg16 : memref<!tpu.dma_semaphore, #tpu.memory_space<semaphore_mem>>) src(%dma_wait3A_681 : memref<100000x4xf32, #tpu.memory_space<vmem_shared>>) dst(%arg10 : memref<128x4xf32, #tpu.memory_space<vmem>>)
      %dma_start3A_682 = arith.constant 22 : i32
      %dma_start3A_683 = arith.constant 0 : i32
      %dma_start3A_684 = tpu.memref_slice %arg7[%dma_start3A_682, %dma_start3A_683] : memref<40x128xi32, #tpu.memory_space<vmem>> -> memref<1x128xi32, #tpu.memory_space<vmem>>
      %dma_start3A_685 = tpu.memref_squeeze %dma_start3A_684 : memref<1x128xi32, #tpu.memory_space<vmem>> -> memref<128xi32, #tpu.memory_space<vmem>>
      %dma_start3A_686 = arith.constant 0 : i32
      %dma_start3A_687 = arith.constant 0 : i32
      %dma_start3A_688 = tpu.memref_slice %arg13[%dma_start3A_686, %dma_start3A_687] : memref<100000x4xf32, #tpu.memory_space<vmem_shared>> -> memref<100000x4xf32, #tpu.memory_space<vmem_shared>>
      tpu.enqueue_indirect_dma source(%arg10 : memref<128x4xf32, #tpu.memory_space<vmem>>) target(%dma_start3A_688 : memref<100000x4xf32, #tpu.memory_space<vmem_shared>>) offsets(%dma_start3A_685 : memref<128xi32, #tpu.memory_space<vmem>>) semaphore(%arg20 : memref<!tpu.dma_semaphore, #tpu.memory_space<semaphore_mem>>) {add = true}
      %dma_wait3A_689 = arith.constant 22 : i32
      %dma_wait3A_690 = arith.constant 0 : i32
      %dma_wait3A_691 = tpu.memref_slice %arg7[%dma_wait3A_689, %dma_wait3A_690] : memref<40x128xi32, #tpu.memory_space<vmem>> -> memref<1x128xi32, #tpu.memory_space<vmem>>
      %dma_wait3A_692 = tpu.memref_squeeze %dma_wait3A_691 : memref<1x128xi32, #tpu.memory_space<vmem>> -> memref<128xi32, #tpu.memory_space<vmem>>
      %dma_wait3A_693 = arith.constant 0 : i32
      %dma_wait3A_694 = arith.constant 0 : i32
      %dma_wait3A_695 = tpu.memref_slice %arg13[%dma_wait3A_693, %dma_wait3A_694] : memref<100000x4xf32, #tpu.memory_space<vmem_shared>> -> memref<100000x4xf32, #tpu.memory_space<vmem_shared>>
      tpu.wait_indirect_dma semaphore(%arg20 : memref<!tpu.dma_semaphore, #tpu.memory_space<semaphore_mem>>) src(%arg10 : memref<128x4xf32, #tpu.memory_space<vmem>>) dst(%dma_wait3A_695 : memref<100000x4xf32, #tpu.memory_space<vmem_shared>>)
      %dma_start3A_696 = arith.constant 26 : i32
      %dma_start3A_697 = arith.constant 0 : i32
      %dma_start3A_698 = tpu.memref_slice %arg6[%dma_start3A_696, %dma_start3A_697] : memref<40x128xi32, #tpu.memory_space<vmem>> -> memref<1x128xi32, #tpu.memory_space<vmem>>
      %dma_start3A_699 = tpu.memref_squeeze %dma_start3A_698 : memref<1x128xi32, #tpu.memory_space<vmem>> -> memref<128xi32, #tpu.memory_space<vmem>>
      %dma_start3A_700 = arith.constant 0 : i32
      %dma_start3A_701 = arith.constant 0 : i32
      %dma_start3A_702 = tpu.memref_slice %arg12[%dma_start3A_700, %dma_start3A_701] : memref<100000x4xf32, #tpu.memory_space<vmem_shared>> -> memref<100000x4xf32, #tpu.memory_space<vmem_shared>>
      tpu.enqueue_indirect_dma source(%dma_start3A_702 : memref<100000x4xf32, #tpu.memory_space<vmem_shared>>) target(%arg10 : memref<128x4xf32, #tpu.memory_space<vmem>>) offsets(%dma_start3A_699 : memref<128xi32, #tpu.memory_space<vmem>>) semaphore(%arg16 : memref<!tpu.dma_semaphore, #tpu.memory_space<semaphore_mem>>)
      %dma_wait3A_703 = arith.constant 23 : i32
      %dma_wait3A_704 = arith.constant 0 : i32
      %dma_wait3A_705 = tpu.memref_slice %arg6[%dma_wait3A_703, %dma_wait3A_704] : memref<40x128xi32, #tpu.memory_space<vmem>> -> memref<1x128xi32, #tpu.memory_space<vmem>>
      %dma_wait3A_706 = tpu.memref_squeeze %dma_wait3A_705 : memref<1x128xi32, #tpu.memory_space<vmem>> -> memref<128xi32, #tpu.memory_space<vmem>>
      %dma_wait3A_707 = arith.constant 0 : i32
      %dma_wait3A_708 = arith.constant 0 : i32
      %dma_wait3A_709 = tpu.memref_slice %arg12[%dma_wait3A_707, %dma_wait3A_708] : memref<100000x4xf32, #tpu.memory_space<vmem_shared>> -> memref<100000x4xf32, #tpu.memory_space<vmem_shared>>
      tpu.wait_indirect_dma semaphore(%arg17 : memref<!tpu.dma_semaphore, #tpu.memory_space<semaphore_mem>>) src(%dma_wait3A_709 : memref<100000x4xf32, #tpu.memory_space<vmem_shared>>) dst(%arg11 : memref<128x4xf32, #tpu.memory_space<vmem>>)
      %dma_start3A_710 = arith.constant 23 : i32
      %dma_start3A_711 = arith.constant 0 : i32
      %dma_start3A_712 = tpu.memref_slice %arg7[%dma_start3A_710, %dma_start3A_711] : memref<40x128xi32, #tpu.memory_space<vmem>> -> memref<1x128xi32, #tpu.memory_space<vmem>>
      %dma_start3A_713 = tpu.memref_squeeze %dma_start3A_712 : memref<1x128xi32, #tpu.memory_space<vmem>> -> memref<128xi32, #tpu.memory_space<vmem>>
      %dma_start3A_714 = arith.constant 0 : i32
      %dma_start3A_715 = arith.constant 0 : i32
      %dma_start3A_716 = tpu.memref_slice %arg13[%dma_start3A_714, %dma_start3A_715] : memref<100000x4xf32, #tpu.memory_space<vmem_shared>> -> memref<100000x4xf32, #tpu.memory_space<vmem_shared>>
      tpu.enqueue_indirect_dma source(%arg11 : memref<128x4xf32, #tpu.memory_space<vmem>>) target(%dma_start3A_716 : memref<100000x4xf32, #tpu.memory_space<vmem_shared>>) offsets(%dma_start3A_713 : memref<128xi32, #tpu.memory_space<vmem>>) semaphore(%arg21 : memref<!tpu.dma_semaphore, #tpu.memory_space<semaphore_mem>>) {add = true}
      %dma_wait3A_717 = arith.constant 23 : i32
      %dma_wait3A_718 = arith.constant 0 : i32
      %dma_wait3A_719 = tpu.memref_slice %arg7[%dma_wait3A_717, %dma_wait3A_718] : memref<40x128xi32, #tpu.memory_space<vmem>> -> memref<1x128xi32, #tpu.memory_space<vmem>>
      %dma_wait3A_720 = tpu.memref_squeeze %dma_wait3A_719 : memref<1x128xi32, #tpu.memory_space<vmem>> -> memref<128xi32, #tpu.memory_space<vmem>>
      %dma_wait3A_721 = arith.constant 0 : i32
      %dma_wait3A_722 = arith.constant 0 : i32
      %dma_wait3A_723 = tpu.memref_slice %arg13[%dma_wait3A_721, %dma_wait3A_722] : memref<100000x4xf32, #tpu.memory_space<vmem_shared>> -> memref<100000x4xf32, #tpu.memory_space<vmem_shared>>
      tpu.wait_indirect_dma semaphore(%arg21 : memref<!tpu.dma_semaphore, #tpu.memory_space<semaphore_mem>>) src(%arg11 : memref<128x4xf32, #tpu.memory_space<vmem>>) dst(%dma_wait3A_723 : memref<100000x4xf32, #tpu.memory_space<vmem_shared>>)
      %dma_start3A_724 = arith.constant 27 : i32
      %dma_start3A_725 = arith.constant 0 : i32
      %dma_start3A_726 = tpu.memref_slice %arg6[%dma_start3A_724, %dma_start3A_725] : memref<40x128xi32, #tpu.memory_space<vmem>> -> memref<1x128xi32, #tpu.memory_space<vmem>>
      %dma_start3A_727 = tpu.memref_squeeze %dma_start3A_726 : memref<1x128xi32, #tpu.memory_space<vmem>> -> memref<128xi32, #tpu.memory_space<vmem>>
      %dma_start3A_728 = arith.constant 0 : i32
      %dma_start3A_729 = arith.constant 0 : i32
      %dma_start3A_730 = tpu.memref_slice %arg12[%dma_start3A_728, %dma_start3A_729] : memref<100000x4xf32, #tpu.memory_space<vmem_shared>> -> memref<100000x4xf32, #tpu.memory_space<vmem_shared>>
      tpu.enqueue_indirect_dma source(%dma_start3A_730 : memref<100000x4xf32, #tpu.memory_space<vmem_shared>>) target(%arg11 : memref<128x4xf32, #tpu.memory_space<vmem>>) offsets(%dma_start3A_727 : memref<128xi32, #tpu.memory_space<vmem>>) semaphore(%arg17 : memref<!tpu.dma_semaphore, #tpu.memory_space<semaphore_mem>>)
      %dma_wait3A_731 = arith.constant 24 : i32
      %dma_wait3A_732 = arith.constant 0 : i32
      %dma_wait3A_733 = tpu.memref_slice %arg6[%dma_wait3A_731, %dma_wait3A_732] : memref<40x128xi32, #tpu.memory_space<vmem>> -> memref<1x128xi32, #tpu.memory_space<vmem>>
      %dma_wait3A_734 = tpu.memref_squeeze %dma_wait3A_733 : memref<1x128xi32, #tpu.memory_space<vmem>> -> memref<128xi32, #tpu.memory_space<vmem>>
      %dma_wait3A_735 = arith.constant 0 : i32
      %dma_wait3A_736 = arith.constant 0 : i32
      %dma_wait3A_737 = tpu.memref_slice %arg12[%dma_wait3A_735, %dma_wait3A_736] : memref<100000x4xf32, #tpu.memory_space<vmem_shared>> -> memref<100000x4xf32, #tpu.memory_space<vmem_shared>>
      tpu.wait_indirect_dma semaphore(%arg14 : memref<!tpu.dma_semaphore, #tpu.memory_space<semaphore_mem>>) src(%dma_wait3A_737 : memref<100000x4xf32, #tpu.memory_space<vmem_shared>>) dst(%arg8 : memref<128x4xf32, #tpu.memory_space<vmem>>)
      %dma_start3A_738 = arith.constant 24 : i32
      %dma_start3A_739 = arith.constant 0 : i32
      %dma_start3A_740 = tpu.memref_slice %arg7[%dma_start3A_738, %dma_start3A_739] : memref<40x128xi32, #tpu.memory_space<vmem>> -> memref<1x128xi32, #tpu.memory_space<vmem>>
      %dma_start3A_741 = tpu.memref_squeeze %dma_start3A_740 : memref<1x128xi32, #tpu.memory_space<vmem>> -> memref<128xi32, #tpu.memory_space<vmem>>
      %dma_start3A_742 = arith.constant 0 : i32
      %dma_start3A_743 = arith.constant 0 : i32
      %dma_start3A_744 = tpu.memref_slice %arg13[%dma_start3A_742, %dma_start3A_743] : memref<100000x4xf32, #tpu.memory_space<vmem_shared>> -> memref<100000x4xf32, #tpu.memory_space<vmem_shared>>
      tpu.enqueue_indirect_dma source(%arg8 : memref<128x4xf32, #tpu.memory_space<vmem>>) target(%dma_start3A_744 : memref<100000x4xf32, #tpu.memory_space<vmem_shared>>) offsets(%dma_start3A_741 : memref<128xi32, #tpu.memory_space<vmem>>) semaphore(%arg18 : memref<!tpu.dma_semaphore, #tpu.memory_space<semaphore_mem>>) {add = true}
      %dma_wait3A_745 = arith.constant 24 : i32
      %dma_wait3A_746 = arith.constant 0 : i32
      %dma_wait3A_747 = tpu.memref_slice %arg7[%dma_wait3A_745, %dma_wait3A_746] : memref<40x128xi32, #tpu.memory_space<vmem>> -> memref<1x128xi32, #tpu.memory_space<vmem>>
      %dma_wait3A_748 = tpu.memref_squeeze %dma_wait3A_747 : memref<1x128xi32, #tpu.memory_space<vmem>> -> memref<128xi32, #tpu.memory_space<vmem>>
      %dma_wait3A_749 = arith.constant 0 : i32
      %dma_wait3A_750 = arith.constant 0 : i32
      %dma_wait3A_751 = tpu.memref_slice %arg13[%dma_wait3A_749, %dma_wait3A_750] : memref<100000x4xf32, #tpu.memory_space<vmem_shared>> -> memref<100000x4xf32, #tpu.memory_space<vmem_shared>>
      tpu.wait_indirect_dma semaphore(%arg18 : memref<!tpu.dma_semaphore, #tpu.memory_space<semaphore_mem>>) src(%arg8 : memref<128x4xf32, #tpu.memory_space<vmem>>) dst(%dma_wait3A_751 : memref<100000x4xf32, #tpu.memory_space<vmem_shared>>)
      %dma_start3A_752 = arith.constant 28 : i32
      %dma_start3A_753 = arith.constant 0 : i32
      %dma_start3A_754 = tpu.memref_slice %arg6[%dma_start3A_752, %dma_start3A_753] : memref<40x128xi32, #tpu.memory_space<vmem>> -> memref<1x128xi32, #tpu.memory_space<vmem>>
      %dma_start3A_755 = tpu.memref_squeeze %dma_start3A_754 : memref<1x128xi32, #tpu.memory_space<vmem>> -> memref<128xi32, #tpu.memory_space<vmem>>
      %dma_start3A_756 = arith.constant 0 : i32
      %dma_start3A_757 = arith.constant 0 : i32
      %dma_start3A_758 = tpu.memref_slice %arg12[%dma_start3A_756, %dma_start3A_757] : memref<100000x4xf32, #tpu.memory_space<vmem_shared>> -> memref<100000x4xf32, #tpu.memory_space<vmem_shared>>
      tpu.enqueue_indirect_dma source(%dma_start3A_758 : memref<100000x4xf32, #tpu.memory_space<vmem_shared>>) target(%arg8 : memref<128x4xf32, #tpu.memory_space<vmem>>) offsets(%dma_start3A_755 : memref<128xi32, #tpu.memory_space<vmem>>) semaphore(%arg14 : memref<!tpu.dma_semaphore, #tpu.memory_space<semaphore_mem>>)
      %dma_wait3A_759 = arith.constant 25 : i32
      %dma_wait3A_760 = arith.constant 0 : i32
      %dma_wait3A_761 = tpu.memref_slice %arg6[%dma_wait3A_759, %dma_wait3A_760] : memref<40x128xi32, #tpu.memory_space<vmem>> -> memref<1x128xi32, #tpu.memory_space<vmem>>
      %dma_wait3A_762 = tpu.memref_squeeze %dma_wait3A_761 : memref<1x128xi32, #tpu.memory_space<vmem>> -> memref<128xi32, #tpu.memory_space<vmem>>
      %dma_wait3A_763 = arith.constant 0 : i32
      %dma_wait3A_764 = arith.constant 0 : i32
      %dma_wait3A_765 = tpu.memref_slice %arg12[%dma_wait3A_763, %dma_wait3A_764] : memref<100000x4xf32, #tpu.memory_space<vmem_shared>> -> memref<100000x4xf32, #tpu.memory_space<vmem_shared>>
      tpu.wait_indirect_dma semaphore(%arg15 : memref<!tpu.dma_semaphore, #tpu.memory_space<semaphore_mem>>) src(%dma_wait3A_765 : memref<100000x4xf32, #tpu.memory_space<vmem_shared>>) dst(%arg9 : memref<128x4xf32, #tpu.memory_space<vmem>>)
      %dma_start3A_766 = arith.constant 25 : i32
      %dma_start3A_767 = arith.constant 0 : i32
      %dma_start3A_768 = tpu.memref_slice %arg7[%dma_start3A_766, %dma_start3A_767] : memref<40x128xi32, #tpu.memory_space<vmem>> -> memref<1x128xi32, #tpu.memory_space<vmem>>
      %dma_start3A_769 = tpu.memref_squeeze %dma_start3A_768 : memref<1x128xi32, #tpu.memory_space<vmem>> -> memref<128xi32, #tpu.memory_space<vmem>>
      %dma_start3A_770 = arith.constant 0 : i32
      %dma_start3A_771 = arith.constant 0 : i32
      %dma_start3A_772 = tpu.memref_slice %arg13[%dma_start3A_770, %dma_start3A_771] : memref<100000x4xf32, #tpu.memory_space<vmem_shared>> -> memref<100000x4xf32, #tpu.memory_space<vmem_shared>>
      tpu.enqueue_indirect_dma source(%arg9 : memref<128x4xf32, #tpu.memory_space<vmem>>) target(%dma_start3A_772 : memref<100000x4xf32, #tpu.memory_space<vmem_shared>>) offsets(%dma_start3A_769 : memref<128xi32, #tpu.memory_space<vmem>>) semaphore(%arg19 : memref<!tpu.dma_semaphore, #tpu.memory_space<semaphore_mem>>) {add = true}
      %dma_wait3A_773 = arith.constant 25 : i32
      %dma_wait3A_774 = arith.constant 0 : i32
      %dma_wait3A_775 = tpu.memref_slice %arg7[%dma_wait3A_773, %dma_wait3A_774] : memref<40x128xi32, #tpu.memory_space<vmem>> -> memref<1x128xi32, #tpu.memory_space<vmem>>
      %dma_wait3A_776 = tpu.memref_squeeze %dma_wait3A_775 : memref<1x128xi32, #tpu.memory_space<vmem>> -> memref<128xi32, #tpu.memory_space<vmem>>
      %dma_wait3A_777 = arith.constant 0 : i32
      %dma_wait3A_778 = arith.constant 0 : i32
      %dma_wait3A_779 = tpu.memref_slice %arg13[%dma_wait3A_777, %dma_wait3A_778] : memref<100000x4xf32, #tpu.memory_space<vmem_shared>> -> memref<100000x4xf32, #tpu.memory_space<vmem_shared>>
      tpu.wait_indirect_dma semaphore(%arg19 : memref<!tpu.dma_semaphore, #tpu.memory_space<semaphore_mem>>) src(%arg9 : memref<128x4xf32, #tpu.memory_space<vmem>>) dst(%dma_wait3A_779 : memref<100000x4xf32, #tpu.memory_space<vmem_shared>>)
      %dma_start3A_780 = arith.constant 29 : i32
      %dma_start3A_781 = arith.constant 0 : i32
      %dma_start3A_782 = tpu.memref_slice %arg6[%dma_start3A_780, %dma_start3A_781] : memref<40x128xi32, #tpu.memory_space<vmem>> -> memref<1x128xi32, #tpu.memory_space<vmem>>
      %dma_start3A_783 = tpu.memref_squeeze %dma_start3A_782 : memref<1x128xi32, #tpu.memory_space<vmem>> -> memref<128xi32, #tpu.memory_space<vmem>>
      %dma_start3A_784 = arith.constant 0 : i32
      %dma_start3A_785 = arith.constant 0 : i32
      %dma_start3A_786 = tpu.memref_slice %arg12[%dma_start3A_784, %dma_start3A_785] : memref<100000x4xf32, #tpu.memory_space<vmem_shared>> -> memref<100000x4xf32, #tpu.memory_space<vmem_shared>>
      tpu.enqueue_indirect_dma source(%dma_start3A_786 : memref<100000x4xf32, #tpu.memory_space<vmem_shared>>) target(%arg9 : memref<128x4xf32, #tpu.memory_space<vmem>>) offsets(%dma_start3A_783 : memref<128xi32, #tpu.memory_space<vmem>>) semaphore(%arg15 : memref<!tpu.dma_semaphore, #tpu.memory_space<semaphore_mem>>)
      %dma_wait3A_787 = arith.constant 26 : i32
      %dma_wait3A_788 = arith.constant 0 : i32
      %dma_wait3A_789 = tpu.memref_slice %arg6[%dma_wait3A_787, %dma_wait3A_788] : memref<40x128xi32, #tpu.memory_space<vmem>> -> memref<1x128xi32, #tpu.memory_space<vmem>>
      %dma_wait3A_790 = tpu.memref_squeeze %dma_wait3A_789 : memref<1x128xi32, #tpu.memory_space<vmem>> -> memref<128xi32, #tpu.memory_space<vmem>>
      %dma_wait3A_791 = arith.constant 0 : i32
      %dma_wait3A_792 = arith.constant 0 : i32
      %dma_wait3A_793 = tpu.memref_slice %arg12[%dma_wait3A_791, %dma_wait3A_792] : memref<100000x4xf32, #tpu.memory_space<vmem_shared>> -> memref<100000x4xf32, #tpu.memory_space<vmem_shared>>
      tpu.wait_indirect_dma semaphore(%arg16 : memref<!tpu.dma_semaphore, #tpu.memory_space<semaphore_mem>>) src(%dma_wait3A_793 : memref<100000x4xf32, #tpu.memory_space<vmem_shared>>) dst(%arg10 : memref<128x4xf32, #tpu.memory_space<vmem>>)
      %dma_start3A_794 = arith.constant 26 : i32
      %dma_start3A_795 = arith.constant 0 : i32
      %dma_start3A_796 = tpu.memref_slice %arg7[%dma_start3A_794, %dma_start3A_795] : memref<40x128xi32, #tpu.memory_space<vmem>> -> memref<1x128xi32, #tpu.memory_space<vmem>>
      %dma_start3A_797 = tpu.memref_squeeze %dma_start3A_796 : memref<1x128xi32, #tpu.memory_space<vmem>> -> memref<128xi32, #tpu.memory_space<vmem>>
      %dma_start3A_798 = arith.constant 0 : i32
      %dma_start3A_799 = arith.constant 0 : i32
      %dma_start3A_800 = tpu.memref_slice %arg13[%dma_start3A_798, %dma_start3A_799] : memref<100000x4xf32, #tpu.memory_space<vmem_shared>> -> memref<100000x4xf32, #tpu.memory_space<vmem_shared>>
      tpu.enqueue_indirect_dma source(%arg10 : memref<128x4xf32, #tpu.memory_space<vmem>>) target(%dma_start3A_800 : memref<100000x4xf32, #tpu.memory_space<vmem_shared>>) offsets(%dma_start3A_797 : memref<128xi32, #tpu.memory_space<vmem>>) semaphore(%arg20 : memref<!tpu.dma_semaphore, #tpu.memory_space<semaphore_mem>>) {add = true}
      %dma_wait3A_801 = arith.constant 26 : i32
      %dma_wait3A_802 = arith.constant 0 : i32
      %dma_wait3A_803 = tpu.memref_slice %arg7[%dma_wait3A_801, %dma_wait3A_802] : memref<40x128xi32, #tpu.memory_space<vmem>> -> memref<1x128xi32, #tpu.memory_space<vmem>>
      %dma_wait3A_804 = tpu.memref_squeeze %dma_wait3A_803 : memref<1x128xi32, #tpu.memory_space<vmem>> -> memref<128xi32, #tpu.memory_space<vmem>>
      %dma_wait3A_805 = arith.constant 0 : i32
      %dma_wait3A_806 = arith.constant 0 : i32
      %dma_wait3A_807 = tpu.memref_slice %arg13[%dma_wait3A_805, %dma_wait3A_806] : memref<100000x4xf32, #tpu.memory_space<vmem_shared>> -> memref<100000x4xf32, #tpu.memory_space<vmem_shared>>
      tpu.wait_indirect_dma semaphore(%arg20 : memref<!tpu.dma_semaphore, #tpu.memory_space<semaphore_mem>>) src(%arg10 : memref<128x4xf32, #tpu.memory_space<vmem>>) dst(%dma_wait3A_807 : memref<100000x4xf32, #tpu.memory_space<vmem_shared>>)
      %dma_start3A_808 = arith.constant 30 : i32
      %dma_start3A_809 = arith.constant 0 : i32
      %dma_start3A_810 = tpu.memref_slice %arg6[%dma_start3A_808, %dma_start3A_809] : memref<40x128xi32, #tpu.memory_space<vmem>> -> memref<1x128xi32, #tpu.memory_space<vmem>>
      %dma_start3A_811 = tpu.memref_squeeze %dma_start3A_810 : memref<1x128xi32, #tpu.memory_space<vmem>> -> memref<128xi32, #tpu.memory_space<vmem>>
      %dma_start3A_812 = arith.constant 0 : i32
      %dma_start3A_813 = arith.constant 0 : i32
      %dma_start3A_814 = tpu.memref_slice %arg12[%dma_start3A_812, %dma_start3A_813] : memref<100000x4xf32, #tpu.memory_space<vmem_shared>> -> memref<100000x4xf32, #tpu.memory_space<vmem_shared>>
      tpu.enqueue_indirect_dma source(%dma_start3A_814 : memref<100000x4xf32, #tpu.memory_space<vmem_shared>>) target(%arg10 : memref<128x4xf32, #tpu.memory_space<vmem>>) offsets(%dma_start3A_811 : memref<128xi32, #tpu.memory_space<vmem>>) semaphore(%arg16 : memref<!tpu.dma_semaphore, #tpu.memory_space<semaphore_mem>>)
      %dma_wait3A_815 = arith.constant 27 : i32
      %dma_wait3A_816 = arith.constant 0 : i32
      %dma_wait3A_817 = tpu.memref_slice %arg6[%dma_wait3A_815, %dma_wait3A_816] : memref<40x128xi32, #tpu.memory_space<vmem>> -> memref<1x128xi32, #tpu.memory_space<vmem>>
      %dma_wait3A_818 = tpu.memref_squeeze %dma_wait3A_817 : memref<1x128xi32, #tpu.memory_space<vmem>> -> memref<128xi32, #tpu.memory_space<vmem>>
      %dma_wait3A_819 = arith.constant 0 : i32
      %dma_wait3A_820 = arith.constant 0 : i32
      %dma_wait3A_821 = tpu.memref_slice %arg12[%dma_wait3A_819, %dma_wait3A_820] : memref<100000x4xf32, #tpu.memory_space<vmem_shared>> -> memref<100000x4xf32, #tpu.memory_space<vmem_shared>>
      tpu.wait_indirect_dma semaphore(%arg17 : memref<!tpu.dma_semaphore, #tpu.memory_space<semaphore_mem>>) src(%dma_wait3A_821 : memref<100000x4xf32, #tpu.memory_space<vmem_shared>>) dst(%arg11 : memref<128x4xf32, #tpu.memory_space<vmem>>)
      %dma_start3A_822 = arith.constant 27 : i32
      %dma_start3A_823 = arith.constant 0 : i32
      %dma_start3A_824 = tpu.memref_slice %arg7[%dma_start3A_822, %dma_start3A_823] : memref<40x128xi32, #tpu.memory_space<vmem>> -> memref<1x128xi32, #tpu.memory_space<vmem>>
      %dma_start3A_825 = tpu.memref_squeeze %dma_start3A_824 : memref<1x128xi32, #tpu.memory_space<vmem>> -> memref<128xi32, #tpu.memory_space<vmem>>
      %dma_start3A_826 = arith.constant 0 : i32
      %dma_start3A_827 = arith.constant 0 : i32
      %dma_start3A_828 = tpu.memref_slice %arg13[%dma_start3A_826, %dma_start3A_827] : memref<100000x4xf32, #tpu.memory_space<vmem_shared>> -> memref<100000x4xf32, #tpu.memory_space<vmem_shared>>
      tpu.enqueue_indirect_dma source(%arg11 : memref<128x4xf32, #tpu.memory_space<vmem>>) target(%dma_start3A_828 : memref<100000x4xf32, #tpu.memory_space<vmem_shared>>) offsets(%dma_start3A_825 : memref<128xi32, #tpu.memory_space<vmem>>) semaphore(%arg21 : memref<!tpu.dma_semaphore, #tpu.memory_space<semaphore_mem>>) {add = true}
      %dma_wait3A_829 = arith.constant 27 : i32
      %dma_wait3A_830 = arith.constant 0 : i32
      %dma_wait3A_831 = tpu.memref_slice %arg7[%dma_wait3A_829, %dma_wait3A_830] : memref<40x128xi32, #tpu.memory_space<vmem>> -> memref<1x128xi32, #tpu.memory_space<vmem>>
      %dma_wait3A_832 = tpu.memref_squeeze %dma_wait3A_831 : memref<1x128xi32, #tpu.memory_space<vmem>> -> memref<128xi32, #tpu.memory_space<vmem>>
      %dma_wait3A_833 = arith.constant 0 : i32
      %dma_wait3A_834 = arith.constant 0 : i32
      %dma_wait3A_835 = tpu.memref_slice %arg13[%dma_wait3A_833, %dma_wait3A_834] : memref<100000x4xf32, #tpu.memory_space<vmem_shared>> -> memref<100000x4xf32, #tpu.memory_space<vmem_shared>>
      tpu.wait_indirect_dma semaphore(%arg21 : memref<!tpu.dma_semaphore, #tpu.memory_space<semaphore_mem>>) src(%arg11 : memref<128x4xf32, #tpu.memory_space<vmem>>) dst(%dma_wait3A_835 : memref<100000x4xf32, #tpu.memory_space<vmem_shared>>)
      %dma_start3A_836 = arith.constant 31 : i32
      %dma_start3A_837 = arith.constant 0 : i32
      %dma_start3A_838 = tpu.memref_slice %arg6[%dma_start3A_836, %dma_start3A_837] : memref<40x128xi32, #tpu.memory_space<vmem>> -> memref<1x128xi32, #tpu.memory_space<vmem>>
      %dma_start3A_839 = tpu.memref_squeeze %dma_start3A_838 : memref<1x128xi32, #tpu.memory_space<vmem>> -> memref<128xi32, #tpu.memory_space<vmem>>
      %dma_start3A_840 = arith.constant 0 : i32
      %dma_start3A_841 = arith.constant 0 : i32
      %dma_start3A_842 = tpu.memref_slice %arg12[%dma_start3A_840, %dma_start3A_841] : memref<100000x4xf32, #tpu.memory_space<vmem_shared>> -> memref<100000x4xf32, #tpu.memory_space<vmem_shared>>
      tpu.enqueue_indirect_dma source(%dma_start3A_842 : memref<100000x4xf32, #tpu.memory_space<vmem_shared>>) target(%arg11 : memref<128x4xf32, #tpu.memory_space<vmem>>) offsets(%dma_start3A_839 : memref<128xi32, #tpu.memory_space<vmem>>) semaphore(%arg17 : memref<!tpu.dma_semaphore, #tpu.memory_space<semaphore_mem>>)
      %dma_wait3A_843 = arith.constant 28 : i32
      %dma_wait3A_844 = arith.constant 0 : i32
      %dma_wait3A_845 = tpu.memref_slice %arg6[%dma_wait3A_843, %dma_wait3A_844] : memref<40x128xi32, #tpu.memory_space<vmem>> -> memref<1x128xi32, #tpu.memory_space<vmem>>
      %dma_wait3A_846 = tpu.memref_squeeze %dma_wait3A_845 : memref<1x128xi32, #tpu.memory_space<vmem>> -> memref<128xi32, #tpu.memory_space<vmem>>
      %dma_wait3A_847 = arith.constant 0 : i32
      %dma_wait3A_848 = arith.constant 0 : i32
      %dma_wait3A_849 = tpu.memref_slice %arg12[%dma_wait3A_847, %dma_wait3A_848] : memref<100000x4xf32, #tpu.memory_space<vmem_shared>> -> memref<100000x4xf32, #tpu.memory_space<vmem_shared>>
      tpu.wait_indirect_dma semaphore(%arg14 : memref<!tpu.dma_semaphore, #tpu.memory_space<semaphore_mem>>) src(%dma_wait3A_849 : memref<100000x4xf32, #tpu.memory_space<vmem_shared>>) dst(%arg8 : memref<128x4xf32, #tpu.memory_space<vmem>>)
      %dma_start3A_850 = arith.constant 28 : i32
      %dma_start3A_851 = arith.constant 0 : i32
      %dma_start3A_852 = tpu.memref_slice %arg7[%dma_start3A_850, %dma_start3A_851] : memref<40x128xi32, #tpu.memory_space<vmem>> -> memref<1x128xi32, #tpu.memory_space<vmem>>
      %dma_start3A_853 = tpu.memref_squeeze %dma_start3A_852 : memref<1x128xi32, #tpu.memory_space<vmem>> -> memref<128xi32, #tpu.memory_space<vmem>>
      %dma_start3A_854 = arith.constant 0 : i32
      %dma_start3A_855 = arith.constant 0 : i32
      %dma_start3A_856 = tpu.memref_slice %arg13[%dma_start3A_854, %dma_start3A_855] : memref<100000x4xf32, #tpu.memory_space<vmem_shared>> -> memref<100000x4xf32, #tpu.memory_space<vmem_shared>>
      tpu.enqueue_indirect_dma source(%arg8 : memref<128x4xf32, #tpu.memory_space<vmem>>) target(%dma_start3A_856 : memref<100000x4xf32, #tpu.memory_space<vmem_shared>>) offsets(%dma_start3A_853 : memref<128xi32, #tpu.memory_space<vmem>>) semaphore(%arg18 : memref<!tpu.dma_semaphore, #tpu.memory_space<semaphore_mem>>) {add = true}
      %dma_wait3A_857 = arith.constant 28 : i32
      %dma_wait3A_858 = arith.constant 0 : i32
      %dma_wait3A_859 = tpu.memref_slice %arg7[%dma_wait3A_857, %dma_wait3A_858] : memref<40x128xi32, #tpu.memory_space<vmem>> -> memref<1x128xi32, #tpu.memory_space<vmem>>
      %dma_wait3A_860 = tpu.memref_squeeze %dma_wait3A_859 : memref<1x128xi32, #tpu.memory_space<vmem>> -> memref<128xi32, #tpu.memory_space<vmem>>
      %dma_wait3A_861 = arith.constant 0 : i32
      %dma_wait3A_862 = arith.constant 0 : i32
      %dma_wait3A_863 = tpu.memref_slice %arg13[%dma_wait3A_861, %dma_wait3A_862] : memref<100000x4xf32, #tpu.memory_space<vmem_shared>> -> memref<100000x4xf32, #tpu.memory_space<vmem_shared>>
      tpu.wait_indirect_dma semaphore(%arg18 : memref<!tpu.dma_semaphore, #tpu.memory_space<semaphore_mem>>) src(%arg8 : memref<128x4xf32, #tpu.memory_space<vmem>>) dst(%dma_wait3A_863 : memref<100000x4xf32, #tpu.memory_space<vmem_shared>>)
      %dma_start3A_864 = arith.constant 32 : i32
      %dma_start3A_865 = arith.constant 0 : i32
      %dma_start3A_866 = tpu.memref_slice %arg6[%dma_start3A_864, %dma_start3A_865] : memref<40x128xi32, #tpu.memory_space<vmem>> -> memref<1x128xi32, #tpu.memory_space<vmem>>
      %dma_start3A_867 = tpu.memref_squeeze %dma_start3A_866 : memref<1x128xi32, #tpu.memory_space<vmem>> -> memref<128xi32, #tpu.memory_space<vmem>>
      %dma_start3A_868 = arith.constant 0 : i32
      %dma_start3A_869 = arith.constant 0 : i32
      %dma_start3A_870 = tpu.memref_slice %arg12[%dma_start3A_868, %dma_start3A_869] : memref<100000x4xf32, #tpu.memory_space<vmem_shared>> -> memref<100000x4xf32, #tpu.memory_space<vmem_shared>>
      tpu.enqueue_indirect_dma source(%dma_start3A_870 : memref<100000x4xf32, #tpu.memory_space<vmem_shared>>) target(%arg8 : memref<128x4xf32, #tpu.memory_space<vmem>>) offsets(%dma_start3A_867 : memref<128xi32, #tpu.memory_space<vmem>>) semaphore(%arg14 : memref<!tpu.dma_semaphore, #tpu.memory_space<semaphore_mem>>)
      %dma_wait3A_871 = arith.constant 29 : i32
      %dma_wait3A_872 = arith.constant 0 : i32
      %dma_wait3A_873 = tpu.memref_slice %arg6[%dma_wait3A_871, %dma_wait3A_872] : memref<40x128xi32, #tpu.memory_space<vmem>> -> memref<1x128xi32, #tpu.memory_space<vmem>>
      %dma_wait3A_874 = tpu.memref_squeeze %dma_wait3A_873 : memref<1x128xi32, #tpu.memory_space<vmem>> -> memref<128xi32, #tpu.memory_space<vmem>>
      %dma_wait3A_875 = arith.constant 0 : i32
      %dma_wait3A_876 = arith.constant 0 : i32
      %dma_wait3A_877 = tpu.memref_slice %arg12[%dma_wait3A_875, %dma_wait3A_876] : memref<100000x4xf32, #tpu.memory_space<vmem_shared>> -> memref<100000x4xf32, #tpu.memory_space<vmem_shared>>
      tpu.wait_indirect_dma semaphore(%arg15 : memref<!tpu.dma_semaphore, #tpu.memory_space<semaphore_mem>>) src(%dma_wait3A_877 : memref<100000x4xf32, #tpu.memory_space<vmem_shared>>) dst(%arg9 : memref<128x4xf32, #tpu.memory_space<vmem>>)
      %dma_start3A_878 = arith.constant 29 : i32
      %dma_start3A_879 = arith.constant 0 : i32
      %dma_start3A_880 = tpu.memref_slice %arg7[%dma_start3A_878, %dma_start3A_879] : memref<40x128xi32, #tpu.memory_space<vmem>> -> memref<1x128xi32, #tpu.memory_space<vmem>>
      %dma_start3A_881 = tpu.memref_squeeze %dma_start3A_880 : memref<1x128xi32, #tpu.memory_space<vmem>> -> memref<128xi32, #tpu.memory_space<vmem>>
      %dma_start3A_882 = arith.constant 0 : i32
      %dma_start3A_883 = arith.constant 0 : i32
      %dma_start3A_884 = tpu.memref_slice %arg13[%dma_start3A_882, %dma_start3A_883] : memref<100000x4xf32, #tpu.memory_space<vmem_shared>> -> memref<100000x4xf32, #tpu.memory_space<vmem_shared>>
      tpu.enqueue_indirect_dma source(%arg9 : memref<128x4xf32, #tpu.memory_space<vmem>>) target(%dma_start3A_884 : memref<100000x4xf32, #tpu.memory_space<vmem_shared>>) offsets(%dma_start3A_881 : memref<128xi32, #tpu.memory_space<vmem>>) semaphore(%arg19 : memref<!tpu.dma_semaphore, #tpu.memory_space<semaphore_mem>>) {add = true}
      %dma_wait3A_885 = arith.constant 29 : i32
      %dma_wait3A_886 = arith.constant 0 : i32
      %dma_wait3A_887 = tpu.memref_slice %arg7[%dma_wait3A_885, %dma_wait3A_886] : memref<40x128xi32, #tpu.memory_space<vmem>> -> memref<1x128xi32, #tpu.memory_space<vmem>>
      %dma_wait3A_888 = tpu.memref_squeeze %dma_wait3A_887 : memref<1x128xi32, #tpu.memory_space<vmem>> -> memref<128xi32, #tpu.memory_space<vmem>>
      %dma_wait3A_889 = arith.constant 0 : i32
      %dma_wait3A_890 = arith.constant 0 : i32
      %dma_wait3A_891 = tpu.memref_slice %arg13[%dma_wait3A_889, %dma_wait3A_890] : memref<100000x4xf32, #tpu.memory_space<vmem_shared>> -> memref<100000x4xf32, #tpu.memory_space<vmem_shared>>
      tpu.wait_indirect_dma semaphore(%arg19 : memref<!tpu.dma_semaphore, #tpu.memory_space<semaphore_mem>>) src(%arg9 : memref<128x4xf32, #tpu.memory_space<vmem>>) dst(%dma_wait3A_891 : memref<100000x4xf32, #tpu.memory_space<vmem_shared>>)
      %dma_start3A_892 = arith.constant 33 : i32
      %dma_start3A_893 = arith.constant 0 : i32
      %dma_start3A_894 = tpu.memref_slice %arg6[%dma_start3A_892, %dma_start3A_893] : memref<40x128xi32, #tpu.memory_space<vmem>> -> memref<1x128xi32, #tpu.memory_space<vmem>>
      %dma_start3A_895 = tpu.memref_squeeze %dma_start3A_894 : memref<1x128xi32, #tpu.memory_space<vmem>> -> memref<128xi32, #tpu.memory_space<vmem>>
      %dma_start3A_896 = arith.constant 0 : i32
      %dma_start3A_897 = arith.constant 0 : i32
      %dma_start3A_898 = tpu.memref_slice %arg12[%dma_start3A_896, %dma_start3A_897] : memref<100000x4xf32, #tpu.memory_space<vmem_shared>> -> memref<100000x4xf32, #tpu.memory_space<vmem_shared>>
      tpu.enqueue_indirect_dma source(%dma_start3A_898 : memref<100000x4xf32, #tpu.memory_space<vmem_shared>>) target(%arg9 : memref<128x4xf32, #tpu.memory_space<vmem>>) offsets(%dma_start3A_895 : memref<128xi32, #tpu.memory_space<vmem>>) semaphore(%arg15 : memref<!tpu.dma_semaphore, #tpu.memory_space<semaphore_mem>>)
      %dma_wait3A_899 = arith.constant 30 : i32
      %dma_wait3A_900 = arith.constant 0 : i32
      %dma_wait3A_901 = tpu.memref_slice %arg6[%dma_wait3A_899, %dma_wait3A_900] : memref<40x128xi32, #tpu.memory_space<vmem>> -> memref<1x128xi32, #tpu.memory_space<vmem>>
      %dma_wait3A_902 = tpu.memref_squeeze %dma_wait3A_901 : memref<1x128xi32, #tpu.memory_space<vmem>> -> memref<128xi32, #tpu.memory_space<vmem>>
      %dma_wait3A_903 = arith.constant 0 : i32
      %dma_wait3A_904 = arith.constant 0 : i32
      %dma_wait3A_905 = tpu.memref_slice %arg12[%dma_wait3A_903, %dma_wait3A_904] : memref<100000x4xf32, #tpu.memory_space<vmem_shared>> -> memref<100000x4xf32, #tpu.memory_space<vmem_shared>>
      tpu.wait_indirect_dma semaphore(%arg16 : memref<!tpu.dma_semaphore, #tpu.memory_space<semaphore_mem>>) src(%dma_wait3A_905 : memref<100000x4xf32, #tpu.memory_space<vmem_shared>>) dst(%arg10 : memref<128x4xf32, #tpu.memory_space<vmem>>)
      %dma_start3A_906 = arith.constant 30 : i32
      %dma_start3A_907 = arith.constant 0 : i32
      %dma_start3A_908 = tpu.memref_slice %arg7[%dma_start3A_906, %dma_start3A_907] : memref<40x128xi32, #tpu.memory_space<vmem>> -> memref<1x128xi32, #tpu.memory_space<vmem>>
      %dma_start3A_909 = tpu.memref_squeeze %dma_start3A_908 : memref<1x128xi32, #tpu.memory_space<vmem>> -> memref<128xi32, #tpu.memory_space<vmem>>
      %dma_start3A_910 = arith.constant 0 : i32
      %dma_start3A_911 = arith.constant 0 : i32
      %dma_start3A_912 = tpu.memref_slice %arg13[%dma_start3A_910, %dma_start3A_911] : memref<100000x4xf32, #tpu.memory_space<vmem_shared>> -> memref<100000x4xf32, #tpu.memory_space<vmem_shared>>
      tpu.enqueue_indirect_dma source(%arg10 : memref<128x4xf32, #tpu.memory_space<vmem>>) target(%dma_start3A_912 : memref<100000x4xf32, #tpu.memory_space<vmem_shared>>) offsets(%dma_start3A_909 : memref<128xi32, #tpu.memory_space<vmem>>) semaphore(%arg20 : memref<!tpu.dma_semaphore, #tpu.memory_space<semaphore_mem>>) {add = true}
      %dma_wait3A_913 = arith.constant 30 : i32
      %dma_wait3A_914 = arith.constant 0 : i32
      %dma_wait3A_915 = tpu.memref_slice %arg7[%dma_wait3A_913, %dma_wait3A_914] : memref<40x128xi32, #tpu.memory_space<vmem>> -> memref<1x128xi32, #tpu.memory_space<vmem>>
      %dma_wait3A_916 = tpu.memref_squeeze %dma_wait3A_915 : memref<1x128xi32, #tpu.memory_space<vmem>> -> memref<128xi32, #tpu.memory_space<vmem>>
      %dma_wait3A_917 = arith.constant 0 : i32
      %dma_wait3A_918 = arith.constant 0 : i32
      %dma_wait3A_919 = tpu.memref_slice %arg13[%dma_wait3A_917, %dma_wait3A_918] : memref<100000x4xf32, #tpu.memory_space<vmem_shared>> -> memref<100000x4xf32, #tpu.memory_space<vmem_shared>>
      tpu.wait_indirect_dma semaphore(%arg20 : memref<!tpu.dma_semaphore, #tpu.memory_space<semaphore_mem>>) src(%arg10 : memref<128x4xf32, #tpu.memory_space<vmem>>) dst(%dma_wait3A_919 : memref<100000x4xf32, #tpu.memory_space<vmem_shared>>)
      %dma_start3A_920 = arith.constant 34 : i32
      %dma_start3A_921 = arith.constant 0 : i32
      %dma_start3A_922 = tpu.memref_slice %arg6[%dma_start3A_920, %dma_start3A_921] : memref<40x128xi32, #tpu.memory_space<vmem>> -> memref<1x128xi32, #tpu.memory_space<vmem>>
      %dma_start3A_923 = tpu.memref_squeeze %dma_start3A_922 : memref<1x128xi32, #tpu.memory_space<vmem>> -> memref<128xi32, #tpu.memory_space<vmem>>
      %dma_start3A_924 = arith.constant 0 : i32
      %dma_start3A_925 = arith.constant 0 : i32
      %dma_start3A_926 = tpu.memref_slice %arg12[%dma_start3A_924, %dma_start3A_925] : memref<100000x4xf32, #tpu.memory_space<vmem_shared>> -> memref<100000x4xf32, #tpu.memory_space<vmem_shared>>
      tpu.enqueue_indirect_dma source(%dma_start3A_926 : memref<100000x4xf32, #tpu.memory_space<vmem_shared>>) target(%arg10 : memref<128x4xf32, #tpu.memory_space<vmem>>) offsets(%dma_start3A_923 : memref<128xi32, #tpu.memory_space<vmem>>) semaphore(%arg16 : memref<!tpu.dma_semaphore, #tpu.memory_space<semaphore_mem>>)
      %dma_wait3A_927 = arith.constant 31 : i32
      %dma_wait3A_928 = arith.constant 0 : i32
      %dma_wait3A_929 = tpu.memref_slice %arg6[%dma_wait3A_927, %dma_wait3A_928] : memref<40x128xi32, #tpu.memory_space<vmem>> -> memref<1x128xi32, #tpu.memory_space<vmem>>
      %dma_wait3A_930 = tpu.memref_squeeze %dma_wait3A_929 : memref<1x128xi32, #tpu.memory_space<vmem>> -> memref<128xi32, #tpu.memory_space<vmem>>
      %dma_wait3A_931 = arith.constant 0 : i32
      %dma_wait3A_932 = arith.constant 0 : i32
      %dma_wait3A_933 = tpu.memref_slice %arg12[%dma_wait3A_931, %dma_wait3A_932] : memref<100000x4xf32, #tpu.memory_space<vmem_shared>> -> memref<100000x4xf32, #tpu.memory_space<vmem_shared>>
      tpu.wait_indirect_dma semaphore(%arg17 : memref<!tpu.dma_semaphore, #tpu.memory_space<semaphore_mem>>) src(%dma_wait3A_933 : memref<100000x4xf32, #tpu.memory_space<vmem_shared>>) dst(%arg11 : memref<128x4xf32, #tpu.memory_space<vmem>>)
      %dma_start3A_934 = arith.constant 31 : i32
      %dma_start3A_935 = arith.constant 0 : i32
      %dma_start3A_936 = tpu.memref_slice %arg7[%dma_start3A_934, %dma_start3A_935] : memref<40x128xi32, #tpu.memory_space<vmem>> -> memref<1x128xi32, #tpu.memory_space<vmem>>
      %dma_start3A_937 = tpu.memref_squeeze %dma_start3A_936 : memref<1x128xi32, #tpu.memory_space<vmem>> -> memref<128xi32, #tpu.memory_space<vmem>>
      %dma_start3A_938 = arith.constant 0 : i32
      %dma_start3A_939 = arith.constant 0 : i32
      %dma_start3A_940 = tpu.memref_slice %arg13[%dma_start3A_938, %dma_start3A_939] : memref<100000x4xf32, #tpu.memory_space<vmem_shared>> -> memref<100000x4xf32, #tpu.memory_space<vmem_shared>>
      tpu.enqueue_indirect_dma source(%arg11 : memref<128x4xf32, #tpu.memory_space<vmem>>) target(%dma_start3A_940 : memref<100000x4xf32, #tpu.memory_space<vmem_shared>>) offsets(%dma_start3A_937 : memref<128xi32, #tpu.memory_space<vmem>>) semaphore(%arg21 : memref<!tpu.dma_semaphore, #tpu.memory_space<semaphore_mem>>) {add = true}
      %dma_wait3A_941 = arith.constant 31 : i32
      %dma_wait3A_942 = arith.constant 0 : i32
      %dma_wait3A_943 = tpu.memref_slice %arg7[%dma_wait3A_941, %dma_wait3A_942] : memref<40x128xi32, #tpu.memory_space<vmem>> -> memref<1x128xi32, #tpu.memory_space<vmem>>
      %dma_wait3A_944 = tpu.memref_squeeze %dma_wait3A_943 : memref<1x128xi32, #tpu.memory_space<vmem>> -> memref<128xi32, #tpu.memory_space<vmem>>
      %dma_wait3A_945 = arith.constant 0 : i32
      %dma_wait3A_946 = arith.constant 0 : i32
      %dma_wait3A_947 = tpu.memref_slice %arg13[%dma_wait3A_945, %dma_wait3A_946] : memref<100000x4xf32, #tpu.memory_space<vmem_shared>> -> memref<100000x4xf32, #tpu.memory_space<vmem_shared>>
      tpu.wait_indirect_dma semaphore(%arg21 : memref<!tpu.dma_semaphore, #tpu.memory_space<semaphore_mem>>) src(%arg11 : memref<128x4xf32, #tpu.memory_space<vmem>>) dst(%dma_wait3A_947 : memref<100000x4xf32, #tpu.memory_space<vmem_shared>>)
      %dma_start3A_948 = arith.constant 35 : i32
      %dma_start3A_949 = arith.constant 0 : i32
      %dma_start3A_950 = tpu.memref_slice %arg6[%dma_start3A_948, %dma_start3A_949] : memref<40x128xi32, #tpu.memory_space<vmem>> -> memref<1x128xi32, #tpu.memory_space<vmem>>
      %dma_start3A_951 = tpu.memref_squeeze %dma_start3A_950 : memref<1x128xi32, #tpu.memory_space<vmem>> -> memref<128xi32, #tpu.memory_space<vmem>>
      %dma_start3A_952 = arith.constant 0 : i32
      %dma_start3A_953 = arith.constant 0 : i32
      %dma_start3A_954 = tpu.memref_slice %arg12[%dma_start3A_952, %dma_start3A_953] : memref<100000x4xf32, #tpu.memory_space<vmem_shared>> -> memref<100000x4xf32, #tpu.memory_space<vmem_shared>>
      tpu.enqueue_indirect_dma source(%dma_start3A_954 : memref<100000x4xf32, #tpu.memory_space<vmem_shared>>) target(%arg11 : memref<128x4xf32, #tpu.memory_space<vmem>>) offsets(%dma_start3A_951 : memref<128xi32, #tpu.memory_space<vmem>>) semaphore(%arg17 : memref<!tpu.dma_semaphore, #tpu.memory_space<semaphore_mem>>)
      %dma_wait3A_955 = arith.constant 32 : i32
      %dma_wait3A_956 = arith.constant 0 : i32
      %dma_wait3A_957 = tpu.memref_slice %arg6[%dma_wait3A_955, %dma_wait3A_956] : memref<40x128xi32, #tpu.memory_space<vmem>> -> memref<1x128xi32, #tpu.memory_space<vmem>>
      %dma_wait3A_958 = tpu.memref_squeeze %dma_wait3A_957 : memref<1x128xi32, #tpu.memory_space<vmem>> -> memref<128xi32, #tpu.memory_space<vmem>>
      %dma_wait3A_959 = arith.constant 0 : i32
      %dma_wait3A_960 = arith.constant 0 : i32
      %dma_wait3A_961 = tpu.memref_slice %arg12[%dma_wait3A_959, %dma_wait3A_960] : memref<100000x4xf32, #tpu.memory_space<vmem_shared>> -> memref<100000x4xf32, #tpu.memory_space<vmem_shared>>
      tpu.wait_indirect_dma semaphore(%arg14 : memref<!tpu.dma_semaphore, #tpu.memory_space<semaphore_mem>>) src(%dma_wait3A_961 : memref<100000x4xf32, #tpu.memory_space<vmem_shared>>) dst(%arg8 : memref<128x4xf32, #tpu.memory_space<vmem>>)
      %dma_start3A_962 = arith.constant 32 : i32
      %dma_start3A_963 = arith.constant 0 : i32
      %dma_start3A_964 = tpu.memref_slice %arg7[%dma_start3A_962, %dma_start3A_963] : memref<40x128xi32, #tpu.memory_space<vmem>> -> memref<1x128xi32, #tpu.memory_space<vmem>>
      %dma_start3A_965 = tpu.memref_squeeze %dma_start3A_964 : memref<1x128xi32, #tpu.memory_space<vmem>> -> memref<128xi32, #tpu.memory_space<vmem>>
      %dma_start3A_966 = arith.constant 0 : i32
      %dma_start3A_967 = arith.constant 0 : i32
      %dma_start3A_968 = tpu.memref_slice %arg13[%dma_start3A_966, %dma_start3A_967] : memref<100000x4xf32, #tpu.memory_space<vmem_shared>> -> memref<100000x4xf32, #tpu.memory_space<vmem_shared>>
      tpu.enqueue_indirect_dma source(%arg8 : memref<128x4xf32, #tpu.memory_space<vmem>>) target(%dma_start3A_968 : memref<100000x4xf32, #tpu.memory_space<vmem_shared>>) offsets(%dma_start3A_965 : memref<128xi32, #tpu.memory_space<vmem>>) semaphore(%arg18 : memref<!tpu.dma_semaphore, #tpu.memory_space<semaphore_mem>>) {add = true}
      %dma_wait3A_969 = arith.constant 32 : i32
      %dma_wait3A_970 = arith.constant 0 : i32
      %dma_wait3A_971 = tpu.memref_slice %arg7[%dma_wait3A_969, %dma_wait3A_970] : memref<40x128xi32, #tpu.memory_space<vmem>> -> memref<1x128xi32, #tpu.memory_space<vmem>>
      %dma_wait3A_972 = tpu.memref_squeeze %dma_wait3A_971 : memref<1x128xi32, #tpu.memory_space<vmem>> -> memref<128xi32, #tpu.memory_space<vmem>>
      %dma_wait3A_973 = arith.constant 0 : i32
      %dma_wait3A_974 = arith.constant 0 : i32
      %dma_wait3A_975 = tpu.memref_slice %arg13[%dma_wait3A_973, %dma_wait3A_974] : memref<100000x4xf32, #tpu.memory_space<vmem_shared>> -> memref<100000x4xf32, #tpu.memory_space<vmem_shared>>
      tpu.wait_indirect_dma semaphore(%arg18 : memref<!tpu.dma_semaphore, #tpu.memory_space<semaphore_mem>>) src(%arg8 : memref<128x4xf32, #tpu.memory_space<vmem>>) dst(%dma_wait3A_975 : memref<100000x4xf32, #tpu.memory_space<vmem_shared>>)
      %dma_start3A_976 = arith.constant 36 : i32
      %dma_start3A_977 = arith.constant 0 : i32
      %dma_start3A_978 = tpu.memref_slice %arg6[%dma_start3A_976, %dma_start3A_977] : memref<40x128xi32, #tpu.memory_space<vmem>> -> memref<1x128xi32, #tpu.memory_space<vmem>>
      %dma_start3A_979 = tpu.memref_squeeze %dma_start3A_978 : memref<1x128xi32, #tpu.memory_space<vmem>> -> memref<128xi32, #tpu.memory_space<vmem>>
      %dma_start3A_980 = arith.constant 0 : i32
      %dma_start3A_981 = arith.constant 0 : i32
      %dma_start3A_982 = tpu.memref_slice %arg12[%dma_start3A_980, %dma_start3A_981] : memref<100000x4xf32, #tpu.memory_space<vmem_shared>> -> memref<100000x4xf32, #tpu.memory_space<vmem_shared>>
      tpu.enqueue_indirect_dma source(%dma_start3A_982 : memref<100000x4xf32, #tpu.memory_space<vmem_shared>>) target(%arg8 : memref<128x4xf32, #tpu.memory_space<vmem>>) offsets(%dma_start3A_979 : memref<128xi32, #tpu.memory_space<vmem>>) semaphore(%arg14 : memref<!tpu.dma_semaphore, #tpu.memory_space<semaphore_mem>>)
      %dma_wait3A_983 = arith.constant 33 : i32
      %dma_wait3A_984 = arith.constant 0 : i32
      %dma_wait3A_985 = tpu.memref_slice %arg6[%dma_wait3A_983, %dma_wait3A_984] : memref<40x128xi32, #tpu.memory_space<vmem>> -> memref<1x128xi32, #tpu.memory_space<vmem>>
      %dma_wait3A_986 = tpu.memref_squeeze %dma_wait3A_985 : memref<1x128xi32, #tpu.memory_space<vmem>> -> memref<128xi32, #tpu.memory_space<vmem>>
      %dma_wait3A_987 = arith.constant 0 : i32
      %dma_wait3A_988 = arith.constant 0 : i32
      %dma_wait3A_989 = tpu.memref_slice %arg12[%dma_wait3A_987, %dma_wait3A_988] : memref<100000x4xf32, #tpu.memory_space<vmem_shared>> -> memref<100000x4xf32, #tpu.memory_space<vmem_shared>>
      tpu.wait_indirect_dma semaphore(%arg15 : memref<!tpu.dma_semaphore, #tpu.memory_space<semaphore_mem>>) src(%dma_wait3A_989 : memref<100000x4xf32, #tpu.memory_space<vmem_shared>>) dst(%arg9 : memref<128x4xf32, #tpu.memory_space<vmem>>)
      %dma_start3A_990 = arith.constant 33 : i32
      %dma_start3A_991 = arith.constant 0 : i32
      %dma_start3A_992 = tpu.memref_slice %arg7[%dma_start3A_990, %dma_start3A_991] : memref<40x128xi32, #tpu.memory_space<vmem>> -> memref<1x128xi32, #tpu.memory_space<vmem>>
      %dma_start3A_993 = tpu.memref_squeeze %dma_start3A_992 : memref<1x128xi32, #tpu.memory_space<vmem>> -> memref<128xi32, #tpu.memory_space<vmem>>
      %dma_start3A_994 = arith.constant 0 : i32
      %dma_start3A_995 = arith.constant 0 : i32
      %dma_start3A_996 = tpu.memref_slice %arg13[%dma_start3A_994, %dma_start3A_995] : memref<100000x4xf32, #tpu.memory_space<vmem_shared>> -> memref<100000x4xf32, #tpu.memory_space<vmem_shared>>
      tpu.enqueue_indirect_dma source(%arg9 : memref<128x4xf32, #tpu.memory_space<vmem>>) target(%dma_start3A_996 : memref<100000x4xf32, #tpu.memory_space<vmem_shared>>) offsets(%dma_start3A_993 : memref<128xi32, #tpu.memory_space<vmem>>) semaphore(%arg19 : memref<!tpu.dma_semaphore, #tpu.memory_space<semaphore_mem>>) {add = true}
      %dma_wait3A_997 = arith.constant 33 : i32
      %dma_wait3A_998 = arith.constant 0 : i32
      %dma_wait3A_999 = tpu.memref_slice %arg7[%dma_wait3A_997, %dma_wait3A_998] : memref<40x128xi32, #tpu.memory_space<vmem>> -> memref<1x128xi32, #tpu.memory_space<vmem>>
      %dma_wait3A_1000 = tpu.memref_squeeze %dma_wait3A_999 : memref<1x128xi32, #tpu.memory_space<vmem>> -> memref<128xi32, #tpu.memory_space<vmem>>
      %dma_wait3A_1001 = arith.constant 0 : i32
      %dma_wait3A_1002 = arith.constant 0 : i32
      %dma_wait3A_1003 = tpu.memref_slice %arg13[%dma_wait3A_1001, %dma_wait3A_1002] : memref<100000x4xf32, #tpu.memory_space<vmem_shared>> -> memref<100000x4xf32, #tpu.memory_space<vmem_shared>>
      tpu.wait_indirect_dma semaphore(%arg19 : memref<!tpu.dma_semaphore, #tpu.memory_space<semaphore_mem>>) src(%arg9 : memref<128x4xf32, #tpu.memory_space<vmem>>) dst(%dma_wait3A_1003 : memref<100000x4xf32, #tpu.memory_space<vmem_shared>>)
      %dma_start3A_1004 = arith.constant 37 : i32
      %dma_start3A_1005 = arith.constant 0 : i32
      %dma_start3A_1006 = tpu.memref_slice %arg6[%dma_start3A_1004, %dma_start3A_1005] : memref<40x128xi32, #tpu.memory_space<vmem>> -> memref<1x128xi32, #tpu.memory_space<vmem>>
      %dma_start3A_1007 = tpu.memref_squeeze %dma_start3A_1006 : memref<1x128xi32, #tpu.memory_space<vmem>> -> memref<128xi32, #tpu.memory_space<vmem>>
      %dma_start3A_1008 = arith.constant 0 : i32
      %dma_start3A_1009 = arith.constant 0 : i32
      %dma_start3A_1010 = tpu.memref_slice %arg12[%dma_start3A_1008, %dma_start3A_1009] : memref<100000x4xf32, #tpu.memory_space<vmem_shared>> -> memref<100000x4xf32, #tpu.memory_space<vmem_shared>>
      tpu.enqueue_indirect_dma source(%dma_start3A_1010 : memref<100000x4xf32, #tpu.memory_space<vmem_shared>>) target(%arg9 : memref<128x4xf32, #tpu.memory_space<vmem>>) offsets(%dma_start3A_1007 : memref<128xi32, #tpu.memory_space<vmem>>) semaphore(%arg15 : memref<!tpu.dma_semaphore, #tpu.memory_space<semaphore_mem>>)
      %dma_wait3A_1011 = arith.constant 34 : i32
      %dma_wait3A_1012 = arith.constant 0 : i32
      %dma_wait3A_1013 = tpu.memref_slice %arg6[%dma_wait3A_1011, %dma_wait3A_1012] : memref<40x128xi32, #tpu.memory_space<vmem>> -> memref<1x128xi32, #tpu.memory_space<vmem>>
      %dma_wait3A_1014 = tpu.memref_squeeze %dma_wait3A_1013 : memref<1x128xi32, #tpu.memory_space<vmem>> -> memref<128xi32, #tpu.memory_space<vmem>>
      %dma_wait3A_1015 = arith.constant 0 : i32
      %dma_wait3A_1016 = arith.constant 0 : i32
      %dma_wait3A_1017 = tpu.memref_slice %arg12[%dma_wait3A_1015, %dma_wait3A_1016] : memref<100000x4xf32, #tpu.memory_space<vmem_shared>> -> memref<100000x4xf32, #tpu.memory_space<vmem_shared>>
      tpu.wait_indirect_dma semaphore(%arg16 : memref<!tpu.dma_semaphore, #tpu.memory_space<semaphore_mem>>) src(%dma_wait3A_1017 : memref<100000x4xf32, #tpu.memory_space<vmem_shared>>) dst(%arg10 : memref<128x4xf32, #tpu.memory_space<vmem>>)
      %dma_start3A_1018 = arith.constant 34 : i32
      %dma_start3A_1019 = arith.constant 0 : i32
      %dma_start3A_1020 = tpu.memref_slice %arg7[%dma_start3A_1018, %dma_start3A_1019] : memref<40x128xi32, #tpu.memory_space<vmem>> -> memref<1x128xi32, #tpu.memory_space<vmem>>
      %dma_start3A_1021 = tpu.memref_squeeze %dma_start3A_1020 : memref<1x128xi32, #tpu.memory_space<vmem>> -> memref<128xi32, #tpu.memory_space<vmem>>
      %dma_start3A_1022 = arith.constant 0 : i32
      %dma_start3A_1023 = arith.constant 0 : i32
      %dma_start3A_1024 = tpu.memref_slice %arg13[%dma_start3A_1022, %dma_start3A_1023] : memref<100000x4xf32, #tpu.memory_space<vmem_shared>> -> memref<100000x4xf32, #tpu.memory_space<vmem_shared>>
      tpu.enqueue_indirect_dma source(%arg10 : memref<128x4xf32, #tpu.memory_space<vmem>>) target(%dma_start3A_1024 : memref<100000x4xf32, #tpu.memory_space<vmem_shared>>) offsets(%dma_start3A_1021 : memref<128xi32, #tpu.memory_space<vmem>>) semaphore(%arg20 : memref<!tpu.dma_semaphore, #tpu.memory_space<semaphore_mem>>) {add = true}
      %dma_wait3A_1025 = arith.constant 34 : i32
      %dma_wait3A_1026 = arith.constant 0 : i32
      %dma_wait3A_1027 = tpu.memref_slice %arg7[%dma_wait3A_1025, %dma_wait3A_1026] : memref<40x128xi32, #tpu.memory_space<vmem>> -> memref<1x128xi32, #tpu.memory_space<vmem>>
      %dma_wait3A_1028 = tpu.memref_squeeze %dma_wait3A_1027 : memref<1x128xi32, #tpu.memory_space<vmem>> -> memref<128xi32, #tpu.memory_space<vmem>>
      %dma_wait3A_1029 = arith.constant 0 : i32
      %dma_wait3A_1030 = arith.constant 0 : i32
      %dma_wait3A_1031 = tpu.memref_slice %arg13[%dma_wait3A_1029, %dma_wait3A_1030] : memref<100000x4xf32, #tpu.memory_space<vmem_shared>> -> memref<100000x4xf32, #tpu.memory_space<vmem_shared>>
      tpu.wait_indirect_dma semaphore(%arg20 : memref<!tpu.dma_semaphore, #tpu.memory_space<semaphore_mem>>) src(%arg10 : memref<128x4xf32, #tpu.memory_space<vmem>>) dst(%dma_wait3A_1031 : memref<100000x4xf32, #tpu.memory_space<vmem_shared>>)
      %dma_start3A_1032 = arith.constant 38 : i32
      %dma_start3A_1033 = arith.constant 0 : i32
      %dma_start3A_1034 = tpu.memref_slice %arg6[%dma_start3A_1032, %dma_start3A_1033] : memref<40x128xi32, #tpu.memory_space<vmem>> -> memref<1x128xi32, #tpu.memory_space<vmem>>
      %dma_start3A_1035 = tpu.memref_squeeze %dma_start3A_1034 : memref<1x128xi32, #tpu.memory_space<vmem>> -> memref<128xi32, #tpu.memory_space<vmem>>
      %dma_start3A_1036 = arith.constant 0 : i32
      %dma_start3A_1037 = arith.constant 0 : i32
      %dma_start3A_1038 = tpu.memref_slice %arg12[%dma_start3A_1036, %dma_start3A_1037] : memref<100000x4xf32, #tpu.memory_space<vmem_shared>> -> memref<100000x4xf32, #tpu.memory_space<vmem_shared>>
      tpu.enqueue_indirect_dma source(%dma_start3A_1038 : memref<100000x4xf32, #tpu.memory_space<vmem_shared>>) target(%arg10 : memref<128x4xf32, #tpu.memory_space<vmem>>) offsets(%dma_start3A_1035 : memref<128xi32, #tpu.memory_space<vmem>>) semaphore(%arg16 : memref<!tpu.dma_semaphore, #tpu.memory_space<semaphore_mem>>)
      %dma_wait3A_1039 = arith.constant 35 : i32
      %dma_wait3A_1040 = arith.constant 0 : i32
      %dma_wait3A_1041 = tpu.memref_slice %arg6[%dma_wait3A_1039, %dma_wait3A_1040] : memref<40x128xi32, #tpu.memory_space<vmem>> -> memref<1x128xi32, #tpu.memory_space<vmem>>
      %dma_wait3A_1042 = tpu.memref_squeeze %dma_wait3A_1041 : memref<1x128xi32, #tpu.memory_space<vmem>> -> memref<128xi32, #tpu.memory_space<vmem>>
      %dma_wait3A_1043 = arith.constant 0 : i32
      %dma_wait3A_1044 = arith.constant 0 : i32
      %dma_wait3A_1045 = tpu.memref_slice %arg12[%dma_wait3A_1043, %dma_wait3A_1044] : memref<100000x4xf32, #tpu.memory_space<vmem_shared>> -> memref<100000x4xf32, #tpu.memory_space<vmem_shared>>
      tpu.wait_indirect_dma semaphore(%arg17 : memref<!tpu.dma_semaphore, #tpu.memory_space<semaphore_mem>>) src(%dma_wait3A_1045 : memref<100000x4xf32, #tpu.memory_space<vmem_shared>>) dst(%arg11 : memref<128x4xf32, #tpu.memory_space<vmem>>)
      %dma_start3A_1046 = arith.constant 35 : i32
      %dma_start3A_1047 = arith.constant 0 : i32
      %dma_start3A_1048 = tpu.memref_slice %arg7[%dma_start3A_1046, %dma_start3A_1047] : memref<40x128xi32, #tpu.memory_space<vmem>> -> memref<1x128xi32, #tpu.memory_space<vmem>>
      %dma_start3A_1049 = tpu.memref_squeeze %dma_start3A_1048 : memref<1x128xi32, #tpu.memory_space<vmem>> -> memref<128xi32, #tpu.memory_space<vmem>>
      %dma_start3A_1050 = arith.constant 0 : i32
      %dma_start3A_1051 = arith.constant 0 : i32
      %dma_start3A_1052 = tpu.memref_slice %arg13[%dma_start3A_1050, %dma_start3A_1051] : memref<100000x4xf32, #tpu.memory_space<vmem_shared>> -> memref<100000x4xf32, #tpu.memory_space<vmem_shared>>
      tpu.enqueue_indirect_dma source(%arg11 : memref<128x4xf32, #tpu.memory_space<vmem>>) target(%dma_start3A_1052 : memref<100000x4xf32, #tpu.memory_space<vmem_shared>>) offsets(%dma_start3A_1049 : memref<128xi32, #tpu.memory_space<vmem>>) semaphore(%arg21 : memref<!tpu.dma_semaphore, #tpu.memory_space<semaphore_mem>>) {add = true}
      %dma_wait3A_1053 = arith.constant 35 : i32
      %dma_wait3A_1054 = arith.constant 0 : i32
      %dma_wait3A_1055 = tpu.memref_slice %arg7[%dma_wait3A_1053, %dma_wait3A_1054] : memref<40x128xi32, #tpu.memory_space<vmem>> -> memref<1x128xi32, #tpu.memory_space<vmem>>
      %dma_wait3A_1056 = tpu.memref_squeeze %dma_wait3A_1055 : memref<1x128xi32, #tpu.memory_space<vmem>> -> memref<128xi32, #tpu.memory_space<vmem>>
      %dma_wait3A_1057 = arith.constant 0 : i32
      %dma_wait3A_1058 = arith.constant 0 : i32
      %dma_wait3A_1059 = tpu.memref_slice %arg13[%dma_wait3A_1057, %dma_wait3A_1058] : memref<100000x4xf32, #tpu.memory_space<vmem_shared>> -> memref<100000x4xf32, #tpu.memory_space<vmem_shared>>
      tpu.wait_indirect_dma semaphore(%arg21 : memref<!tpu.dma_semaphore, #tpu.memory_space<semaphore_mem>>) src(%arg11 : memref<128x4xf32, #tpu.memory_space<vmem>>) dst(%dma_wait3A_1059 : memref<100000x4xf32, #tpu.memory_space<vmem_shared>>)
      %dma_start3A_1060 = arith.constant 39 : i32
      %dma_start3A_1061 = arith.constant 0 : i32
      %dma_start3A_1062 = tpu.memref_slice %arg6[%dma_start3A_1060, %dma_start3A_1061] : memref<40x128xi32, #tpu.memory_space<vmem>> -> memref<1x128xi32, #tpu.memory_space<vmem>>
      %dma_start3A_1063 = tpu.memref_squeeze %dma_start3A_1062 : memref<1x128xi32, #tpu.memory_space<vmem>> -> memref<128xi32, #tpu.memory_space<vmem>>
      %dma_start3A_1064 = arith.constant 0 : i32
      %dma_start3A_1065 = arith.constant 0 : i32
      %dma_start3A_1066 = tpu.memref_slice %arg12[%dma_start3A_1064, %dma_start3A_1065] : memref<100000x4xf32, #tpu.memory_space<vmem_shared>> -> memref<100000x4xf32, #tpu.memory_space<vmem_shared>>
      tpu.enqueue_indirect_dma source(%dma_start3A_1066 : memref<100000x4xf32, #tpu.memory_space<vmem_shared>>) target(%arg11 : memref<128x4xf32, #tpu.memory_space<vmem>>) offsets(%dma_start3A_1063 : memref<128xi32, #tpu.memory_space<vmem>>) semaphore(%arg17 : memref<!tpu.dma_semaphore, #tpu.memory_space<semaphore_mem>>)
      %dma_wait3A_1067 = arith.constant 36 : i32
      %dma_wait3A_1068 = arith.constant 0 : i32
      %dma_wait3A_1069 = tpu.memref_slice %arg6[%dma_wait3A_1067, %dma_wait3A_1068] : memref<40x128xi32, #tpu.memory_space<vmem>> -> memref<1x128xi32, #tpu.memory_space<vmem>>
      %dma_wait3A_1070 = tpu.memref_squeeze %dma_wait3A_1069 : memref<1x128xi32, #tpu.memory_space<vmem>> -> memref<128xi32, #tpu.memory_space<vmem>>
      %dma_wait3A_1071 = arith.constant 0 : i32
      %dma_wait3A_1072 = arith.constant 0 : i32
      %dma_wait3A_1073 = tpu.memref_slice %arg12[%dma_wait3A_1071, %dma_wait3A_1072] : memref<100000x4xf32, #tpu.memory_space<vmem_shared>> -> memref<100000x4xf32, #tpu.memory_space<vmem_shared>>
      tpu.wait_indirect_dma semaphore(%arg14 : memref<!tpu.dma_semaphore, #tpu.memory_space<semaphore_mem>>) src(%dma_wait3A_1073 : memref<100000x4xf32, #tpu.memory_space<vmem_shared>>) dst(%arg8 : memref<128x4xf32, #tpu.memory_space<vmem>>)
      %dma_start3A_1074 = arith.constant 36 : i32
      %dma_start3A_1075 = arith.constant 0 : i32
      %dma_start3A_1076 = tpu.memref_slice %arg7[%dma_start3A_1074, %dma_start3A_1075] : memref<40x128xi32, #tpu.memory_space<vmem>> -> memref<1x128xi32, #tpu.memory_space<vmem>>
      %dma_start3A_1077 = tpu.memref_squeeze %dma_start3A_1076 : memref<1x128xi32, #tpu.memory_space<vmem>> -> memref<128xi32, #tpu.memory_space<vmem>>
      %dma_start3A_1078 = arith.constant 0 : i32
      %dma_start3A_1079 = arith.constant 0 : i32
      %dma_start3A_1080 = tpu.memref_slice %arg13[%dma_start3A_1078, %dma_start3A_1079] : memref<100000x4xf32, #tpu.memory_space<vmem_shared>> -> memref<100000x4xf32, #tpu.memory_space<vmem_shared>>
      tpu.enqueue_indirect_dma source(%arg8 : memref<128x4xf32, #tpu.memory_space<vmem>>) target(%dma_start3A_1080 : memref<100000x4xf32, #tpu.memory_space<vmem_shared>>) offsets(%dma_start3A_1077 : memref<128xi32, #tpu.memory_space<vmem>>) semaphore(%arg18 : memref<!tpu.dma_semaphore, #tpu.memory_space<semaphore_mem>>) {add = true}
      %dma_wait3A_1081 = arith.constant 37 : i32
      %dma_wait3A_1082 = arith.constant 0 : i32
      %dma_wait3A_1083 = tpu.memref_slice %arg6[%dma_wait3A_1081, %dma_wait3A_1082] : memref<40x128xi32, #tpu.memory_space<vmem>> -> memref<1x128xi32, #tpu.memory_space<vmem>>
      %dma_wait3A_1084 = tpu.memref_squeeze %dma_wait3A_1083 : memref<1x128xi32, #tpu.memory_space<vmem>> -> memref<128xi32, #tpu.memory_space<vmem>>
      %dma_wait3A_1085 = arith.constant 0 : i32
      %dma_wait3A_1086 = arith.constant 0 : i32
      %dma_wait3A_1087 = tpu.memref_slice %arg12[%dma_wait3A_1085, %dma_wait3A_1086] : memref<100000x4xf32, #tpu.memory_space<vmem_shared>> -> memref<100000x4xf32, #tpu.memory_space<vmem_shared>>
      tpu.wait_indirect_dma semaphore(%arg15 : memref<!tpu.dma_semaphore, #tpu.memory_space<semaphore_mem>>) src(%dma_wait3A_1087 : memref<100000x4xf32, #tpu.memory_space<vmem_shared>>) dst(%arg9 : memref<128x4xf32, #tpu.memory_space<vmem>>)
      %dma_start3A_1088 = arith.constant 37 : i32
      %dma_start3A_1089 = arith.constant 0 : i32
      %dma_start3A_1090 = tpu.memref_slice %arg7[%dma_start3A_1088, %dma_start3A_1089] : memref<40x128xi32, #tpu.memory_space<vmem>> -> memref<1x128xi32, #tpu.memory_space<vmem>>
      %dma_start3A_1091 = tpu.memref_squeeze %dma_start3A_1090 : memref<1x128xi32, #tpu.memory_space<vmem>> -> memref<128xi32, #tpu.memory_space<vmem>>
      %dma_start3A_1092 = arith.constant 0 : i32
      %dma_start3A_1093 = arith.constant 0 : i32
      %dma_start3A_1094 = tpu.memref_slice %arg13[%dma_start3A_1092, %dma_start3A_1093] : memref<100000x4xf32, #tpu.memory_space<vmem_shared>> -> memref<100000x4xf32, #tpu.memory_space<vmem_shared>>
      tpu.enqueue_indirect_dma source(%arg9 : memref<128x4xf32, #tpu.memory_space<vmem>>) target(%dma_start3A_1094 : memref<100000x4xf32, #tpu.memory_space<vmem_shared>>) offsets(%dma_start3A_1091 : memref<128xi32, #tpu.memory_space<vmem>>) semaphore(%arg19 : memref<!tpu.dma_semaphore, #tpu.memory_space<semaphore_mem>>) {add = true}
      %dma_wait3A_1095 = arith.constant 38 : i32
      %dma_wait3A_1096 = arith.constant 0 : i32
      %dma_wait3A_1097 = tpu.memref_slice %arg6[%dma_wait3A_1095, %dma_wait3A_1096] : memref<40x128xi32, #tpu.memory_space<vmem>> -> memref<1x128xi32, #tpu.memory_space<vmem>>
      %dma_wait3A_1098 = tpu.memref_squeeze %dma_wait3A_1097 : memref<1x128xi32, #tpu.memory_space<vmem>> -> memref<128xi32, #tpu.memory_space<vmem>>
      %dma_wait3A_1099 = arith.constant 0 : i32
      %dma_wait3A_1100 = arith.constant 0 : i32
      %dma_wait3A_1101 = tpu.memref_slice %arg12[%dma_wait3A_1099, %dma_wait3A_1100] : memref<100000x4xf32, #tpu.memory_space<vmem_shared>> -> memref<100000x4xf32, #tpu.memory_space<vmem_shared>>
      tpu.wait_indirect_dma semaphore(%arg16 : memref<!tpu.dma_semaphore, #tpu.memory_space<semaphore_mem>>) src(%dma_wait3A_1101 : memref<100000x4xf32, #tpu.memory_space<vmem_shared>>) dst(%arg10 : memref<128x4xf32, #tpu.memory_space<vmem>>)
      %dma_start3A_1102 = arith.constant 38 : i32
      %dma_start3A_1103 = arith.constant 0 : i32
      %dma_start3A_1104 = tpu.memref_slice %arg7[%dma_start3A_1102, %dma_start3A_1103] : memref<40x128xi32, #tpu.memory_space<vmem>> -> memref<1x128xi32, #tpu.memory_space<vmem>>
      %dma_start3A_1105 = tpu.memref_squeeze %dma_start3A_1104 : memref<1x128xi32, #tpu.memory_space<vmem>> -> memref<128xi32, #tpu.memory_space<vmem>>
      %dma_start3A_1106 = arith.constant 0 : i32
      %dma_start3A_1107 = arith.constant 0 : i32
      %dma_start3A_1108 = tpu.memref_slice %arg13[%dma_start3A_1106, %dma_start3A_1107] : memref<100000x4xf32, #tpu.memory_space<vmem_shared>> -> memref<100000x4xf32, #tpu.memory_space<vmem_shared>>
      tpu.enqueue_indirect_dma source(%arg10 : memref<128x4xf32, #tpu.memory_space<vmem>>) target(%dma_start3A_1108 : memref<100000x4xf32, #tpu.memory_space<vmem_shared>>) offsets(%dma_start3A_1105 : memref<128xi32, #tpu.memory_space<vmem>>) semaphore(%arg20 : memref<!tpu.dma_semaphore, #tpu.memory_space<semaphore_mem>>) {add = true}
      %dma_wait3A_1109 = arith.constant 39 : i32
      %dma_wait3A_1110 = arith.constant 0 : i32
      %dma_wait3A_1111 = tpu.memref_slice %arg6[%dma_wait3A_1109, %dma_wait3A_1110] : memref<40x128xi32, #tpu.memory_space<vmem>> -> memref<1x128xi32, #tpu.memory_space<vmem>>
      %dma_wait3A_1112 = tpu.memref_squeeze %dma_wait3A_1111 : memref<1x128xi32, #tpu.memory_space<vmem>> -> memref<128xi32, #tpu.memory_space<vmem>>
      %dma_wait3A_1113 = arith.constant 0 : i32
      %dma_wait3A_1114 = arith.constant 0 : i32
      %dma_wait3A_1115 = tpu.memref_slice %arg12[%dma_wait3A_1113, %dma_wait3A_1114] : memref<100000x4xf32, #tpu.memory_space<vmem_shared>> -> memref<100000x4xf32, #tpu.memory_space<vmem_shared>>
      tpu.wait_indirect_dma semaphore(%arg17 : memref<!tpu.dma_semaphore, #tpu.memory_space<semaphore_mem>>) src(%dma_wait3A_1115 : memref<100000x4xf32, #tpu.memory_space<vmem_shared>>) dst(%arg11 : memref<128x4xf32, #tpu.memory_space<vmem>>)
      %dma_start3A_1116 = arith.constant 39 : i32
      %dma_start3A_1117 = arith.constant 0 : i32
      %dma_start3A_1118 = tpu.memref_slice %arg7[%dma_start3A_1116, %dma_start3A_1117] : memref<40x128xi32, #tpu.memory_space<vmem>> -> memref<1x128xi32, #tpu.memory_space<vmem>>
      %dma_start3A_1119 = tpu.memref_squeeze %dma_start3A_1118 : memref<1x128xi32, #tpu.memory_space<vmem>> -> memref<128xi32, #tpu.memory_space<vmem>>
      %dma_start3A_1120 = arith.constant 0 : i32
      %dma_start3A_1121 = arith.constant 0 : i32
      %dma_start3A_1122 = tpu.memref_slice %arg13[%dma_start3A_1120, %dma_start3A_1121] : memref<100000x4xf32, #tpu.memory_space<vmem_shared>> -> memref<100000x4xf32, #tpu.memory_space<vmem_shared>>
      tpu.enqueue_indirect_dma source(%arg11 : memref<128x4xf32, #tpu.memory_space<vmem>>) target(%dma_start3A_1122 : memref<100000x4xf32, #tpu.memory_space<vmem_shared>>) offsets(%dma_start3A_1119 : memref<128xi32, #tpu.memory_space<vmem>>) semaphore(%arg21 : memref<!tpu.dma_semaphore, #tpu.memory_space<semaphore_mem>>) {add = true}
      %dma_wait3A_1123 = arith.constant 36 : i32
      %dma_wait3A_1124 = arith.constant 0 : i32
      %dma_wait3A_1125 = tpu.memref_slice %arg7[%dma_wait3A_1123, %dma_wait3A_1124] : memref<40x128xi32, #tpu.memory_space<vmem>> -> memref<1x128xi32, #tpu.memory_space<vmem>>
      %dma_wait3A_1126 = tpu.memref_squeeze %dma_wait3A_1125 : memref<1x128xi32, #tpu.memory_space<vmem>> -> memref<128xi32, #tpu.memory_space<vmem>>
      %dma_wait3A_1127 = arith.constant 0 : i32
      %dma_wait3A_1128 = arith.constant 0 : i32
      %dma_wait3A_1129 = tpu.memref_slice %arg13[%dma_wait3A_1127, %dma_wait3A_1128] : memref<100000x4xf32, #tpu.memory_space<vmem_shared>> -> memref<100000x4xf32, #tpu.memory_space<vmem_shared>>
      tpu.wait_indirect_dma semaphore(%arg18 : memref<!tpu.dma_semaphore, #tpu.memory_space<semaphore_mem>>) src(%arg8 : memref<128x4xf32, #tpu.memory_space<vmem>>) dst(%dma_wait3A_1129 : memref<100000x4xf32, #tpu.memory_space<vmem_shared>>)
      %dma_wait3A_1130 = arith.constant 37 : i32
      %dma_wait3A_1131 = arith.constant 0 : i32
      %dma_wait3A_1132 = tpu.memref_slice %arg7[%dma_wait3A_1130, %dma_wait3A_1131] : memref<40x128xi32, #tpu.memory_space<vmem>> -> memref<1x128xi32, #tpu.memory_space<vmem>>
      %dma_wait3A_1133 = tpu.memref_squeeze %dma_wait3A_1132 : memref<1x128xi32, #tpu.memory_space<vmem>> -> memref<128xi32, #tpu.memory_space<vmem>>
      %dma_wait3A_1134 = arith.constant 0 : i32
      %dma_wait3A_1135 = arith.constant 0 : i32
      %dma_wait3A_1136 = tpu.memref_slice %arg13[%dma_wait3A_1134, %dma_wait3A_1135] : memref<100000x4xf32, #tpu.memory_space<vmem_shared>> -> memref<100000x4xf32, #tpu.memory_space<vmem_shared>>
      tpu.wait_indirect_dma semaphore(%arg19 : memref<!tpu.dma_semaphore, #tpu.memory_space<semaphore_mem>>) src(%arg9 : memref<128x4xf32, #tpu.memory_space<vmem>>) dst(%dma_wait3A_1136 : memref<100000x4xf32, #tpu.memory_space<vmem_shared>>)
      %dma_wait3A_1137 = arith.constant 38 : i32
      %dma_wait3A_1138 = arith.constant 0 : i32
      %dma_wait3A_1139 = tpu.memref_slice %arg7[%dma_wait3A_1137, %dma_wait3A_1138] : memref<40x128xi32, #tpu.memory_space<vmem>> -> memref<1x128xi32, #tpu.memory_space<vmem>>
      %dma_wait3A_1140 = tpu.memref_squeeze %dma_wait3A_1139 : memref<1x128xi32, #tpu.memory_space<vmem>> -> memref<128xi32, #tpu.memory_space<vmem>>
      %dma_wait3A_1141 = arith.constant 0 : i32
      %dma_wait3A_1142 = arith.constant 0 : i32
      %dma_wait3A_1143 = tpu.memref_slice %arg13[%dma_wait3A_1141, %dma_wait3A_1142] : memref<100000x4xf32, #tpu.memory_space<vmem_shared>> -> memref<100000x4xf32, #tpu.memory_space<vmem_shared>>
      tpu.wait_indirect_dma semaphore(%arg20 : memref<!tpu.dma_semaphore, #tpu.memory_space<semaphore_mem>>) src(%arg10 : memref<128x4xf32, #tpu.memory_space<vmem>>) dst(%dma_wait3A_1143 : memref<100000x4xf32, #tpu.memory_space<vmem_shared>>)
      %dma_wait3A_1144 = arith.constant 39 : i32
      %dma_wait3A_1145 = arith.constant 0 : i32
      %dma_wait3A_1146 = tpu.memref_slice %arg7[%dma_wait3A_1144, %dma_wait3A_1145] : memref<40x128xi32, #tpu.memory_space<vmem>> -> memref<1x128xi32, #tpu.memory_space<vmem>>
      %dma_wait3A_1147 = tpu.memref_squeeze %dma_wait3A_1146 : memref<1x128xi32, #tpu.memory_space<vmem>> -> memref<128xi32, #tpu.memory_space<vmem>>
      %dma_wait3A_1148 = arith.constant 0 : i32
      %dma_wait3A_1149 = arith.constant 0 : i32
      %dma_wait3A_1150 = tpu.memref_slice %arg13[%dma_wait3A_1148, %dma_wait3A_1149] : memref<100000x4xf32, #tpu.memory_space<vmem_shared>> -> memref<100000x4xf32, #tpu.memory_space<vmem_shared>>
      tpu.wait_indirect_dma semaphore(%arg21 : memref<!tpu.dma_semaphore, #tpu.memory_space<semaphore_mem>>) src(%arg11 : memref<128x4xf32, #tpu.memory_space<vmem>>) dst(%dma_wait3A_1150 : memref<100000x4xf32, #tpu.memory_space<vmem_shared>>)
    }
    %scan3A_10 = arith.constant 20 : i32
    %barrier3A_11 = arith.constant 0 : index
    tpu.barrier barrier_id(%barrier3A_11)
    %lt3A_12 = arith.constant 15 : i32
    %lt3A_13 = arith.cmpi slt, %arg1, %lt3A_12 : i32
    %convert_element_type3A_14 = arith.extui %lt3A_13 : i1 to i32
    %cond3A_15 = arith.constant 0 : i32
    %cond3A_16 = arith.cmpi ne, %convert_element_type3A_14, %cond3A_15 : i32
    scf.if %cond3A_16 {
      %mul3A_22 = arith.constant 6248 : i32
      %mul3A_23 = arith.muli %arg1, %mul3A_22 : i32
      %eq3A_24 = arith.constant 0 : i32
      %eq3A_25 = arith.cmpi eq, %arg0, %eq3A_24 : i32
      %convert_element_type3A_26 = arith.extui %eq3A_25 : i1 to i32
      %cond3A_27 = arith.constant 0 : i32
      %cond3A_28 = arith.cmpi ne, %convert_element_type3A_26, %cond3A_27 : i32
      scf.if %cond3A_28 {
        "tpu.region"() ({
          %run_scoped3A = tpu.sem_alloc : memref<!tpu.dma_semaphore, #tpu.memory_space<semaphore_mem>>
          %dma_start3A = arith.constant 0 : i32
          %dma_start3A_34 = tpu.memref_slice %arg4[%mul3A_23, %dma_start3A] : memref<100000x4xf32, #tpu.memory_space<hbm>> -> memref<6248x4xf32, #tpu.memory_space<hbm>>
          %dma_start3A_35 = arith.constant 0 : i32
          %dma_start3A_36 = tpu.memref_slice %arg13[%mul3A_23, %dma_start3A_35] : memref<100000x4xf32, #tpu.memory_space<vmem_shared>> -> memref<6248x4xf32, #tpu.memory_space<vmem_shared>>
          tpu.enqueue_dma source(%dma_start3A_36 : memref<6248x4xf32, #tpu.memory_space<vmem_shared>>) target(%dma_start3A_34 : memref<6248x4xf32, #tpu.memory_space<hbm>>) target_semaphore(%run_scoped3A : memref<!tpu.dma_semaphore, #tpu.memory_space<semaphore_mem>>)
          %dma_wait3A = arith.constant 0 : i32
          %dma_wait3A_37 = tpu.memref_slice %arg4[%mul3A_23, %dma_wait3A] : memref<100000x4xf32, #tpu.memory_space<hbm>> -> memref<6248x4xf32, #tpu.memory_space<hbm>>
          %dma_wait3A_38 = arith.constant 0 : i32
          %dma_wait3A_39 = tpu.memref_slice %arg13[%mul3A_23, %dma_wait3A_38] : memref<100000x4xf32, #tpu.memory_space<vmem_shared>> -> memref<6248x4xf32, #tpu.memory_space<vmem_shared>>
          tpu.wait_dma2 semaphore(%run_scoped3A : memref<!tpu.dma_semaphore, #tpu.memory_space<semaphore_mem>>) src(%dma_wait3A_39 : memref<6248x4xf32, #tpu.memory_space<vmem_shared>>) dst(%dma_wait3A_37 : memref<6248x4xf32, #tpu.memory_space<hbm>>)
          tpu.yield
        }) : () -> ()
      } else {
      }
      %eq3A_29 = arith.constant 1 : i32
      %eq3A_30 = arith.cmpi eq, %arg0, %eq3A_29 : i32
      %convert_element_type3A_31 = arith.extui %eq3A_30 : i1 to i32
      %cond3A_32 = arith.constant 0 : i32
      %cond3A_33 = arith.cmpi ne, %convert_element_type3A_31, %cond3A_32 : i32
      scf.if %cond3A_33 {
        "tpu.region"() ({
          %run_scoped3A = tpu.sem_alloc : memref<!tpu.dma_semaphore, #tpu.memory_space<semaphore_mem>>
          %dma_start3A = arith.constant 0 : i32
          %dma_start3A_34 = tpu.memref_slice %arg5[%mul3A_23, %dma_start3A] : memref<100000x4xf32, #tpu.memory_space<hbm>> -> memref<6248x4xf32, #tpu.memory_space<hbm>>
          %dma_start3A_35 = arith.constant 0 : i32
          %dma_start3A_36 = tpu.memref_slice %arg13[%mul3A_23, %dma_start3A_35] : memref<100000x4xf32, #tpu.memory_space<vmem_shared>> -> memref<6248x4xf32, #tpu.memory_space<vmem_shared>>
          tpu.enqueue_dma source(%dma_start3A_36 : memref<6248x4xf32, #tpu.memory_space<vmem_shared>>) target(%dma_start3A_34 : memref<6248x4xf32, #tpu.memory_space<hbm>>) target_semaphore(%run_scoped3A : memref<!tpu.dma_semaphore, #tpu.memory_space<semaphore_mem>>)
          %dma_wait3A = arith.constant 0 : i32
          %dma_wait3A_37 = tpu.memref_slice %arg5[%mul3A_23, %dma_wait3A] : memref<100000x4xf32, #tpu.memory_space<hbm>> -> memref<6248x4xf32, #tpu.memory_space<hbm>>
          %dma_wait3A_38 = arith.constant 0 : i32
          %dma_wait3A_39 = tpu.memref_slice %arg13[%mul3A_23, %dma_wait3A_38] : memref<100000x4xf32, #tpu.memory_space<vmem_shared>> -> memref<6248x4xf32, #tpu.memory_space<vmem_shared>>
          tpu.wait_dma2 semaphore(%run_scoped3A : memref<!tpu.dma_semaphore, #tpu.memory_space<semaphore_mem>>) src(%dma_wait3A_39 : memref<6248x4xf32, #tpu.memory_space<vmem_shared>>) dst(%dma_wait3A_37 : memref<6248x4xf32, #tpu.memory_space<hbm>>)
          tpu.yield
        }) : () -> ()
      } else {
      }
    } else {
    }
    %eq3A_17 = arith.constant 15 : i32
    %eq3A_18 = arith.cmpi eq, %arg1, %eq3A_17 : i32
    %convert_element_type3A_19 = arith.extui %eq3A_18 : i1 to i32
    %cond3A_20 = arith.constant 0 : i32
    %cond3A_21 = arith.cmpi ne, %convert_element_type3A_19, %cond3A_20 : i32
    scf.if %cond3A_21 {
      %eq3A_22 = arith.constant 0 : i32
      %eq3A_23 = arith.cmpi eq, %arg0, %eq3A_22 : i32
      %convert_element_type3A_24 = arith.extui %eq3A_23 : i1 to i32
      %cond3A_25 = arith.constant 0 : i32
      %cond3A_26 = arith.cmpi ne, %convert_element_type3A_24, %cond3A_25 : i32
      scf.if %cond3A_26 {
        "tpu.region"() ({
          %run_scoped3A = tpu.sem_alloc : memref<!tpu.dma_semaphore, #tpu.memory_space<semaphore_mem>>
          %dma_start3A = arith.constant 93720 : i32
          %dma_start3A_32 = arith.constant 0 : i32
          %dma_start3A_33 = tpu.memref_slice %arg4[%dma_start3A, %dma_start3A_32] : memref<100000x4xf32, #tpu.memory_space<hbm>> -> memref<6280x4xf32, #tpu.memory_space<hbm>>
          %dma_start3A_34 = arith.constant 93720 : i32
          %dma_start3A_35 = arith.constant 0 : i32
          %dma_start3A_36 = tpu.memref_slice %arg13[%dma_start3A_34, %dma_start3A_35] : memref<100000x4xf32, #tpu.memory_space<vmem_shared>> -> memref<6280x4xf32, #tpu.memory_space<vmem_shared>>
          tpu.enqueue_dma source(%dma_start3A_36 : memref<6280x4xf32, #tpu.memory_space<vmem_shared>>) target(%dma_start3A_33 : memref<6280x4xf32, #tpu.memory_space<hbm>>) target_semaphore(%run_scoped3A : memref<!tpu.dma_semaphore, #tpu.memory_space<semaphore_mem>>)
          %dma_wait3A = arith.constant 93720 : i32
          %dma_wait3A_37 = arith.constant 0 : i32
          %dma_wait3A_38 = tpu.memref_slice %arg4[%dma_wait3A, %dma_wait3A_37] : memref<100000x4xf32, #tpu.memory_space<hbm>> -> memref<6280x4xf32, #tpu.memory_space<hbm>>
          %dma_wait3A_39 = arith.constant 93720 : i32
          %dma_wait3A_40 = arith.constant 0 : i32
          %dma_wait3A_41 = tpu.memref_slice %arg13[%dma_wait3A_39, %dma_wait3A_40] : memref<100000x4xf32, #tpu.memory_space<vmem_shared>> -> memref<6280x4xf32, #tpu.memory_space<vmem_shared>>
          tpu.wait_dma2 semaphore(%run_scoped3A : memref<!tpu.dma_semaphore, #tpu.memory_space<semaphore_mem>>) src(%dma_wait3A_41 : memref<6280x4xf32, #tpu.memory_space<vmem_shared>>) dst(%dma_wait3A_38 : memref<6280x4xf32, #tpu.memory_space<hbm>>)
          tpu.yield
        }) : () -> ()
      } else {
      }
      %eq3A_27 = arith.constant 1 : i32
      %eq3A_28 = arith.cmpi eq, %arg0, %eq3A_27 : i32
      %convert_element_type3A_29 = arith.extui %eq3A_28 : i1 to i32
      %cond3A_30 = arith.constant 0 : i32
      %cond3A_31 = arith.cmpi ne, %convert_element_type3A_29, %cond3A_30 : i32
      scf.if %cond3A_31 {
        "tpu.region"() ({
          %run_scoped3A = tpu.sem_alloc : memref<!tpu.dma_semaphore, #tpu.memory_space<semaphore_mem>>
          %dma_start3A = arith.constant 93720 : i32
          %dma_start3A_32 = arith.constant 0 : i32
          %dma_start3A_33 = tpu.memref_slice %arg5[%dma_start3A, %dma_start3A_32] : memref<100000x4xf32, #tpu.memory_space<hbm>> -> memref<6280x4xf32, #tpu.memory_space<hbm>>
          %dma_start3A_34 = arith.constant 93720 : i32
          %dma_start3A_35 = arith.constant 0 : i32
          %dma_start3A_36 = tpu.memref_slice %arg13[%dma_start3A_34, %dma_start3A_35] : memref<100000x4xf32, #tpu.memory_space<vmem_shared>> -> memref<6280x4xf32, #tpu.memory_space<vmem_shared>>
          tpu.enqueue_dma source(%dma_start3A_36 : memref<6280x4xf32, #tpu.memory_space<vmem_shared>>) target(%dma_start3A_33 : memref<6280x4xf32, #tpu.memory_space<hbm>>) target_semaphore(%run_scoped3A : memref<!tpu.dma_semaphore, #tpu.memory_space<semaphore_mem>>)
          %dma_wait3A = arith.constant 93720 : i32
          %dma_wait3A_37 = arith.constant 0 : i32
          %dma_wait3A_38 = tpu.memref_slice %arg5[%dma_wait3A, %dma_wait3A_37] : memref<100000x4xf32, #tpu.memory_space<hbm>> -> memref<6280x4xf32, #tpu.memory_space<hbm>>
          %dma_wait3A_39 = arith.constant 93720 : i32
          %dma_wait3A_40 = arith.constant 0 : i32
          %dma_wait3A_41 = tpu.memref_slice %arg13[%dma_wait3A_39, %dma_wait3A_40] : memref<100000x4xf32, #tpu.memory_space<vmem_shared>> -> memref<6280x4xf32, #tpu.memory_space<vmem_shared>>
          tpu.wait_dma2 semaphore(%run_scoped3A : memref<!tpu.dma_semaphore, #tpu.memory_space<semaphore_mem>>) src(%dma_wait3A_41 : memref<6280x4xf32, #tpu.memory_space<vmem_shared>>) dst(%dma_wait3A_38 : memref<6280x4xf32, #tpu.memory_space<hbm>>)
          tpu.yield
        }) : () -> ()
      } else {
      }
    } else {
    }
    return
  }
}

module attributes {stable_mosaic.version = 14 : i64} {
  func.func @_mm_body(%arg0: i32, %arg1: memref<5000x16xf32, #tpu.memory_space<vmem>>, %arg2: memref<16x4xf32, #tpu.memory_space<vmem>>, %arg3: memref<5000x4xf32, #tpu.memory_space<vmem>>) attributes {dimension_semantics = [#tpu.dimension_semantics<arbitrary>], iteration_bounds = array<i64: 20>, scalar_prefetch = 0 : i64, scratch_operands = 0 : i64, tpu.core_type = #tpu.core_type<tc>, window_params = [{transform_indices = @transform_0, window_bounds = array<i64: 5000, 16>}, {pipeline_mode = #tpu.pipeline_mode<synchronous>, transform_indices = @transform_1, window_bounds = array<i64: 16, 4>}, {transform_indices = @transform_2, window_bounds = array<i64: 5000, 4>}]} {
    %get3A = arith.constant 0 : index
    %get3A_0 = arith.constant 0 : index
    %get3A_1 = vector.load %arg1[%get3A, %get3A_0] : memref<5000x16xf32, #tpu.memory_space<vmem>>, vector<5000x16xf32>
    %get3A_2 = arith.constant 0 : index
    %get3A_3 = arith.constant 0 : index
    %get3A_4 = vector.load %arg2[%get3A_2, %get3A_3] : memref<16x4xf32, #tpu.memory_space<vmem>>, vector<16x4xf32>
    %dot_general3A = arith.constant dense<0.000000e+00> : vector<5000x4xf32>
    %dot_general3A_5 = tpu.matmul %get3A_1, %get3A_4, %dot_general3A {dimension_numbers = #tpu.dot_dimension_numbers<[1], [0], [0], [1], [0, 0, 1, 1], [], []>, transpose_lhs_hint = false} : vector<5000x16xf32>, vector<16x4xf32>, vector<5000x4xf32> -> vector<5000x4xf32>
    %swap3A = arith.constant 0 : index
    %swap3A_6 = arith.constant 0 : index
    %swap3A_7 = vector.load %arg3[%swap3A, %swap3A_6] : memref<5000x4xf32, #tpu.memory_space<vmem>>, vector<5000x4xf32>
    tpu.vector_store %arg3[%swap3A, %swap3A_6], %dot_general3A_5 {strides = array<i32>} : memref<5000x4xf32, #tpu.memory_space<vmem>>, vector<5000x4xf32>,
    return
  }
  func.func @transform_0(%arg0: i32) -> (i32, i32) {
    %c0_i32 = arith.constant 0 : i32
    %c0_i32_0 = arith.constant 0 : i32
    return %arg0, %c0_i32 : i32, i32
  }
  func.func @transform_1(%arg0: i32) -> (i32, i32) {
    %c0_i32 = arith.constant 0 : i32
    %c0_i32_0 = arith.constant 0 : i32
    %c0_i32_1 = arith.constant 0 : i32
    return %c0_i32, %c0_i32_0 : i32, i32
  }
  func.func @transform_2(%arg0: i32) -> (i32, i32) {
    %c0_i32 = arith.constant 0 : i32
    %c0_i32_0 = arith.constant 0 : i32
    return %arg0, %c0_i32 : i32, i32
  }
}

module attributes {stable_mosaic.version = 14 : i64} {
  func.func @_scale_body(%arg0: i32, %arg1: memref<5000x1xf32, #tpu.memory_space<vmem>>, %arg2: memref<5000x1xf32, #tpu.memory_space<vmem>>, %arg3: memref<5000x4xf32, #tpu.memory_space<vmem>>, %arg4: memref<5000x4xf32, #tpu.memory_space<vmem>>, %arg5: memref<5000x1xf32, #tpu.memory_space<vmem>>) attributes {dimension_semantics = [#tpu.dimension_semantics<arbitrary>], iteration_bounds = array<i64: 20>, scalar_prefetch = 0 : i64, scratch_operands = 0 : i64, tpu.core_type = #tpu.core_type<tc>, window_params = [{transform_indices = @transform_0, window_bounds = array<i64: 5000, 1>}, {transform_indices = @transform_1, window_bounds = array<i64: 5000, 1>}, {transform_indices = @transform_2, window_bounds = array<i64: 5000, 4>}, {transform_indices = @transform_3, window_bounds = array<i64: 5000, 4>}, {transform_indices = @transform_4, window_bounds = array<i64: 5000, 1>}]} {
    %iota3A = tpu.iota {dimensions = array<i32: 0>} : vector<5000x1xi32>
    %mul3A = arith.constant 5000 : i32
    %mul3A_0 = arith.muli %arg0, %mul3A : i32
    %add3A = vector.broadcast %mul3A_0 : i32 to vector<5000x1xi32>
    %add3A_1 = arith.addi %iota3A, %add3A : vector<5000x1xi32>
    %lt3A = arith.constant 7680 : i32
    %lt3A_2 = vector.broadcast %lt3A : i32 to vector<5000x1xi32>
    %lt3A_3 = arith.cmpi slt, %add3A_1, %lt3A_2 : vector<5000x1xi32>
    %convert_element_type3A = arith.extui %lt3A_3 : vector<5000x1xi1> to vector<5000x1xi32>
    %convert_element_type3A_4 = arith.sitofp %convert_element_type3A : vector<5000x1xi32> to vector<5000x1xf32>
    %get3A = arith.constant 0 : index
    %get3A_5 = arith.constant 0 : index
    %get3A_6 = vector.load %arg1[%get3A, %get3A_5] : memref<5000x1xf32, #tpu.memory_space<vmem>>, vector<5000x1xf32>
    %get3A_7 = arith.constant 0 : index
    %get3A_8 = arith.constant 0 : index
    %get3A_9 = vector.load %arg2[%get3A_7, %get3A_8] : memref<5000x1xf32, #tpu.memory_space<vmem>>, vector<5000x1xf32>
    %add3A_10 = arith.addf %get3A_6, %get3A_9 : vector<5000x1xf32>
    %add3A_11 = arith.constant 1.000000e+00 : f32
    %add3A_12 = vector.broadcast %add3A_11 : f32 to vector<5000x1xf32>
    %add3A_13 = arith.addf %add3A_10, %add3A_12 : vector<5000x1xf32>
    %mul3A_14 = arith.constant 1.000000e+01 : f32
    %mul3A_15 = vector.broadcast %mul3A_14 : f32 to vector<5000x1xf32>
    %mul3A_16 = arith.mulf %mul3A_15, %convert_element_type3A_4 : vector<5000x1xf32>
    %sub3A = arith.subf %add3A_13, %mul3A_16 : vector<5000x1xf32>
    %rsqrt3A = math.rsqrt %sub3A : vector<5000x1xf32>
    %get3A_17 = arith.constant 0 : index
    %get3A_18 = arith.constant 0 : index
    %get3A_19 = vector.load %arg3[%get3A_17, %get3A_18] : memref<5000x4xf32, #tpu.memory_space<vmem>>, vector<5000x4xf32>
    %mul3A_20 = vector.broadcast %rsqrt3A : vector<5000x1xf32> to vector<5000x4xf32>
    %mul3A_21 = arith.mulf %get3A_19, %mul3A_20 : vector<5000x4xf32>
    %swap3A = arith.constant 0 : index
    %swap3A_22 = arith.constant 0 : index
    %swap3A_23 = vector.load %arg4[%swap3A, %swap3A_22] : memref<5000x4xf32, #tpu.memory_space<vmem>>, vector<5000x4xf32>
    tpu.vector_store %arg4[%swap3A, %swap3A_22], %mul3A_21 {strides = array<i32>} : memref<5000x4xf32, #tpu.memory_space<vmem>>, vector<5000x4xf32>,
    %swap3A_24 = arith.constant 0 : index
    %swap3A_25 = arith.constant 0 : index
    %swap3A_26 = vector.load %arg5[%swap3A_24, %swap3A_25] : memref<5000x1xf32, #tpu.memory_space<vmem>>, vector<5000x1xf32>
    tpu.vector_store %arg5[%swap3A_24, %swap3A_25], %rsqrt3A {strides = array<i32>} : memref<5000x1xf32, #tpu.memory_space<vmem>>, vector<5000x1xf32>,
    return
  }
  func.func @transform_0(%arg0: i32) -> (i32, i32) {
    %c0_i32 = arith.constant 0 : i32
    %c0_i32_0 = arith.constant 0 : i32
    return %arg0, %c0_i32 : i32, i32
  }
  func.func @transform_1(%arg0: i32) -> (i32, i32) {
    %c0_i32 = arith.constant 0 : i32
    %c0_i32_0 = arith.constant 0 : i32
    return %arg0, %c0_i32 : i32, i32
  }
  func.func @transform_2(%arg0: i32) -> (i32, i32) {
    %c0_i32 = arith.constant 0 : i32
    %c0_i32_0 = arith.constant 0 : i32
    return %arg0, %c0_i32 : i32, i32
  }
  func.func @transform_3(%arg0: i32) -> (i32, i32) {
    %c0_i32 = arith.constant 0 : i32
    %c0_i32_0 = arith.constant 0 : i32
    return %arg0, %c0_i32 : i32, i32
  }
  func.func @transform_4(%arg0: i32) -> (i32, i32) {
    %c0_i32 = arith.constant 0 : i32
    %c0_i32_0 = arith.constant 0 : i32
    return %arg0, %c0_i32 : i32, i32
  }
}

module attributes {stable_mosaic.version = 14 : i64} {
  func.func @_fin_body(%arg0: i32, %arg1: memref<5000x4xf32, #tpu.memory_space<vmem>>, %arg2: memref<5000x4xf32, #tpu.memory_space<vmem>>, %arg3: memref<5000x4xf32, #tpu.memory_space<vmem>>, %arg4: memref<5000x1xf32, #tpu.memory_space<vmem>>, %arg5: memref<1x4xf32, #tpu.memory_space<vmem>>, %arg6: memref<5000x4xf32, #tpu.memory_space<vmem>>) attributes {dimension_semantics = [#tpu.dimension_semantics<arbitrary>], iteration_bounds = array<i64: 20>, scalar_prefetch = 0 : i64, scratch_operands = 0 : i64, tpu.core_type = #tpu.core_type<tc>, window_params = [{transform_indices = @transform_0, window_bounds = array<i64: 5000, 4>}, {transform_indices = @transform_1, window_bounds = array<i64: 5000, 4>}, {transform_indices = @transform_2, window_bounds = array<i64: 5000, 4>}, {transform_indices = @transform_3, window_bounds = array<i64: 5000, 1>}, {pipeline_mode = #tpu.pipeline_mode<synchronous>, transform_indices = @transform_4, window_bounds = array<i64: 1, 4>}, {transform_indices = @transform_5, window_bounds = array<i64: 5000, 4>}]} {
    %iota3A = tpu.iota {dimensions = array<i32: 0>} : vector<5000x1xi32>
    %mul3A = arith.constant 5000 : i32
    %mul3A_0 = arith.muli %arg0, %mul3A : i32
    %add3A = vector.broadcast %mul3A_0 : i32 to vector<5000x1xi32>
    %add3A_1 = arith.addi %iota3A, %add3A : vector<5000x1xi32>
    %lt3A = arith.constant 7680 : i32
    %lt3A_2 = vector.broadcast %lt3A : i32 to vector<5000x1xi32>
    %lt3A_3 = arith.cmpi slt, %add3A_1, %lt3A_2 : vector<5000x1xi32>
    %convert_element_type3A = arith.extui %lt3A_3 : vector<5000x1xi1> to vector<5000x1xi32>
    %convert_element_type3A_4 = arith.sitofp %convert_element_type3A : vector<5000x1xi32> to vector<5000x1xf32>
    %get3A = arith.constant 0 : index
    %get3A_5 = arith.constant 0 : index
    %get3A_6 = vector.load %arg4[%get3A, %get3A_5] : memref<5000x1xf32, #tpu.memory_space<vmem>>, vector<5000x1xf32>
    %get3A_7 = arith.constant 0 : index
    %get3A_8 = arith.constant 0 : index
    %get3A_9 = vector.load %arg1[%get3A_7, %get3A_8] : memref<5000x4xf32, #tpu.memory_space<vmem>>, vector<5000x4xf32>
    %get3A_10 = arith.constant 0 : index
    %get3A_11 = arith.constant 0 : index
    %get3A_12 = vector.load %arg2[%get3A_10, %get3A_11] : memref<5000x4xf32, #tpu.memory_space<vmem>>, vector<5000x4xf32>
    %add3A_13 = arith.addf %get3A_9, %get3A_12 : vector<5000x4xf32>
    %get3A_14 = arith.constant 0 : index
    %get3A_15 = arith.constant 0 : index
    %get3A_16 = vector.load %arg3[%get3A_14, %get3A_15] : memref<5000x4xf32, #tpu.memory_space<vmem>>, vector<5000x4xf32>
    %mul3A_17 = arith.constant 1.000000e+01 : f32
    %mul3A_18 = vector.broadcast %mul3A_17 : f32 to vector<5000x1xf32>
    %mul3A_19 = arith.mulf %mul3A_18, %convert_element_type3A_4 : vector<5000x1xf32>
    %add3A_20 = arith.constant 1.000000e+00 : f32
    %add3A_21 = vector.broadcast %add3A_20 : f32 to vector<5000x1xf32>
    %add3A_22 = arith.addf %add3A_21, %mul3A_19 : vector<5000x1xf32>
    %mul3A_23 = vector.broadcast %add3A_22 : vector<5000x1xf32> to vector<5000x4xf32>
    %mul3A_24 = arith.mulf %get3A_16, %mul3A_23 : vector<5000x4xf32>
    %sub3A = arith.subf %add3A_13, %mul3A_24 : vector<5000x4xf32>
    %mul3A_25 = vector.broadcast %get3A_6 : vector<5000x1xf32> to vector<5000x4xf32>
    %mul3A_26 = arith.mulf %mul3A_25, %sub3A : vector<5000x4xf32>
    %get3A_27 = arith.constant 0 : index
    %get3A_28 = arith.constant 0 : index
    %get3A_29 = vector.load %arg5[%get3A_27, %get3A_28] : memref<1x4xf32, #tpu.memory_space<vmem>>, vector<1x4xf32>
    %add3A_30 = vector.broadcast %get3A_29 : vector<1x4xf32> to vector<5000x4xf32>
    %add3A_31 = arith.addf %mul3A_26, %add3A_30 : vector<5000x4xf32>
    %swap3A = arith.constant 0 : index
    %swap3A_32 = arith.constant 0 : index
    %swap3A_33 = vector.load %arg6[%swap3A, %swap3A_32] : memref<5000x4xf32, #tpu.memory_space<vmem>>, vector<5000x4xf32>
    tpu.vector_store %arg6[%swap3A, %swap3A_32], %add3A_31 {strides = array<i32>} : memref<5000x4xf32, #tpu.memory_space<vmem>>, vector<5000x4xf32>,
    return
  }
  func.func @transform_0(%arg0: i32) -> (i32, i32) {
    %c0_i32 = arith.constant 0 : i32
    %c0_i32_0 = arith.constant 0 : i32
    return %arg0, %c0_i32 : i32, i32
  }
  func.func @transform_1(%arg0: i32) -> (i32, i32) {
    %c0_i32 = arith.constant 0 : i32
    %c0_i32_0 = arith.constant 0 : i32
    return %arg0, %c0_i32 : i32, i32
  }
  func.func @transform_2(%arg0: i32) -> (i32, i32) {
    %c0_i32 = arith.constant 0 : i32
    %c0_i32_0 = arith.constant 0 : i32
    return %arg0, %c0_i32 : i32, i32
  }
  func.func @transform_3(%arg0: i32) -> (i32, i32) {
    %c0_i32 = arith.constant 0 : i32
    %c0_i32_0 = arith.constant 0 : i32
    return %arg0, %c0_i32 : i32, i32
  }
  func.func @transform_4(%arg0: i32) -> (i32, i32) {
    %c0_i32 = arith.constant 0 : i32
    %c0_i32_0 = arith.constant 0 : i32
    %c0_i32_1 = arith.constant 0 : i32
    return %c0_i32, %c0_i32_0 : i32, i32
  }
  func.func @transform_5(%arg0: i32) -> (i32, i32) {
    %c0_i32 = arith.constant 0 : i32
    %c0_i32_0 = arith.constant 0 : i32
    return %arg0, %c0_i32 : i32, i32
  }
}

</mosaic_0001>

<sc_bundles>
// kernel: kernel.10.cloned.1.call-start
scs
__scs_entry_jumppad:
0x0: {  	(pc) =	sbr.rel $0x88, $3  }
0x1: {  	(tag) =	ssettag $0x0;
	lr =	simm.s32 $0x1  }
0x2: {  	[smem:$0x3F9D] =	sst lr;
	_ =	strace $0xD0000000  }
0x3: {  	_ = 	snop  }
0x4: {  	_ = 	snop  }
0x5: {  	_ = 	snop  }
0x6: {  	_ = 	snop  }
0x7: {  	_ = 	snop  }
__scs_overlays_trampoline_lowered:
0x8: {  	[smem:$0x3FAC] =	sst s0  }
0x9: {  	[smem:$0x3FAD] =	sst s1  }
0xa: {  	[smem:$0x3FAE] =	sst s2  }
0xb: {  	[smem:$0x3FAF] =	sst s3  }
0xc: {  	[smem:$0x3FB0] =	sst s4  }
0xd: {  	[smem:$0x3FB1] =	sst s5  }
0xe: {  	[smem:$0x3FB2] =	sst s6  }
0xf: {  	[smem:$0x3FB3] =	sst s7  }
0x10: {  	[smem:$0x3FB4] =	sst s8  }
0x11: {  	[smem:$0x3FB5] =	sst s9;
	s0 =	simm.s32 @!p0 $0x0  }
0x12: {  	s1 =	sld [smem:$0x3F9B];
	s0 =	simm.s32 @p0 $0x1  }
0x13: {  	[smem:$0x3FB6] =	sst s0;
	s0 =	simm.s32 @!p1 $0x0  }
0x14: {  	s2 =	sld [smem:$0x3F9A];
	s0 =	simm.s32 @p1 $0x1  }
0x15: {  	[smem:$0x3FB7] =	sst s0;
	s0 =	simm.s32 @!p2 $0x0  }
0x16: {  	s3 =	sld [smem:$0x3FDB];
	s0 =	simm.s32 @p2 $0x1  }
0x17: {  	s4 =	simm.s32 $0x1BF5;
	[smem:$0x3FB9] =	sst s0  }
0x18: {  	s0 =	sld [smem:$0x3F9C];
	_ =	swait.ge [sflag:s4], $0x0  }
0x19: {  	s7 =	sld [smem:$0x3F9D]  }
0x1a: {  	s8 =	sadd.s32 $0xFFFFE003, lr  }
0x1b: {  	s9 =	sadd.s32 $0xFFFFFEF7, lr;
	s5 =	simm.s32 $0xFFFFFFFF;
	p2 =	slt.u32 s8, $0xFFFFF086  }
0x1c: {  	p1 =	slt.u32 s9, $0xF7A;
	s5 =	simm.s32 @!p2 $0x0  }
0x1d: {  	s5 =	simm.s32 @p1 $0x1;
	p0 =	seq.s32 s7, s2  }
0x1e: {  	s7 =	smul.u32 @!p0 $0xF7A, s2;
	p2 =	seq.s32 @!p0 s5, $0x0  }
0x1f: {  	s9 =	smul.u32 $0xF7A, s1;
	s8 =	simm.s32 @!p0 $0x1BF5;
	p2 =	por !p2, p0  }
0x20: {  	[sflag:s8] =	ssyncset.s32 @!p0 $0xFFFFF086;
	s6 =	sadd.s32 @!p0 s3, s7;
	s7 =	simm.s32 @!p0 $0x108  }
0x21: {  	s3 =	sadd.s32 s3, s9;
	s6 =	sadd.s32 @!p0 $0x88, s6;
	s7 =	simm.s32 @p2 $0x1082  }
0x22: {  	[simem:s7], [sflag:s8] =	dma.local @!p0 [hbm:s6], $0xF7A  }
0x23: {  	s9 =	sor.u32 $0xD0000000, s2;
	s6 =	simm.s32 $0x108;
	_ =	swait.ge @!p0 [sflag:s8], $0x0  }
0x24: {  	s3 =	sadd.s32 $0x88, s3;
	s6 =	simm.s32 @!p1 $0x1082;
	[sflag:s4] =	ssyncset.s32 $0xFFFFF086  }
0x25: {  	[simem:s6], [sflag:s4] =	dma.local [hbm:s3], $0xF7A  }
0x26: {  	[smem:$0x3F9D] =	sst s1;
	(tag) =	ssettag s2;
	_ =	strace s9  }
0x27: {  	s1 =	sld [smem:$0x3FAD]  }
0x28: {  	s2 =	sld [smem:$0x3FAE]  }
0x29: {  	s4 =	sld [smem:$0x3FB0]  }
0x2a: {  	p0 =	seq.s32 s5, $0x0;
	s5 =	sld [smem:$0x3FB1]  }
0x2b: {  	s6 =	sld [smem:$0x3FB2]  }
0x2c: {  	s7 =	sld [smem:$0x3FB3]  }
0x2d: {  	s3 =	simm.s32 $0x108;
	s8 =	sld [smem:$0x3FB4]  }
0x2e: {  	s3 =	simm.s32 @!p0 $0x1082;
	s9 =	sld [smem:$0x3FB5]  }
0x2f: {  	lr =	sadd.s32 s0, s3;
	s0 =	sld [smem:$0x3FAC]  }
0x30: {  	s3 =	sld [smem:$0x3FAF]  }
0x31: {  	[smem:$0x3FB8] =	sst s10  }
0x32: {  	s10 =	sld [smem:$0x3FB6];
	_ =	sdelay $0x3  }
0x33: {  	p0 =	seq.s32 s10, $0x1;
	s10 =	sld [smem:$0x3FB8];
	_ =	sdelay $0x3  }
0x34: {  	[smem:$0x3FB8] =	sst s10  }
0x35: {  	s10 =	sld [smem:$0x3FB7];
	_ =	sdelay $0x3  }
0x36: {  	p1 =	seq.s32 s10, $0x1;
	s10 =	sld [smem:$0x3FB8];
	_ =	sdelay $0x3  }
0x37: {  	[smem:$0x3FB8] =	sst s10  }
0x38: {  	s10 =	sld [smem:$0x3FB9]  }
0x39: {  	_ = 	snop;
	(pc) =	sbr.ind lr, $3  }
0x3a: {  	_ = 	snop  }
0x3b: {  	_ = 	snop  }
0x3c: {  	p2 =	seq.s32 s10, $0x1;
	s10 =	sld [smem:$0x3FB8]  }
0x3d: {  	_ =	shalt  }
0x3e: {  	_ =	shalt  }
0x3f: {  	_ =	shalt  }
0x40: {  	_ =	shalt  }
0x41: {  	_ =	shalt  }
0x42: {  	_ =	shalt  }
0x43: {  	_ =	shalt  }
0x44: {  	_ =	shalt  }
0x45: {  	_ =	shalt  }
0x46: {  	_ =	shalt  }
0x47: {  	_ =	shalt  }
0x48: {  	_ =	shalt  }
0x49: {  	_ =	shalt  }
0x4a: {  	_ =	shalt  }
0x4b: {  	_ =	shalt  }
0x4c: {  	_ =	shalt  }
0x4d: {  	_ =	shalt  }
0x4e: {  	_ =	shalt  }
0x4f: {  	_ =	shalt  }
0x50: {  	_ =	shalt  }
0x51: {  	_ =	shalt  }
0x52: {  	_ =	shalt  }
0x53: {  	_ =	shalt  }
0x54: {  	_ =	shalt  }
0x55: {  	_ =	shalt  }
0x56: {  	_ =	shalt  }
0x57: {  	_ =	shalt  }
0x58: {  	_ =	shalt  }
0x59: {  	_ =	shalt  }
0x5a: {  	_ =	shalt  }
0x5b: {  	_ =	shalt  }
0x5c: {  	_ =	shalt  }
0x5d: {  	_ =	shalt  }
0x5e: {  	_ =	shalt  }
0x5f: {  	_ =	shalt  }
0x60: {  	_ =	shalt  }
0x61: {  	_ =	shalt  }
0x62: {  	_ =	shalt  }
0x63: {  	_ =	shalt  }
0x64: {  	_ =	shalt  }
0x65: {  	_ =	shalt  }
0x66: {  	_ =	shalt  }
0x67: {  	_ =	shalt  }
0x68: {  	_ =	shalt  }
0x69: {  	_ =	shalt  }
0x6a: {  	_ =	shalt  }
0x6b: {  	_ =	shalt  }
0x6c: {  	_ =	shalt  }
0x6d: {  	_ =	shalt  }
0x6e: {  	_ =	shalt  }
0x6f: {  	_ =	shalt  }
0x70: {  	_ =	shalt  }
0x71: {  	_ =	shalt  }
0x72: {  	_ =	shalt  }
0x73: {  	_ =	shalt  }
0x74: {  	_ =	shalt  }
0x75: {  	_ =	shalt  }
0x76: {  	_ =	shalt  }
0x77: {  	_ =	shalt  }
0x78: {  	_ =	shalt  }
0x79: {  	_ =	shalt  }
0x7a: {  	_ =	shalt  }
0x7b: {  	_ =	shalt  }
0x7c: {  	_ =	shalt  }
0x7d: {  	_ =	shalt  }
0x7e: {  	_ =	shalt  }
0x7f: {  	_ =	shalt  }
0x80: {  	_ =	shalt  }
0x81: {  	_ =	shalt  }
0x82: {  	_ =	shalt  }
0x83: {  	_ =	shalt  }
0x84: {  	_ =	shalt  }
0x85: {  	_ =	shalt  }
0x86: {  	_ =	shalt  }
0x87: {  	_ =	shalt  }
.Lfunc_end0:
.L_simem_size_0:
called_computation.1_lowered:
.L_overlay_start_0:
0x88: {  	s2 =	sld [smem:$0x3FD9]  }
0x89: {  	s3 =	sld [smem:$0x3FFE];
	_ =	sdelay $0x1  }
0x8a: {  	s1 =	srdreg.scid  }
0x8b: {  	s0 =	sand.u32 $0x1, s1  }
0x8c: {  	s16 =	sshll.u32 s0, $0xA;
	s2 =	sadd.s32 s3, s2  }
0x8d: {  	s2 =	sadd.s32 s2, s16  }
0x8e: {  	[smem:$0x3FC4] =	sst s2  }
0x8f: {  	_ = 	snop  }
0x90: {  	(tm) =	ssettm $0x1  }
0x91: {  	s17 =	sld [smem:$0x3FFB];
	_ =	sdelay $0x3  }
0x92: {  	_ =	strace s17  }
0x93: {  	s2 =	sld [smem:$0x3FFC];
	_ =	sdelay $0x3  }
0x94: {  	_ =	strace s2  }
0x95: {  	s2 =	sld [smem:$0x3FFD];
	_ =	sdelay $0x3  }
0x96: {  	_ =	strace s2  }
0x97: {  	_ =	strace $0x8FFFFFFF  }
0x98: {  	s18 =	sld [smem:$0x3FDB];
	_ =	sdelay $0x1  }
0x99: {  	s19 =	simm.s32 $_scs_section_size  }
0x9a: {  	s4 =	simm.s32 $_size__tile_overlayer_lowered;
	s5 =	simm.s32 $_tile_overlayer_lowered  }
0x9b: {  	s22 =	simm.s32 $0x1BFF;
	s21 =	sshll.u32 s5, $0x1;
	s2 =	sadd.s32 s19, s18  }
0x9c: {  	s6 =	simm.s32 $0x0;
	s20 =	sshll.u32 s4, $0x1;
	s4 =	sadd.s32 s21, s2  }
0x9d: {  	[timem:s6], [sflag:s22] =	dma.local [hbm:s4], s20  }
0x9e: {  	_ =	swait.ge [sflag:s22], s20  }
0x9f: {  	s3 =	ssub.s32 $0x0, s20;
	[sflag:s22] =	ssyncset.done $0x0  }
0xa0: {  	[sflag:s22] =	ssyncadd.s32 s3;
	_ =	sdelay $0x1  }
0xa1: {  	s23 =	simm.s32 $0x1B8B  }
0xa2: {  	_ =	swait.ge [sflag:s23], $0x1  }
0xa3: {  	[sflag:s23] =	ssyncset.done $0x0  }
0xa4: {  	s25 =	simm.s32 $0x1B8E;
	s24 =	sld [smem:$0x3FFE];
	[sflag:s23] =	ssyncadd.s32 $0xFFFFFFFF  }
0xa5: {  	s26 =	simm.s32 $execute0_lowered;
	[smem:$0x3FD2] =	sst s25  }
0xa6: {  	s4 =	sshll.u32 s26, $0x1;
	_ =	strace $0x80000049;
	[dreg:$0x1] =	wrdreg $0xFFFFFFFF  }
0xa7: {  	s28 =	simm.s32 $_size_execute0_lowered;
	s2 =	sadd.s32 s2, s4;
	[dreg:$0x0] =	wrdreg $0x0  }
0xa8: {  	s4 =	sshll.u32 s28, $0x1;
	[dreg:$0x2] =	wrdreg s2  }
0xa9: {  	[dreg:$0x3] =	wrdreg s4  }
0xaa: {  	[dreg:$0x4] =	wrdreg $0xC0  }
0xab: {  	_ =	task [dreg:s6], $0x5FFFF  }
0xac: {  	[dreg:$0x1] =	wrdreg $0xFFFFFFFF  }
0xad: {  	[dreg:$0x0] =	wrdreg $0x60  }
0xae: {  	[dreg:$0x2] =	wrdreg s24  }
0xaf: {  	[dreg:$0x3] =	wrdreg $0x38000  }
0xb0: {  	[dreg:$0x4] =	wrdreg $0x99A80  }
0xb1: {  	[dreg:$0x5] =	wrdreg $0x9  }
0xb2: {  	_ =	task.clear_ibuf [dreg:s6], $0x6FFFF;
	_ =	strace $0x90000049  }
0xb3: {  	s29 =	simm.s32 $0x9;
	_ =	strace $0x8000004B  }
0xb4: {  	_ =	swait.ge [sflag:s29], $0x1  }
0xb5: {  	[sflag:s29] =	ssyncadd.s32 $0xFFFFFFFF  }
0xb6: {  	_ =	strace $0x9000004B  }
0xb7: {  	_ =	sfence  }
0xb8: {  	s30 =	sld [smem:$0x0];
	_ =	sdelay $0x2  }
0xb9: {  	s31 =	sshll.u32 s1, $0xD;
	s1 =	sshrl.u32 s1, $0x2  }
0xba: {  	s3 =	sand.u32 $0x4000, s31;
	s1 =	sadd.s32 s1, s30  }
0xbb: {  	s0 =	sor.u32 s3, s0;
	s1 =	sshll.u32 s1, $0x11  }
0xbc: {  	s0 =	sor.u32 s1, s0  }
0xbd: {  	s0 =	sadd.s32 $0x8F2B, s0  }
0xbe: {  	[sflag:s0] =	ssyncadd.remote.s32 $0x1  }
0xbf: {  	_ =	sfence.sel $0xFFFF  }
0xc0: {  	[dreg:$0x0] =	wrdreg $0xFFFFFFFF;
	(pc) =	sbr.abs _section_cstart, $3  }
0xc1: {  	[dreg:$0x1] =	wrdreg $0xFFFFFFFF  }
0xc2: {  	_ =	task.clear_ibuf [dreg:s6], $0x2FFFF;
	_ =	strace $0x9FFFFFFF  }
0xc3: {  	(tm) =	ssettm $0x7FFFFFFF  }
tec
execute0_lowered:
.L_overlay_start_1:
0x0: {  	(tag) =	ssettag $0x1  }
0x1: {  	s0 =	rddreg [dreg:$0x0]  }
0x2: {  	s2 =	rddreg [dreg:$0x1]  }
0x3: {  	s3 =	rddreg [dreg:$0x2];
	s4 =	simm.s32 $0x0  }
0x4: {  	s9 =	simm.s32 $0x100;
	[smem:$0x7FF] =	sst s4  }
0x5: {  	s11 =	simm.s32 $0x180;
	_ =	strace $0x8000004A;
	[dreg:$0x5] =	wrdreg s9  }
0x6: {  	s12 =	simm.s32 $0x200;
	[dreg:$0x6] =	wrdreg s11  }
0x7: {  	s13 =	simm.s32 $0x1480;
	[dreg:$0x7] =	wrdreg s12  }
0x8: {  	s14 =	simm.s32 $0x280;
	[dreg:$0x8] =	wrdreg s13  }
0x9: {  	s15 =	simm.s32 $0x1500;
	[dreg:$0x9] =	wrdreg s14  }
0xa: {  	s16 =	simm.s32 $0x300;
	[dreg:$0xa] =	wrdreg s15  }
0xb: {  	s17 =	simm.s32 $0x1580;
	[dreg:$0xb] =	wrdreg s16  }
0xc: {  	s18 =	simm.s32 $0x380;
	[dreg:$0xc] =	wrdreg s17  }
0xd: {  	s19 =	simm.s32 $0x1600;
	[dreg:$0xd] =	wrdreg s18  }
0xe: {  	s20 =	simm.s32 $0x400;
	[dreg:$0xe] =	wrdreg s19  }
0xf: {  	s21 =	simm.s32 $0x1680;
	[dreg:$0xf] =	wrdreg s20  }
0x10: {  	s22 =	simm.s32 $0x480;
	[dreg:$0x10] =	wrdreg s21  }
0x11: {  	s23 =	simm.s32 $0x1700;
	[dreg:$0x11] =	wrdreg s22  }
0x12: {  	s24 =	simm.s32 $0x500;
	[dreg:$0x12] =	wrdreg s23  }
0x13: {  	s25 =	simm.s32 $0x1780;
	[dreg:$0x13] =	wrdreg s24  }
0x14: {  	s26 =	simm.s32 $0x580;
	[dreg:$0x14] =	wrdreg s25  }
0x15: {  	s7 =	simm.s32 $0x600;
	[dreg:$0x15] =	wrdreg s26  }
0x16: {  	s8 =	simm.s32 $0x1880;
	[dreg:$0x17] =	wrdreg s7  }
0x17: {  	[dreg:$0x18] =	wrdreg s8;
	s9 =	simm.s32 $0x680  }
0x18: {  	s11 =	simm.s32 $0x1900;
	[dreg:$0x19] =	wrdreg s9  }
0x19: {  	s12 =	simm.s32 $0x700;
	[dreg:$0x1a] =	wrdreg s11  }
0x1a: {  	s13 =	simm.s32 $0x1980;
	[dreg:$0x1b] =	wrdreg s12  }
0x1b: {  	s14 =	simm.s32 $0x780;
	[dreg:$0x1c] =	wrdreg s13  }
0x1c: {  	s15 =	simm.s32 $0x1A00;
	[dreg:$0x1d] =	wrdreg s14  }
0x1d: {  	s16 =	simm.s32 $0x800;
	[dreg:$0x1e] =	wrdreg s15  }
0x1e: {  	s17 =	simm.s32 $0x1A80;
	[dreg:$0x1f] =	wrdreg s16  }
0x1f: {  	s18 =	simm.s32 $0x880;
	[smem:$0x7C7] =	sst s17  }
0x20: {  	s19 =	simm.s32 $0x1B00;
	[smem:$0x7C8] =	sst s18  }
0x21: {  	s20 =	simm.s32 $0x900;
	[smem:$0x7C9] =	sst s19  }
0x22: {  	s21 =	simm.s32 $0x1B80;
	[smem:$0x7CA] =	sst s20  }
0x23: {  	s22 =	simm.s32 $0x980;
	[smem:$0x7CB] =	sst s21  }
0x24: {  	s23 =	simm.s32 $0x1C00;
	[smem:$0x7CC] =	sst s22  }
0x25: {  	s24 =	simm.s32 $0xA00;
	[smem:$0x7CD] =	sst s23  }
0x26: {  	s25 =	simm.s32 $0x1C80;
	[smem:$0x7CE] =	sst s24  }
0x27: {  	s7 =	simm.s32 $0xA80;
	[smem:$0x7CF] =	sst s25  }
0x28: {  	s8 =	simm.s32 $0x1D00;
	[smem:$0x7D0] =	sst s7  }
0x29: {  	[smem:$0x7D1] =	sst s8;
	s9 =	simm.s32 $0xB00  }
0x2a: {  	s11 =	simm.s32 $0x1D80;
	[smem:$0x7D2] =	sst s9  }
0x2b: {  	s12 =	simm.s32 $0xB80;
	[smem:$0x7D3] =	sst s11  }
0x2c: {  	s13 =	simm.s32 $0x1E00;
	[smem:$0x7D4] =	sst s12  }
0x2d: {  	s1 =	srdreg.scid;
	s14 =	simm.s32 $0xC00;
	[smem:$0x7D5] =	sst s13  }
0x2e: {  	s10 =	stileid.u32;
	s15 =	simm.s32 $0x1E80;
	[smem:$0x7D6] =	sst s14  }
0x2f: {  	s28 =	simm.s32 $0x5;
	s16 =	simm.s32 $0xC80;
	[smem:$0x7D8] =	sst s15  }
0x30: {  	s29 =	simm.s32 $0x2;
	s17 =	simm.s32 $0x1F00;
	[smem:$0x7D9] =	sst s16  }
0x31: {  	s30 =	simm.s32 $0x6;
	s18 =	simm.s32 $0xD00;
	[smem:$0x7DA] =	sst s17  }
0x32: {  	s31 =	simm.s32 $0x3;
	s19 =	simm.s32 $0x1F80;
	[smem:$0x7DC] =	sst s18  }
0x33: {  	s1 =	sand.u32 $0x1, s1;
	s20 =	simm.s32 $0xD80;
	[smem:$0x7DD] =	sst s19  }
0x34: {  	s6 =	smul.u32 $0x3200, s10;
	s21 =	simm.s32 $0x2000;
	[smem:$0x7DE] =	sst s20  }
0x35: {  	p0 =	seq.s32 s10, $0xF;
	s23 =	simm.s32 $0xE00;
	[smem:$0x7E0] =	sst s21  }
0x36: {  	s5 =	smul.u32 $0x32000, s1;
	s25 =	simm.s32 $0x2080;
	[smem:$0x7E2] =	sst s23  }
0x37: {  	s26 =	smul.u32 $0xC340, s10;
	s12 =	sadd.s32 $0x267A18, s0;
	[smem:$0x7E4] =	sst s25  }
0x38: {  	p4 =	seq.s32 s1, $0x1;
	s13 =	simm.s32 $0xF00;
	[smem:$0x7DB] =	sst s12  }
0x39: {  	s8 =	ssub.s32 $0x2, s1;
	s14 =	simm.s32 $0x2180;
	[smem:$0x7E9] =	sst s13  }
0x3a: {  	p1 =	por !p4, !p0;
	s15 =	simm.s32 $0xF80;
	[smem:$0x7EB] =	sst s14  }
0x3b: {  	p2 =	por p4, !p0;
	s16 =	simm.s32 $0x2200;
	[smem:$0x7EE] =	sst s15  }
0x3c: {  	p3 =	por !p4, p0;
	s17 =	simm.s32 $0x1000;
	[smem:$0x7EF] =	sst s16  }
0x3d: {  	p4 =	por p4, p0;
	s18 =	simm.s32 $0x2280;
	[smem:$0x7F1] =	sst s17  }
0x3e: {  	s5 =	sadd.s32 s5, s0;
	s19 =	simm.s32 $0x1080;
	[smem:$0x7F3] =	sst s18  }
0x3f: {  	s7 =	sshrl.u32 s26, $0x3;
	s20 =	simm.s32 $0x2300;
	[smem:$0x7F6] =	sst s19  }
0x40: {  	s9 =	sshrl.u32 s8, $0x1;
	s21 =	simm.s32 $0x1100;
	[smem:$0x7F7] =	sst s20  }
0x41: {  	s23 =	simm.s32 $0x1180;
	s25 =	simm.s32 $0x1200;
	[smem:$0x7F8] =	sst s21  }
0x42: {  	s5 =	sadd.s32 s6, s5;
	s6 =	simm.s32 $0x1800;
	[smem:$0x7FA] =	sst s23  }
0x43: {  	s7 =	sadd.s32 s7, s0;
	s8 =	ssub.s32 s8, s9;
	[smem:$0x7FC] =	sst s25  }
0x44: {  	s9 =	sadd.s32 s26, s2;
	s12 =	sadd.s32 $0xB70C0, s3;
	[dreg:$0x16] =	wrdreg s6  }
0x45: {  	s19 =	simm.s32 $0x9;
	s5 =	sadd.s32 $0x2200, s5;
	[smem:$0x7EC] =	sst s12  }
0x46: {  	s20 =	simm.s32 $0x1400;
	s11 =	sadd.s32 $0x250C00, s7;
	[dreg:$0x4] =	wrdreg s5  }
0x47: {  	s21 =	simm.s32 $0x80;
	s22 =	sadd.s32 $0xE2A00, s7;
	[smem:$0x7D7] =	sst s11  }
0x48: {  	s23 =	simm.s32 $0x2C00;
	s24 =	sadd.s32 $0xCA200, s7;
	[smem:$0x7DF] =	sst s22  }
0x49: {  	s25 =	simm.s32 $0x3400;
	s8 =	smax.u32 s8, $0x1;
	[smem:$0x7E1] =	sst s24  }
0x4a: {  	s13 =	simm.s32 $0x2580;
	s7 =	simm.s32 $0x2100;
	[smem:$0x7E7] =	sst s8  }
0x4b: {  	s11 =	sadd.s32 s26, s3;
	s26 =	sadd.s32 $0xF9818, s0;
	[smem:$0x7E8] =	sst s7  }
0x4c: {  	s14 =	simm.s32 $0x1380;
	s0 =	sadd.s32 $0xE1018, s0;
	[smem:$0x7E3] =	sst s26  }
0x4d: {  	s6 =	sadd.s32 $0xB70C0, s2;
	s5 =	simm.s32 $0xE80;
	[smem:$0x7E5] =	sst s0  }
0x4e: {  	s15 =	simm.s32 $0x2600;
	s1 =	sshrl.u32 @p0 s6, $0x3;
	[smem:$0x7E6] =	sst s5  }
0x4f: {  	s17 =	simm.s32 $0x2680;
	s18 =	simm.s32 $0x2700;
	[smem:$0x7EA] =	sst s1  }
0x50: {  	s22 =	simm.s32 $0x2380;
	s24 =	simm.s32 $0x2400;
	[smem:$0x7F4] =	sst s11  }
0x51: {  	s8 =	simm.s32 $0x0;
	s1 =	sshrl.u32 @p0 s12, $0x3;
	[smem:$0x7F9] =	sst s22  }
0x52: {  	s22 =	simm.s32 $0x2800;
	[smem:$0x7FB] =	sst s24;
	s24 =	simm.s32 $0x3000  }
0x53: {  	s26 =	simm.s32 $0x2480;
	s0 =	simm.s32 $0x4;
	s12 =	simm.s32 $0x1300  }
0x54: {  	s5 =	simm.s32 $0x2780;
	[smem:$0x7ED] =	sst s1;
	s1 =	sshll.u32 @!p0 s10, $0x6  }
0x55: {  	[smem:$0x7FD] =	sst s26;
	s26 =	simm.s32 $0x1;
	s1 =	sor.u32 @!p0 $0x1C09, s1  }
0x56: {  	s10 =	simm.s32 $0x1280;
	[smem:$0x7F0] =	sst s1;
	s1 =	sshrl.u32 @!p0 s9, $0x3  }
0x57: {  	s9 =	simm.s32 $0x8;
	[smem:$0x7F2] =	sst s1;
	s1 =	sshrl.u32 @!p0 s11, $0x3  }
0x58: {  	s11 =	simm.s32 $0x2500;
	[smem:$0x7F5] =	sst s1;
	s1 =	simm.s32 $0x7  }
.LBB2_1:
0x59: {  	[smem:$0x7C6] =	sst s8  }
0x5a: {  	s7 =	sld [smem:$0x7DB]  }
0x5b: {  	s8 =	sld [smem:$0x7EA];
	_ =	sdelay $0x1  }
0x5c: {  	s6 =	simm.s32 @p0 $0x1FC9  }
0x5d: {  	[spmem:s8], [sflag:s6] =	dma.local @p0 [hbm:s7], $0x1888  }
0x5e: {  	s8 =	simm.s32 @p0 $0x9  }
0x5f: {  	_ =	swait.ge @p0 [sflag:s8], $0x1888  }
0x60: {  	s16 =	sld [smem:$0x7ED]  }
0x61: {  	[sflag:s8] =	ssyncset.done @p0 $0x0  }
0x62: {  	[sflag:s8] =	ssyncadd.s32 @p0 $0xFFFFE778  }
0x63: {  	[spmem:s16], [sflag:s6] =	dma.local @p0 [hbm:s7], $0x1888  }
0x64: {  	_ =	swait.ge @p0 [sflag:s8], $0x1888  }
0x65: {  	s7 =	sld [smem:$0x7D7]  }
0x66: {  	[sflag:s8] =	ssyncset.done @p0 $0x0;
	s6 =	sld [smem:$0x7F2]  }
0x67: {  	[sflag:s8] =	ssyncadd.s32 @p0 $0xFFFFE778;
	s8 =	sld [smem:$0x7F0];
	_ =	sdelay $0x2  }
0x68: {  	[spmem:s6], [sflag:s8] =	dma.local @!p0 [hbm:s7], $0x1868  }
0x69: {  	s6 =	simm.s32 @!p0 $0x9  }
0x6a: {  	_ =	swait.ge @!p0 [sflag:s6], $0x1868  }
0x6b: {  	s16 =	sld [smem:$0x7F5]  }
0x6c: {  	[sflag:s6] =	ssyncset.done @!p0 $0x0  }
0x6d: {  	[sflag:s6] =	ssyncadd.s32 @!p0 $0xFFFFE798  }
0x6e: {  	[spmem:s16], [sflag:s8] =	dma.local @!p0 [hbm:s7], $0x1868  }
0x6f: {  	_ =	swait.ge @!p0 [sflag:s6], $0x1868  }
0x70: {  	[sflag:s6] =	ssyncset.done @!p0 $0x0  }
0x71: {  	[sflag:s6] =	ssyncadd.s32 @!p0 $0xFFFFE798  }
0x72: {  	[bflag:$0x0] =	sbarrier.arrive $0xFFFF  }
0x73: {  	s7 =	rddreg [dreg:$0x4]  }
0x74: {  	s6 =	sadd.s32 $0x0, s7  }
0x75: {  	[tilespmem:s4], [sflag:$0x9] =	stream.linear.gather [hbm4b:s6+s4], $0x1400, $0x38;
	[tilespmem:$0xFB50] =	vst v63  }
0x76: {  	_ =	swait.ge [sflag:s19], $0x1400  }
0x77: {  	[sflag:s19] =	ssyncset.done $0x0  }
0x78: {  	s6 =	sadd.s32 $0x64000, s6;
	[sflag:s19] =	ssyncadd.s32 $0xFFFFEC00  }
0x79: {  	[tilespmem:s20], [sflag:$0x9] =	stream.linear.gather [hbm4b:s6+s4], $0x1400, $0x38;
	[tilespmem:$0xFB50] =	vst v63  }
0x7a: {  	_ =	swait.ge [sflag:s19], $0x1400  }
0x7b: {  	[sflag:s19] =	ssyncset.done $0x0  }
0x7c: {  	[sflag:s19] =	ssyncadd.s32 $0xFFFFEC00  }
0x7d: {  	[tilespmem:s22], [sflag:$0x1] =	stream.indirect.gather [spmem:s2], $0x4, s4, s21, $0xb8;
	[tilespmem:$0xFB50] =	vst v63  }
0x7e: {  	_ = 	snop  }
0x7f: {  	[tilespmem:s23], [sflag:$0x2] =	stream.indirect.gather [spmem:s2], $0x4, s21, s21, $0xb8;
	[tilespmem:$0xFB50] =	vst v63  }
0x80: {  	s8 =	rddreg [dreg:$0x5]  }
0x81: {  	[tilespmem:s24], [sflag:$0x3] =	stream.indirect.gather [spmem:s2], $0x4, s8, s21, $0xb8;
	[tilespmem:$0xFB50] =	vst v63  }
0x82: {  	s16 =	rddreg [dreg:$0x6]  }
0x83: {  	[tilespmem:s25], [sflag:$0x4] =	stream.indirect.gather [spmem:s2], $0x4, s16, s21, $0xb8;
	[tilespmem:$0xFB50] =	vst v63  }
0x84: {  	_ =	swait.ge [sflag:s26], $0x200  }
0x85: {  	[sflag:s26] =	ssyncset.done $0x0  }
0x86: {  	[sflag:s26] =	ssyncadd.s32 $0xFFFFFE00  }
0x87: {  	[spmem:s3] =	stream.indirect.scatter.add.f32 [tilespmem:s22], [sflag:$0x5], $0x4, s20, s21, $0xb8;
	[tilespmem:$0xFB50] =	vst v63  }
0x88: {  	_ =	swait.ge [sflag:s28], $0x200  }
0x89: {  	[sflag:s28] =	ssyncset.done $0x0  }
0x8a: {  	s7 =	rddreg [dreg:$0x7];
	[sflag:s28] =	ssyncadd.s32 $0xFFFFFE00  }
0x8b: {  	[tilespmem:s22], [sflag:$0x1] =	stream.indirect.gather [spmem:s2], $0x4, s7, s21, $0xb8;
	[tilespmem:$0xFB50] =	vst v63  }
0x8c: {  	_ =	swait.ge [sflag:s29], $0x200  }
0x8d: {  	[sflag:s29] =	ssyncset.done $0x0  }
0x8e: {  	s8 =	rddreg [dreg:$0x8];
	[sflag:s29] =	ssyncadd.s32 $0xFFFFFE00  }
0x8f: {  	[spmem:s3] =	stream.indirect.scatter.add.f32 [tilespmem:s23], [sflag:$0x6], $0x4, s8, s21, $0xb8;
	[tilespmem:$0xFB50] =	vst v63  }
0x90: {  	_ =	swait.ge [sflag:s30], $0x200  }
0x91: {  	[sflag:s30] =	ssyncset.done $0x0  }
0x92: {  	s16 =	rddreg [dreg:$0x9];
	[sflag:s30] =	ssyncadd.s32 $0xFFFFFE00  }
0x93: {  	[tilespmem:s23], [sflag:$0x2] =	stream.indirect.gather [spmem:s2], $0x4, s16, s21, $0xb8;
	[tilespmem:$0xFB50] =	vst v63  }
0x94: {  	_ =	swait.ge [sflag:s31], $0x200  }
0x95: {  	[sflag:s31] =	ssyncset.done $0x0  }
0x96: {  	s7 =	rddreg [dreg:$0xa];
	[sflag:s31] =	ssyncadd.s32 $0xFFFFFE00  }
0x97: {  	[spmem:s3] =	stream.indirect.scatter.add.f32 [tilespmem:s24], [sflag:$0x7], $0x4, s7, s21, $0xb8;
	[tilespmem:$0xFB50] =	vst v63  }
0x98: {  	_ =	swait.ge [sflag:s1], $0x200  }
0x99: {  	[sflag:s1] =	ssyncset.done $0x0  }
0x9a: {  	s8 =	rddreg [dreg:$0xb];
	[sflag:s1] =	ssyncadd.s32 $0xFFFFFE00  }
0x9b: {  	[tilespmem:s24], [sflag:$0x3] =	stream.indirect.gather [spmem:s2], $0x4, s8, s21, $0xb8;
	[tilespmem:$0xFB50] =	vst v63  }
0x9c: {  	_ =	swait.ge [sflag:s0], $0x200  }
0x9d: {  	[sflag:s0] =	ssyncset.done $0x0  }
0x9e: {  	s16 =	rddreg [dreg:$0xc];
	[sflag:s0] =	ssyncadd.s32 $0xFFFFFE00  }
0x9f: {  	[spmem:s3] =	stream.indirect.scatter.add.f32 [tilespmem:s25], [sflag:$0x8], $0x4, s16, s21, $0xb8;
	[tilespmem:$0xFB50] =	vst v63  }
0xa0: {  	_ =	swait.ge [sflag:s9], $0x200  }
0xa1: {  	[sflag:s9] =	ssyncset.done $0x0  }
0xa2: {  	s7 =	rddreg [dreg:$0xd];
	[sflag:s9] =	ssyncadd.s32 $0xFFFFFE00  }
0xa3: {  	[tilespmem:s25], [sflag:$0x4] =	stream.indirect.gather [spmem:s2], $0x4, s7, s21, $0xb8;
	[tilespmem:$0xFB50] =	vst v63  }
0xa4: {  	_ =	swait.ge [sflag:s26], $0x200  }
0xa5: {  	[sflag:s26] =	ssyncset.done $0x0  }
0xa6: {  	s8 =	rddreg [dreg:$0xe];
	[sflag:s26] =	ssyncadd.s32 $0xFFFFFE00  }
0xa7: {  	[spmem:s3] =	stream.indirect.scatter.add.f32 [tilespmem:s22], [sflag:$0x5], $0x4, s8, s21, $0xb8;
	[tilespmem:$0xFB50] =	vst v63  }
0xa8: {  	_ =	swait.ge [sflag:s28], $0x200  }
0xa9: {  	[sflag:s28] =	ssyncset.done $0x0  }
0xaa: {  	s16 =	rddreg [dreg:$0xf];
	[sflag:s28] =	ssyncadd.s32 $0xFFFFFE00  }
0xab: {  	[tilespmem:s22], [sflag:$0x1] =	stream.indirect.gather [spmem:s2], $0x4, s16, s21, $0xb8;
	[tilespmem:$0xFB50] =	vst v63  }
0xac: {  	_ =	swait.ge [sflag:s29], $0x200  }
0xad: {  	[sflag:s29] =	ssyncset.done $0x0  }
0xae: {  	s7 =	rddreg [dreg:$0x10];
	[sflag:s29] =	ssyncadd.s32 $0xFFFFFE00  }
0xaf: {  	[spmem:s3] =	stream.indirect.scatter.add.f32 [tilespmem:s23], [sflag:$0x6], $0x4, s7, s21, $0xb8;
	[tilespmem:$0xFB50] =	vst v63  }
0xb0: {  	_ =	swait.ge [sflag:s30], $0x200  }
0xb1: {  	[sflag:s30] =	ssyncset.done $0x0  }
0xb2: {  	s8 =	rddreg [dreg:$0x11];
	[sflag:s30] =	ssyncadd.s32 $0xFFFFFE00  }
0xb3: {  	[tilespmem:s23], [sflag:$0x2] =	stream.indirect.gather [spmem:s2], $0x4, s8, s21, $0xb8;
	[tilespmem:$0xFB50] =	vst v63  }
0xb4: {  	_ =	swait.ge [sflag:s31], $0x200  }
0xb5: {  	[sflag:s31] =	ssyncset.done $0x0  }
0xb6: {  	s16 =	rddreg [dreg:$0x12];
	[sflag:s31] =	ssyncadd.s32 $0xFFFFFE00  }
0xb7: {  	[spmem:s3] =	stream.indirect.scatter.add.f32 [tilespmem:s24], [sflag:$0x7], $0x4, s16, s21, $0xb8;
	[tilespmem:$0xFB50] =	vst v63  }
0xb8: {  	_ =	swait.ge [sflag:s1], $0x200  }
0xb9: {  	[sflag:s1] =	ssyncset.done $0x0  }
0xba: {  	s7 =	rddreg [dreg:$0x13];
	[sflag:s1] =	ssyncadd.s32 $0xFFFFFE00  }
0xbb: {  	[tilespmem:s24], [sflag:$0x3] =	stream.indirect.gather [spmem:s2], $0x4, s7, s21, $0xb8;
	[tilespmem:$0xFB50] =	vst v63  }
0xbc: {  	_ =	swait.ge [sflag:s0], $0x200  }
0xbd: {  	[sflag:s0] =	ssyncset.done $0x0  }
0xbe: {  	s8 =	rddreg [dreg:$0x14];
	[sflag:s0] =	ssyncadd.s32 $0xFFFFFE00  }
0xbf: {  	[spmem:s3] =	stream.indirect.scatter.add.f32 [tilespmem:s25], [sflag:$0x8], $0x4, s8, s21, $0xb8;
	[tilespmem:$0xFB50] =	vst v63  }
0xc0: {  	_ =	swait.ge [sflag:s9], $0x200  }
0xc1: {  	[sflag:s9] =	ssyncset.done $0x0  }
0xc2: {  	s16 =	rddreg [dreg:$0x15];
	[sflag:s9] =	ssyncadd.s32 $0xFFFFFE00  }
0xc3: {  	[tilespmem:s25], [sflag:$0x4] =	stream.indirect.gather [spmem:s2], $0x4, s16, s21, $0xb8;
	[tilespmem:$0xFB50] =	vst v63  }
0xc4: {  	_ =	swait.ge [sflag:s26], $0x200  }
0xc5: {  	[sflag:s26] =	ssyncset.done $0x0  }
0xc6: {  	s7 =	rddreg [dreg:$0x16];
	[sflag:s26] =	ssyncadd.s32 $0xFFFFFE00  }
0xc7: {  	[spmem:s3] =	stream.indirect.scatter.add.f32 [tilespmem:s22], [sflag:$0x5], $0x4, s7, s21, $0xb8;
	[tilespmem:$0xFB50] =	vst v63  }
0xc8: {  	_ =	swait.ge [sflag:s28], $0x200  }
0xc9: {  	[sflag:s28] =	ssyncset.done $0x0  }
0xca: {  	s8 =	rddreg [dreg:$0x17];
	[sflag:s28] =	ssyncadd.s32 $0xFFFFFE00  }
0xcb: {  	[tilespmem:s22], [sflag:$0x1] =	stream.indirect.gather [spmem:s2], $0x4, s8, s21, $0xb8;
	[tilespmem:$0xFB50] =	vst v63  }
0xcc: {  	_ =	swait.ge [sflag:s29], $0x200  }
0xcd: {  	[sflag:s29] =	ssyncset.done $0x0  }
0xce: {  	s16 =	rddreg [dreg:$0x18];
	[sflag:s29] =	ssyncadd.s32 $0xFFFFFE00  }
0xcf: {  	[spmem:s3] =	stream.indirect.scatter.add.f32 [tilespmem:s23], [sflag:$0x6], $0x4, s16, s21, $0xb8;
	[tilespmem:$0xFB50] =	vst v63  }
0xd0: {  	_ =	swait.ge [sflag:s30], $0x200  }
0xd1: {  	[sflag:s30] =	ssyncset.done $0x0  }
0xd2: {  	s7 =	rddreg [dreg:$0x19];
	[sflag:s30] =	ssyncadd.s32 $0xFFFFFE00  }
0xd3: {  	[tilespmem:s23], [sflag:$0x2] =	stream.indirect.gather [spmem:s2], $0x4, s7, s21, $0xb8;
	[tilespmem:$0xFB50] =	vst v63  }
0xd4: {  	_ =	swait.ge [sflag:s31], $0x200  }
0xd5: {  	[sflag:s31] =	ssyncset.done $0x0  }
0xd6: {  	s8 =	rddreg [dreg:$0x1a];
	[sflag:s31] =	ssyncadd.s32 $0xFFFFFE00  }
0xd7: {  	[spmem:s3] =	stream.indirect.scatter.add.f32 [tilespmem:s24], [sflag:$0x7], $0x4, s8, s21, $0xb8;
	[tilespmem:$0xFB50] =	vst v63  }
0xd8: {  	_ =	swait.ge [sflag:s1], $0x200  }
0xd9: {  	[sflag:s1] =	ssyncset.done $0x0  }
0xda: {  	s16 =	rddreg [dreg:$0x1b];
	[sflag:s1] =	ssyncadd.s32 $0xFFFFFE00  }
0xdb: {  	[tilespmem:s24], [sflag:$0x3] =	stream.indirect.gather [spmem:s2], $0x4, s16, s21, $0xb8;
	[tilespmem:$0xFB50] =	vst v63  }
0xdc: {  	_ =	swait.ge [sflag:s0], $0x200  }
0xdd: {  	[sflag:s0] =	ssyncset.done $0x0  }
0xde: {  	s7 =	rddreg [dreg:$0x1c];
	[sflag:s0] =	ssyncadd.s32 $0xFFFFFE00  }
0xdf: {  	[spmem:s3] =	stream.indirect.scatter.add.f32 [tilespmem:s25], [sflag:$0x8], $0x4, s7, s21, $0xb8;
	[tilespmem:$0xFB50] =	vst v63  }
0xe0: {  	_ =	swait.ge [sflag:s9], $0x200  }
0xe1: {  	[sflag:s9] =	ssyncset.done $0x0  }
0xe2: {  	s8 =	rddreg [dreg:$0x1d];
	[sflag:s9] =	ssyncadd.s32 $0xFFFFFE00  }
0xe3: {  	[tilespmem:s25], [sflag:$0x4] =	stream.indirect.gather [spmem:s2], $0x4, s8, s21, $0xb8;
	[tilespmem:$0xFB50] =	vst v63  }
0xe4: {  	_ =	swait.ge [sflag:s26], $0x200  }
0xe5: {  	[sflag:s26] =	ssyncset.done $0x0  }
0xe6: {  	s16 =	rddreg [dreg:$0x1e];
	[sflag:s26] =	ssyncadd.s32 $0xFFFFFE00  }
0xe7: {  	[spmem:s3] =	stream.indirect.scatter.add.f32 [tilespmem:s22], [sflag:$0x5], $0x4, s16, s21, $0xb8;
	[tilespmem:$0xFB50] =	vst v63  }
0xe8: {  	_ =	swait.ge [sflag:s28], $0x200  }
0xe9: {  	[sflag:s28] =	ssyncset.done $0x0  }
0xea: {  	s7 =	rddreg [dreg:$0x1f];
	[sflag:s28] =	ssyncadd.s32 $0xFFFFFE00  }
0xeb: {  	[tilespmem:s22], [sflag:$0x1] =	stream.indirect.gather [spmem:s2], $0x4, s7, s21, $0xb8;
	[tilespmem:$0xFB50] =	vst v63  }
0xec: {  	_ =	swait.ge [sflag:s29], $0x200  }
0xed: {  	s8 =	sld [smem:$0x7C7]  }
0xee: {  	[sflag:s29] =	ssyncset.done $0x0  }
0xef: {  	[sflag:s29] =	ssyncadd.s32 $0xFFFFFE00  }
0xf0: {  	[spmem:s3] =	stream.indirect.scatter.add.f32 [tilespmem:s23], [sflag:$0x6], $0x4, s8, s21, $0xb8;
	[tilespmem:$0xFB50] =	vst v63  }
0xf1: {  	_ =	swait.ge [sflag:s30], $0x200  }
0xf2: {  	s16 =	sld [smem:$0x7C8]  }
0xf3: {  	[sflag:s30] =	ssyncset.done $0x0  }
0xf4: {  	[sflag:s30] =	ssyncadd.s32 $0xFFFFFE00  }
0xf5: {  	[tilespmem:s23], [sflag:$0x2] =	stream.indirect.gather [spmem:s2], $0x4, s16, s21, $0xb8;
	[tilespmem:$0xFB50] =	vst v63  }
0xf6: {  	_ =	swait.ge [sflag:s31], $0x200  }
0xf7: {  	s7 =	sld [smem:$0x7C9]  }
0xf8: {  	[sflag:s31] =	ssyncset.done $0x0  }
0xf9: {  	[sflag:s31] =	ssyncadd.s32 $0xFFFFFE00  }
0xfa: {  	[spmem:s3] =	stream.indirect.scatter.add.f32 [tilespmem:s24], [sflag:$0x7], $0x4, s7, s21, $0xb8;
	[tilespmem:$0xFB50] =	vst v63  }
0xfb: {  	_ =	swait.ge [sflag:s1], $0x200  }
0xfc: {  	s8 =	sld [smem:$0x7CA]  }
0xfd: {  	[sflag:s1] =	ssyncset.done $0x0  }
0xfe: {  	[sflag:s1] =	ssyncadd.s32 $0xFFFFFE00  }
0xff: {  	[tilespmem:s24], [sflag:$0x3] =	stream.indirect.gather [spmem:s2], $0x4, s8, s21, $0xb8;
	[tilespmem:$0xFB50] =	vst v63  }
0x100: {  	_ =	swait.ge [sflag:s0], $0x200  }
0x101: {  	s16 =	sld [smem:$0x7CB]  }
0x102: {  	[sflag:s0] =	ssyncset.done $0x0  }
0x103: {  	[sflag:s0] =	ssyncadd.s32 $0xFFFFFE00  }
0x104: {  	[spmem:s3] =	stream.indirect.scatter.add.f32 [tilespmem:s25], [sflag:$0x8], $0x4, s16, s21, $0xb8;
	[tilespmem:$0xFB50] =	vst v63  }
0x105: {  	_ =	swait.ge [sflag:s9], $0x200  }
0x106: {  	s7 =	sld [smem:$0x7CC]  }
0x107: {  	[sflag:s9] =	ssyncset.done $0x0  }
0x108: {  	[sflag:s9] =	ssyncadd.s32 $0xFFFFFE00  }
0x109: {  	[tilespmem:s25], [sflag:$0x4] =	stream.indirect.gather [spmem:s2], $0x4, s7, s21, $0xb8;
	[tilespmem:$0xFB50] =	vst v63  }
0x10a: {  	_ =	swait.ge [sflag:s26], $0x200  }
0x10b: {  	s8 =	sld [smem:$0x7CD]  }
0x10c: {  	[sflag:s26] =	ssyncset.done $0x0  }
0x10d: {  	[sflag:s26] =	ssyncadd.s32 $0xFFFFFE00  }
0x10e: {  	[spmem:s3] =	stream.indirect.scatter.add.f32 [tilespmem:s22], [sflag:$0x5], $0x4, s8, s21, $0xb8;
	[tilespmem:$0xFB50] =	vst v63  }
0x10f: {  	_ =	swait.ge [sflag:s28], $0x200  }
0x110: {  	s16 =	sld [smem:$0x7CE]  }
0x111: {  	[sflag:s28] =	ssyncset.done $0x0  }
0x112: {  	[sflag:s28] =	ssyncadd.s32 $0xFFFFFE00  }
0x113: {  	[tilespmem:s22], [sflag:$0x1] =	stream.indirect.gather [spmem:s2], $0x4, s16, s21, $0xb8;
	[tilespmem:$0xFB50] =	vst v63  }
0x114: {  	_ =	swait.ge [sflag:s29], $0x200  }
0x115: {  	s7 =	sld [smem:$0x7CF]  }
0x116: {  	[sflag:s29] =	ssyncset.done $0x0  }
0x117: {  	[sflag:s29] =	ssyncadd.s32 $0xFFFFFE00  }
0x118: {  	[spmem:s3] =	stream.indirect.scatter.add.f32 [tilespmem:s23], [sflag:$0x6], $0x4, s7, s21, $0xb8;
	[tilespmem:$0xFB50] =	vst v63  }
0x119: {  	_ =	swait.ge [sflag:s30], $0x200  }
0x11a: {  	s8 =	sld [smem:$0x7D0]  }
0x11b: {  	[sflag:s30] =	ssyncset.done $0x0  }
0x11c: {  	[sflag:s30] =	ssyncadd.s32 $0xFFFFFE00  }
0x11d: {  	[tilespmem:s23], [sflag:$0x2] =	stream.indirect.gather [spmem:s2], $0x4, s8, s21, $0xb8;
	[tilespmem:$0xFB50] =	vst v63  }
0x11e: {  	_ =	swait.ge [sflag:s31], $0x200  }
0x11f: {  	s16 =	sld [smem:$0x7D1]  }
0x120: {  	[sflag:s31] =	ssyncset.done $0x0  }
0x121: {  	[sflag:s31] =	ssyncadd.s32 $0xFFFFFE00  }
0x122: {  	[spmem:s3] =	stream.indirect.scatter.add.f32 [tilespmem:s24], [sflag:$0x7], $0x4, s16, s21, $0xb8;
	[tilespmem:$0xFB50] =	vst v63  }
0x123: {  	_ =	swait.ge [sflag:s1], $0x200  }
0x124: {  	s7 =	sld [smem:$0x7D2]  }
0x125: {  	[sflag:s1] =	ssyncset.done $0x0  }
0x126: {  	[sflag:s1] =	ssyncadd.s32 $0xFFFFFE00  }
0x127: {  	[tilespmem:s24], [sflag:$0x3] =	stream.indirect.gather [spmem:s2], $0x4, s7, s21, $0xb8;
	[tilespmem:$0xFB50] =	vst v63  }
0x128: {  	_ =	swait.ge [sflag:s0], $0x200  }
0x129: {  	s8 =	sld [smem:$0x7D3]  }
0x12a: {  	[sflag:s0] =	ssyncset.done $0x0  }
0x12b: {  	[sflag:s0] =	ssyncadd.s32 $0xFFFFFE00  }
0x12c: {  	[spmem:s3] =	stream.indirect.scatter.add.f32 [tilespmem:s25], [sflag:$0x8], $0x4, s8, s21, $0xb8;
	[tilespmem:$0xFB50] =	vst v63  }
0x12d: {  	_ =	swait.ge [sflag:s9], $0x200  }
0x12e: {  	s16 =	sld [smem:$0x7D4]  }
0x12f: {  	[sflag:s9] =	ssyncset.done $0x0  }
0x130: {  	[sflag:s9] =	ssyncadd.s32 $0xFFFFFE00  }
0x131: {  	[tilespmem:s25], [sflag:$0x4] =	stream.indirect.gather [spmem:s2], $0x4, s16, s21, $0xb8;
	[tilespmem:$0xFB50] =	vst v63  }
0x132: {  	_ =	swait.ge [sflag:s26], $0x200  }
0x133: {  	s7 =	sld [smem:$0x7D5]  }
0x134: {  	[sflag:s26] =	ssyncset.done $0x0  }
0x135: {  	[sflag:s26] =	ssyncadd.s32 $0xFFFFFE00  }
0x136: {  	[spmem:s3] =	stream.indirect.scatter.add.f32 [tilespmem:s22], [sflag:$0x5], $0x4, s7, s21, $0xb8;
	[tilespmem:$0xFB50] =	vst v63  }
0x137: {  	_ =	swait.ge [sflag:s28], $0x200  }
0x138: {  	s8 =	sld [smem:$0x7D6]  }
0x139: {  	[sflag:s28] =	ssyncset.done $0x0  }
0x13a: {  	[sflag:s28] =	ssyncadd.s32 $0xFFFFFE00  }
0x13b: {  	[tilespmem:s22], [sflag:$0x1] =	stream.indirect.gather [spmem:s2], $0x4, s8, s21, $0xb8;
	[tilespmem:$0xFB50] =	vst v63  }
0x13c: {  	_ =	swait.ge [sflag:s29], $0x200  }
0x13d: {  	s16 =	sld [smem:$0x7D8]  }
0x13e: {  	[sflag:s29] =	ssyncset.done $0x0  }
0x13f: {  	[sflag:s29] =	ssyncadd.s32 $0xFFFFFE00  }
0x140: {  	[spmem:s3] =	stream.indirect.scatter.add.f32 [tilespmem:s23], [sflag:$0x6], $0x4, s16, s21, $0xb8;
	[tilespmem:$0xFB50] =	vst v63  }
0x141: {  	_ =	swait.ge [sflag:s30], $0x200  }
0x142: {  	s7 =	sld [smem:$0x7D9]  }
0x143: {  	[sflag:s30] =	ssyncset.done $0x0  }
0x144: {  	[sflag:s30] =	ssyncadd.s32 $0xFFFFFE00  }
0x145: {  	[tilespmem:s23], [sflag:$0x2] =	stream.indirect.gather [spmem:s2], $0x4, s7, s21, $0xb8;
	[tilespmem:$0xFB50] =	vst v63  }
0x146: {  	_ =	swait.ge [sflag:s31], $0x200  }
0x147: {  	s8 =	sld [smem:$0x7DA]  }
0x148: {  	[sflag:s31] =	ssyncset.done $0x0  }
0x149: {  	[sflag:s31] =	ssyncadd.s32 $0xFFFFFE00  }
0x14a: {  	[spmem:s3] =	stream.indirect.scatter.add.f32 [tilespmem:s24], [sflag:$0x7], $0x4, s8, s21, $0xb8;
	[tilespmem:$0xFB50] =	vst v63  }
0x14b: {  	_ =	swait.ge [sflag:s1], $0x200  }
0x14c: {  	s16 =	sld [smem:$0x7DC]  }
0x14d: {  	[sflag:s1] =	ssyncset.done $0x0  }
0x14e: {  	[sflag:s1] =	ssyncadd.s32 $0xFFFFFE00  }
0x14f: {  	[tilespmem:s24], [sflag:$0x3] =	stream.indirect.gather [spmem:s2], $0x4, s16, s21, $0xb8;
	[tilespmem:$0xFB50] =	vst v63  }
0x150: {  	_ =	swait.ge [sflag:s0], $0x200  }
0x151: {  	s7 =	sld [smem:$0x7DD]  }
0x152: {  	[sflag:s0] =	ssyncset.done $0x0  }
0x153: {  	[sflag:s0] =	ssyncadd.s32 $0xFFFFFE00  }
0x154: {  	[spmem:s3] =	stream.indirect.scatter.add.f32 [tilespmem:s25], [sflag:$0x8], $0x4, s7, s21, $0xb8;
	[tilespmem:$0xFB50] =	vst v63  }
0x155: {  	_ =	swait.ge [sflag:s9], $0x200  }
0x156: {  	s8 =	sld [smem:$0x7DE]  }
0x157: {  	[sflag:s9] =	ssyncset.done $0x0  }
0x158: {  	[sflag:s9] =	ssyncadd.s32 $0xFFFFFE00  }
0x159: {  	[tilespmem:s25], [sflag:$0x4] =	stream.indirect.gather [spmem:s2], $0x4, s8, s21, $0xb8;
	[tilespmem:$0xFB50] =	vst v63  }
0x15a: {  	_ =	swait.ge [sflag:s26], $0x200  }
0x15b: {  	s16 =	sld [smem:$0x7E0]  }
0x15c: {  	[sflag:s26] =	ssyncset.done $0x0  }
0x15d: {  	[sflag:s26] =	ssyncadd.s32 $0xFFFFFE00  }
0x15e: {  	[spmem:s3] =	stream.indirect.scatter.add.f32 [tilespmem:s22], [sflag:$0x5], $0x4, s16, s21, $0xb8;
	[tilespmem:$0xFB50] =	vst v63  }
0x15f: {  	_ =	swait.ge [sflag:s28], $0x200  }
0x160: {  	s7 =	sld [smem:$0x7E2]  }
0x161: {  	[sflag:s28] =	ssyncset.done $0x0  }
0x162: {  	[sflag:s28] =	ssyncadd.s32 $0xFFFFFE00  }
0x163: {  	[tilespmem:s22], [sflag:$0x1] =	stream.indirect.gather [spmem:s2], $0x4, s7, s21, $0xb8;
	[tilespmem:$0xFB50] =	vst v63  }
0x164: {  	_ =	swait.ge [sflag:s29], $0x200  }
0x165: {  	s8 =	sld [smem:$0x7E4]  }
0x166: {  	[sflag:s29] =	ssyncset.done $0x0  }
0x167: {  	[sflag:s29] =	ssyncadd.s32 $0xFFFFFE00  }
0x168: {  	[spmem:s3] =	stream.indirect.scatter.add.f32 [tilespmem:s23], [sflag:$0x6], $0x4, s8, s21, $0xb8;
	[tilespmem:$0xFB50] =	vst v63  }
0x169: {  	_ =	swait.ge [sflag:s30], $0x200  }
0x16a: {  	s16 =	sld [smem:$0x7E6]  }
0x16b: {  	[sflag:s30] =	ssyncset.done $0x0  }
0x16c: {  	[sflag:s30] =	ssyncadd.s32 $0xFFFFFE00  }
0x16d: {  	[tilespmem:s23], [sflag:$0x2] =	stream.indirect.gather [spmem:s2], $0x4, s16, s21, $0xb8;
	[tilespmem:$0xFB50] =	vst v63  }
0x16e: {  	_ =	swait.ge [sflag:s31], $0x200  }
0x16f: {  	s7 =	sld [smem:$0x7E8]  }
0x170: {  	[sflag:s31] =	ssyncset.done $0x0  }
0x171: {  	[sflag:s31] =	ssyncadd.s32 $0xFFFFFE00  }
0x172: {  	[spmem:s3] =	stream.indirect.scatter.add.f32 [tilespmem:s24], [sflag:$0x7], $0x4, s7, s21, $0xb8;
	[tilespmem:$0xFB50] =	vst v63  }
0x173: {  	_ =	swait.ge [sflag:s1], $0x200  }
0x174: {  	s8 =	sld [smem:$0x7E9]  }
0x175: {  	[sflag:s1] =	ssyncset.done $0x0  }
0x176: {  	[sflag:s1] =	ssyncadd.s32 $0xFFFFFE00  }
0x177: {  	[tilespmem:s24], [sflag:$0x3] =	stream.indirect.gather [spmem:s2], $0x4, s8, s21, $0xb8;
	[tilespmem:$0xFB50] =	vst v63  }
0x178: {  	_ =	swait.ge [sflag:s0], $0x200  }
0x179: {  	s16 =	sld [smem:$0x7EB]  }
0x17a: {  	[sflag:s0] =	ssyncset.done $0x0  }
0x17b: {  	[sflag:s0] =	ssyncadd.s32 $0xFFFFFE00  }
0x17c: {  	[spmem:s3] =	stream.indirect.scatter.add.f32 [tilespmem:s25], [sflag:$0x8], $0x4, s16, s21, $0xb8;
	[tilespmem:$0xFB50] =	vst v63  }
0x17d: {  	_ =	swait.ge [sflag:s9], $0x200  }
0x17e: {  	s7 =	sld [smem:$0x7EE]  }
0x17f: {  	[sflag:s9] =	ssyncset.done $0x0  }
0x180: {  	[sflag:s9] =	ssyncadd.s32 $0xFFFFFE00  }
0x181: {  	[tilespmem:s25], [sflag:$0x4] =	stream.indirect.gather [spmem:s2], $0x4, s7, s21, $0xb8;
	[tilespmem:$0xFB50] =	vst v63  }
0x182: {  	_ =	swait.ge [sflag:s26], $0x200  }
0x183: {  	s8 =	sld [smem:$0x7EF]  }
0x184: {  	[sflag:s26] =	ssyncset.done $0x0  }
0x185: {  	[sflag:s26] =	ssyncadd.s32 $0xFFFFFE00  }
0x186: {  	[spmem:s3] =	stream.indirect.scatter.add.f32 [tilespmem:s22], [sflag:$0x5], $0x4, s8, s21, $0xb8;
	[tilespmem:$0xFB50] =	vst v63  }
0x187: {  	_ =	swait.ge [sflag:s28], $0x200  }
0x188: {  	s16 =	sld [smem:$0x7F1]  }
0x189: {  	[sflag:s28] =	ssyncset.done $0x0  }
0x18a: {  	[sflag:s28] =	ssyncadd.s32 $0xFFFFFE00  }
0x18b: {  	[tilespmem:s22], [sflag:$0x1] =	stream.indirect.gather [spmem:s2], $0x4, s16, s21, $0xb8;
	[tilespmem:$0xFB50] =	vst v63  }
0x18c: {  	_ =	swait.ge [sflag:s29], $0x200  }
0x18d: {  	s7 =	sld [smem:$0x7F3]  }
0x18e: {  	[sflag:s29] =	ssyncset.done $0x0  }
0x18f: {  	[sflag:s29] =	ssyncadd.s32 $0xFFFFFE00  }
0x190: {  	[spmem:s3] =	stream.indirect.scatter.add.f32 [tilespmem:s23], [sflag:$0x6], $0x4, s7, s21, $0xb8;
	[tilespmem:$0xFB50] =	vst v63  }
0x191: {  	_ =	swait.ge [sflag:s30], $0x200  }
0x192: {  	s8 =	sld [smem:$0x7F6]  }
0x193: {  	[sflag:s30] =	ssyncset.done $0x0  }
0x194: {  	[sflag:s30] =	ssyncadd.s32 $0xFFFFFE00  }
0x195: {  	[tilespmem:s23], [sflag:$0x2] =	stream.indirect.gather [spmem:s2], $0x4, s8, s21, $0xb8;
	[tilespmem:$0xFB50] =	vst v63  }
0x196: {  	_ =	swait.ge [sflag:s31], $0x200  }
0x197: {  	s16 =	sld [smem:$0x7F7]  }
0x198: {  	[sflag:s31] =	ssyncset.done $0x0  }
0x199: {  	[sflag:s31] =	ssyncadd.s32 $0xFFFFFE00  }
0x19a: {  	[spmem:s3] =	stream.indirect.scatter.add.f32 [tilespmem:s24], [sflag:$0x7], $0x4, s16, s21, $0xb8;
	[tilespmem:$0xFB50] =	vst v63  }
0x19b: {  	_ =	swait.ge [sflag:s1], $0x200  }
0x19c: {  	s7 =	sld [smem:$0x7F8]  }
0x19d: {  	[sflag:s1] =	ssyncset.done $0x0  }
0x19e: {  	[sflag:s1] =	ssyncadd.s32 $0xFFFFFE00  }
0x19f: {  	[tilespmem:s24], [sflag:$0x3] =	stream.indirect.gather [spmem:s2], $0x4, s7, s21, $0xb8;
	[tilespmem:$0xFB50] =	vst v63  }
0x1a0: {  	_ =	swait.ge [sflag:s0], $0x200  }
0x1a1: {  	s8 =	sld [smem:$0x7F9]  }
0x1a2: {  	[sflag:s0] =	ssyncset.done $0x0  }
0x1a3: {  	[sflag:s0] =	ssyncadd.s32 $0xFFFFFE00  }
0x1a4: {  	[spmem:s3] =	stream.indirect.scatter.add.f32 [tilespmem:s25], [sflag:$0x8], $0x4, s8, s21, $0xb8;
	[tilespmem:$0xFB50] =	vst v63  }
0x1a5: {  	_ =	swait.ge [sflag:s9], $0x200  }
0x1a6: {  	s16 =	sld [smem:$0x7FA]  }
0x1a7: {  	[sflag:s9] =	ssyncset.done $0x0  }
0x1a8: {  	[sflag:s9] =	ssyncadd.s32 $0xFFFFFE00  }
0x1a9: {  	[tilespmem:s25], [sflag:$0x4] =	stream.indirect.gather [spmem:s2], $0x4, s16, s21, $0xb8;
	[tilespmem:$0xFB50] =	vst v63  }
0x1aa: {  	_ =	swait.ge [sflag:s26], $0x200  }
0x1ab: {  	s7 =	sld [smem:$0x7FB]  }
0x1ac: {  	[sflag:s26] =	ssyncset.done $0x0  }
0x1ad: {  	[sflag:s26] =	ssyncadd.s32 $0xFFFFFE00  }
0x1ae: {  	[spmem:s3] =	stream.indirect.scatter.add.f32 [tilespmem:s22], [sflag:$0x5], $0x4, s7, s21, $0xb8;
	[tilespmem:$0xFB50] =	vst v63  }
0x1af: {  	_ =	swait.ge [sflag:s28], $0x200  }
0x1b0: {  	s8 =	sld [smem:$0x7FC]  }
0x1b1: {  	[sflag:s28] =	ssyncset.done $0x0  }
0x1b2: {  	[sflag:s28] =	ssyncadd.s32 $0xFFFFFE00  }
0x1b3: {  	[tilespmem:s22], [sflag:$0x1] =	stream.indirect.gather [spmem:s2], $0x4, s8, s21, $0xb8;
	[tilespmem:$0xFB50] =	vst v63  }
0x1b4: {  	_ =	swait.ge [sflag:s29], $0x200  }
0x1b5: {  	s16 =	sld [smem:$0x7FD]  }
0x1b6: {  	[sflag:s29] =	ssyncset.done $0x0  }
0x1b7: {  	[sflag:s29] =	ssyncadd.s32 $0xFFFFFE00  }
0x1b8: {  	[spmem:s3] =	stream.indirect.scatter.add.f32 [tilespmem:s23], [sflag:$0x6], $0x4, s16, s21, $0xb8;
	[tilespmem:$0xFB50] =	vst v63  }
0x1b9: {  	_ =	swait.ge [sflag:s30], $0x200  }
0x1ba: {  	[sflag:s30] =	ssyncset.done $0x0  }
0x1bb: {  	[sflag:s30] =	ssyncadd.s32 $0xFFFFFE00  }
0x1bc: {  	[tilespmem:s23], [sflag:$0x2] =	stream.indirect.gather [spmem:s2], $0x4, s10, s21, $0xb8;
	[tilespmem:$0xFB50] =	vst v63  }
0x1bd: {  	_ =	swait.ge [sflag:s31], $0x200  }
0x1be: {  	[sflag:s31] =	ssyncset.done $0x0  }
0x1bf: {  	[sflag:s31] =	ssyncadd.s32 $0xFFFFFE00  }
0x1c0: {  	[spmem:s3] =	stream.indirect.scatter.add.f32 [tilespmem:s24], [sflag:$0x7], $0x4, s11, s21, $0xb8;
	[tilespmem:$0xFB50] =	vst v63  }
0x1c1: {  	_ =	swait.ge [sflag:s1], $0x200  }
0x1c2: {  	[sflag:s1] =	ssyncset.done $0x0  }
0x1c3: {  	[sflag:s1] =	ssyncadd.s32 $0xFFFFFE00  }
0x1c4: {  	[tilespmem:s24], [sflag:$0x3] =	stream.indirect.gather [spmem:s2], $0x4, s12, s21, $0xb8;
	[tilespmem:$0xFB50] =	vst v63  }
0x1c5: {  	_ =	swait.ge [sflag:s0], $0x200  }
0x1c6: {  	[sflag:s0] =	ssyncset.done $0x0  }
0x1c7: {  	[sflag:s0] =	ssyncadd.s32 $0xFFFFFE00  }
0x1c8: {  	[spmem:s3] =	stream.indirect.scatter.add.f32 [tilespmem:s25], [sflag:$0x8], $0x4, s13, s21, $0xb8;
	[tilespmem:$0xFB50] =	vst v63  }
0x1c9: {  	_ =	swait.ge [sflag:s9], $0x200  }
0x1ca: {  	[sflag:s9] =	ssyncset.done $0x0  }
0x1cb: {  	[sflag:s9] =	ssyncadd.s32 $0xFFFFFE00  }
0x1cc: {  	[tilespmem:s25], [sflag:$0x4] =	stream.indirect.gather [spmem:s2], $0x4, s14, s21, $0xb8;
	[tilespmem:$0xFB50] =	vst v63  }
0x1cd: {  	_ =	swait.ge [sflag:s26], $0x200  }
0x1ce: {  	[sflag:s26] =	ssyncset.done $0x0  }
0x1cf: {  	[sflag:s26] =	ssyncadd.s32 $0xFFFFFE00  }
0x1d0: {  	[spmem:s3] =	stream.indirect.scatter.add.f32 [tilespmem:s22], [sflag:$0x5], $0x4, s15, s21, $0xb8;
	[tilespmem:$0xFB50] =	vst v63  }
0x1d1: {  	_ =	swait.ge [sflag:s29], $0x200  }
0x1d2: {  	[sflag:s29] =	ssyncset.done $0x0  }
0x1d3: {  	[sflag:s29] =	ssyncadd.s32 $0xFFFFFE00  }
0x1d4: {  	[spmem:s3] =	stream.indirect.scatter.add.f32 [tilespmem:s23], [sflag:$0x6], $0x4, s17, s21, $0xb8;
	[tilespmem:$0xFB50] =	vst v63  }
0x1d5: {  	_ =	swait.ge [sflag:s31], $0x200  }
0x1d6: {  	[sflag:s31] =	ssyncset.done $0x0  }
0x1d7: {  	[sflag:s31] =	ssyncadd.s32 $0xFFFFFE00  }
0x1d8: {  	[spmem:s3] =	stream.indirect.scatter.add.f32 [tilespmem:s24], [sflag:$0x7], $0x4, s18, s21, $0xb8;
	[tilespmem:$0xFB50] =	vst v63  }
0x1d9: {  	_ =	swait.ge [sflag:s0], $0x200  }
0x1da: {  	[sflag:s0] =	ssyncset.done $0x0  }
0x1db: {  	[sflag:s0] =	ssyncadd.s32 $0xFFFFFE00  }
0x1dc: {  	[spmem:s3] =	stream.indirect.scatter.add.f32 [tilespmem:s25], [sflag:$0x8], $0x4, s5, s21, $0xb8;
	[tilespmem:$0xFB50] =	vst v63  }
0x1dd: {  	_ =	swait.ge [sflag:s28], $0x200  }
0x1de: {  	[sflag:s28] =	ssyncset.done $0x0  }
0x1df: {  	[sflag:s28] =	ssyncadd.s32 $0xFFFFFE00  }
0x1e0: {  	_ =	swait.ge [sflag:s30], $0x200  }
0x1e1: {  	[sflag:s30] =	ssyncset.done $0x0  }
0x1e2: {  	[sflag:s30] =	ssyncadd.s32 $0xFFFFFE00  }
0x1e3: {  	_ =	swait.ge [sflag:s1], $0x200  }
0x1e4: {  	[sflag:s1] =	ssyncset.done $0x0  }
0x1e5: {  	[sflag:s1] =	ssyncadd.s32 $0xFFFFFE00  }
0x1e6: {  	s6 =	simm.s32 $0x280;
	_ =	swait.ge [sflag:s9], $0x200  }
0x1e7: {  	s8 =	simm.s32 $0x500;
	s16 =	rddreg [dreg:$0x4];
	[sflag:s9] =	ssyncset.done $0x0  }
.LBB2_2:
0x1e8: {  	[sflag:s9] =	ssyncadd.s32 $0xFFFFFE00;
	s16 =	sadd.s32 s6, s16  }
0x1e9: {  	[tilespmem:s4], [sflag:$0x9] =	stream.linear.gather [hbm4b:s16+s4], $0x1400, $0x38;
	[tilespmem:$0xFB50] =	vst v63  }
0x1ea: {  	_ =	swait.ge [sflag:s19], $0x1400  }
0x1eb: {  	[sflag:s19] =	ssyncset.done $0x0  }
0x1ec: {  	s16 =	sadd.s32 $0x64000, s16;
	[sflag:s19] =	ssyncadd.s32 $0xFFFFEC00  }
0x1ed: {  	[tilespmem:s20], [sflag:$0x9] =	stream.linear.gather [hbm4b:s16+s4], $0x1400, $0x38;
	[tilespmem:$0xFB50] =	vst v63  }
0x1ee: {  	_ =	swait.ge [sflag:s19], $0x1400  }
0x1ef: {  	[sflag:s19] =	ssyncset.done $0x0  }
0x1f0: {  	[sflag:s19] =	ssyncadd.s32 $0xFFFFEC00  }
0x1f1: {  	[tilespmem:s22], [sflag:$0x1] =	stream.indirect.gather [spmem:s2], $0x4, s4, s21, $0xb8;
	[tilespmem:$0xFB50] =	vst v63  }
0x1f2: {  	s7 =	smov.u32 s8  }
0x1f3: {  	[tilespmem:s23], [sflag:$0x2] =	stream.indirect.gather [spmem:s2], $0x4, s21, s21, $0xb8;
	[tilespmem:$0xFB50] =	vst v63  }
0x1f4: {  	s6 =	smov.u32 s7;
	s7 =	rddreg [dreg:$0x5]  }
0x1f5: {  	[tilespmem:s24], [sflag:$0x3] =	stream.indirect.gather [spmem:s2], $0x4, s7, s21, $0xb8;
	[tilespmem:$0xFB50] =	vst v63  }
0x1f6: {  	s16 =	rddreg [dreg:$0x6]  }
0x1f7: {  	[tilespmem:s25], [sflag:$0x4] =	stream.indirect.gather [spmem:s2], $0x4, s16, s21, $0xb8;
	[tilespmem:$0xFB50] =	vst v63  }
0x1f8: {  	_ =	swait.ge [sflag:s26], $0x200  }
0x1f9: {  	[sflag:s26] =	ssyncset.done $0x0  }
0x1fa: {  	[sflag:s26] =	ssyncadd.s32 $0xFFFFFE00  }
0x1fb: {  	[spmem:s3] =	stream.indirect.scatter.add.f32 [tilespmem:s22], [sflag:$0x5], $0x4, s20, s21, $0xb8;
	[tilespmem:$0xFB50] =	vst v63  }
0x1fc: {  	_ =	swait.ge [sflag:s28], $0x200  }
0x1fd: {  	[sflag:s28] =	ssyncset.done $0x0  }
0x1fe: {  	s16 =	rddreg [dreg:$0x7];
	[sflag:s28] =	ssyncadd.s32 $0xFFFFFE00  }
0x1ff: {  	[tilespmem:s22], [sflag:$0x1] =	stream.indirect.gather [spmem:s2], $0x4, s16, s21, $0xb8;
	[tilespmem:$0xFB50] =	vst v63  }
0x200: {  	_ =	swait.ge [sflag:s29], $0x200  }
0x201: {  	[sflag:s29] =	ssyncset.done $0x0  }
0x202: {  	s16 =	rddreg [dreg:$0x8];
	[sflag:s29] =	ssyncadd.s32 $0xFFFFFE00  }
0x203: {  	[spmem:s3] =	stream.indirect.scatter.add.f32 [tilespmem:s23], [sflag:$0x6], $0x4, s16, s21, $0xb8;
	[tilespmem:$0xFB50] =	vst v63  }
0x204: {  	_ =	swait.ge [sflag:s30], $0x200  }
0x205: {  	[sflag:s30] =	ssyncset.done $0x0  }
0x206: {  	s16 =	rddreg [dreg:$0x9];
	[sflag:s30] =	ssyncadd.s32 $0xFFFFFE00  }
0x207: {  	[tilespmem:s23], [sflag:$0x2] =	stream.indirect.gather [spmem:s2], $0x4, s16, s21, $0xb8;
	[tilespmem:$0xFB50] =	vst v63  }
0x208: {  	_ =	swait.ge [sflag:s31], $0x200  }
0x209: {  	[sflag:s31] =	ssyncset.done $0x0  }
0x20a: {  	s16 =	rddreg [dreg:$0xa];
	[sflag:s31] =	ssyncadd.s32 $0xFFFFFE00  }
0x20b: {  	[spmem:s3] =	stream.indirect.scatter.add.f32 [tilespmem:s24], [sflag:$0x7], $0x4, s16, s21, $0xb8;
	[tilespmem:$0xFB50] =	vst v63  }
0x20c: {  	_ =	swait.ge [sflag:s1], $0x200  }
0x20d: {  	[sflag:s1] =	ssyncset.done $0x0  }
0x20e: {  	s16 =	rddreg [dreg:$0xb];
	[sflag:s1] =	ssyncadd.s32 $0xFFFFFE00  }
0x20f: {  	[tilespmem:s24], [sflag:$0x3] =	stream.indirect.gather [spmem:s2], $0x4, s16, s21, $0xb8;
	[tilespmem:$0xFB50] =	vst v63  }
0x210: {  	_ =	swait.ge [sflag:s0], $0x200  }
0x211: {  	[sflag:s0] =	ssyncset.done $0x0  }
0x212: {  	s16 =	rddreg [dreg:$0xc];
	[sflag:s0] =	ssyncadd.s32 $0xFFFFFE00  }
0x213: {  	[spmem:s3] =	stream.indirect.scatter.add.f32 [tilespmem:s25], [sflag:$0x8], $0x4, s16, s21, $0xb8;
	[tilespmem:$0xFB50] =	vst v63  }
0x214: {  	_ =	swait.ge [sflag:s9], $0x200  }
0x215: {  	[sflag:s9] =	ssyncset.done $0x0  }
0x216: {  	s16 =	rddreg [dreg:$0xd];
	[sflag:s9] =	ssyncadd.s32 $0xFFFFFE00  }
0x217: {  	[tilespmem:s25], [sflag:$0x4] =	stream.indirect.gather [spmem:s2], $0x4, s16, s21, $0xb8;
	[tilespmem:$0xFB50] =	vst v63  }
0x218: {  	_ =	swait.ge [sflag:s26], $0x200  }
0x219: {  	[sflag:s26] =	ssyncset.done $0x0  }
0x21a: {  	s16 =	rddreg [dreg:$0xe];
	[sflag:s26] =	ssyncadd.s32 $0xFFFFFE00  }
0x21b: {  	[spmem:s3] =	stream.indirect.scatter.add.f32 [tilespmem:s22], [sflag:$0x5], $0x4, s16, s21, $0xb8;
	[tilespmem:$0xFB50] =	vst v63  }
0x21c: {  	_ =	swait.ge [sflag:s28], $0x200  }
0x21d: {  	[sflag:s28] =	ssyncset.done $0x0  }
0x21e: {  	s16 =	rddreg [dreg:$0xf];
	[sflag:s28] =	ssyncadd.s32 $0xFFFFFE00  }
0x21f: {  	[tilespmem:s22], [sflag:$0x1] =	stream.indirect.gather [spmem:s2], $0x4, s16, s21, $0xb8;
	[tilespmem:$0xFB50] =	vst v63  }
0x220: {  	_ =	swait.ge [sflag:s29], $0x200  }
0x221: {  	[sflag:s29] =	ssyncset.done $0x0  }
0x222: {  	s16 =	rddreg [dreg:$0x10];
	[sflag:s29] =	ssyncadd.s32 $0xFFFFFE00  }
0x223: {  	[spmem:s3] =	stream.indirect.scatter.add.f32 [tilespmem:s23], [sflag:$0x6], $0x4, s16, s21, $0xb8;
	[tilespmem:$0xFB50] =	vst v63  }
0x224: {  	_ =	swait.ge [sflag:s30], $0x200  }
0x225: {  	[sflag:s30] =	ssyncset.done $0x0  }
0x226: {  	s16 =	rddreg [dreg:$0x11];
	[sflag:s30] =	ssyncadd.s32 $0xFFFFFE00  }
0x227: {  	[tilespmem:s23], [sflag:$0x2] =	stream.indirect.gather [spmem:s2], $0x4, s16, s21, $0xb8;
	[tilespmem:$0xFB50] =	vst v63  }
0x228: {  	_ =	swait.ge [sflag:s31], $0x200  }
0x229: {  	[sflag:s31] =	ssyncset.done $0x0  }
0x22a: {  	s16 =	rddreg [dreg:$0x12];
	[sflag:s31] =	ssyncadd.s32 $0xFFFFFE00  }
0x22b: {  	[spmem:s3] =	stream.indirect.scatter.add.f32 [tilespmem:s24], [sflag:$0x7], $0x4, s16, s21, $0xb8;
	[tilespmem:$0xFB50] =	vst v63  }
0x22c: {  	_ =	swait.ge [sflag:s1], $0x200  }
0x22d: {  	[sflag:s1] =	ssyncset.done $0x0  }
0x22e: {  	s16 =	rddreg [dreg:$0x13];
	[sflag:s1] =	ssyncadd.s32 $0xFFFFFE00  }
0x22f: {  	[tilespmem:s24], [sflag:$0x3] =	stream.indirect.gather [spmem:s2], $0x4, s16, s21, $0xb8;
	[tilespmem:$0xFB50] =	vst v63  }
0x230: {  	_ =	swait.ge [sflag:s0], $0x200  }
0x231: {  	[sflag:s0] =	ssyncset.done $0x0  }
0x232: {  	s16 =	rddreg [dreg:$0x14];
	[sflag:s0] =	ssyncadd.s32 $0xFFFFFE00  }
0x233: {  	[spmem:s3] =	stream.indirect.scatter.add.f32 [tilespmem:s25], [sflag:$0x8], $0x4, s16, s21, $0xb8;
	[tilespmem:$0xFB50] =	vst v63  }
0x234: {  	_ =	swait.ge [sflag:s9], $0x200  }
0x235: {  	[sflag:s9] =	ssyncset.done $0x0  }
0x236: {  	s16 =	rddreg [dreg:$0x15];
	[sflag:s9] =	ssyncadd.s32 $0xFFFFFE00  }
0x237: {  	[tilespmem:s25], [sflag:$0x4] =	stream.indirect.gather [spmem:s2], $0x4, s16, s21, $0xb8;
	[tilespmem:$0xFB50] =	vst v63  }
0x238: {  	_ =	swait.ge [sflag:s26], $0x200  }
0x239: {  	[sflag:s26] =	ssyncset.done $0x0  }
0x23a: {  	s16 =	rddreg [dreg:$0x16];
	[sflag:s26] =	ssyncadd.s32 $0xFFFFFE00  }
0x23b: {  	[spmem:s3] =	stream.indirect.scatter.add.f32 [tilespmem:s22], [sflag:$0x5], $0x4, s16, s21, $0xb8;
	[tilespmem:$0xFB50] =	vst v63  }
0x23c: {  	_ =	swait.ge [sflag:s28], $0x200  }
0x23d: {  	[sflag:s28] =	ssyncset.done $0x0  }
0x23e: {  	s16 =	rddreg [dreg:$0x17];
	[sflag:s28] =	ssyncadd.s32 $0xFFFFFE00  }
0x23f: {  	[tilespmem:s22], [sflag:$0x1] =	stream.indirect.gather [spmem:s2], $0x4, s16, s21, $0xb8;
	[tilespmem:$0xFB50] =	vst v63  }
0x240: {  	_ =	swait.ge [sflag:s29], $0x200  }
0x241: {  	[sflag:s29] =	ssyncset.done $0x0  }
0x242: {  	s16 =	rddreg [dreg:$0x18];
	[sflag:s29] =	ssyncadd.s32 $0xFFFFFE00  }
0x243: {  	[spmem:s3] =	stream.indirect.scatter.add.f32 [tilespmem:s23], [sflag:$0x6], $0x4, s16, s21, $0xb8;
	[tilespmem:$0xFB50] =	vst v63  }
0x244: {  	_ =	swait.ge [sflag:s30], $0x200  }
0x245: {  	[sflag:s30] =	ssyncset.done $0x0  }
0x246: {  	s16 =	rddreg [dreg:$0x19];
	[sflag:s30] =	ssyncadd.s32 $0xFFFFFE00  }
0x247: {  	[tilespmem:s23], [sflag:$0x2] =	stream.indirect.gather [spmem:s2], $0x4, s16, s21, $0xb8;
	[tilespmem:$0xFB50] =	vst v63  }
0x248: {  	_ =	swait.ge [sflag:s31], $0x200  }
0x249: {  	[sflag:s31] =	ssyncset.done $0x0  }
0x24a: {  	s16 =	rddreg [dreg:$0x1a];
	[sflag:s31] =	ssyncadd.s32 $0xFFFFFE00  }
0x24b: {  	[spmem:s3] =	stream.indirect.scatter.add.f32 [tilespmem:s24], [sflag:$0x7], $0x4, s16, s21, $0xb8;
	[tilespmem:$0xFB50] =	vst v63  }
0x24c: {  	_ =	swait.ge [sflag:s1], $0x200  }
0x24d: {  	[sflag:s1] =	ssyncset.done $0x0  }
0x24e: {  	s16 =	rddreg [dreg:$0x1b];
	[sflag:s1] =	ssyncadd.s32 $0xFFFFFE00  }
0x24f: {  	[tilespmem:s24], [sflag:$0x3] =	stream.indirect.gather [spmem:s2], $0x4, s16, s21, $0xb8;
	[tilespmem:$0xFB50] =	vst v63  }
0x250: {  	_ =	swait.ge [sflag:s0], $0x200  }
0x251: {  	[sflag:s0] =	ssyncset.done $0x0  }
0x252: {  	s16 =	rddreg [dreg:$0x1c];
	[sflag:s0] =	ssyncadd.s32 $0xFFFFFE00  }
0x253: {  	[spmem:s3] =	stream.indirect.scatter.add.f32 [tilespmem:s25], [sflag:$0x8], $0x4, s16, s21, $0xb8;
	[tilespmem:$0xFB50] =	vst v63  }
0x254: {  	_ =	swait.ge [sflag:s9], $0x200  }
0x255: {  	[sflag:s9] =	ssyncset.done $0x0  }
0x256: {  	s16 =	rddreg [dreg:$0x1d];
	[sflag:s9] =	ssyncadd.s32 $0xFFFFFE00  }
0x257: {  	[tilespmem:s25], [sflag:$0x4] =	stream.indirect.gather [spmem:s2], $0x4, s16, s21, $0xb8;
	[tilespmem:$0xFB50] =	vst v63  }
0x258: {  	_ =	swait.ge [sflag:s26], $0x200  }
0x259: {  	[sflag:s26] =	ssyncset.done $0x0  }
0x25a: {  	s16 =	rddreg [dreg:$0x1e];
	[sflag:s26] =	ssyncadd.s32 $0xFFFFFE00  }
0x25b: {  	[spmem:s3] =	stream.indirect.scatter.add.f32 [tilespmem:s22], [sflag:$0x5], $0x4, s16, s21, $0xb8;
	[tilespmem:$0xFB50] =	vst v63  }
0x25c: {  	_ =	swait.ge [sflag:s28], $0x200  }
0x25d: {  	[sflag:s28] =	ssyncset.done $0x0  }
0x25e: {  	s16 =	rddreg [dreg:$0x1f];
	[sflag:s28] =	ssyncadd.s32 $0xFFFFFE00  }
0x25f: {  	[tilespmem:s22], [sflag:$0x1] =	stream.indirect.gather [spmem:s2], $0x4, s16, s21, $0xb8;
	[tilespmem:$0xFB50] =	vst v63  }
0x260: {  	_ =	swait.ge [sflag:s29], $0x200  }
0x261: {  	s16 =	sld [smem:$0x7C7]  }
0x262: {  	[sflag:s29] =	ssyncset.done $0x0  }
0x263: {  	[sflag:s29] =	ssyncadd.s32 $0xFFFFFE00  }
0x264: {  	[spmem:s3] =	stream.indirect.scatter.add.f32 [tilespmem:s23], [sflag:$0x6], $0x4, s16, s21, $0xb8;
	[tilespmem:$0xFB50] =	vst v63  }
0x265: {  	_ =	swait.ge [sflag:s30], $0x200  }
0x266: {  	s16 =	sld [smem:$0x7C8]  }
0x267: {  	[sflag:s30] =	ssyncset.done $0x0  }
0x268: {  	[sflag:s30] =	ssyncadd.s32 $0xFFFFFE00  }
0x269: {  	[tilespmem:s23], [sflag:$0x2] =	stream.indirect.gather [spmem:s2], $0x4, s16, s21, $0xb8;
	[tilespmem:$0xFB50] =	vst v63  }
0x26a: {  	_ =	swait.ge [sflag:s31], $0x200  }
0x26b: {  	s16 =	sld [smem:$0x7C9]  }
0x26c: {  	[sflag:s31] =	ssyncset.done $0x0  }
0x26d: {  	[sflag:s31] =	ssyncadd.s32 $0xFFFFFE00  }
0x26e: {  	[spmem:s3] =	stream.indirect.scatter.add.f32 [tilespmem:s24], [sflag:$0x7], $0x4, s16, s21, $0xb8;
	[tilespmem:$0xFB50] =	vst v63  }
0x26f: {  	_ =	swait.ge [sflag:s1], $0x200  }
0x270: {  	s16 =	sld [smem:$0x7CA]  }
0x271: {  	[sflag:s1] =	ssyncset.done $0x0  }
0x272: {  	[sflag:s1] =	ssyncadd.s32 $0xFFFFFE00  }
0x273: {  	[tilespmem:s24], [sflag:$0x3] =	stream.indirect.gather [spmem:s2], $0x4, s16, s21, $0xb8;
	[tilespmem:$0xFB50] =	vst v63  }
0x274: {  	_ =	swait.ge [sflag:s0], $0x200  }
0x275: {  	s16 =	sld [smem:$0x7CB]  }
0x276: {  	[sflag:s0] =	ssyncset.done $0x0  }
0x277: {  	[sflag:s0] =	ssyncadd.s32 $0xFFFFFE00  }
0x278: {  	[spmem:s3] =	stream.indirect.scatter.add.f32 [tilespmem:s25], [sflag:$0x8], $0x4, s16, s21, $0xb8;
	[tilespmem:$0xFB50] =	vst v63  }
0x279: {  	_ =	swait.ge [sflag:s9], $0x200  }
0x27a: {  	s16 =	sld [smem:$0x7CC]  }
0x27b: {  	[sflag:s9] =	ssyncset.done $0x0  }
0x27c: {  	[sflag:s9] =	ssyncadd.s32 $0xFFFFFE00  }
0x27d: {  	[tilespmem:s25], [sflag:$0x4] =	stream.indirect.gather [spmem:s2], $0x4, s16, s21, $0xb8;
	[tilespmem:$0xFB50] =	vst v63  }
0x27e: {  	_ =	swait.ge [sflag:s26], $0x200  }
0x27f: {  	s16 =	sld [smem:$0x7CD]  }
0x280: {  	[sflag:s26] =	ssyncset.done $0x0  }
0x281: {  	[sflag:s26] =	ssyncadd.s32 $0xFFFFFE00  }
0x282: {  	[spmem:s3] =	stream.indirect.scatter.add.f32 [tilespmem:s22], [sflag:$0x5], $0x4, s16, s21, $0xb8;
	[tilespmem:$0xFB50] =	vst v63  }
0x283: {  	_ =	swait.ge [sflag:s28], $0x200  }
0x284: {  	s16 =	sld [smem:$0x7CE]  }
0x285: {  	[sflag:s28] =	ssyncset.done $0x0  }
0x286: {  	[sflag:s28] =	ssyncadd.s32 $0xFFFFFE00  }
0x287: {  	[tilespmem:s22], [sflag:$0x1] =	stream.indirect.gather [spmem:s2], $0x4, s16, s21, $0xb8;
	[tilespmem:$0xFB50] =	vst v63  }
0x288: {  	_ =	swait.ge [sflag:s29], $0x200  }
0x289: {  	s16 =	sld [smem:$0x7CF]  }
0x28a: {  	[sflag:s29] =	ssyncset.done $0x0  }
0x28b: {  	[sflag:s29] =	ssyncadd.s32 $0xFFFFFE00  }
0x28c: {  	[spmem:s3] =	stream.indirect.scatter.add.f32 [tilespmem:s23], [sflag:$0x6], $0x4, s16, s21, $0xb8;
	[tilespmem:$0xFB50] =	vst v63  }
0x28d: {  	_ =	swait.ge [sflag:s30], $0x200  }
0x28e: {  	s16 =	sld [smem:$0x7D0]  }
0x28f: {  	[sflag:s30] =	ssyncset.done $0x0  }
0x290: {  	[sflag:s30] =	ssyncadd.s32 $0xFFFFFE00  }
0x291: {  	[tilespmem:s23], [sflag:$0x2] =	stream.indirect.gather [spmem:s2], $0x4, s16, s21, $0xb8;
	[tilespmem:$0xFB50] =	vst v63  }
0x292: {  	_ =	swait.ge [sflag:s31], $0x200  }
0x293: {  	s16 =	sld [smem:$0x7D1]  }
0x294: {  	[sflag:s31] =	ssyncset.done $0x0  }
0x295: {  	[sflag:s31] =	ssyncadd.s32 $0xFFFFFE00  }
0x296: {  	[spmem:s3] =	stream.indirect.scatter.add.f32 [tilespmem:s24], [sflag:$0x7], $0x4, s16, s21, $0xb8;
	[tilespmem:$0xFB50] =	vst v63  }
0x297: {  	_ =	swait.ge [sflag:s1], $0x200  }
0x298: {  	s16 =	sld [smem:$0x7D2]  }
0x299: {  	[sflag:s1] =	ssyncset.done $0x0  }
0x29a: {  	[sflag:s1] =	ssyncadd.s32 $0xFFFFFE00  }
0x29b: {  	[tilespmem:s24], [sflag:$0x3] =	stream.indirect.gather [spmem:s2], $0x4, s16, s21, $0xb8;
	[tilespmem:$0xFB50] =	vst v63  }
0x29c: {  	_ =	swait.ge [sflag:s0], $0x200  }
0x29d: {  	s16 =	sld [smem:$0x7D3]  }
0x29e: {  	[sflag:s0] =	ssyncset.done $0x0  }
0x29f: {  	[sflag:s0] =	ssyncadd.s32 $0xFFFFFE00  }
0x2a0: {  	[spmem:s3] =	stream.indirect.scatter.add.f32 [tilespmem:s25], [sflag:$0x8], $0x4, s16, s21, $0xb8;
	[tilespmem:$0xFB50] =	vst v63  }
0x2a1: {  	_ =	swait.ge [sflag:s9], $0x200  }
0x2a2: {  	s16 =	sld [smem:$0x7D4]  }
0x2a3: {  	[sflag:s9] =	ssyncset.done $0x0  }
0x2a4: {  	[sflag:s9] =	ssyncadd.s32 $0xFFFFFE00  }
0x2a5: {  	[tilespmem:s25], [sflag:$0x4] =	stream.indirect.gather [spmem:s2], $0x4, s16, s21, $0xb8;
	[tilespmem:$0xFB50] =	vst v63  }
0x2a6: {  	_ =	swait.ge [sflag:s26], $0x200  }
0x2a7: {  	s16 =	sld [smem:$0x7D5]  }
0x2a8: {  	[sflag:s26] =	ssyncset.done $0x0  }
0x2a9: {  	[sflag:s26] =	ssyncadd.s32 $0xFFFFFE00  }
0x2aa: {  	[spmem:s3] =	stream.indirect.scatter.add.f32 [tilespmem:s22], [sflag:$0x5], $0x4, s16, s21, $0xb8;
	[tilespmem:$0xFB50] =	vst v63  }
0x2ab: {  	_ =	swait.ge [sflag:s28], $0x200  }
0x2ac: {  	s16 =	sld [smem:$0x7D6]  }
0x2ad: {  	[sflag:s28] =	ssyncset.done $0x0  }
0x2ae: {  	[sflag:s28] =	ssyncadd.s32 $0xFFFFFE00  }
0x2af: {  	[tilespmem:s22], [sflag:$0x1] =	stream.indirect.gather [spmem:s2], $0x4, s16, s21, $0xb8;
	[tilespmem:$0xFB50] =	vst v63  }
0x2b0: {  	_ =	swait.ge [sflag:s29], $0x200  }
0x2b1: {  	s16 =	sld [smem:$0x7D8]  }
0x2b2: {  	[sflag:s29] =	ssyncset.done $0x0  }
0x2b3: {  	[sflag:s29] =	ssyncadd.s32 $0xFFFFFE00  }
0x2b4: {  	[spmem:s3] =	stream.indirect.scatter.add.f32 [tilespmem:s23], [sflag:$0x6], $0x4, s16, s21, $0xb8;
	[tilespmem:$0xFB50] =	vst v63  }
0x2b5: {  	_ =	swait.ge [sflag:s30], $0x200  }
0x2b6: {  	s16 =	sld [smem:$0x7D9]  }
0x2b7: {  	[sflag:s30] =	ssyncset.done $0x0  }
0x2b8: {  	[sflag:s30] =	ssyncadd.s32 $0xFFFFFE00  }
0x2b9: {  	[tilespmem:s23], [sflag:$0x2] =	stream.indirect.gather [spmem:s2], $0x4, s16, s21, $0xb8;
	[tilespmem:$0xFB50] =	vst v63  }
0x2ba: {  	_ =	swait.ge [sflag:s31], $0x200  }
0x2bb: {  	s16 =	sld [smem:$0x7DA]  }
0x2bc: {  	[sflag:s31] =	ssyncset.done $0x0  }
0x2bd: {  	[sflag:s31] =	ssyncadd.s32 $0xFFFFFE00  }
0x2be: {  	[spmem:s3] =	stream.indirect.scatter.add.f32 [tilespmem:s24], [sflag:$0x7], $0x4, s16, s21, $0xb8;
	[tilespmem:$0xFB50] =	vst v63  }
0x2bf: {  	_ =	swait.ge [sflag:s1], $0x200  }
0x2c0: {  	s16 =	sld [smem:$0x7DC]  }
0x2c1: {  	[sflag:s1] =	ssyncset.done $0x0  }
0x2c2: {  	[sflag:s1] =	ssyncadd.s32 $0xFFFFFE00  }
0x2c3: {  	[tilespmem:s24], [sflag:$0x3] =	stream.indirect.gather [spmem:s2], $0x4, s16, s21, $0xb8;
	[tilespmem:$0xFB50] =	vst v63  }
0x2c4: {  	_ =	swait.ge [sflag:s0], $0x200  }
0x2c5: {  	s16 =	sld [smem:$0x7DD]  }
0x2c6: {  	[sflag:s0] =	ssyncset.done $0x0  }
0x2c7: {  	[sflag:s0] =	ssyncadd.s32 $0xFFFFFE00  }
0x2c8: {  	[spmem:s3] =	stream.indirect.scatter.add.f32 [tilespmem:s25], [sflag:$0x8], $0x4, s16, s21, $0xb8;
	[tilespmem:$0xFB50] =	vst v63  }
0x2c9: {  	_ =	swait.ge [sflag:s9], $0x200  }
0x2ca: {  	s16 =	sld [smem:$0x7DE]  }
0x2cb: {  	[sflag:s9] =	ssyncset.done $0x0  }
0x2cc: {  	[sflag:s9] =	ssyncadd.s32 $0xFFFFFE00  }
0x2cd: {  	[tilespmem:s25], [sflag:$0x4] =	stream.indirect.gather [spmem:s2], $0x4, s16, s21, $0xb8;
	[tilespmem:$0xFB50] =	vst v63  }
0x2ce: {  	_ =	swait.ge [sflag:s26], $0x200  }
0x2cf: {  	s16 =	sld [smem:$0x7E0]  }
0x2d0: {  	[sflag:s26] =	ssyncset.done $0x0  }
0x2d1: {  	[sflag:s26] =	ssyncadd.s32 $0xFFFFFE00  }
0x2d2: {  	[spmem:s3] =	stream.indirect.scatter.add.f32 [tilespmem:s22], [sflag:$0x5], $0x4, s16, s21, $0xb8;
	[tilespmem:$0xFB50] =	vst v63  }
0x2d3: {  	_ =	swait.ge [sflag:s28], $0x200  }
0x2d4: {  	s16 =	sld [smem:$0x7E2]  }
0x2d5: {  	[sflag:s28] =	ssyncset.done $0x0  }
0x2d6: {  	[sflag:s28] =	ssyncadd.s32 $0xFFFFFE00  }
0x2d7: {  	[tilespmem:s22], [sflag:$0x1] =	stream.indirect.gather [spmem:s2], $0x4, s16, s21, $0xb8;
	[tilespmem:$0xFB50] =	vst v63  }
0x2d8: {  	_ =	swait.ge [sflag:s29], $0x200  }
0x2d9: {  	s16 =	sld [smem:$0x7E4]  }
0x2da: {  	[sflag:s29] =	ssyncset.done $0x0  }
0x2db: {  	[sflag:s29] =	ssyncadd.s32 $0xFFFFFE00  }
0x2dc: {  	[spmem:s3] =	stream.indirect.scatter.add.f32 [tilespmem:s23], [sflag:$0x6], $0x4, s16, s21, $0xb8;
	[tilespmem:$0xFB50] =	vst v63  }
0x2dd: {  	_ =	swait.ge [sflag:s30], $0x200  }
0x2de: {  	s16 =	sld [smem:$0x7E6]  }
0x2df: {  	[sflag:s30] =	ssyncset.done $0x0  }
0x2e0: {  	[sflag:s30] =	ssyncadd.s32 $0xFFFFFE00  }
0x2e1: {  	[tilespmem:s23], [sflag:$0x2] =	stream.indirect.gather [spmem:s2], $0x4, s16, s21, $0xb8;
	[tilespmem:$0xFB50] =	vst v63  }
0x2e2: {  	_ =	swait.ge [sflag:s31], $0x200  }
0x2e3: {  	s16 =	sld [smem:$0x7E8]  }
0x2e4: {  	[sflag:s31] =	ssyncset.done $0x0  }
0x2e5: {  	[sflag:s31] =	ssyncadd.s32 $0xFFFFFE00  }
0x2e6: {  	[spmem:s3] =	stream.indirect.scatter.add.f32 [tilespmem:s24], [sflag:$0x7], $0x4, s16, s21, $0xb8;
	[tilespmem:$0xFB50] =	vst v63  }
0x2e7: {  	_ =	swait.ge [sflag:s1], $0x200  }
0x2e8: {  	s16 =	sld [smem:$0x7E9]  }
0x2e9: {  	[sflag:s1] =	ssyncset.done $0x0  }
0x2ea: {  	[sflag:s1] =	ssyncadd.s32 $0xFFFFFE00  }
0x2eb: {  	[tilespmem:s24], [sflag:$0x3] =	stream.indirect.gather [spmem:s2], $0x4, s16, s21, $0xb8;
	[tilespmem:$0xFB50] =	vst v63  }
0x2ec: {  	_ =	swait.ge [sflag:s0], $0x200  }
0x2ed: {  	s16 =	sld [smem:$0x7EB]  }
0x2ee: {  	[sflag:s0] =	ssyncset.done $0x0  }
0x2ef: {  	[sflag:s0] =	ssyncadd.s32 $0xFFFFFE00  }
0x2f0: {  	[spmem:s3] =	stream.indirect.scatter.add.f32 [tilespmem:s25], [sflag:$0x8], $0x4, s16, s21, $0xb8;
	[tilespmem:$0xFB50] =	vst v63  }
0x2f1: {  	_ =	swait.ge [sflag:s9], $0x200  }
0x2f2: {  	s16 =	sld [smem:$0x7EE]  }
0x2f3: {  	[sflag:s9] =	ssyncset.done $0x0  }
0x2f4: {  	[sflag:s9] =	ssyncadd.s32 $0xFFFFFE00  }
0x2f5: {  	[tilespmem:s25], [sflag:$0x4] =	stream.indirect.gather [spmem:s2], $0x4, s16, s21, $0xb8;
	[tilespmem:$0xFB50] =	vst v63  }
0x2f6: {  	_ =	swait.ge [sflag:s26], $0x200  }
0x2f7: {  	s16 =	sld [smem:$0x7EF]  }
0x2f8: {  	[sflag:s26] =	ssyncset.done $0x0  }
0x2f9: {  	[sflag:s26] =	ssyncadd.s32 $0xFFFFFE00  }
0x2fa: {  	[spmem:s3] =	stream.indirect.scatter.add.f32 [tilespmem:s22], [sflag:$0x5], $0x4, s16, s21, $0xb8;
	[tilespmem:$0xFB50] =	vst v63  }
0x2fb: {  	_ =	swait.ge [sflag:s28], $0x200  }
0x2fc: {  	s16 =	sld [smem:$0x7F1]  }
0x2fd: {  	[sflag:s28] =	ssyncset.done $0x0  }
0x2fe: {  	[sflag:s28] =	ssyncadd.s32 $0xFFFFFE00  }
0x2ff: {  	[tilespmem:s22], [sflag:$0x1] =	stream.indirect.gather [spmem:s2], $0x4, s16, s21, $0xb8;
	[tilespmem:$0xFB50] =	vst v63  }
0x300: {  	_ =	swait.ge [sflag:s29], $0x200  }
0x301: {  	s16 =	sld [smem:$0x7F3]  }
0x302: {  	[sflag:s29] =	ssyncset.done $0x0  }
0x303: {  	[sflag:s29] =	ssyncadd.s32 $0xFFFFFE00  }
0x304: {  	[spmem:s3] =	stream.indirect.scatter.add.f32 [tilespmem:s23], [sflag:$0x6], $0x4, s16, s21, $0xb8;
	[tilespmem:$0xFB50] =	vst v63  }
0x305: {  	_ =	swait.ge [sflag:s30], $0x200  }
0x306: {  	s16 =	sld [smem:$0x7F6]  }
0x307: {  	[sflag:s30] =	ssyncset.done $0x0  }
0x308: {  	[sflag:s30] =	ssyncadd.s32 $0xFFFFFE00  }
0x309: {  	[tilespmem:s23], [sflag:$0x2] =	stream.indirect.gather [spmem:s2], $0x4, s16, s21, $0xb8;
	[tilespmem:$0xFB50] =	vst v63  }
0x30a: {  	_ =	swait.ge [sflag:s31], $0x200  }
0x30b: {  	s16 =	sld [smem:$0x7F7]  }
0x30c: {  	[sflag:s31] =	ssyncset.done $0x0  }
0x30d: {  	[sflag:s31] =	ssyncadd.s32 $0xFFFFFE00  }
0x30e: {  	[spmem:s3] =	stream.indirect.scatter.add.f32 [tilespmem:s24], [sflag:$0x7], $0x4, s16, s21, $0xb8;
	[tilespmem:$0xFB50] =	vst v63  }
0x30f: {  	_ =	swait.ge [sflag:s1], $0x200  }
0x310: {  	s16 =	sld [smem:$0x7F8]  }
0x311: {  	[sflag:s1] =	ssyncset.done $0x0  }
0x312: {  	[sflag:s1] =	ssyncadd.s32 $0xFFFFFE00  }
0x313: {  	[tilespmem:s24], [sflag:$0x3] =	stream.indirect.gather [spmem:s2], $0x4, s16, s21, $0xb8;
	[tilespmem:$0xFB50] =	vst v63  }
0x314: {  	_ =	swait.ge [sflag:s0], $0x200  }
0x315: {  	s16 =	sld [smem:$0x7F9]  }
0x316: {  	[sflag:s0] =	ssyncset.done $0x0  }
0x317: {  	[sflag:s0] =	ssyncadd.s32 $0xFFFFFE00  }
0x318: {  	[spmem:s3] =	stream.indirect.scatter.add.f32 [tilespmem:s25], [sflag:$0x8], $0x4, s16, s21, $0xb8;
	[tilespmem:$0xFB50] =	vst v63  }
0x319: {  	_ =	swait.ge [sflag:s9], $0x200  }
0x31a: {  	s16 =	sld [smem:$0x7FA]  }
0x31b: {  	[sflag:s9] =	ssyncset.done $0x0  }
0x31c: {  	[sflag:s9] =	ssyncadd.s32 $0xFFFFFE00  }
0x31d: {  	[tilespmem:s25], [sflag:$0x4] =	stream.indirect.gather [spmem:s2], $0x4, s16, s21, $0xb8;
	[tilespmem:$0xFB50] =	vst v63  }
0x31e: {  	_ =	swait.ge [sflag:s26], $0x200  }
0x31f: {  	s16 =	sld [smem:$0x7FB]  }
0x320: {  	[sflag:s26] =	ssyncset.done $0x0  }
0x321: {  	[sflag:s26] =	ssyncadd.s32 $0xFFFFFE00  }
0x322: {  	[spmem:s3] =	stream.indirect.scatter.add.f32 [tilespmem:s22], [sflag:$0x5], $0x4, s16, s21, $0xb8;
	[tilespmem:$0xFB50] =	vst v63  }
0x323: {  	_ =	swait.ge [sflag:s28], $0x200  }
0x324: {  	s16 =	sld [smem:$0x7FC]  }
0x325: {  	[sflag:s28] =	ssyncset.done $0x0  }
0x326: {  	[sflag:s28] =	ssyncadd.s32 $0xFFFFFE00  }
0x327: {  	[tilespmem:s22], [sflag:$0x1] =	stream.indirect.gather [spmem:s2], $0x4, s16, s21, $0xb8;
	[tilespmem:$0xFB50] =	vst v63  }
0x328: {  	_ =	swait.ge [sflag:s29], $0x200  }
0x329: {  	s16 =	sld [smem:$0x7FD]  }
0x32a: {  	[sflag:s29] =	ssyncset.done $0x0  }
0x32b: {  	[sflag:s29] =	ssyncadd.s32 $0xFFFFFE00  }
0x32c: {  	[spmem:s3] =	stream.indirect.scatter.add.f32 [tilespmem:s23], [sflag:$0x6], $0x4, s16, s21, $0xb8;
	[tilespmem:$0xFB50] =	vst v63  }
0x32d: {  	_ =	swait.ge [sflag:s30], $0x200  }
0x32e: {  	[sflag:s30] =	ssyncset.done $0x0  }
0x32f: {  	[sflag:s30] =	ssyncadd.s32 $0xFFFFFE00  }
0x330: {  	[tilespmem:s23], [sflag:$0x2] =	stream.indirect.gather [spmem:s2], $0x4, s10, s21, $0xb8;
	[tilespmem:$0xFB50] =	vst v63  }
0x331: {  	_ =	swait.ge [sflag:s31], $0x200  }
0x332: {  	[sflag:s31] =	ssyncset.done $0x0  }
0x333: {  	[sflag:s31] =	ssyncadd.s32 $0xFFFFFE00  }
0x334: {  	[spmem:s3] =	stream.indirect.scatter.add.f32 [tilespmem:s24], [sflag:$0x7], $0x4, s11, s21, $0xb8;
	[tilespmem:$0xFB50] =	vst v63  }
0x335: {  	_ =	swait.ge [sflag:s1], $0x200  }
0x336: {  	[sflag:s1] =	ssyncset.done $0x0  }
0x337: {  	[sflag:s1] =	ssyncadd.s32 $0xFFFFFE00  }
0x338: {  	[tilespmem:s24], [sflag:$0x3] =	stream.indirect.gather [spmem:s2], $0x4, s12, s21, $0xb8;
	[tilespmem:$0xFB50] =	vst v63  }
0x339: {  	_ =	swait.ge [sflag:s0], $0x200  }
0x33a: {  	[sflag:s0] =	ssyncset.done $0x0  }
0x33b: {  	[sflag:s0] =	ssyncadd.s32 $0xFFFFFE00  }
0x33c: {  	[spmem:s3] =	stream.indirect.scatter.add.f32 [tilespmem:s25], [sflag:$0x8], $0x4, s13, s21, $0xb8;
	[tilespmem:$0xFB50] =	vst v63  }
0x33d: {  	_ =	swait.ge [sflag:s9], $0x200  }
0x33e: {  	[sflag:s9] =	ssyncset.done $0x0  }
0x33f: {  	[sflag:s9] =	ssyncadd.s32 $0xFFFFFE00  }
0x340: {  	[tilespmem:s25], [sflag:$0x4] =	stream.indirect.gather [spmem:s2], $0x4, s14, s21, $0xb8;
	[tilespmem:$0xFB50] =	vst v63  }
0x341: {  	_ =	swait.ge [sflag:s26], $0x200  }
0x342: {  	[sflag:s26] =	ssyncset.done $0x0  }
0x343: {  	[sflag:s26] =	ssyncadd.s32 $0xFFFFFE00  }
0x344: {  	[spmem:s3] =	stream.indirect.scatter.add.f32 [tilespmem:s22], [sflag:$0x5], $0x4, s15, s21, $0xb8;
	[tilespmem:$0xFB50] =	vst v63  }
0x345: {  	_ =	swait.ge [sflag:s29], $0x200  }
0x346: {  	[sflag:s29] =	ssyncset.done $0x0  }
0x347: {  	[sflag:s29] =	ssyncadd.s32 $0xFFFFFE00  }
0x348: {  	[spmem:s3] =	stream.indirect.scatter.add.f32 [tilespmem:s23], [sflag:$0x6], $0x4, s17, s21, $0xb8;
	[tilespmem:$0xFB50] =	vst v63  }
0x349: {  	_ =	swait.ge [sflag:s31], $0x200  }
0x34a: {  	[sflag:s31] =	ssyncset.done $0x0  }
0x34b: {  	[sflag:s31] =	ssyncadd.s32 $0xFFFFFE00  }
0x34c: {  	[spmem:s3] =	stream.indirect.scatter.add.f32 [tilespmem:s24], [sflag:$0x7], $0x4, s18, s21, $0xb8;
	[tilespmem:$0xFB50] =	vst v63  }
0x34d: {  	_ =	swait.ge [sflag:s0], $0x200  }
0x34e: {  	[sflag:s0] =	ssyncset.done $0x0  }
0x34f: {  	[sflag:s0] =	ssyncadd.s32 $0xFFFFFE00  }
0x350: {  	[spmem:s3] =	stream.indirect.scatter.add.f32 [tilespmem:s25], [sflag:$0x8], $0x4, s5, s21, $0xb8;
	[tilespmem:$0xFB50] =	vst v63  }
0x351: {  	_ =	swait.ge [sflag:s28], $0x200  }
0x352: {  	[sflag:s28] =	ssyncset.done $0x0  }
0x353: {  	[sflag:s28] =	ssyncadd.s32 $0xFFFFFE00  }
0x354: {  	_ =	swait.ge [sflag:s30], $0x200  }
0x355: {  	[sflag:s30] =	ssyncset.done $0x0  }
0x356: {  	p5 =	sne.s32 s8, $0x2F80;
	[sflag:s30] =	ssyncadd.s32 $0xFFFFFE00  }
.Ltmp0:
0x357: {  	_ =	swait.ge [sflag:s1], $0x200;
	(pc) =	sbr.rel @p5 .LBB2_2-.Ltmp0, $4  }
0x358: {  	[sflag:s1] =	ssyncset.done $0x0  }
0x359: {  	[sflag:s1] =	ssyncadd.s32 $0xFFFFFE00  }
0x35a: {  	_ =	swait.ge [sflag:s9], $0x200  }
0x35b: {  	s8 =	sadd.s32 $0x280, s8;
	s16 =	rddreg [dreg:$0x4];
	[sflag:s9] =	ssyncset.done $0x0  }
0x35c: {  	[sflag:s9] =	ssyncadd.s32 $0xFFFFFE00;
	s6 =	sadd.s32 s6, s16  }
0x35d: {  	[tilespmem:s4], [sflag:$0x9] =	stream.linear.gather [hbm4b:s6+s4], $0x1400, $0x38;
	[tilespmem:$0xFB50] =	vst v63  }
0x35e: {  	_ =	swait.ge [sflag:s19], $0x1400  }
0x35f: {  	[sflag:s19] =	ssyncset.done $0x0  }
0x360: {  	s6 =	sadd.s32 $0x64000, s6;
	[sflag:s19] =	ssyncadd.s32 $0xFFFFEC00  }
0x361: {  	[tilespmem:s20], [sflag:$0x9] =	stream.linear.gather [hbm4b:s6+s4], $0x1400, $0x38;
	[tilespmem:$0xFB50] =	vst v63  }
0x362: {  	_ =	swait.ge [sflag:s19], $0x1400  }
0x363: {  	[sflag:s19] =	ssyncset.done $0x0  }
0x364: {  	[sflag:s19] =	ssyncadd.s32 $0xFFFFEC00  }
0x365: {  	[tilespmem:s22], [sflag:$0x1] =	stream.indirect.gather [spmem:s2], $0x4, s4, s21, $0xb8;
	[tilespmem:$0xFB50] =	vst v63  }
0x366: {  	_ = 	snop  }
0x367: {  	[tilespmem:s23], [sflag:$0x2] =	stream.indirect.gather [spmem:s2], $0x4, s21, s21, $0xb8;
	[tilespmem:$0xFB50] =	vst v63  }
0x368: {  	s16 =	rddreg [dreg:$0x5]  }
0x369: {  	[tilespmem:s24], [sflag:$0x3] =	stream.indirect.gather [spmem:s2], $0x4, s16, s21, $0xb8;
	[tilespmem:$0xFB50] =	vst v63  }
0x36a: {  	s7 =	rddreg [dreg:$0x6]  }
0x36b: {  	[tilespmem:s25], [sflag:$0x4] =	stream.indirect.gather [spmem:s2], $0x4, s7, s21, $0xb8;
	[tilespmem:$0xFB50] =	vst v63  }
0x36c: {  	_ =	swait.ge [sflag:s26], $0x200  }
0x36d: {  	[sflag:s26] =	ssyncset.done $0x0  }
0x36e: {  	[sflag:s26] =	ssyncadd.s32 $0xFFFFFE00  }
0x36f: {  	[spmem:s3] =	stream.indirect.scatter.add.f32 [tilespmem:s22], [sflag:$0x5], $0x4, s20, s21, $0xb8;
	[tilespmem:$0xFB50] =	vst v63  }
0x370: {  	_ =	swait.ge [sflag:s28], $0x200  }
0x371: {  	[sflag:s28] =	ssyncset.done $0x0  }
0x372: {  	s7 =	rddreg [dreg:$0x7];
	[sflag:s28] =	ssyncadd.s32 $0xFFFFFE00  }
0x373: {  	[tilespmem:s22], [sflag:$0x1] =	stream.indirect.gather [spmem:s2], $0x4, s7, s21, $0xb8;
	[tilespmem:$0xFB50] =	vst v63  }
0x374: {  	_ =	swait.ge [sflag:s29], $0x200  }
0x375: {  	[sflag:s29] =	ssyncset.done $0x0  }
0x376: {  	s8 =	rddreg [dreg:$0x8];
	[sflag:s29] =	ssyncadd.s32 $0xFFFFFE00  }
0x377: {  	[spmem:s3] =	stream.indirect.scatter.add.f32 [tilespmem:s23], [sflag:$0x6], $0x4, s8, s21, $0xb8;
	[tilespmem:$0xFB50] =	vst v63  }
0x378: {  	_ =	swait.ge [sflag:s30], $0x200  }
0x379: {  	[sflag:s30] =	ssyncset.done $0x0  }
0x37a: {  	s16 =	rddreg [dreg:$0x9];
	[sflag:s30] =	ssyncadd.s32 $0xFFFFFE00  }
0x37b: {  	[tilespmem:s23], [sflag:$0x2] =	stream.indirect.gather [spmem:s2], $0x4, s16, s21, $0xb8;
	[tilespmem:$0xFB50] =	vst v63  }
0x37c: {  	_ =	swait.ge [sflag:s31], $0x200  }
0x37d: {  	[sflag:s31] =	ssyncset.done $0x0  }
0x37e: {  	s7 =	rddreg [dreg:$0xa];
	[sflag:s31] =	ssyncadd.s32 $0xFFFFFE00  }
0x37f: {  	[spmem:s3] =	stream.indirect.scatter.add.f32 [tilespmem:s24], [sflag:$0x7], $0x4, s7, s21, $0xb8;
	[tilespmem:$0xFB50] =	vst v63  }
0x380: {  	_ =	swait.ge [sflag:s1], $0x200  }
0x381: {  	[sflag:s1] =	ssyncset.done $0x0  }
0x382: {  	s8 =	rddreg [dreg:$0xb];
	[sflag:s1] =	ssyncadd.s32 $0xFFFFFE00  }
0x383: {  	[tilespmem:s24], [sflag:$0x3] =	stream.indirect.gather [spmem:s2], $0x4, s8, s21, $0xb8;
	[tilespmem:$0xFB50] =	vst v63  }
0x384: {  	_ =	swait.ge [sflag:s0], $0x200  }
0x385: {  	[sflag:s0] =	ssyncset.done $0x0  }
0x386: {  	s16 =	rddreg [dreg:$0xc];
	[sflag:s0] =	ssyncadd.s32 $0xFFFFFE00  }
0x387: {  	[spmem:s3] =	stream.indirect.scatter.add.f32 [tilespmem:s25], [sflag:$0x8], $0x4, s16, s21, $0xb8;
	[tilespmem:$0xFB50] =	vst v63  }
0x388: {  	_ =	swait.ge [sflag:s9], $0x200  }
0x389: {  	[sflag:s9] =	ssyncset.done $0x0  }
0x38a: {  	s7 =	rddreg [dreg:$0xd];
	[sflag:s9] =	ssyncadd.s32 $0xFFFFFE00  }
0x38b: {  	[tilespmem:s25], [sflag:$0x4] =	stream.indirect.gather [spmem:s2], $0x4, s7, s21, $0xb8;
	[tilespmem:$0xFB50] =	vst v63  }
0x38c: {  	_ =	swait.ge [sflag:s26], $0x200  }
0x38d: {  	[sflag:s26] =	ssyncset.done $0x0  }
0x38e: {  	s8 =	rddreg [dreg:$0xe];
	[sflag:s26] =	ssyncadd.s32 $0xFFFFFE00  }
0x38f: {  	[spmem:s3] =	stream.indirect.scatter.add.f32 [tilespmem:s22], [sflag:$0x5], $0x4, s8, s21, $0xb8;
	[tilespmem:$0xFB50] =	vst v63  }
0x390: {  	_ =	swait.ge [sflag:s28], $0x200  }
0x391: {  	[sflag:s28] =	ssyncset.done $0x0  }
0x392: {  	s16 =	rddreg [dreg:$0xf];
	[sflag:s28] =	ssyncadd.s32 $0xFFFFFE00  }
0x393: {  	[tilespmem:s22], [sflag:$0x1] =	stream.indirect.gather [spmem:s2], $0x4, s16, s21, $0xb8;
	[tilespmem:$0xFB50] =	vst v63  }
0x394: {  	_ =	swait.ge [sflag:s29], $0x200  }
0x395: {  	[sflag:s29] =	ssyncset.done $0x0  }
0x396: {  	s7 =	rddreg [dreg:$0x10];
	[sflag:s29] =	ssyncadd.s32 $0xFFFFFE00  }
0x397: {  	[spmem:s3] =	stream.indirect.scatter.add.f32 [tilespmem:s23], [sflag:$0x6], $0x4, s7, s21, $0xb8;
	[tilespmem:$0xFB50] =	vst v63  }
0x398: {  	_ =	swait.ge [sflag:s30], $0x200  }
0x399: {  	[sflag:s30] =	ssyncset.done $0x0  }
0x39a: {  	s8 =	rddreg [dreg:$0x11];
	[sflag:s30] =	ssyncadd.s32 $0xFFFFFE00  }
0x39b: {  	[tilespmem:s23], [sflag:$0x2] =	stream.indirect.gather [spmem:s2], $0x4, s8, s21, $0xb8;
	[tilespmem:$0xFB50] =	vst v63  }
0x39c: {  	_ =	swait.ge [sflag:s31], $0x200  }
0x39d: {  	[sflag:s31] =	ssyncset.done $0x0  }
0x39e: {  	s16 =	rddreg [dreg:$0x12];
	[sflag:s31] =	ssyncadd.s32 $0xFFFFFE00  }
0x39f: {  	[spmem:s3] =	stream.indirect.scatter.add.f32 [tilespmem:s24], [sflag:$0x7], $0x4, s16, s21, $0xb8;
	[tilespmem:$0xFB50] =	vst v63  }
0x3a0: {  	_ =	swait.ge [sflag:s1], $0x200  }
0x3a1: {  	[sflag:s1] =	ssyncset.done $0x0  }
0x3a2: {  	s7 =	rddreg [dreg:$0x13];
	[sflag:s1] =	ssyncadd.s32 $0xFFFFFE00  }
0x3a3: {  	[tilespmem:s24], [sflag:$0x3] =	stream.indirect.gather [spmem:s2], $0x4, s7, s21, $0xb8;
	[tilespmem:$0xFB50] =	vst v63  }
0x3a4: {  	_ =	swait.ge [sflag:s0], $0x200  }
0x3a5: {  	[sflag:s0] =	ssyncset.done $0x0  }
0x3a6: {  	s8 =	rddreg [dreg:$0x14];
	[sflag:s0] =	ssyncadd.s32 $0xFFFFFE00  }
0x3a7: {  	[spmem:s3] =	stream.indirect.scatter.add.f32 [tilespmem:s25], [sflag:$0x8], $0x4, s8, s21, $0xb8;
	[tilespmem:$0xFB50] =	vst v63  }
0x3a8: {  	_ =	swait.ge [sflag:s9], $0x200  }
0x3a9: {  	[sflag:s9] =	ssyncset.done $0x0  }
0x3aa: {  	s16 =	rddreg [dreg:$0x15];
	[sflag:s9] =	ssyncadd.s32 $0xFFFFFE00  }
0x3ab: {  	[tilespmem:s25], [sflag:$0x4] =	stream.indirect.gather [spmem:s2], $0x4, s16, s21, $0xb8;
	[tilespmem:$0xFB50] =	vst v63  }
0x3ac: {  	_ =	swait.ge [sflag:s26], $0x200  }
0x3ad: {  	[sflag:s26] =	ssyncset.done $0x0  }
0x3ae: {  	s7 =	rddreg [dreg:$0x16];
	[sflag:s26] =	ssyncadd.s32 $0xFFFFFE00  }
0x3af: {  	[spmem:s3] =	stream.indirect.scatter.add.f32 [tilespmem:s22], [sflag:$0x5], $0x4, s7, s21, $0xb8;
	[tilespmem:$0xFB50] =	vst v63  }
0x3b0: {  	_ =	swait.ge [sflag:s28], $0x200  }
0x3b1: {  	[sflag:s28] =	ssyncset.done $0x0  }
0x3b2: {  	s8 =	rddreg [dreg:$0x17];
	[sflag:s28] =	ssyncadd.s32 $0xFFFFFE00  }
0x3b3: {  	[tilespmem:s22], [sflag:$0x1] =	stream.indirect.gather [spmem:s2], $0x4, s8, s21, $0xb8;
	[tilespmem:$0xFB50] =	vst v63  }
0x3b4: {  	_ =	swait.ge [sflag:s29], $0x200  }
0x3b5: {  	[sflag:s29] =	ssyncset.done $0x0  }
0x3b6: {  	s16 =	rddreg [dreg:$0x18];
	[sflag:s29] =	ssyncadd.s32 $0xFFFFFE00  }
0x3b7: {  	[spmem:s3] =	stream.indirect.scatter.add.f32 [tilespmem:s23], [sflag:$0x6], $0x4, s16, s21, $0xb8;
	[tilespmem:$0xFB50] =	vst v63  }
0x3b8: {  	_ =	swait.ge [sflag:s30], $0x200  }
0x3b9: {  	[sflag:s30] =	ssyncset.done $0x0  }
0x3ba: {  	s7 =	rddreg [dreg:$0x19];
	[sflag:s30] =	ssyncadd.s32 $0xFFFFFE00  }
0x3bb: {  	[tilespmem:s23], [sflag:$0x2] =	stream.indirect.gather [spmem:s2], $0x4, s7, s21, $0xb8;
	[tilespmem:$0xFB50] =	vst v63  }
0x3bc: {  	_ =	swait.ge [sflag:s31], $0x200  }
0x3bd: {  	[sflag:s31] =	ssyncset.done $0x0  }
0x3be: {  	s8 =	rddreg [dreg:$0x1a];
	[sflag:s31] =	ssyncadd.s32 $0xFFFFFE00  }
0x3bf: {  	[spmem:s3] =	stream.indirect.scatter.add.f32 [tilespmem:s24], [sflag:$0x7], $0x4, s8, s21, $0xb8;
	[tilespmem:$0xFB50] =	vst v63  }
0x3c0: {  	_ =	swait.ge [sflag:s1], $0x200  }
0x3c1: {  	[sflag:s1] =	ssyncset.done $0x0  }
0x3c2: {  	s16 =	rddreg [dreg:$0x1b];
	[sflag:s1] =	ssyncadd.s32 $0xFFFFFE00  }
0x3c3: {  	[tilespmem:s24], [sflag:$0x3] =	stream.indirect.gather [spmem:s2], $0x4, s16, s21, $0xb8;
	[tilespmem:$0xFB50] =	vst v63  }
0x3c4: {  	_ =	swait.ge [sflag:s0], $0x200  }
0x3c5: {  	[sflag:s0] =	ssyncset.done $0x0  }
0x3c6: {  	s7 =	rddreg [dreg:$0x1c];
	[sflag:s0] =	ssyncadd.s32 $0xFFFFFE00  }
0x3c7: {  	[spmem:s3] =	stream.indirect.scatter.add.f32 [tilespmem:s25], [sflag:$0x8], $0x4, s7, s21, $0xb8;
	[tilespmem:$0xFB50] =	vst v63  }
0x3c8: {  	_ =	swait.ge [sflag:s9], $0x200  }
0x3c9: {  	[sflag:s9] =	ssyncset.done $0x0  }
0x3ca: {  	s8 =	rddreg [dreg:$0x1d];
	[sflag:s9] =	ssyncadd.s32 $0xFFFFFE00  }
0x3cb: {  	[tilespmem:s25], [sflag:$0x4] =	stream.indirect.gather [spmem:s2], $0x4, s8, s21, $0xb8;
	[tilespmem:$0xFB50] =	vst v63  }
0x3cc: {  	_ =	swait.ge [sflag:s26], $0x200  }
0x3cd: {  	[sflag:s26] =	ssyncset.done $0x0  }
0x3ce: {  	s16 =	rddreg [dreg:$0x1e];
	[sflag:s26] =	ssyncadd.s32 $0xFFFFFE00  }
0x3cf: {  	[spmem:s3] =	stream.indirect.scatter.add.f32 [tilespmem:s22], [sflag:$0x5], $0x4, s16, s21, $0xb8;
	[tilespmem:$0xFB50] =	vst v63  }
0x3d0: {  	_ =	swait.ge [sflag:s28], $0x200  }
0x3d1: {  	[sflag:s28] =	ssyncset.done $0x0  }
0x3d2: {  	s7 =	rddreg [dreg:$0x1f];
	[sflag:s28] =	ssyncadd.s32 $0xFFFFFE00  }
0x3d3: {  	[tilespmem:s22], [sflag:$0x1] =	stream.indirect.gather [spmem:s2], $0x4, s7, s21, $0xb8;
	[tilespmem:$0xFB50] =	vst v63  }
0x3d4: {  	_ =	swait.ge [sflag:s29], $0x200  }
0x3d5: {  	s8 =	sld [smem:$0x7C7]  }
0x3d6: {  	[sflag:s29] =	ssyncset.done $0x0  }
0x3d7: {  	[sflag:s29] =	ssyncadd.s32 $0xFFFFFE00  }
0x3d8: {  	[spmem:s3] =	stream.indirect.scatter.add.f32 [tilespmem:s23], [sflag:$0x6], $0x4, s8, s21, $0xb8;
	[tilespmem:$0xFB50] =	vst v63  }
0x3d9: {  	_ =	swait.ge [sflag:s30], $0x200  }
0x3da: {  	s16 =	sld [smem:$0x7C8]  }
0x3db: {  	[sflag:s30] =	ssyncset.done $0x0  }
0x3dc: {  	[sflag:s30] =	ssyncadd.s32 $0xFFFFFE00  }
0x3dd: {  	[tilespmem:s23], [sflag:$0x2] =	stream.indirect.gather [spmem:s2], $0x4, s16, s21, $0xb8;
	[tilespmem:$0xFB50] =	vst v63  }
0x3de: {  	_ =	swait.ge [sflag:s31], $0x200  }
0x3df: {  	s7 =	sld [smem:$0x7C9]  }
0x3e0: {  	[sflag:s31] =	ssyncset.done $0x0  }
0x3e1: {  	[sflag:s31] =	ssyncadd.s32 $0xFFFFFE00  }
0x3e2: {  	[spmem:s3] =	stream.indirect.scatter.add.f32 [tilespmem:s24], [sflag:$0x7], $0x4, s7, s21, $0xb8;
	[tilespmem:$0xFB50] =	vst v63  }
0x3e3: {  	_ =	swait.ge [sflag:s1], $0x200  }
0x3e4: {  	s8 =	sld [smem:$0x7CA]  }
0x3e5: {  	[sflag:s1] =	ssyncset.done $0x0  }
0x3e6: {  	[sflag:s1] =	ssyncadd.s32 $0xFFFFFE00  }
0x3e7: {  	[tilespmem:s24], [sflag:$0x3] =	stream.indirect.gather [spmem:s2], $0x4, s8, s21, $0xb8;
	[tilespmem:$0xFB50] =	vst v63  }
0x3e8: {  	_ =	swait.ge [sflag:s0], $0x200  }
0x3e9: {  	s16 =	sld [smem:$0x7CB]  }
0x3ea: {  	[sflag:s0] =	ssyncset.done $0x0  }
0x3eb: {  	[sflag:s0] =	ssyncadd.s32 $0xFFFFFE00  }
0x3ec: {  	[spmem:s3] =	stream.indirect.scatter.add.f32 [tilespmem:s25], [sflag:$0x8], $0x4, s16, s21, $0xb8;
	[tilespmem:$0xFB50] =	vst v63  }
0x3ed: {  	_ =	swait.ge [sflag:s9], $0x200  }
0x3ee: {  	s7 =	sld [smem:$0x7CC]  }
0x3ef: {  	[sflag:s9] =	ssyncset.done $0x0  }
0x3f0: {  	[sflag:s9] =	ssyncadd.s32 $0xFFFFFE00  }
0x3f1: {  	[tilespmem:s25], [sflag:$0x4] =	stream.indirect.gather [spmem:s2], $0x4, s7, s21, $0xb8;
	[tilespmem:$0xFB50] =	vst v63  }
0x3f2: {  	_ =	swait.ge [sflag:s26], $0x200  }
0x3f3: {  	s8 =	sld [smem:$0x7CD]  }
0x3f4: {  	[sflag:s26] =	ssyncset.done $0x0  }
0x3f5: {  	[sflag:s26] =	ssyncadd.s32 $0xFFFFFE00  }
0x3f6: {  	[spmem:s3] =	stream.indirect.scatter.add.f32 [tilespmem:s22], [sflag:$0x5], $0x4, s8, s21, $0xb8;
	[tilespmem:$0xFB50] =	vst v63  }
0x3f7: {  	_ =	swait.ge [sflag:s28], $0x200  }
0x3f8: {  	s16 =	sld [smem:$0x7CE]  }
0x3f9: {  	[sflag:s28] =	ssyncset.done $0x0  }
0x3fa: {  	[sflag:s28] =	ssyncadd.s32 $0xFFFFFE00  }
0x3fb: {  	[tilespmem:s22], [sflag:$0x1] =	stream.indirect.gather [spmem:s2], $0x4, s16, s21, $0xb8;
	[tilespmem:$0xFB50] =	vst v63  }
0x3fc: {  	_ =	swait.ge [sflag:s29], $0x200  }
0x3fd: {  	s7 =	sld [smem:$0x7CF]  }
0x3fe: {  	[sflag:s29] =	ssyncset.done $0x0  }
0x3ff: {  	[sflag:s29] =	ssyncadd.s32 $0xFFFFFE00  }
0x400: {  	[spmem:s3] =	stream.indirect.scatter.add.f32 [tilespmem:s23], [sflag:$0x6], $0x4, s7, s21, $0xb8;
	[tilespmem:$0xFB50] =	vst v63  }
0x401: {  	_ =	swait.ge [sflag:s30], $0x200  }
0x402: {  	s8 =	sld [smem:$0x7D0]  }
0x403: {  	[sflag:s30] =	ssyncset.done $0x0  }
0x404: {  	[sflag:s30] =	ssyncadd.s32 $0xFFFFFE00  }
0x405: {  	[tilespmem:s23], [sflag:$0x2] =	stream.indirect.gather [spmem:s2], $0x4, s8, s21, $0xb8;
	[tilespmem:$0xFB50] =	vst v63  }
0x406: {  	_ =	swait.ge [sflag:s31], $0x200  }
0x407: {  	s16 =	sld [smem:$0x7D1]  }
0x408: {  	[sflag:s31] =	ssyncset.done $0x0  }
0x409: {  	[sflag:s31] =	ssyncadd.s32 $0xFFFFFE00  }
0x40a: {  	[spmem:s3] =	stream.indirect.scatter.add.f32 [tilespmem:s24], [sflag:$0x7], $0x4, s16, s21, $0xb8;
	[tilespmem:$0xFB50] =	vst v63  }
0x40b: {  	_ =	swait.ge [sflag:s1], $0x200  }
0x40c: {  	s7 =	sld [smem:$0x7D2]  }
0x40d: {  	[sflag:s1] =	ssyncset.done $0x0  }
0x40e: {  	[sflag:s1] =	ssyncadd.s32 $0xFFFFFE00  }
0x40f: {  	[tilespmem:s24], [sflag:$0x3] =	stream.indirect.gather [spmem:s2], $0x4, s7, s21, $0xb8;
	[tilespmem:$0xFB50] =	vst v63  }
0x410: {  	_ =	swait.ge [sflag:s0], $0x200  }
0x411: {  	s8 =	sld [smem:$0x7D3]  }
0x412: {  	[sflag:s0] =	ssyncset.done $0x0  }
0x413: {  	[sflag:s0] =	ssyncadd.s32 $0xFFFFFE00  }
0x414: {  	[spmem:s3] =	stream.indirect.scatter.add.f32 [tilespmem:s25], [sflag:$0x8], $0x4, s8, s21, $0xb8;
	[tilespmem:$0xFB50] =	vst v63  }
0x415: {  	_ =	swait.ge [sflag:s9], $0x200  }
0x416: {  	s16 =	sld [smem:$0x7D4]  }
0x417: {  	[sflag:s9] =	ssyncset.done $0x0  }
0x418: {  	[sflag:s9] =	ssyncadd.s32 $0xFFFFFE00  }
0x419: {  	[tilespmem:s25], [sflag:$0x4] =	stream.indirect.gather [spmem:s2], $0x4, s16, s21, $0xb8;
	[tilespmem:$0xFB50] =	vst v63  }
0x41a: {  	_ =	swait.ge [sflag:s26], $0x200  }
0x41b: {  	s7 =	sld [smem:$0x7D5]  }
0x41c: {  	[sflag:s26] =	ssyncset.done $0x0  }
0x41d: {  	[sflag:s26] =	ssyncadd.s32 $0xFFFFFE00  }
0x41e: {  	[spmem:s3] =	stream.indirect.scatter.add.f32 [tilespmem:s22], [sflag:$0x5], $0x4, s7, s21, $0xb8;
	[tilespmem:$0xFB50] =	vst v63  }
0x41f: {  	_ =	swait.ge [sflag:s28], $0x200  }
0x420: {  	s8 =	sld [smem:$0x7D6]  }
0x421: {  	[sflag:s28] =	ssyncset.done $0x0  }
0x422: {  	[sflag:s28] =	ssyncadd.s32 $0xFFFFFE00  }
0x423: {  	[tilespmem:s22], [sflag:$0x1] =	stream.indirect.gather [spmem:s2], $0x4, s8, s21, $0xb8;
	[tilespmem:$0xFB50] =	vst v63  }
0x424: {  	_ =	swait.ge [sflag:s29], $0x200  }
0x425: {  	s16 =	sld [smem:$0x7D8]  }
0x426: {  	[sflag:s29] =	ssyncset.done $0x0  }
0x427: {  	[sflag:s29] =	ssyncadd.s32 $0xFFFFFE00  }
0x428: {  	[spmem:s3] =	stream.indirect.scatter.add.f32 [tilespmem:s23], [sflag:$0x6], $0x4, s16, s21, $0xb8;
	[tilespmem:$0xFB50] =	vst v63  }
0x429: {  	_ =	swait.ge [sflag:s30], $0x200  }
0x42a: {  	s7 =	sld [smem:$0x7D9]  }
0x42b: {  	[sflag:s30] =	ssyncset.done $0x0  }
0x42c: {  	[sflag:s30] =	ssyncadd.s32 $0xFFFFFE00  }
0x42d: {  	[tilespmem:s23], [sflag:$0x2] =	stream.indirect.gather [spmem:s2], $0x4, s7, s21, $0xb8;
	[tilespmem:$0xFB50] =	vst v63  }
0x42e: {  	_ =	swait.ge [sflag:s31], $0x200  }
0x42f: {  	s8 =	sld [smem:$0x7DA]  }
0x430: {  	[sflag:s31] =	ssyncset.done $0x0  }
0x431: {  	[sflag:s31] =	ssyncadd.s32 $0xFFFFFE00  }
0x432: {  	[spmem:s3] =	stream.indirect.scatter.add.f32 [tilespmem:s24], [sflag:$0x7], $0x4, s8, s21, $0xb8;
	[tilespmem:$0xFB50] =	vst v63  }
0x433: {  	_ =	swait.ge [sflag:s1], $0x200  }
0x434: {  	s16 =	sld [smem:$0x7DC]  }
0x435: {  	[sflag:s1] =	ssyncset.done $0x0  }
0x436: {  	[sflag:s1] =	ssyncadd.s32 $0xFFFFFE00  }
0x437: {  	[tilespmem:s24], [sflag:$0x3] =	stream.indirect.gather [spmem:s2], $0x4, s16, s21, $0xb8;
	[tilespmem:$0xFB50] =	vst v63  }
0x438: {  	_ =	swait.ge [sflag:s0], $0x200  }
0x439: {  	s7 =	sld [smem:$0x7DD]  }
0x43a: {  	[sflag:s0] =	ssyncset.done $0x0  }
0x43b: {  	[sflag:s0] =	ssyncadd.s32 $0xFFFFFE00  }
0x43c: {  	[spmem:s3] =	stream.indirect.scatter.add.f32 [tilespmem:s25], [sflag:$0x8], $0x4, s7, s21, $0xb8;
	[tilespmem:$0xFB50] =	vst v63  }
0x43d: {  	_ =	swait.ge [sflag:s9], $0x200  }
0x43e: {  	s8 =	sld [smem:$0x7DE]  }
0x43f: {  	[sflag:s9] =	ssyncset.done $0x0  }
0x440: {  	[sflag:s9] =	ssyncadd.s32 $0xFFFFFE00  }
0x441: {  	[tilespmem:s25], [sflag:$0x4] =	stream.indirect.gather [spmem:s2], $0x4, s8, s21, $0xb8;
	[tilespmem:$0xFB50] =	vst v63  }
0x442: {  	_ =	swait.ge [sflag:s26], $0x200  }
0x443: {  	s16 =	sld [smem:$0x7E0]  }
0x444: {  	[sflag:s26] =	ssyncset.done $0x0  }
0x445: {  	[sflag:s26] =	ssyncadd.s32 $0xFFFFFE00  }
0x446: {  	[spmem:s3] =	stream.indirect.scatter.add.f32 [tilespmem:s22], [sflag:$0x5], $0x4, s16, s21, $0xb8;
	[tilespmem:$0xFB50] =	vst v63  }
0x447: {  	_ =	swait.ge [sflag:s28], $0x200  }
0x448: {  	s7 =	sld [smem:$0x7E2]  }
0x449: {  	[sflag:s28] =	ssyncset.done $0x0  }
0x44a: {  	[sflag:s28] =	ssyncadd.s32 $0xFFFFFE00  }
0x44b: {  	[tilespmem:s22], [sflag:$0x1] =	stream.indirect.gather [spmem:s2], $0x4, s7, s21, $0xb8;
	[tilespmem:$0xFB50] =	vst v63  }
0x44c: {  	_ =	swait.ge [sflag:s29], $0x200  }
0x44d: {  	s8 =	sld [smem:$0x7E4]  }
0x44e: {  	[sflag:s29] =	ssyncset.done $0x0  }
0x44f: {  	[sflag:s29] =	ssyncadd.s32 $0xFFFFFE00  }
0x450: {  	[spmem:s3] =	stream.indirect.scatter.add.f32 [tilespmem:s23], [sflag:$0x6], $0x4, s8, s21, $0xb8;
	[tilespmem:$0xFB50] =	vst v63  }
0x451: {  	_ =	swait.ge [sflag:s30], $0x200  }
0x452: {  	s16 =	sld [smem:$0x7E6]  }
0x453: {  	[sflag:s30] =	ssyncset.done $0x0  }
0x454: {  	[sflag:s30] =	ssyncadd.s32 $0xFFFFFE00  }
0x455: {  	[tilespmem:s23], [sflag:$0x2] =	stream.indirect.gather [spmem:s2], $0x4, s16, s21, $0xb8;
	[tilespmem:$0xFB50] =	vst v63  }
0x456: {  	_ =	swait.ge [sflag:s31], $0x200  }
0x457: {  	s7 =	sld [smem:$0x7E8]  }
0x458: {  	[sflag:s31] =	ssyncset.done $0x0  }
0x459: {  	[sflag:s31] =	ssyncadd.s32 $0xFFFFFE00  }
0x45a: {  	[spmem:s3] =	stream.indirect.scatter.add.f32 [tilespmem:s24], [sflag:$0x7], $0x4, s7, s21, $0xb8;
	[tilespmem:$0xFB50] =	vst v63  }
0x45b: {  	_ =	swait.ge [sflag:s1], $0x200  }
0x45c: {  	s8 =	sld [smem:$0x7E9]  }
0x45d: {  	[sflag:s1] =	ssyncset.done $0x0  }
0x45e: {  	[sflag:s1] =	ssyncadd.s32 $0xFFFFFE00  }
0x45f: {  	[tilespmem:s24], [sflag:$0x3] =	stream.indirect.gather [spmem:s2], $0x4, s8, s21, $0xb8;
	[tilespmem:$0xFB50] =	vst v63  }
0x460: {  	_ =	swait.ge [sflag:s0], $0x200  }
0x461: {  	s16 =	sld [smem:$0x7EB]  }
0x462: {  	[sflag:s0] =	ssyncset.done $0x0  }
0x463: {  	[sflag:s0] =	ssyncadd.s32 $0xFFFFFE00  }
0x464: {  	[spmem:s3] =	stream.indirect.scatter.add.f32 [tilespmem:s25], [sflag:$0x8], $0x4, s16, s21, $0xb8;
	[tilespmem:$0xFB50] =	vst v63  }
0x465: {  	_ =	swait.ge [sflag:s9], $0x200  }
0x466: {  	s7 =	sld [smem:$0x7EE]  }
0x467: {  	[sflag:s9] =	ssyncset.done $0x0  }
0x468: {  	[sflag:s9] =	ssyncadd.s32 $0xFFFFFE00  }
0x469: {  	[tilespmem:s25], [sflag:$0x4] =	stream.indirect.gather [spmem:s2], $0x4, s7, s21, $0xb8;
	[tilespmem:$0xFB50] =	vst v63  }
0x46a: {  	_ =	swait.ge [sflag:s26], $0x200  }
0x46b: {  	s8 =	sld [smem:$0x7EF]  }
0x46c: {  	[sflag:s26] =	ssyncset.done $0x0  }
0x46d: {  	[sflag:s26] =	ssyncadd.s32 $0xFFFFFE00  }
0x46e: {  	[spmem:s3] =	stream.indirect.scatter.add.f32 [tilespmem:s22], [sflag:$0x5], $0x4, s8, s21, $0xb8;
	[tilespmem:$0xFB50] =	vst v63  }
0x46f: {  	_ =	swait.ge [sflag:s28], $0x200  }
0x470: {  	s16 =	sld [smem:$0x7F1]  }
0x471: {  	[sflag:s28] =	ssyncset.done $0x0  }
0x472: {  	[sflag:s28] =	ssyncadd.s32 $0xFFFFFE00  }
0x473: {  	[tilespmem:s22], [sflag:$0x1] =	stream.indirect.gather [spmem:s2], $0x4, s16, s21, $0xb8;
	[tilespmem:$0xFB50] =	vst v63  }
0x474: {  	_ =	swait.ge [sflag:s29], $0x200  }
0x475: {  	s7 =	sld [smem:$0x7F3]  }
0x476: {  	[sflag:s29] =	ssyncset.done $0x0  }
0x477: {  	[sflag:s29] =	ssyncadd.s32 $0xFFFFFE00  }
0x478: {  	[spmem:s3] =	stream.indirect.scatter.add.f32 [tilespmem:s23], [sflag:$0x6], $0x4, s7, s21, $0xb8;
	[tilespmem:$0xFB50] =	vst v63  }
0x479: {  	_ =	swait.ge [sflag:s30], $0x200  }
0x47a: {  	s8 =	sld [smem:$0x7F6]  }
0x47b: {  	[sflag:s30] =	ssyncset.done $0x0  }
0x47c: {  	[sflag:s30] =	ssyncadd.s32 $0xFFFFFE00  }
0x47d: {  	[tilespmem:s23], [sflag:$0x2] =	stream.indirect.gather [spmem:s2], $0x4, s8, s21, $0xb8;
	[tilespmem:$0xFB50] =	vst v63  }
0x47e: {  	_ =	swait.ge [sflag:s31], $0x200  }
0x47f: {  	s16 =	sld [smem:$0x7F7]  }
0x480: {  	[sflag:s31] =	ssyncset.done $0x0  }
0x481: {  	[sflag:s31] =	ssyncadd.s32 $0xFFFFFE00  }
0x482: {  	[spmem:s3] =	stream.indirect.scatter.add.f32 [tilespmem:s24], [sflag:$0x7], $0x4, s16, s21, $0xb8;
	[tilespmem:$0xFB50] =	vst v63  }
0x483: {  	_ =	swait.ge [sflag:s1], $0x200  }
0x484: {  	s7 =	sld [smem:$0x7F8]  }
0x485: {  	[sflag:s1] =	ssyncset.done $0x0  }
0x486: {  	[sflag:s1] =	ssyncadd.s32 $0xFFFFFE00  }
0x487: {  	[tilespmem:s24], [sflag:$0x3] =	stream.indirect.gather [spmem:s2], $0x4, s7, s21, $0xb8;
	[tilespmem:$0xFB50] =	vst v63  }
0x488: {  	_ =	swait.ge [sflag:s0], $0x200  }
0x489: {  	s8 =	sld [smem:$0x7F9]  }
0x48a: {  	[sflag:s0] =	ssyncset.done $0x0  }
0x48b: {  	[sflag:s0] =	ssyncadd.s32 $0xFFFFFE00  }
0x48c: {  	[spmem:s3] =	stream.indirect.scatter.add.f32 [tilespmem:s25], [sflag:$0x8], $0x4, s8, s21, $0xb8;
	[tilespmem:$0xFB50] =	vst v63  }
0x48d: {  	_ =	swait.ge [sflag:s9], $0x200  }
0x48e: {  	s16 =	sld [smem:$0x7FA]  }
0x48f: {  	[sflag:s9] =	ssyncset.done $0x0  }
0x490: {  	[sflag:s9] =	ssyncadd.s32 $0xFFFFFE00  }
0x491: {  	[tilespmem:s25], [sflag:$0x4] =	stream.indirect.gather [spmem:s2], $0x4, s16, s21, $0xb8;
	[tilespmem:$0xFB50] =	vst v63  }
0x492: {  	_ =	swait.ge [sflag:s26], $0x200  }
0x493: {  	s7 =	sld [smem:$0x7FB]  }
0x494: {  	[sflag:s26] =	ssyncset.done $0x0  }
0x495: {  	[sflag:s26] =	ssyncadd.s32 $0xFFFFFE00  }
0x496: {  	[spmem:s3] =	stream.indirect.scatter.add.f32 [tilespmem:s22], [sflag:$0x5], $0x4, s7, s21, $0xb8;
	[tilespmem:$0xFB50] =	vst v63  }
0x497: {  	_ =	swait.ge [sflag:s28], $0x200  }
0x498: {  	s8 =	sld [smem:$0x7FC]  }
0x499: {  	[sflag:s28] =	ssyncset.done $0x0  }
0x49a: {  	[sflag:s28] =	ssyncadd.s32 $0xFFFFFE00  }
0x49b: {  	[tilespmem:s22], [sflag:$0x1] =	stream.indirect.gather [spmem:s2], $0x4, s8, s21, $0xb8;
	[tilespmem:$0xFB50] =	vst v63  }
0x49c: {  	_ =	swait.ge [sflag:s29], $0x200  }
0x49d: {  	s16 =	sld [smem:$0x7FD]  }
0x49e: {  	[sflag:s29] =	ssyncset.done $0x0  }
0x49f: {  	[sflag:s29] =	ssyncadd.s32 $0xFFFFFE00  }
0x4a0: {  	[spmem:s3] =	stream.indirect.scatter.add.f32 [tilespmem:s23], [sflag:$0x6], $0x4, s16, s21, $0xb8;
	[tilespmem:$0xFB50] =	vst v63  }
0x4a1: {  	_ =	swait.ge [sflag:s30], $0x200  }
0x4a2: {  	[sflag:s30] =	ssyncset.done $0x0  }
0x4a3: {  	[sflag:s30] =	ssyncadd.s32 $0xFFFFFE00  }
0x4a4: {  	[tilespmem:s23], [sflag:$0x2] =	stream.indirect.gather [spmem:s2], $0x4, s10, s21, $0xb8;
	[tilespmem:$0xFB50] =	vst v63  }
0x4a5: {  	_ =	swait.ge [sflag:s31], $0x200  }
0x4a6: {  	[sflag:s31] =	ssyncset.done $0x0  }
0x4a7: {  	[sflag:s31] =	ssyncadd.s32 $0xFFFFFE00  }
0x4a8: {  	[spmem:s3] =	stream.indirect.scatter.add.f32 [tilespmem:s24], [sflag:$0x7], $0x4, s11, s21, $0xb8;
	[tilespmem:$0xFB50] =	vst v63  }
0x4a9: {  	_ =	swait.ge [sflag:s1], $0x200  }
0x4aa: {  	[sflag:s1] =	ssyncset.done $0x0  }
0x4ab: {  	[sflag:s1] =	ssyncadd.s32 $0xFFFFFE00  }
0x4ac: {  	[tilespmem:s24], [sflag:$0x3] =	stream.indirect.gather [spmem:s2], $0x4, s12, s21, $0xb8;
	[tilespmem:$0xFB50] =	vst v63  }
0x4ad: {  	_ =	swait.ge [sflag:s0], $0x200  }
0x4ae: {  	[sflag:s0] =	ssyncset.done $0x0  }
0x4af: {  	[sflag:s0] =	ssyncadd.s32 $0xFFFFFE00  }
0x4b0: {  	[spmem:s3] =	stream.indirect.scatter.add.f32 [tilespmem:s25], [sflag:$0x8], $0x4, s13, s21, $0xb8;
	[tilespmem:$0xFB50] =	vst v63  }
0x4b1: {  	_ =	swait.ge [sflag:s9], $0x200  }
0x4b2: {  	[sflag:s9] =	ssyncset.done $0x0  }
0x4b3: {  	[sflag:s9] =	ssyncadd.s32 $0xFFFFFE00  }
0x4b4: {  	[tilespmem:s25], [sflag:$0x4] =	stream.indirect.gather [spmem:s2], $0x4, s14, s21, $0xb8;
	[tilespmem:$0xFB50] =	vst v63  }
0x4b5: {  	_ =	swait.ge [sflag:s26], $0x200  }
0x4b6: {  	[sflag:s26] =	ssyncset.done $0x0  }
0x4b7: {  	[sflag:s26] =	ssyncadd.s32 $0xFFFFFE00  }
0x4b8: {  	[spmem:s3] =	stream.indirect.scatter.add.f32 [tilespmem:s22], [sflag:$0x5], $0x4, s15, s21, $0xb8;
	[tilespmem:$0xFB50] =	vst v63  }
0x4b9: {  	_ =	swait.ge [sflag:s29], $0x200  }
0x4ba: {  	[sflag:s29] =	ssyncset.done $0x0  }
0x4bb: {  	[sflag:s29] =	ssyncadd.s32 $0xFFFFFE00  }
0x4bc: {  	[spmem:s3] =	stream.indirect.scatter.add.f32 [tilespmem:s23], [sflag:$0x6], $0x4, s17, s21, $0xb8;
	[tilespmem:$0xFB50] =	vst v63  }
0x4bd: {  	_ =	swait.ge [sflag:s31], $0x200  }
0x4be: {  	[sflag:s31] =	ssyncset.done $0x0  }
0x4bf: {  	[sflag:s31] =	ssyncadd.s32 $0xFFFFFE00  }
0x4c0: {  	[spmem:s3] =	stream.indirect.scatter.add.f32 [tilespmem:s24], [sflag:$0x7], $0x4, s18, s21, $0xb8;
	[tilespmem:$0xFB50] =	vst v63  }
0x4c1: {  	_ =	swait.ge [sflag:s0], $0x200  }
0x4c2: {  	[sflag:s0] =	ssyncset.done $0x0  }
0x4c3: {  	[sflag:s0] =	ssyncadd.s32 $0xFFFFFE00  }
0x4c4: {  	[spmem:s3] =	stream.indirect.scatter.add.f32 [tilespmem:s25], [sflag:$0x8], $0x4, s5, s21, $0xb8;
	[tilespmem:$0xFB50] =	vst v63  }
0x4c5: {  	_ =	swait.ge [sflag:s28], $0x200  }
0x4c6: {  	[sflag:s28] =	ssyncset.done $0x0  }
0x4c7: {  	[sflag:s28] =	ssyncadd.s32 $0xFFFFFE00  }
0x4c8: {  	_ =	swait.ge [sflag:s30], $0x200  }
0x4c9: {  	[sflag:s30] =	ssyncset.done $0x0  }
0x4ca: {  	[sflag:s30] =	ssyncadd.s32 $0xFFFFFE00  }
0x4cb: {  	_ =	swait.ge [sflag:s1], $0x200  }
0x4cc: {  	[sflag:s1] =	ssyncset.done $0x0  }
0x4cd: {  	[sflag:s1] =	ssyncadd.s32 $0xFFFFFE00  }
0x4ce: {  	_ =	swait.ge [sflag:s9], $0x200  }
0x4cf: {  	[sflag:s9] =	ssyncset.done $0x0  }
0x4d0: {  	[sflag:s9] =	ssyncadd.s32 $0xFFFFFE00  }
0x4d1: {  	[bflag:$0x0] =	sbarrier.arrive $0xFFFF  }
0x4d2: {  	s8 =	sld [smem:$0x7EC]  }
0x4d3: {  	s16 =	sld [smem:$0x7E5];
	_ =	sdelay $0x1  }
0x4d4: {  	s7 =	simm.s32 @!p1 $0x1FC9;
	s6 =	sshrl.u32 @!p1 s8, $0x3  }
0x4d5: {  	[hbm:s16], [sflag:s7] =	dma.local @!p1 [spmem:s6], $0x1888  }
0x4d6: {  	s6 =	simm.s32 @!p1 $0x9  }
0x4d7: {  	_ =	swait.ge @!p1 [sflag:s6], $0x1888  }
0x4d8: {  	[sflag:s6] =	ssyncset.done @!p1 $0x0  }
0x4d9: {  	[sflag:s6] =	ssyncadd.s32 @!p1 $0xFFFFE778;
	s6 =	sshrl.u32 @!p2 s8, $0x3;
	s8 =	sld [smem:$0x7E3]  }
0x4da: {  	_ = 	snop  }
0x4db: {  	s7 =	simm.s32 @!p2 $0x1FC9  }
0x4dc: {  	[hbm:s8], [sflag:s7] =	dma.local @!p2 [spmem:s6], $0x1888  }
0x4dd: {  	s6 =	simm.s32 @!p2 $0x9  }
0x4de: {  	_ =	swait.ge @!p2 [sflag:s6], $0x1888  }
0x4df: {  	s8 =	sld [smem:$0x7F4]  }
0x4e0: {  	s7 =	stileid.u32;
	s16 =	sld [smem:$0x7E1]  }
0x4e1: {  	s7 =	sshll.u32 @!p3 s7, $0x6;
	[sflag:s6] =	ssyncset.done @!p2 $0x0  }
0x4e2: {  	[sflag:s6] =	ssyncadd.s32 @!p2 $0xFFFFE778;
	s6 =	sor.u32 @!p3 $0x1C09, s7;
	s7 =	sshrl.u32 @!p3 s8, $0x3  }
0x4e3: {  	[hbm:s16], [sflag:s6] =	dma.local @!p3 [spmem:s7], $0x1868  }
0x4e4: {  	s6 =	simm.s32 @!p3 $0x9  }
0x4e5: {  	_ =	swait.ge @!p3 [sflag:s6], $0x1868  }
0x4e6: {  	s7 =	stileid.u32;
	[sflag:s6] =	ssyncset.done @!p3 $0x0  }
0x4e7: {  	s7 =	sshll.u32 @!p4 s7, $0x6;
	[sflag:s6] =	ssyncadd.s32 @!p3 $0xFFFFE798  }
0x4e8: {  	s6 =	sor.u32 @!p4 $0x1C09, s7;
	s7 =	sshrl.u32 @!p4 s8, $0x3;
	s8 =	sld [smem:$0x7DF]  }
0x4e9: {  	_ =	sdelay $0x1  }
0x4ea: {  	[hbm:s8], [sflag:s6] =	dma.local @!p4 [spmem:s7], $0x1868  }
0x4eb: {  	s6 =	simm.s32 @!p4 $0x9  }
0x4ec: {  	_ =	swait.ge @!p4 [sflag:s6], $0x1868  }
0x4ed: {  	s7 =	sld [smem:$0x7C6]  }
0x4ee: {  	s16 =	sld [smem:$0x7E7];
	_ =	sdelay $0x1  }
0x4ef: {  	s8 =	sadd.s32 $0x1, s7  }
0x4f0: {  	p5 =	sne.s32 s8, s16  }
.Ltmp1:
0x4f1: {  	_ = 	snop;
	(pc) =	sbr.rel @p5 .LBB2_1-.Ltmp1, $3  }
0x4f2: {  	_ =	sdelay $0x1  }
0x4f3: {  	[sflag:s6] =	ssyncset.done @!p4 $0x0  }
0x4f4: {  	[sflag:s6] =	ssyncadd.s32 @!p4 $0xFFFFE798  }
0x4f5: {  	_ =	sfence.sel $0x180000  }
0x4f6: {  	[bflag:$0x0] =	sbarrier.arrive $0xFFFF  }
0x4f7: {  	_ =	strace $0x9000004A  }
0x4f8: {  	s0 =	stileid.u32;
	[bflag:$0x2] =	sbarrier.arrive $0xFFFF  }
0x4f9: {  	p0 =	sne.s32 s0, $0x0;
	s0 =	rddreg [dreg:$0x3]  }
0x4fa: {  	s0 =	sadd.s32 @!p0 $0x100000, s0  }
0x4fb: {  	[sflag:s0] =	ssyncadd.tile.s32 @!p0 $0x1;
	_ =	shalt  }
.Lfunc_end2:
_tile_overlayer_lowered:
.L_overlay_start_2:
0x4fc: {  	(tag) =	ssettag $0x2  }
0x4fd: {  	s0 =	rddreg [dreg:$0x0];
	s2 =	stileid.u32  }
0x4fe: {  	s1 =	rddreg [dreg:$0x1];
	p0 =	sne.s32 s2, $0x0  }
0x4ff: {  	s3 =	rddreg [dreg:$0x2];
	[bflag:$0x3] =	sbarrier.arrive $0xFFFF;
	s2 =	simm.s32 @!p0 $0x1C09  }
0x500: {  	[timem:s3], [sflag:s2] =	dma.local @!p0 [hbm:s0], s1  }
0x501: {  	s0 =	simm.s32 @!p0 $0x9  }
0x502: {  	_ =	swait.ge @!p0 [sflag:s0], s1  }
0x503: {  	s1 =	ssub.s32 @!p0 $0x0, s1;
	[sflag:s0] =	ssyncset.done @!p0 $0x0  }
0x504: {  	[sflag:s0] =	ssyncadd.s32 @!p0 s1  }
0x505: {  	[bflag:$0x3] =	sbarrier.arrive $0xFFFF  }
0x506: {  	_ =	shalt  }

// kernel: kernel.7.cloned.1.call-start
scs
__scs_entry_jumppad:
0x0: {  	(pc) =	sbr.rel $0x88, $3  }
0x1: {  	(tag) =	ssettag $0x0;
	lr =	simm.s32 $0x1  }
0x2: {  	[smem:$0x3F9D] =	sst lr;
	_ =	strace $0xD0000000  }
0x3: {  	_ = 	snop  }
0x4: {  	_ = 	snop  }
0x5: {  	_ = 	snop  }
0x6: {  	_ = 	snop  }
0x7: {  	_ = 	snop  }
__scs_overlays_trampoline_lowered:
0x8: {  	[smem:$0x3FAC] =	sst s0  }
0x9: {  	[smem:$0x3FAD] =	sst s1  }
0xa: {  	[smem:$0x3FAE] =	sst s2  }
0xb: {  	[smem:$0x3FAF] =	sst s3  }
0xc: {  	[smem:$0x3FB0] =	sst s4  }
0xd: {  	[smem:$0x3FB1] =	sst s5  }
0xe: {  	[smem:$0x3FB2] =	sst s6  }
0xf: {  	[smem:$0x3FB3] =	sst s7  }
0x10: {  	[smem:$0x3FB4] =	sst s8  }
0x11: {  	[smem:$0x3FB5] =	sst s9;
	s0 =	simm.s32 @!p0 $0x0  }
0x12: {  	s1 =	sld [smem:$0x3F9B];
	s0 =	simm.s32 @p0 $0x1  }
0x13: {  	[smem:$0x3FB6] =	sst s0;
	s0 =	simm.s32 @!p1 $0x0  }
0x14: {  	s2 =	sld [smem:$0x3F9A];
	s0 =	simm.s32 @p1 $0x1  }
0x15: {  	[smem:$0x3FB7] =	sst s0;
	s0 =	simm.s32 @!p2 $0x0  }
0x16: {  	s3 =	sld [smem:$0x3FDB];
	s0 =	simm.s32 @p2 $0x1  }
0x17: {  	s4 =	simm.s32 $0x1BF5;
	[smem:$0x3FB9] =	sst s0  }
0x18: {  	s0 =	sld [smem:$0x3F9C];
	_ =	swait.ge [sflag:s4], $0x0  }
0x19: {  	s7 =	sld [smem:$0x3F9D]  }
0x1a: {  	s8 =	sadd.s32 $0xFFFFE003, lr  }
0x1b: {  	s9 =	sadd.s32 $0xFFFFFEF7, lr;
	s5 =	simm.s32 $0xFFFFFFFF;
	p2 =	slt.u32 s8, $0xFFFFF086  }
0x1c: {  	p1 =	slt.u32 s9, $0xF7A;
	s5 =	simm.s32 @!p2 $0x0  }
0x1d: {  	s5 =	simm.s32 @p1 $0x1;
	p0 =	seq.s32 s7, s2  }
0x1e: {  	s7 =	smul.u32 @!p0 $0xF7A, s2;
	p2 =	seq.s32 @!p0 s5, $0x0  }
0x1f: {  	s9 =	smul.u32 $0xF7A, s1;
	s8 =	simm.s32 @!p0 $0x1BF5;
	p2 =	por !p2, p0  }
0x20: {  	[sflag:s8] =	ssyncset.s32 @!p0 $0xFFFFF086;
	s6 =	sadd.s32 @!p0 s3, s7;
	s7 =	simm.s32 @!p0 $0x108  }
0x21: {  	s3 =	sadd.s32 s3, s9;
	s6 =	sadd.s32 @!p0 $0x88, s6;
	s7 =	simm.s32 @p2 $0x1082  }
0x22: {  	[simem:s7], [sflag:s8] =	dma.local @!p0 [hbm:s6], $0xF7A  }
0x23: {  	s9 =	sor.u32 $0xD0000000, s2;
	s6 =	simm.s32 $0x108;
	_ =	swait.ge @!p0 [sflag:s8], $0x0  }
0x24: {  	s3 =	sadd.s32 $0x88, s3;
	s6 =	simm.s32 @!p1 $0x1082;
	[sflag:s4] =	ssyncset.s32 $0xFFFFF086  }
0x25: {  	[simem:s6], [sflag:s4] =	dma.local [hbm:s3], $0xF7A  }
0x26: {  	[smem:$0x3F9D] =	sst s1;
	(tag) =	ssettag s2;
	_ =	strace s9  }
0x27: {  	s1 =	sld [smem:$0x3FAD]  }
0x28: {  	s2 =	sld [smem:$0x3FAE]  }
0x29: {  	s4 =	sld [smem:$0x3FB0]  }
0x2a: {  	p0 =	seq.s32 s5, $0x0;
	s5 =	sld [smem:$0x3FB1]  }
0x2b: {  	s6 =	sld [smem:$0x3FB2]  }
0x2c: {  	s7 =	sld [smem:$0x3FB3]  }
0x2d: {  	s3 =	simm.s32 $0x108;
	s8 =	sld [smem:$0x3FB4]  }
0x2e: {  	s3 =	simm.s32 @!p0 $0x1082;
	s9 =	sld [smem:$0x3FB5]  }
0x2f: {  	lr =	sadd.s32 s0, s3;
	s0 =	sld [smem:$0x3FAC]  }
0x30: {  	s3 =	sld [smem:$0x3FAF]  }
0x31: {  	[smem:$0x3FB8] =	sst s10  }
0x32: {  	s10 =	sld [smem:$0x3FB6];
	_ =	sdelay $0x3  }
0x33: {  	p0 =	seq.s32 s10, $0x1;
	s10 =	sld [smem:$0x3FB8];
	_ =	sdelay $0x3  }
0x34: {  	[smem:$0x3FB8] =	sst s10  }
0x35: {  	s10 =	sld [smem:$0x3FB7];
	_ =	sdelay $0x3  }
0x36: {  	p1 =	seq.s32 s10, $0x1;
	s10 =	sld [smem:$0x3FB8];
	_ =	sdelay $0x3  }
0x37: {  	[smem:$0x3FB8] =	sst s10  }
0x38: {  	s10 =	sld [smem:$0x3FB9]  }
0x39: {  	_ = 	snop;
	(pc) =	sbr.ind lr, $3  }
0x3a: {  	_ = 	snop  }
0x3b: {  	_ = 	snop  }
0x3c: {  	p2 =	seq.s32 s10, $0x1;
	s10 =	sld [smem:$0x3FB8]  }
0x3d: {  	_ =	shalt  }
0x3e: {  	_ =	shalt  }
0x3f: {  	_ =	shalt  }
0x40: {  	_ =	shalt  }
0x41: {  	_ =	shalt  }
0x42: {  	_ =	shalt  }
0x43: {  	_ =	shalt  }
0x44: {  	_ =	shalt  }
0x45: {  	_ =	shalt  }
0x46: {  	_ =	shalt  }
0x47: {  	_ =	shalt  }
0x48: {  	_ =	shalt  }
0x49: {  	_ =	shalt  }
0x4a: {  	_ =	shalt  }
0x4b: {  	_ =	shalt  }
0x4c: {  	_ =	shalt  }
0x4d: {  	_ =	shalt  }
0x4e: {  	_ =	shalt  }
0x4f: {  	_ =	shalt  }
0x50: {  	_ =	shalt  }
0x51: {  	_ =	shalt  }
0x52: {  	_ =	shalt  }
0x53: {  	_ =	shalt  }
0x54: {  	_ =	shalt  }
0x55: {  	_ =	shalt  }
0x56: {  	_ =	shalt  }
0x57: {  	_ =	shalt  }
0x58: {  	_ =	shalt  }
0x59: {  	_ =	shalt  }
0x5a: {  	_ =	shalt  }
0x5b: {  	_ =	shalt  }
0x5c: {  	_ =	shalt  }
0x5d: {  	_ =	shalt  }
0x5e: {  	_ =	shalt  }
0x5f: {  	_ =	shalt  }
0x60: {  	_ =	shalt  }
0x61: {  	_ =	shalt  }
0x62: {  	_ =	shalt  }
0x63: {  	_ =	shalt  }
0x64: {  	_ =	shalt  }
0x65: {  	_ =	shalt  }
0x66: {  	_ =	shalt  }
0x67: {  	_ =	shalt  }
0x68: {  	_ =	shalt  }
0x69: {  	_ =	shalt  }
0x6a: {  	_ =	shalt  }
0x6b: {  	_ =	shalt  }
0x6c: {  	_ =	shalt  }
0x6d: {  	_ =	shalt  }
0x6e: {  	_ =	shalt  }
0x6f: {  	_ =	shalt  }
0x70: {  	_ =	shalt  }
0x71: {  	_ =	shalt  }
0x72: {  	_ =	shalt  }
0x73: {  	_ =	shalt  }
0x74: {  	_ =	shalt  }
0x75: {  	_ =	shalt  }
0x76: {  	_ =	shalt  }
0x77: {  	_ =	shalt  }
0x78: {  	_ =	shalt  }
0x79: {  	_ =	shalt  }
0x7a: {  	_ =	shalt  }
0x7b: {  	_ =	shalt  }
0x7c: {  	_ =	shalt  }
0x7d: {  	_ =	shalt  }
0x7e: {  	_ =	shalt  }
0x7f: {  	_ =	shalt  }
0x80: {  	_ =	shalt  }
0x81: {  	_ =	shalt  }
0x82: {  	_ =	shalt  }
0x83: {  	_ =	shalt  }
0x84: {  	_ =	shalt  }
0x85: {  	_ =	shalt  }
0x86: {  	_ =	shalt  }
0x87: {  	_ =	shalt  }
.Lfunc_end0:
.L_simem_size_0:
called_computation_lowered:
.L_overlay_start_0:
0x88: {  	s2 =	sld [smem:$0x3FD9]  }
0x89: {  	s3 =	sld [smem:$0x3FFE];
	_ =	sdelay $0x1  }
0x8a: {  	s1 =	srdreg.scid  }
0x8b: {  	s0 =	sand.u32 $0x1, s1  }
0x8c: {  	s17 =	sshll.u32 s0, $0xA;
	s2 =	sadd.s32 s3, s2  }
0x8d: {  	s2 =	sadd.s32 s2, s17  }
0x8e: {  	[smem:$0x3FC4] =	sst s2  }
0x8f: {  	_ = 	snop  }
0x90: {  	s2 =	sld [smem:$0x3FD0];
	(tm) =	ssettm $0x1  }
0x91: {  	s18 =	sld [smem:$0x3FFB];
	_ =	sdelay $0x3  }
0x92: {  	_ =	strace s18  }
0x93: {  	s3 =	sld [smem:$0x3FFC];
	_ =	sdelay $0x3  }
0x94: {  	_ =	strace s3  }
0x95: {  	s3 =	sld [smem:$0x3FFD];
	_ =	sdelay $0x3  }
0x96: {  	_ =	strace s3  }
0x97: {  	_ =	strace $0x8FFFFFFF  }
0x98: {  	s19 =	sld [smem:$0x3FDB];
	_ =	sdelay $0x1  }
0x99: {  	s4 =	simm.s32 $_scs_section_size  }
0x9a: {  	s5 =	simm.s32 $_size__tile_overlayer_lowered;
	s6 =	simm.s32 $_tile_overlayer_lowered  }
0x9b: {  	s22 =	simm.s32 $0x1BFF;
	s21 =	sshll.u32 s6, $0x1;
	s3 =	sadd.s32 s4, s19  }
0x9c: {  	s7 =	simm.s32 $0x0;
	s20 =	sshll.u32 s5, $0x1;
	s5 =	sadd.s32 s21, s3  }
0x9d: {  	[timem:s7], [sflag:s22] =	dma.local [hbm:s5], s20  }
0x9e: {  	_ =	swait.ge [sflag:s22], s20  }
0x9f: {  	s4 =	ssub.s32 $0x0, s20;
	[sflag:s22] =	ssyncset.done $0x0  }
0xa0: {  	[sflag:s22] =	ssyncadd.s32 s4;
	_ =	sdelay $0x1  }
0xa1: {  	s23 =	simm.s32 $0x1B8B  }
0xa2: {  	_ =	swait.ge [sflag:s23], $0x1  }
0xa3: {  	[sflag:s23] =	ssyncset.done $0x0  }
0xa4: {  	s25 =	simm.s32 $0x1B8E;
	s24 =	sld [smem:$0x3FFE];
	[sflag:s23] =	ssyncadd.s32 $0xFFFFFFFF  }
0xa5: {  	s26 =	simm.s32 $execute0_lowered;
	[smem:$0x3FD2] =	sst s25  }
0xa6: {  	s5 =	sshll.u32 s26, $0x1;
	_ =	strace $0x80000046;
	[dreg:$0x1] =	wrdreg $0xFFFFFFFF  }
0xa7: {  	s28 =	simm.s32 $_size_execute0_lowered;
	s3 =	sadd.s32 s3, s5;
	[dreg:$0x0] =	wrdreg $0x0  }
0xa8: {  	s5 =	sshll.u32 s28, $0x1;
	[dreg:$0x2] =	wrdreg s3  }
0xa9: {  	[dreg:$0x3] =	wrdreg s5  }
0xaa: {  	[dreg:$0x4] =	wrdreg $0xC0  }
0xab: {  	_ =	task [dreg:s7], $0x5FFFF  }
0xac: {  	[dreg:$0x1] =	wrdreg $0xFFFFFFFF  }
0xad: {  	[dreg:$0x0] =	wrdreg $0x60  }
0xae: {  	[dreg:$0x2] =	wrdreg s24  }
0xaf: {  	[dreg:$0x3] =	wrdreg s2  }
0xb0: {  	[dreg:$0x4] =	wrdreg $0x18000  }
0xb1: {  	[dreg:$0x5] =	wrdreg $0x9  }
0xb2: {  	_ =	task.clear_ibuf [dreg:s7], $0x6FFFF;
	_ =	strace $0x90000046  }
0xb3: {  	s29 =	simm.s32 $0x9;
	_ =	strace $0x80000048  }
0xb4: {  	_ =	swait.ge [sflag:s29], $0x1  }
0xb5: {  	[sflag:s29] =	ssyncadd.s32 $0xFFFFFFFF  }
0xb6: {  	_ =	strace $0x90000048  }
0xb7: {  	_ =	sfence  }
0xb8: {  	s30 =	sld [smem:$0x0];
	_ =	sdelay $0x2  }
0xb9: {  	s31 =	sshll.u32 s1, $0xD;
	s1 =	sshrl.u32 s1, $0x2  }
0xba: {  	s3 =	sand.u32 $0x4000, s31;
	s1 =	sadd.s32 s1, s30  }
0xbb: {  	s0 =	sor.u32 s3, s0;
	s1 =	sshll.u32 s1, $0x11  }
0xbc: {  	s0 =	sor.u32 s1, s0  }
0xbd: {  	s0 =	sadd.s32 $0x8F2B, s0  }
0xbe: {  	[sflag:s0] =	ssyncadd.remote.s32 $0x1  }
0xbf: {  	_ =	sfence.sel $0xFFFF  }
0xc0: {  	[dreg:$0x0] =	wrdreg $0xFFFFFFFF;
	(pc) =	sbr.abs _section_cstart, $3  }
0xc1: {  	[dreg:$0x1] =	wrdreg $0xFFFFFFFF  }
0xc2: {  	_ =	task.clear_ibuf [dreg:s7], $0x2FFFF;
	_ =	strace $0x9FFFFFFF  }
0xc3: {  	(tm) =	ssettm $0x7FFFFFFF  }
tec
execute0_lowered:
.L_overlay_start_1:
0x0: {  	(tag) =	ssettag $0x1  }
0x1: {  	s0 =	rddreg [dreg:$0x0]  }
0x2: {  	s2 =	rddreg [dreg:$0x2];
	s1 =	srdreg.scid;
	s4 =	simm.s32 $0x0  }
0x3: {  	s10 =	stileid.u32;
	s20 =	simm.s32 $0x100;
	[smem:$0x7FF] =	sst s4  }
0x4: {  	s22 =	sadd.s32 $0x267A18, s0;
	_ =	strace $0x80000047;
	[dreg:$0x5] =	wrdreg s20  }
0x5: {  	s21 =	simm.s32 $0x180;
	s23 =	simm.s32 $0x200;
	[dreg:$0x1b] =	wrdreg s22  }
0x6: {  	s24 =	simm.s32 $0x280;
	s26 =	simm.s32 $0x300;
	[dreg:$0x6] =	wrdreg s21  }
0x7: {  	s11 =	simm.s32 $0x380;
	s13 =	simm.s32 $0x400;
	[dreg:$0x7] =	wrdreg s23  }
0x8: {  	s14 =	simm.s32 $0x480;
	s16 =	simm.s32 $0x500;
	[dreg:$0x8] =	wrdreg s24  }
0x9: {  	s17 =	simm.s32 $0x580;
	s12 =	sadd.s32 $0xF9818, s0;
	[dreg:$0x9] =	wrdreg s26  }
0xa: {  	s28 =	simm.s32 $0xC00;
	s29 =	simm.s32 $0xC80;
	[dreg:$0x1e] =	wrdreg s12  }
0xb: {  	s30 =	simm.s32 $0xD00;
	s31 =	simm.s32 $0xD80;
	[dreg:$0xa] =	wrdreg s11  }
0xc: {  	s1 =	sand.u32 $0x1, s1;
	s5 =	smul.u32 $0xC340, s10;
	[dreg:$0xb] =	wrdreg s13  }
0xd: {  	s6 =	smul.u32 $0x3200, s10;
	p0 =	seq.s32 s10, $0xF;
	[dreg:$0xc] =	wrdreg s14  }
0xe: {  	s3 =	smul.u32 $0x32000, s1;
	s8 =	ssub.s32 $0x2, s1;
	[dreg:$0xd] =	wrdreg s16  }
0xf: {  	p4 =	seq.s32 s1, $0x1;
	s14 =	simm.s32 $0x1400;
	[dreg:$0xe] =	wrdreg s17  }
0x10: {  	s20 =	simm.s32 $0x700;
	s21 =	simm.s32 $0x780;
	s22 =	simm.s32 $0x800  }
0x11: {  	s23 =	simm.s32 $0x880;
	s24 =	simm.s32 $0x900;
	s26 =	simm.s32 $0xA00  }
0x12: {  	s11 =	simm.s32 $0x1100;
	s12 =	simm.s32 $0x1180;
	[dreg:$0x11] =	wrdreg s20  }
0x13: {  	s13 =	simm.s32 $0x1200;
	s16 =	simm.s32 $0x1300;
	[dreg:$0x12] =	wrdreg s21  }
0x14: {  	s17 =	simm.s32 $0x1380;
	s7 =	sshrl.u32 s5, $0x3;
	[dreg:$0x13] =	wrdreg s22  }
0x15: {  	s9 =	sshrl.u32 s8, $0x1;
	s5 =	sadd.s32 s5, s2;
	[dreg:$0x14] =	wrdreg s23  }
0x16: {  	s20 =	simm.s32 $0x1;
	[dreg:$0x15] =	wrdreg s24;
	s21 =	simm.s32 $0x2  }
0x17: {  	s22 =	simm.s32 $0x3;
	s23 =	simm.s32 $0x4;
	[dreg:$0x17] =	wrdreg s26  }
0x18: {  	p1 =	por !p4, !p0;
	p2 =	por p4, !p0;
	p3 =	por !p4, p0  }
0x19: {  	p4 =	por p4, p0;
	s26 =	simm.s32 $0xB80;
	s3 =	sadd.s32 s3, s0  }
0x1a: {  	s7 =	sadd.s32 s7, s0;
	s0 =	sadd.s32 $0xE1018, s0;
	[dreg:$0x18] =	wrdreg s5  }
0x1b: {  	s18 =	ssub.s32 s8, s9;
	s8 =	sadd.s32 $0xB70C0, s2;
	[dreg:$0x1f] =	wrdreg s0  }
0x1c: {  	s3 =	sadd.s32 s6, s3;
	s19 =	sadd.s32 $0x250C00, s7;
	[dreg:$0x1a] =	wrdreg s8  }
0x1d: {  	s25 =	sadd.s32 $0xE2A00, s7;
	s9 =	sadd.s32 $0xCA200, s7;
	[dreg:$0x19] =	wrdreg s19  }
0x1e: {  	s15 =	smax.u32 s18, $0x1;
	s18 =	simm.s32 $0x600;
	[dreg:$0x1c] =	wrdreg s25  }
0x1f: {  	s1 =	sshrl.u32 @p0 s8, $0x3;
	s0 =	simm.s32 $0xE00;
	[dreg:$0x1d] =	wrdreg s9  }
0x20: {  	s6 =	simm.s32 $0xF00;
	s8 =	simm.s32 $0xF80;
	[smem:$0x7FA] =	sst s15  }
0x21: {  	s3 =	sadd.s32 $0x66200, s3;
	s15 =	simm.s32 $0x5;
	[dreg:$0xf] =	wrdreg s18  }
0x22: {  	s19 =	simm.s32 $0x680;
	[smem:$0x7FB] =	sst s1;
	s1 =	sshll.u32 @!p0 s10, $0x6  }
0x23: {  	s25 =	simm.s32 $0x980;
	s9 =	simm.s32 $0x1000;
	[dreg:$0x4] =	wrdreg s3  }
0x24: {  	s10 =	simm.s32 $0x1080;
	s18 =	simm.s32 $0x0;
	[dreg:$0x10] =	wrdreg s19  }
0x25: {  	s1 =	sor.u32 @!p0 $0x1C05, s1;
	s19 =	simm.s32 $0x80;
	[dreg:$0x16] =	wrdreg s25  }
0x26: {  	s25 =	simm.s32 $0xB00;
	[smem:$0x7FC] =	sst s1;
	s1 =	sshrl.u32 @!p0 s5, $0x3  }
0x27: {  	s3 =	simm.s32 $0x1280;
	[smem:$0x7FD] =	sst s1;
	s1 =	simm.s32 $0xE80  }
.LBB2_1:
0x28: {  	[smem:$0x7F9] =	sst s18  }
0x29: {  	s5 =	rddreg [dreg:$0x1]  }
0x2a: {  	[tilespmem:s14], [sflag:$0x5] =	stream.linear.gather [hbm4b:s5+s4], $0x400, $0x38;
	[tilespmem:$0x3070] =	vst v63  }
0x2b: {  	_ =	swait.ge [sflag:s15], $0x400  }
0x2c: {  	s18 =	sld [smem:$0x7FB]  }
0x2d: {  	[sflag:s15] =	ssyncset.done $0x0  }
0x2e: {  	s5 =	simm.s32 @p0 $0x1FC5;
	s7 =	rddreg [dreg:$0x1b];
	[sflag:s15] =	ssyncadd.s32 $0xFFFFFC00  }
0x2f: {  	[spmem:s18], [sflag:s5] =	dma.local @p0 [hbm:s7], $0x1888  }
0x30: {  	s5 =	simm.s32 @p0 $0x5  }
0x31: {  	_ =	swait.ge @p0 [sflag:s5], $0x1888  }
0x32: {  	s7 =	sld [smem:$0x7FC]  }
0x33: {  	s18 =	sld [smem:$0x7FD]  }
0x34: {  	[sflag:s5] =	ssyncset.done @p0 $0x0  }
0x35: {  	[sflag:s5] =	ssyncadd.s32 @p0 $0xFFFFE778;
	s5 =	rddreg [dreg:$0x19]  }
0x36: {  	[spmem:s18], [sflag:s7] =	dma.local @!p0 [hbm:s5], $0x1868  }
0x37: {  	s5 =	simm.s32 @!p0 $0x5  }
0x38: {  	_ =	swait.ge @!p0 [sflag:s5], $0x1868  }
0x39: {  	[sflag:s5] =	ssyncset.done @!p0 $0x0  }
0x3a: {  	[sflag:s5] =	ssyncadd.s32 @!p0 $0xFFFFE798  }
0x3b: {  	[bflag:$0x0] =	sbarrier.arrive $0xFFFF  }
0x3c: {  	s7 =	rddreg [dreg:$0x4]  }
0x3d: {  	s5 =	sadd.s32 $0x0, s7  }
0x3e: {  	[tilespmem:s4], [sflag:$0x5] =	stream.linear.gather [hbm4b:s5+s4], $0x1400, $0x38;
	[tilespmem:$0x3070] =	vst v63  }
0x3f: {  	_ =	swait.ge [sflag:s15], $0x1400  }
0x40: {  	[sflag:s15] =	ssyncset.done $0x0  }
0x41: {  	[sflag:s15] =	ssyncadd.s32 $0xFFFFEC00  }
0x42: {  	[spmem:s2] =	stream.indirect.scatter.add.f32 [tilespmem:s14], [sflag:$0x1], $0x1, s4, s19, $0xb8;
	[tilespmem:$0x3070] =	vst v63  }
0x43: {  	_ = 	snop  }
0x44: {  	[spmem:s2] =	stream.indirect.scatter.add.f32 [tilespmem:s14], [sflag:$0x2], $0x1, s19, s19, $0xb8;
	[tilespmem:$0x3070] =	vst v63  }
0x45: {  	s18 =	rddreg [dreg:$0x5]  }
0x46: {  	[spmem:s2] =	stream.indirect.scatter.add.f32 [tilespmem:s14], [sflag:$0x3], $0x1, s18, s19, $0xb8;
	[tilespmem:$0x3070] =	vst v63  }
0x47: {  	s24 =	rddreg [dreg:$0x6]  }
0x48: {  	[spmem:s2] =	stream.indirect.scatter.add.f32 [tilespmem:s14], [sflag:$0x4], $0x1, s24, s19, $0xb8;
	[tilespmem:$0x3070] =	vst v63  }
0x49: {  	_ =	swait.ge [sflag:s20], $0x80  }
0x4a: {  	[sflag:s20] =	ssyncset.done $0x0  }
0x4b: {  	s7 =	rddreg [dreg:$0x7];
	[sflag:s20] =	ssyncadd.s32 $0xFFFFFF80  }
0x4c: {  	[spmem:s2] =	stream.indirect.scatter.add.f32 [tilespmem:s14], [sflag:$0x1], $0x1, s7, s19, $0xb8;
	[tilespmem:$0x3070] =	vst v63  }
0x4d: {  	_ =	swait.ge [sflag:s21], $0x80  }
0x4e: {  	[sflag:s21] =	ssyncset.done $0x0  }
0x4f: {  	s18 =	rddreg [dreg:$0x8];
	[sflag:s21] =	ssyncadd.s32 $0xFFFFFF80  }
0x50: {  	[spmem:s2] =	stream.indirect.scatter.add.f32 [tilespmem:s14], [sflag:$0x2], $0x1, s18, s19, $0xb8;
	[tilespmem:$0x3070] =	vst v63  }
0x51: {  	_ =	swait.ge [sflag:s22], $0x80  }
0x52: {  	[sflag:s22] =	ssyncset.done $0x0  }
0x53: {  	s24 =	rddreg [dreg:$0x9];
	[sflag:s22] =	ssyncadd.s32 $0xFFFFFF80  }
0x54: {  	[spmem:s2] =	stream.indirect.scatter.add.f32 [tilespmem:s14], [sflag:$0x3], $0x1, s24, s19, $0xb8;
	[tilespmem:$0x3070] =	vst v63  }
0x55: {  	_ =	swait.ge [sflag:s23], $0x80  }
0x56: {  	[sflag:s23] =	ssyncset.done $0x0  }
0x57: {  	s7 =	rddreg [dreg:$0xa];
	[sflag:s23] =	ssyncadd.s32 $0xFFFFFF80  }
0x58: {  	[spmem:s2] =	stream.indirect.scatter.add.f32 [tilespmem:s14], [sflag:$0x4], $0x1, s7, s19, $0xb8;
	[tilespmem:$0x3070] =	vst v63  }
0x59: {  	_ =	swait.ge [sflag:s20], $0x80  }
0x5a: {  	[sflag:s20] =	ssyncset.done $0x0  }
0x5b: {  	s18 =	rddreg [dreg:$0xb];
	[sflag:s20] =	ssyncadd.s32 $0xFFFFFF80  }
0x5c: {  	[spmem:s2] =	stream.indirect.scatter.add.f32 [tilespmem:s14], [sflag:$0x1], $0x1, s18, s19, $0xb8;
	[tilespmem:$0x3070] =	vst v63  }
0x5d: {  	_ =	swait.ge [sflag:s21], $0x80  }
0x5e: {  	[sflag:s21] =	ssyncset.done $0x0  }
0x5f: {  	s24 =	rddreg [dreg:$0xc];
	[sflag:s21] =	ssyncadd.s32 $0xFFFFFF80  }
0x60: {  	[spmem:s2] =	stream.indirect.scatter.add.f32 [tilespmem:s14], [sflag:$0x2], $0x1, s24, s19, $0xb8;
	[tilespmem:$0x3070] =	vst v63  }
0x61: {  	_ =	swait.ge [sflag:s22], $0x80  }
0x62: {  	[sflag:s22] =	ssyncset.done $0x0  }
0x63: {  	s7 =	rddreg [dreg:$0xd];
	[sflag:s22] =	ssyncadd.s32 $0xFFFFFF80  }
0x64: {  	[spmem:s2] =	stream.indirect.scatter.add.f32 [tilespmem:s14], [sflag:$0x3], $0x1, s7, s19, $0xb8;
	[tilespmem:$0x3070] =	vst v63  }
0x65: {  	_ =	swait.ge [sflag:s23], $0x80  }
0x66: {  	[sflag:s23] =	ssyncset.done $0x0  }
0x67: {  	s18 =	rddreg [dreg:$0xe];
	[sflag:s23] =	ssyncadd.s32 $0xFFFFFF80  }
0x68: {  	[spmem:s2] =	stream.indirect.scatter.add.f32 [tilespmem:s14], [sflag:$0x4], $0x1, s18, s19, $0xb8;
	[tilespmem:$0x3070] =	vst v63  }
0x69: {  	_ =	swait.ge [sflag:s20], $0x80  }
0x6a: {  	[sflag:s20] =	ssyncset.done $0x0  }
0x6b: {  	s24 =	rddreg [dreg:$0xf];
	[sflag:s20] =	ssyncadd.s32 $0xFFFFFF80  }
0x6c: {  	[spmem:s2] =	stream.indirect.scatter.add.f32 [tilespmem:s14], [sflag:$0x1], $0x1, s24, s19, $0xb8;
	[tilespmem:$0x3070] =	vst v63  }
0x6d: {  	_ =	swait.ge [sflag:s21], $0x80  }
0x6e: {  	[sflag:s21] =	ssyncset.done $0x0  }
0x6f: {  	s7 =	rddreg [dreg:$0x10];
	[sflag:s21] =	ssyncadd.s32 $0xFFFFFF80  }
0x70: {  	[spmem:s2] =	stream.indirect.scatter.add.f32 [tilespmem:s14], [sflag:$0x2], $0x1, s7, s19, $0xb8;
	[tilespmem:$0x3070] =	vst v63  }
0x71: {  	_ =	swait.ge [sflag:s22], $0x80  }
0x72: {  	[sflag:s22] =	ssyncset.done $0x0  }
0x73: {  	s18 =	rddreg [dreg:$0x11];
	[sflag:s22] =	ssyncadd.s32 $0xFFFFFF80  }
0x74: {  	[spmem:s2] =	stream.indirect.scatter.add.f32 [tilespmem:s14], [sflag:$0x3], $0x1, s18, s19, $0xb8;
	[tilespmem:$0x3070] =	vst v63  }
0x75: {  	_ =	swait.ge [sflag:s23], $0x80  }
0x76: {  	[sflag:s23] =	ssyncset.done $0x0  }
0x77: {  	s24 =	rddreg [dreg:$0x12];
	[sflag:s23] =	ssyncadd.s32 $0xFFFFFF80  }
0x78: {  	[spmem:s2] =	stream.indirect.scatter.add.f32 [tilespmem:s14], [sflag:$0x4], $0x1, s24, s19, $0xb8;
	[tilespmem:$0x3070] =	vst v63  }
0x79: {  	_ =	swait.ge [sflag:s20], $0x80  }
0x7a: {  	[sflag:s20] =	ssyncset.done $0x0  }
0x7b: {  	s7 =	rddreg [dreg:$0x13];
	[sflag:s20] =	ssyncadd.s32 $0xFFFFFF80  }
0x7c: {  	[spmem:s2] =	stream.indirect.scatter.add.f32 [tilespmem:s14], [sflag:$0x1], $0x1, s7, s19, $0xb8;
	[tilespmem:$0x3070] =	vst v63  }
0x7d: {  	_ =	swait.ge [sflag:s21], $0x80  }
0x7e: {  	[sflag:s21] =	ssyncset.done $0x0  }
0x7f: {  	s18 =	rddreg [dreg:$0x14];
	[sflag:s21] =	ssyncadd.s32 $0xFFFFFF80  }
0x80: {  	[spmem:s2] =	stream.indirect.scatter.add.f32 [tilespmem:s14], [sflag:$0x2], $0x1, s18, s19, $0xb8;
	[tilespmem:$0x3070] =	vst v63  }
0x81: {  	_ =	swait.ge [sflag:s22], $0x80  }
0x82: {  	[sflag:s22] =	ssyncset.done $0x0  }
0x83: {  	s24 =	rddreg [dreg:$0x15];
	[sflag:s22] =	ssyncadd.s32 $0xFFFFFF80  }
0x84: {  	[spmem:s2] =	stream.indirect.scatter.add.f32 [tilespmem:s14], [sflag:$0x3], $0x1, s24, s19, $0xb8;
	[tilespmem:$0x3070] =	vst v63  }
0x85: {  	_ =	swait.ge [sflag:s23], $0x80  }
0x86: {  	[sflag:s23] =	ssyncset.done $0x0  }
0x87: {  	s7 =	rddreg [dreg:$0x16];
	[sflag:s23] =	ssyncadd.s32 $0xFFFFFF80  }
0x88: {  	[spmem:s2] =	stream.indirect.scatter.add.f32 [tilespmem:s14], [sflag:$0x4], $0x1, s7, s19, $0xb8;
	[tilespmem:$0x3070] =	vst v63  }
0x89: {  	_ =	swait.ge [sflag:s20], $0x80  }
0x8a: {  	[sflag:s20] =	ssyncset.done $0x0  }
0x8b: {  	s18 =	rddreg [dreg:$0x17];
	[sflag:s20] =	ssyncadd.s32 $0xFFFFFF80  }
0x8c: {  	[spmem:s2] =	stream.indirect.scatter.add.f32 [tilespmem:s14], [sflag:$0x1], $0x1, s18, s19, $0xb8;
	[tilespmem:$0x3070] =	vst v63  }
0x8d: {  	_ =	swait.ge [sflag:s21], $0x80  }
0x8e: {  	[sflag:s21] =	ssyncset.done $0x0  }
0x8f: {  	s24 =	simm.s32 $0xA80;
	[sflag:s21] =	ssyncadd.s32 $0xFFFFFF80  }
0x90: {  	[spmem:s2] =	stream.indirect.scatter.add.f32 [tilespmem:s14], [sflag:$0x2], $0x1, s24, s19, $0xb8;
	[tilespmem:$0x3070] =	vst v63  }
0x91: {  	_ =	swait.ge [sflag:s22], $0x80  }
0x92: {  	[sflag:s22] =	ssyncset.done $0x0  }
0x93: {  	[sflag:s22] =	ssyncadd.s32 $0xFFFFFF80  }
0x94: {  	[spmem:s2] =	stream.indirect.scatter.add.f32 [tilespmem:s14], [sflag:$0x3], $0x1, s25, s19, $0xb8;
	[tilespmem:$0x3070] =	vst v63  }
0x95: {  	_ =	swait.ge [sflag:s23], $0x80  }
0x96: {  	[sflag:s23] =	ssyncset.done $0x0  }
0x97: {  	[sflag:s23] =	ssyncadd.s32 $0xFFFFFF80  }
0x98: {  	[spmem:s2] =	stream.indirect.scatter.add.f32 [tilespmem:s14], [sflag:$0x4], $0x1, s26, s19, $0xb8;
	[tilespmem:$0x3070] =	vst v63  }
0x99: {  	_ =	swait.ge [sflag:s20], $0x80  }
0x9a: {  	[sflag:s20] =	ssyncset.done $0x0  }
0x9b: {  	[sflag:s20] =	ssyncadd.s32 $0xFFFFFF80  }
0x9c: {  	[spmem:s2] =	stream.indirect.scatter.add.f32 [tilespmem:s14], [sflag:$0x1], $0x1, s28, s19, $0xb8;
	[tilespmem:$0x3070] =	vst v63  }
0x9d: {  	_ =	swait.ge [sflag:s21], $0x80  }
0x9e: {  	[sflag:s21] =	ssyncset.done $0x0  }
0x9f: {  	[sflag:s21] =	ssyncadd.s32 $0xFFFFFF80  }
0xa0: {  	[spmem:s2] =	stream.indirect.scatter.add.f32 [tilespmem:s14], [sflag:$0x2], $0x1, s29, s19, $0xb8;
	[tilespmem:$0x3070] =	vst v63  }
0xa1: {  	_ =	swait.ge [sflag:s22], $0x80  }
0xa2: {  	[sflag:s22] =	ssyncset.done $0x0  }
0xa3: {  	[sflag:s22] =	ssyncadd.s32 $0xFFFFFF80  }
0xa4: {  	[spmem:s2] =	stream.indirect.scatter.add.f32 [tilespmem:s14], [sflag:$0x3], $0x1, s30, s19, $0xb8;
	[tilespmem:$0x3070] =	vst v63  }
0xa5: {  	_ =	swait.ge [sflag:s23], $0x80  }
0xa6: {  	[sflag:s23] =	ssyncset.done $0x0  }
0xa7: {  	[sflag:s23] =	ssyncadd.s32 $0xFFFFFF80  }
0xa8: {  	[spmem:s2] =	stream.indirect.scatter.add.f32 [tilespmem:s14], [sflag:$0x4], $0x1, s31, s19, $0xb8;
	[tilespmem:$0x3070] =	vst v63  }
0xa9: {  	_ =	swait.ge [sflag:s20], $0x80  }
0xaa: {  	[sflag:s20] =	ssyncset.done $0x0  }
0xab: {  	[sflag:s20] =	ssyncadd.s32 $0xFFFFFF80  }
0xac: {  	[spmem:s2] =	stream.indirect.scatter.add.f32 [tilespmem:s14], [sflag:$0x1], $0x1, s0, s19, $0xb8;
	[tilespmem:$0x3070] =	vst v63  }
0xad: {  	_ =	swait.ge [sflag:s21], $0x80  }
0xae: {  	[sflag:s21] =	ssyncset.done $0x0  }
0xaf: {  	[sflag:s21] =	ssyncadd.s32 $0xFFFFFF80  }
0xb0: {  	[spmem:s2] =	stream.indirect.scatter.add.f32 [tilespmem:s14], [sflag:$0x2], $0x1, s1, s19, $0xb8;
	[tilespmem:$0x3070] =	vst v63  }
0xb1: {  	_ =	swait.ge [sflag:s22], $0x80  }
0xb2: {  	[sflag:s22] =	ssyncset.done $0x0  }
0xb3: {  	[sflag:s22] =	ssyncadd.s32 $0xFFFFFF80  }
0xb4: {  	[spmem:s2] =	stream.indirect.scatter.add.f32 [tilespmem:s14], [sflag:$0x3], $0x1, s6, s19, $0xb8;
	[tilespmem:$0x3070] =	vst v63  }
0xb5: {  	_ =	swait.ge [sflag:s23], $0x80  }
0xb6: {  	[sflag:s23] =	ssyncset.done $0x0  }
0xb7: {  	[sflag:s23] =	ssyncadd.s32 $0xFFFFFF80  }
0xb8: {  	[spmem:s2] =	stream.indirect.scatter.add.f32 [tilespmem:s14], [sflag:$0x4], $0x1, s8, s19, $0xb8;
	[tilespmem:$0x3070] =	vst v63  }
0xb9: {  	_ =	swait.ge [sflag:s20], $0x80  }
0xba: {  	[sflag:s20] =	ssyncset.done $0x0  }
0xbb: {  	[sflag:s20] =	ssyncadd.s32 $0xFFFFFF80  }
0xbc: {  	[spmem:s2] =	stream.indirect.scatter.add.f32 [tilespmem:s14], [sflag:$0x1], $0x1, s9, s19, $0xb8;
	[tilespmem:$0x3070] =	vst v63  }
0xbd: {  	_ =	swait.ge [sflag:s21], $0x80  }
0xbe: {  	[sflag:s21] =	ssyncset.done $0x0  }
0xbf: {  	[sflag:s21] =	ssyncadd.s32 $0xFFFFFF80  }
0xc0: {  	[spmem:s2] =	stream.indirect.scatter.add.f32 [tilespmem:s14], [sflag:$0x2], $0x1, s10, s19, $0xb8;
	[tilespmem:$0x3070] =	vst v63  }
0xc1: {  	_ =	swait.ge [sflag:s22], $0x80  }
0xc2: {  	[sflag:s22] =	ssyncset.done $0x0  }
0xc3: {  	[sflag:s22] =	ssyncadd.s32 $0xFFFFFF80  }
0xc4: {  	[spmem:s2] =	stream.indirect.scatter.add.f32 [tilespmem:s14], [sflag:$0x3], $0x1, s11, s19, $0xb8;
	[tilespmem:$0x3070] =	vst v63  }
0xc5: {  	_ =	swait.ge [sflag:s23], $0x80  }
0xc6: {  	[sflag:s23] =	ssyncset.done $0x0  }
0xc7: {  	[sflag:s23] =	ssyncadd.s32 $0xFFFFFF80  }
0xc8: {  	[spmem:s2] =	stream.indirect.scatter.add.f32 [tilespmem:s14], [sflag:$0x4], $0x1, s12, s19, $0xb8;
	[tilespmem:$0x3070] =	vst v63  }
0xc9: {  	_ =	swait.ge [sflag:s20], $0x80  }
0xca: {  	[sflag:s20] =	ssyncset.done $0x0  }
0xcb: {  	[sflag:s20] =	ssyncadd.s32 $0xFFFFFF80  }
0xcc: {  	[spmem:s2] =	stream.indirect.scatter.add.f32 [tilespmem:s14], [sflag:$0x1], $0x1, s13, s19, $0xb8;
	[tilespmem:$0x3070] =	vst v63  }
0xcd: {  	_ =	swait.ge [sflag:s21], $0x80  }
0xce: {  	[sflag:s21] =	ssyncset.done $0x0  }
0xcf: {  	[sflag:s21] =	ssyncadd.s32 $0xFFFFFF80  }
0xd0: {  	[spmem:s2] =	stream.indirect.scatter.add.f32 [tilespmem:s14], [sflag:$0x2], $0x1, s3, s19, $0xb8;
	[tilespmem:$0x3070] =	vst v63  }
0xd1: {  	_ =	swait.ge [sflag:s22], $0x80  }
0xd2: {  	[sflag:s22] =	ssyncset.done $0x0  }
0xd3: {  	[sflag:s22] =	ssyncadd.s32 $0xFFFFFF80  }
0xd4: {  	[spmem:s2] =	stream.indirect.scatter.add.f32 [tilespmem:s14], [sflag:$0x3], $0x1, s16, s19, $0xb8;
	[tilespmem:$0x3070] =	vst v63  }
0xd5: {  	_ =	swait.ge [sflag:s23], $0x80  }
0xd6: {  	[sflag:s23] =	ssyncset.done $0x0  }
0xd7: {  	[sflag:s23] =	ssyncadd.s32 $0xFFFFFF80  }
0xd8: {  	[spmem:s2] =	stream.indirect.scatter.add.f32 [tilespmem:s14], [sflag:$0x4], $0x1, s17, s19, $0xb8;
	[tilespmem:$0x3070] =	vst v63  }
0xd9: {  	_ =	swait.ge [sflag:s20], $0x80  }
0xda: {  	[sflag:s20] =	ssyncset.done $0x0  }
0xdb: {  	[sflag:s20] =	ssyncadd.s32 $0xFFFFFF80  }
0xdc: {  	_ =	swait.ge [sflag:s21], $0x80  }
0xdd: {  	[sflag:s21] =	ssyncset.done $0x0  }
0xde: {  	[sflag:s21] =	ssyncadd.s32 $0xFFFFFF80  }
0xdf: {  	_ =	swait.ge [sflag:s22], $0x80  }
0xe0: {  	[sflag:s22] =	ssyncset.done $0x0  }
0xe1: {  	[sflag:s22] =	ssyncadd.s32 $0xFFFFFF80  }
0xe2: {  	s5 =	simm.s32 $0x280;
	_ =	swait.ge [sflag:s23], $0x80  }
0xe3: {  	s7 =	simm.s32 $0x500;
	s18 =	rddreg [dreg:$0x4];
	[sflag:s23] =	ssyncset.done $0x0  }
.LBB2_2:
0xe4: {  	[sflag:s23] =	ssyncadd.s32 $0xFFFFFF80;
	s18 =	sadd.s32 s5, s18  }
0xe5: {  	[tilespmem:s4], [sflag:$0x5] =	stream.linear.gather [hbm4b:s18+s4], $0x1400, $0x38;
	[tilespmem:$0x3070] =	vst v63  }
0xe6: {  	_ =	swait.ge [sflag:s15], $0x1400  }
0xe7: {  	[sflag:s15] =	ssyncset.done $0x0  }
0xe8: {  	[sflag:s15] =	ssyncadd.s32 $0xFFFFEC00  }
0xe9: {  	[spmem:s2] =	stream.indirect.scatter.add.f32 [tilespmem:s14], [sflag:$0x1], $0x1, s4, s19, $0xb8;
	[tilespmem:$0x3070] =	vst v63  }
0xea: {  	_ = 	snop  }
0xeb: {  	[spmem:s2] =	stream.indirect.scatter.add.f32 [tilespmem:s14], [sflag:$0x2], $0x1, s19, s19, $0xb8;
	[tilespmem:$0x3070] =	vst v63  }
0xec: {  	s24 =	smov.u32 s7;
	s18 =	rddreg [dreg:$0x5]  }
0xed: {  	[spmem:s2] =	stream.indirect.scatter.add.f32 [tilespmem:s14], [sflag:$0x3], $0x1, s18, s19, $0xb8;
	[tilespmem:$0x3070] =	vst v63  }
0xee: {  	s5 =	smov.u32 s24;
	s24 =	rddreg [dreg:$0x6]  }
0xef: {  	[spmem:s2] =	stream.indirect.scatter.add.f32 [tilespmem:s14], [sflag:$0x4], $0x1, s24, s19, $0xb8;
	[tilespmem:$0x3070] =	vst v63  }
0xf0: {  	_ =	swait.ge [sflag:s20], $0x80  }
0xf1: {  	[sflag:s20] =	ssyncset.done $0x0  }
0xf2: {  	s24 =	rddreg [dreg:$0x7];
	[sflag:s20] =	ssyncadd.s32 $0xFFFFFF80  }
0xf3: {  	[spmem:s2] =	stream.indirect.scatter.add.f32 [tilespmem:s14], [sflag:$0x1], $0x1, s24, s19, $0xb8;
	[tilespmem:$0x3070] =	vst v63  }
0xf4: {  	_ =	swait.ge [sflag:s21], $0x80  }
0xf5: {  	[sflag:s21] =	ssyncset.done $0x0  }
0xf6: {  	s24 =	rddreg [dreg:$0x8];
	[sflag:s21] =	ssyncadd.s32 $0xFFFFFF80  }
0xf7: {  	[spmem:s2] =	stream.indirect.scatter.add.f32 [tilespmem:s14], [sflag:$0x2], $0x1, s24, s19, $0xb8;
	[tilespmem:$0x3070] =	vst v63  }
0xf8: {  	_ =	swait.ge [sflag:s22], $0x80  }
0xf9: {  	[sflag:s22] =	ssyncset.done $0x0  }
0xfa: {  	s24 =	rddreg [dreg:$0x9];
	[sflag:s22] =	ssyncadd.s32 $0xFFFFFF80  }
0xfb: {  	[spmem:s2] =	stream.indirect.scatter.add.f32 [tilespmem:s14], [sflag:$0x3], $0x1, s24, s19, $0xb8;
	[tilespmem:$0x3070] =	vst v63  }
0xfc: {  	_ =	swait.ge [sflag:s23], $0x80  }
0xfd: {  	[sflag:s23] =	ssyncset.done $0x0  }
0xfe: {  	s24 =	rddreg [dreg:$0xa];
	[sflag:s23] =	ssyncadd.s32 $0xFFFFFF80  }
0xff: {  	[spmem:s2] =	stream.indirect.scatter.add.f32 [tilespmem:s14], [sflag:$0x4], $0x1, s24, s19, $0xb8;
	[tilespmem:$0x3070] =	vst v63  }
0x100: {  	_ =	swait.ge [sflag:s20], $0x80  }
0x101: {  	[sflag:s20] =	ssyncset.done $0x0  }
0x102: {  	s24 =	rddreg [dreg:$0xb];
	[sflag:s20] =	ssyncadd.s32 $0xFFFFFF80  }
0x103: {  	[spmem:s2] =	stream.indirect.scatter.add.f32 [tilespmem:s14], [sflag:$0x1], $0x1, s24, s19, $0xb8;
	[tilespmem:$0x3070] =	vst v63  }
0x104: {  	_ =	swait.ge [sflag:s21], $0x80  }
0x105: {  	[sflag:s21] =	ssyncset.done $0x0  }
0x106: {  	s24 =	rddreg [dreg:$0xc];
	[sflag:s21] =	ssyncadd.s32 $0xFFFFFF80  }
0x107: {  	[spmem:s2] =	stream.indirect.scatter.add.f32 [tilespmem:s14], [sflag:$0x2], $0x1, s24, s19, $0xb8;
	[tilespmem:$0x3070] =	vst v63  }
0x108: {  	_ =	swait.ge [sflag:s22], $0x80  }
0x109: {  	[sflag:s22] =	ssyncset.done $0x0  }
0x10a: {  	s24 =	rddreg [dreg:$0xd];
	[sflag:s22] =	ssyncadd.s32 $0xFFFFFF80  }
0x10b: {  	[spmem:s2] =	stream.indirect.scatter.add.f32 [tilespmem:s14], [sflag:$0x3], $0x1, s24, s19, $0xb8;
	[tilespmem:$0x3070] =	vst v63  }
0x10c: {  	_ =	swait.ge [sflag:s23], $0x80  }
0x10d: {  	[sflag:s23] =	ssyncset.done $0x0  }
0x10e: {  	s24 =	rddreg [dreg:$0xe];
	[sflag:s23] =	ssyncadd.s32 $0xFFFFFF80  }
0x10f: {  	[spmem:s2] =	stream.indirect.scatter.add.f32 [tilespmem:s14], [sflag:$0x4], $0x1, s24, s19, $0xb8;
	[tilespmem:$0x3070] =	vst v63  }
0x110: {  	_ =	swait.ge [sflag:s20], $0x80  }
0x111: {  	[sflag:s20] =	ssyncset.done $0x0  }
0x112: {  	s24 =	rddreg [dreg:$0xf];
	[sflag:s20] =	ssyncadd.s32 $0xFFFFFF80  }
0x113: {  	[spmem:s2] =	stream.indirect.scatter.add.f32 [tilespmem:s14], [sflag:$0x1], $0x1, s24, s19, $0xb8;
	[tilespmem:$0x3070] =	vst v63  }
0x114: {  	_ =	swait.ge [sflag:s21], $0x80  }
0x115: {  	[sflag:s21] =	ssyncset.done $0x0  }
0x116: {  	s24 =	rddreg [dreg:$0x10];
	[sflag:s21] =	ssyncadd.s32 $0xFFFFFF80  }
0x117: {  	[spmem:s2] =	stream.indirect.scatter.add.f32 [tilespmem:s14], [sflag:$0x2], $0x1, s24, s19, $0xb8;
	[tilespmem:$0x3070] =	vst v63  }
0x118: {  	_ =	swait.ge [sflag:s22], $0x80  }
0x119: {  	[sflag:s22] =	ssyncset.done $0x0  }
0x11a: {  	s24 =	rddreg [dreg:$0x11];
	[sflag:s22] =	ssyncadd.s32 $0xFFFFFF80  }
0x11b: {  	[spmem:s2] =	stream.indirect.scatter.add.f32 [tilespmem:s14], [sflag:$0x3], $0x1, s24, s19, $0xb8;
	[tilespmem:$0x3070] =	vst v63  }
0x11c: {  	_ =	swait.ge [sflag:s23], $0x80  }
0x11d: {  	[sflag:s23] =	ssyncset.done $0x0  }
0x11e: {  	s24 =	rddreg [dreg:$0x12];
	[sflag:s23] =	ssyncadd.s32 $0xFFFFFF80  }
0x11f: {  	[spmem:s2] =	stream.indirect.scatter.add.f32 [tilespmem:s14], [sflag:$0x4], $0x1, s24, s19, $0xb8;
	[tilespmem:$0x3070] =	vst v63  }
0x120: {  	_ =	swait.ge [sflag:s20], $0x80  }
0x121: {  	[sflag:s20] =	ssyncset.done $0x0  }
0x122: {  	s24 =	rddreg [dreg:$0x13];
	[sflag:s20] =	ssyncadd.s32 $0xFFFFFF80  }
0x123: {  	[spmem:s2] =	stream.indirect.scatter.add.f32 [tilespmem:s14], [sflag:$0x1], $0x1, s24, s19, $0xb8;
	[tilespmem:$0x3070] =	vst v63  }
0x124: {  	_ =	swait.ge [sflag:s21], $0x80  }
0x125: {  	[sflag:s21] =	ssyncset.done $0x0  }
0x126: {  	s24 =	rddreg [dreg:$0x14];
	[sflag:s21] =	ssyncadd.s32 $0xFFFFFF80  }
0x127: {  	[spmem:s2] =	stream.indirect.scatter.add.f32 [tilespmem:s14], [sflag:$0x2], $0x1, s24, s19, $0xb8;
	[tilespmem:$0x3070] =	vst v63  }
0x128: {  	_ =	swait.ge [sflag:s22], $0x80  }
0x129: {  	[sflag:s22] =	ssyncset.done $0x0  }
0x12a: {  	s24 =	rddreg [dreg:$0x15];
	[sflag:s22] =	ssyncadd.s32 $0xFFFFFF80  }
0x12b: {  	[spmem:s2] =	stream.indirect.scatter.add.f32 [tilespmem:s14], [sflag:$0x3], $0x1, s24, s19, $0xb8;
	[tilespmem:$0x3070] =	vst v63  }
0x12c: {  	_ =	swait.ge [sflag:s23], $0x80  }
0x12d: {  	[sflag:s23] =	ssyncset.done $0x0  }
0x12e: {  	s24 =	rddreg [dreg:$0x16];
	[sflag:s23] =	ssyncadd.s32 $0xFFFFFF80  }
0x12f: {  	[spmem:s2] =	stream.indirect.scatter.add.f32 [tilespmem:s14], [sflag:$0x4], $0x1, s24, s19, $0xb8;
	[tilespmem:$0x3070] =	vst v63  }
0x130: {  	_ =	swait.ge [sflag:s20], $0x80  }
0x131: {  	[sflag:s20] =	ssyncset.done $0x0  }
0x132: {  	s24 =	rddreg [dreg:$0x17];
	[sflag:s20] =	ssyncadd.s32 $0xFFFFFF80  }
0x133: {  	[spmem:s2] =	stream.indirect.scatter.add.f32 [tilespmem:s14], [sflag:$0x1], $0x1, s24, s19, $0xb8;
	[tilespmem:$0x3070] =	vst v63  }
0x134: {  	_ =	swait.ge [sflag:s21], $0x80  }
0x135: {  	[sflag:s21] =	ssyncset.done $0x0  }
0x136: {  	s24 =	simm.s32 $0xA80;
	[sflag:s21] =	ssyncadd.s32 $0xFFFFFF80  }
0x137: {  	[spmem:s2] =	stream.indirect.scatter.add.f32 [tilespmem:s14], [sflag:$0x2], $0x1, s24, s19, $0xb8;
	[tilespmem:$0x3070] =	vst v63  }
0x138: {  	_ =	swait.ge [sflag:s22], $0x80  }
0x139: {  	[sflag:s22] =	ssyncset.done $0x0  }
0x13a: {  	[sflag:s22] =	ssyncadd.s32 $0xFFFFFF80  }
0x13b: {  	[spmem:s2] =	stream.indirect.scatter.add.f32 [tilespmem:s14], [sflag:$0x3], $0x1, s25, s19, $0xb8;
	[tilespmem:$0x3070] =	vst v63  }
0x13c: {  	_ =	swait.ge [sflag:s23], $0x80  }
0x13d: {  	[sflag:s23] =	ssyncset.done $0x0  }
0x13e: {  	[sflag:s23] =	ssyncadd.s32 $0xFFFFFF80  }
0x13f: {  	[spmem:s2] =	stream.indirect.scatter.add.f32 [tilespmem:s14], [sflag:$0x4], $0x1, s26, s19, $0xb8;
	[tilespmem:$0x3070] =	vst v63  }
0x140: {  	_ =	swait.ge [sflag:s20], $0x80  }
0x141: {  	[sflag:s20] =	ssyncset.done $0x0  }
0x142: {  	[sflag:s20] =	ssyncadd.s32 $0xFFFFFF80  }
0x143: {  	[spmem:s2] =	stream.indirect.scatter.add.f32 [tilespmem:s14], [sflag:$0x1], $0x1, s28, s19, $0xb8;
	[tilespmem:$0x3070] =	vst v63  }
0x144: {  	_ =	swait.ge [sflag:s21], $0x80  }
0x145: {  	[sflag:s21] =	ssyncset.done $0x0  }
0x146: {  	[sflag:s21] =	ssyncadd.s32 $0xFFFFFF80  }
0x147: {  	[spmem:s2] =	stream.indirect.scatter.add.f32 [tilespmem:s14], [sflag:$0x2], $0x1, s29, s19, $0xb8;
	[tilespmem:$0x3070] =	vst v63  }
0x148: {  	_ =	swait.ge [sflag:s22], $0x80  }
0x149: {  	[sflag:s22] =	ssyncset.done $0x0  }
0x14a: {  	[sflag:s22] =	ssyncadd.s32 $0xFFFFFF80  }
0x14b: {  	[spmem:s2] =	stream.indirect.scatter.add.f32 [tilespmem:s14], [sflag:$0x3], $0x1, s30, s19, $0xb8;
	[tilespmem:$0x3070] =	vst v63  }
0x14c: {  	_ =	swait.ge [sflag:s23], $0x80  }
0x14d: {  	[sflag:s23] =	ssyncset.done $0x0  }
0x14e: {  	[sflag:s23] =	ssyncadd.s32 $0xFFFFFF80  }
0x14f: {  	[spmem:s2] =	stream.indirect.scatter.add.f32 [tilespmem:s14], [sflag:$0x4], $0x1, s31, s19, $0xb8;
	[tilespmem:$0x3070] =	vst v63  }
0x150: {  	_ =	swait.ge [sflag:s20], $0x80  }
0x151: {  	[sflag:s20] =	ssyncset.done $0x0  }
0x152: {  	[sflag:s20] =	ssyncadd.s32 $0xFFFFFF80  }
0x153: {  	[spmem:s2] =	stream.indirect.scatter.add.f32 [tilespmem:s14], [sflag:$0x1], $0x1, s0, s19, $0xb8;
	[tilespmem:$0x3070] =	vst v63  }
0x154: {  	_ =	swait.ge [sflag:s21], $0x80  }
0x155: {  	[sflag:s21] =	ssyncset.done $0x0  }
0x156: {  	[sflag:s21] =	ssyncadd.s32 $0xFFFFFF80  }
0x157: {  	[spmem:s2] =	stream.indirect.scatter.add.f32 [tilespmem:s14], [sflag:$0x2], $0x1, s1, s19, $0xb8;
	[tilespmem:$0x3070] =	vst v63  }
0x158: {  	_ =	swait.ge [sflag:s22], $0x80  }
0x159: {  	[sflag:s22] =	ssyncset.done $0x0  }
0x15a: {  	[sflag:s22] =	ssyncadd.s32 $0xFFFFFF80  }
0x15b: {  	[spmem:s2] =	stream.indirect.scatter.add.f32 [tilespmem:s14], [sflag:$0x3], $0x1, s6, s19, $0xb8;
	[tilespmem:$0x3070] =	vst v63  }
0x15c: {  	_ =	swait.ge [sflag:s23], $0x80  }
0x15d: {  	[sflag:s23] =	ssyncset.done $0x0  }
0x15e: {  	[sflag:s23] =	ssyncadd.s32 $0xFFFFFF80  }
0x15f: {  	[spmem:s2] =	stream.indirect.scatter.add.f32 [tilespmem:s14], [sflag:$0x4], $0x1, s8, s19, $0xb8;
	[tilespmem:$0x3070] =	vst v63  }
0x160: {  	_ =	swait.ge [sflag:s20], $0x80  }
0x161: {  	[sflag:s20] =	ssyncset.done $0x0  }
0x162: {  	[sflag:s20] =	ssyncadd.s32 $0xFFFFFF80  }
0x163: {  	[spmem:s2] =	stream.indirect.scatter.add.f32 [tilespmem:s14], [sflag:$0x1], $0x1, s9, s19, $0xb8;
	[tilespmem:$0x3070] =	vst v63  }
0x164: {  	_ =	swait.ge [sflag:s21], $0x80  }
0x165: {  	[sflag:s21] =	ssyncset.done $0x0  }
0x166: {  	[sflag:s21] =	ssyncadd.s32 $0xFFFFFF80  }
0x167: {  	[spmem:s2] =	stream.indirect.scatter.add.f32 [tilespmem:s14], [sflag:$0x2], $0x1, s10, s19, $0xb8;
	[tilespmem:$0x3070] =	vst v63  }
0x168: {  	_ =	swait.ge [sflag:s22], $0x80  }
0x169: {  	[sflag:s22] =	ssyncset.done $0x0  }
0x16a: {  	[sflag:s22] =	ssyncadd.s32 $0xFFFFFF80  }
0x16b: {  	[spmem:s2] =	stream.indirect.scatter.add.f32 [tilespmem:s14], [sflag:$0x3], $0x1, s11, s19, $0xb8;
	[tilespmem:$0x3070] =	vst v63  }
0x16c: {  	_ =	swait.ge [sflag:s23], $0x80  }
0x16d: {  	[sflag:s23] =	ssyncset.done $0x0  }
0x16e: {  	[sflag:s23] =	ssyncadd.s32 $0xFFFFFF80  }
0x16f: {  	[spmem:s2] =	stream.indirect.scatter.add.f32 [tilespmem:s14], [sflag:$0x4], $0x1, s12, s19, $0xb8;
	[tilespmem:$0x3070] =	vst v63  }
0x170: {  	_ =	swait.ge [sflag:s20], $0x80  }
0x171: {  	[sflag:s20] =	ssyncset.done $0x0  }
0x172: {  	[sflag:s20] =	ssyncadd.s32 $0xFFFFFF80  }
0x173: {  	[spmem:s2] =	stream.indirect.scatter.add.f32 [tilespmem:s14], [sflag:$0x1], $0x1, s13, s19, $0xb8;
	[tilespmem:$0x3070] =	vst v63  }
0x174: {  	_ =	swait.ge [sflag:s21], $0x80  }
0x175: {  	[sflag:s21] =	ssyncset.done $0x0  }
0x176: {  	[sflag:s21] =	ssyncadd.s32 $0xFFFFFF80  }
0x177: {  	[spmem:s2] =	stream.indirect.scatter.add.f32 [tilespmem:s14], [sflag:$0x2], $0x1, s3, s19, $0xb8;
	[tilespmem:$0x3070] =	vst v63  }
0x178: {  	_ =	swait.ge [sflag:s22], $0x80  }
0x179: {  	[sflag:s22] =	ssyncset.done $0x0  }
0x17a: {  	[sflag:s22] =	ssyncadd.s32 $0xFFFFFF80  }
0x17b: {  	[spmem:s2] =	stream.indirect.scatter.add.f32 [tilespmem:s14], [sflag:$0x3], $0x1, s16, s19, $0xb8;
	[tilespmem:$0x3070] =	vst v63  }
0x17c: {  	_ =	swait.ge [sflag:s23], $0x80  }
0x17d: {  	[sflag:s23] =	ssyncset.done $0x0  }
0x17e: {  	[sflag:s23] =	ssyncadd.s32 $0xFFFFFF80  }
0x17f: {  	[spmem:s2] =	stream.indirect.scatter.add.f32 [tilespmem:s14], [sflag:$0x4], $0x1, s17, s19, $0xb8;
	[tilespmem:$0x3070] =	vst v63  }
0x180: {  	_ =	swait.ge [sflag:s20], $0x80  }
0x181: {  	[sflag:s20] =	ssyncset.done $0x0  }
0x182: {  	[sflag:s20] =	ssyncadd.s32 $0xFFFFFF80  }
0x183: {  	_ =	swait.ge [sflag:s21], $0x80  }
0x184: {  	[sflag:s21] =	ssyncset.done $0x0  }
0x185: {  	p5 =	sne.s32 s7, $0x2F80;
	[sflag:s21] =	ssyncadd.s32 $0xFFFFFF80  }
.Ltmp0:
0x186: {  	_ =	swait.ge [sflag:s22], $0x80;
	(pc) =	sbr.rel @p5 .LBB2_2-.Ltmp0, $4  }
0x187: {  	[sflag:s22] =	ssyncset.done $0x0  }
0x188: {  	[sflag:s22] =	ssyncadd.s32 $0xFFFFFF80  }
0x189: {  	_ =	swait.ge [sflag:s23], $0x80  }
0x18a: {  	s7 =	sadd.s32 $0x280, s7;
	s18 =	rddreg [dreg:$0x4];
	[sflag:s23] =	ssyncset.done $0x0  }
0x18b: {  	[sflag:s23] =	ssyncadd.s32 $0xFFFFFF80;
	s5 =	sadd.s32 s5, s18  }
0x18c: {  	[tilespmem:s4], [sflag:$0x5] =	stream.linear.gather [hbm4b:s5+s4], $0x1400, $0x38;
	[tilespmem:$0x3070] =	vst v63  }
0x18d: {  	_ =	swait.ge [sflag:s15], $0x1400  }
0x18e: {  	[sflag:s15] =	ssyncset.done $0x0  }
0x18f: {  	[sflag:s15] =	ssyncadd.s32 $0xFFFFEC00  }
0x190: {  	[spmem:s2] =	stream.indirect.scatter.add.f32 [tilespmem:s14], [sflag:$0x1], $0x1, s4, s19, $0xb8;
	[tilespmem:$0x3070] =	vst v63  }
0x191: {  	_ = 	snop  }
0x192: {  	[spmem:s2] =	stream.indirect.scatter.add.f32 [tilespmem:s14], [sflag:$0x2], $0x1, s19, s19, $0xb8;
	[tilespmem:$0x3070] =	vst v63  }
0x193: {  	s24 =	rddreg [dreg:$0x5]  }
0x194: {  	[spmem:s2] =	stream.indirect.scatter.add.f32 [tilespmem:s14], [sflag:$0x3], $0x1, s24, s19, $0xb8;
	[tilespmem:$0x3070] =	vst v63  }
0x195: {  	s7 =	rddreg [dreg:$0x6]  }
0x196: {  	[spmem:s2] =	stream.indirect.scatter.add.f32 [tilespmem:s14], [sflag:$0x4], $0x1, s7, s19, $0xb8;
	[tilespmem:$0x3070] =	vst v63  }
0x197: {  	_ =	swait.ge [sflag:s20], $0x80  }
0x198: {  	[sflag:s20] =	ssyncset.done $0x0  }
0x199: {  	s7 =	rddreg [dreg:$0x7];
	[sflag:s20] =	ssyncadd.s32 $0xFFFFFF80  }
0x19a: {  	[spmem:s2] =	stream.indirect.scatter.add.f32 [tilespmem:s14], [sflag:$0x1], $0x1, s7, s19, $0xb8;
	[tilespmem:$0x3070] =	vst v63  }
0x19b: {  	_ =	swait.ge [sflag:s21], $0x80  }
0x19c: {  	[sflag:s21] =	ssyncset.done $0x0  }
0x19d: {  	s18 =	rddreg [dreg:$0x8];
	[sflag:s21] =	ssyncadd.s32 $0xFFFFFF80  }
0x19e: {  	[spmem:s2] =	stream.indirect.scatter.add.f32 [tilespmem:s14], [sflag:$0x2], $0x1, s18, s19, $0xb8;
	[tilespmem:$0x3070] =	vst v63  }
0x19f: {  	_ =	swait.ge [sflag:s22], $0x80  }
0x1a0: {  	[sflag:s22] =	ssyncset.done $0x0  }
0x1a1: {  	s24 =	rddreg [dreg:$0x9];
	[sflag:s22] =	ssyncadd.s32 $0xFFFFFF80  }
0x1a2: {  	[spmem:s2] =	stream.indirect.scatter.add.f32 [tilespmem:s14], [sflag:$0x3], $0x1, s24, s19, $0xb8;
	[tilespmem:$0x3070] =	vst v63  }
0x1a3: {  	_ =	swait.ge [sflag:s23], $0x80  }
0x1a4: {  	[sflag:s23] =	ssyncset.done $0x0  }
0x1a5: {  	s7 =	rddreg [dreg:$0xa];
	[sflag:s23] =	ssyncadd.s32 $0xFFFFFF80  }
0x1a6: {  	[spmem:s2] =	stream.indirect.scatter.add.f32 [tilespmem:s14], [sflag:$0x4], $0x1, s7, s19, $0xb8;
	[tilespmem:$0x3070] =	vst v63  }
0x1a7: {  	_ =	swait.ge [sflag:s20], $0x80  }
0x1a8: {  	[sflag:s20] =	ssyncset.done $0x0  }
0x1a9: {  	s18 =	rddreg [dreg:$0xb];
	[sflag:s20] =	ssyncadd.s32 $0xFFFFFF80  }
0x1aa: {  	[spmem:s2] =	stream.indirect.scatter.add.f32 [tilespmem:s14], [sflag:$0x1], $0x1, s18, s19, $0xb8;
	[tilespmem:$0x3070] =	vst v63  }
0x1ab: {  	_ =	swait.ge [sflag:s21], $0x80  }
0x1ac: {  	[sflag:s21] =	ssyncset.done $0x0  }
0x1ad: {  	s24 =	rddreg [dreg:$0xc];
	[sflag:s21] =	ssyncadd.s32 $0xFFFFFF80  }
0x1ae: {  	[spmem:s2] =	stream.indirect.scatter.add.f32 [tilespmem:s14], [sflag:$0x2], $0x1, s24, s19, $0xb8;
	[tilespmem:$0x3070] =	vst v63  }
0x1af: {  	_ =	swait.ge [sflag:s22], $0x80  }
0x1b0: {  	[sflag:s22] =	ssyncset.done $0x0  }
0x1b1: {  	s7 =	rddreg [dreg:$0xd];
	[sflag:s22] =	ssyncadd.s32 $0xFFFFFF80  }
0x1b2: {  	[spmem:s2] =	stream.indirect.scatter.add.f32 [tilespmem:s14], [sflag:$0x3], $0x1, s7, s19, $0xb8;
	[tilespmem:$0x3070] =	vst v63  }
0x1b3: {  	_ =	swait.ge [sflag:s23], $0x80  }
0x1b4: {  	[sflag:s23] =	ssyncset.done $0x0  }
0x1b5: {  	s18 =	rddreg [dreg:$0xe];
	[sflag:s23] =	ssyncadd.s32 $0xFFFFFF80  }
0x1b6: {  	[spmem:s2] =	stream.indirect.scatter.add.f32 [tilespmem:s14], [sflag:$0x4], $0x1, s18, s19, $0xb8;
	[tilespmem:$0x3070] =	vst v63  }
0x1b7: {  	_ =	swait.ge [sflag:s20], $0x80  }
0x1b8: {  	[sflag:s20] =	ssyncset.done $0x0  }
0x1b9: {  	s24 =	rddreg [dreg:$0xf];
	[sflag:s20] =	ssyncadd.s32 $0xFFFFFF80  }
0x1ba: {  	[spmem:s2] =	stream.indirect.scatter.add.f32 [tilespmem:s14], [sflag:$0x1], $0x1, s24, s19, $0xb8;
	[tilespmem:$0x3070] =	vst v63  }
0x1bb: {  	_ =	swait.ge [sflag:s21], $0x80  }
0x1bc: {  	[sflag:s21] =	ssyncset.done $0x0  }
0x1bd: {  	s7 =	rddreg [dreg:$0x10];
	[sflag:s21] =	ssyncadd.s32 $0xFFFFFF80  }
0x1be: {  	[spmem:s2] =	stream.indirect.scatter.add.f32 [tilespmem:s14], [sflag:$0x2], $0x1, s7, s19, $0xb8;
	[tilespmem:$0x3070] =	vst v63  }
0x1bf: {  	_ =	swait.ge [sflag:s22], $0x80  }
0x1c0: {  	[sflag:s22] =	ssyncset.done $0x0  }
0x1c1: {  	s18 =	rddreg [dreg:$0x11];
	[sflag:s22] =	ssyncadd.s32 $0xFFFFFF80  }
0x1c2: {  	[spmem:s2] =	stream.indirect.scatter.add.f32 [tilespmem:s14], [sflag:$0x3], $0x1, s18, s19, $0xb8;
	[tilespmem:$0x3070] =	vst v63  }
0x1c3: {  	_ =	swait.ge [sflag:s23], $0x80  }
0x1c4: {  	[sflag:s23] =	ssyncset.done $0x0  }
0x1c5: {  	s24 =	rddreg [dreg:$0x12];
	[sflag:s23] =	ssyncadd.s32 $0xFFFFFF80  }
0x1c6: {  	[spmem:s2] =	stream.indirect.scatter.add.f32 [tilespmem:s14], [sflag:$0x4], $0x1, s24, s19, $0xb8;
	[tilespmem:$0x3070] =	vst v63  }
0x1c7: {  	_ =	swait.ge [sflag:s20], $0x80  }
0x1c8: {  	[sflag:s20] =	ssyncset.done $0x0  }
0x1c9: {  	s7 =	rddreg [dreg:$0x13];
	[sflag:s20] =	ssyncadd.s32 $0xFFFFFF80  }
0x1ca: {  	[spmem:s2] =	stream.indirect.scatter.add.f32 [tilespmem:s14], [sflag:$0x1], $0x1, s7, s19, $0xb8;
	[tilespmem:$0x3070] =	vst v63  }
0x1cb: {  	_ =	swait.ge [sflag:s21], $0x80  }
0x1cc: {  	[sflag:s21] =	ssyncset.done $0x0  }
0x1cd: {  	s18 =	rddreg [dreg:$0x14];
	[sflag:s21] =	ssyncadd.s32 $0xFFFFFF80  }
0x1ce: {  	[spmem:s2] =	stream.indirect.scatter.add.f32 [tilespmem:s14], [sflag:$0x2], $0x1, s18, s19, $0xb8;
	[tilespmem:$0x3070] =	vst v63  }
0x1cf: {  	_ =	swait.ge [sflag:s22], $0x80  }
0x1d0: {  	[sflag:s22] =	ssyncset.done $0x0  }
0x1d1: {  	s24 =	rddreg [dreg:$0x15];
	[sflag:s22] =	ssyncadd.s32 $0xFFFFFF80  }
0x1d2: {  	[spmem:s2] =	stream.indirect.scatter.add.f32 [tilespmem:s14], [sflag:$0x3], $0x1, s24, s19, $0xb8;
	[tilespmem:$0x3070] =	vst v63  }
0x1d3: {  	_ =	swait.ge [sflag:s23], $0x80  }
0x1d4: {  	[sflag:s23] =	ssyncset.done $0x0  }
0x1d5: {  	s7 =	rddreg [dreg:$0x16];
	[sflag:s23] =	ssyncadd.s32 $0xFFFFFF80  }
0x1d6: {  	[spmem:s2] =	stream.indirect.scatter.add.f32 [tilespmem:s14], [sflag:$0x4], $0x1, s7, s19, $0xb8;
	[tilespmem:$0x3070] =	vst v63  }
0x1d7: {  	_ =	swait.ge [sflag:s20], $0x80  }
0x1d8: {  	[sflag:s20] =	ssyncset.done $0x0  }
0x1d9: {  	s18 =	rddreg [dreg:$0x17];
	[sflag:s20] =	ssyncadd.s32 $0xFFFFFF80  }
0x1da: {  	[spmem:s2] =	stream.indirect.scatter.add.f32 [tilespmem:s14], [sflag:$0x1], $0x1, s18, s19, $0xb8;
	[tilespmem:$0x3070] =	vst v63  }
0x1db: {  	_ =	swait.ge [sflag:s21], $0x80  }
0x1dc: {  	[sflag:s21] =	ssyncset.done $0x0  }
0x1dd: {  	s24 =	simm.s32 $0xA80;
	[sflag:s21] =	ssyncadd.s32 $0xFFFFFF80  }
0x1de: {  	[spmem:s2] =	stream.indirect.scatter.add.f32 [tilespmem:s14], [sflag:$0x2], $0x1, s24, s19, $0xb8;
	[tilespmem:$0x3070] =	vst v63  }
0x1df: {  	_ =	swait.ge [sflag:s22], $0x80  }
0x1e0: {  	[sflag:s22] =	ssyncset.done $0x0  }
0x1e1: {  	[sflag:s22] =	ssyncadd.s32 $0xFFFFFF80  }
0x1e2: {  	[spmem:s2] =	stream.indirect.scatter.add.f32 [tilespmem:s14], [sflag:$0x3], $0x1, s25, s19, $0xb8;
	[tilespmem:$0x3070] =	vst v63  }
0x1e3: {  	_ =	swait.ge [sflag:s23], $0x80  }
0x1e4: {  	[sflag:s23] =	ssyncset.done $0x0  }
0x1e5: {  	[sflag:s23] =	ssyncadd.s32 $0xFFFFFF80  }
0x1e6: {  	[spmem:s2] =	stream.indirect.scatter.add.f32 [tilespmem:s14], [sflag:$0x4], $0x1, s26, s19, $0xb8;
	[tilespmem:$0x3070] =	vst v63  }
0x1e7: {  	_ =	swait.ge [sflag:s20], $0x80  }
0x1e8: {  	[sflag:s20] =	ssyncset.done $0x0  }
0x1e9: {  	[sflag:s20] =	ssyncadd.s32 $0xFFFFFF80  }
0x1ea: {  	[spmem:s2] =	stream.indirect.scatter.add.f32 [tilespmem:s14], [sflag:$0x1], $0x1, s28, s19, $0xb8;
	[tilespmem:$0x3070] =	vst v63  }
0x1eb: {  	_ =	swait.ge [sflag:s21], $0x80  }
0x1ec: {  	[sflag:s21] =	ssyncset.done $0x0  }
0x1ed: {  	[sflag:s21] =	ssyncadd.s32 $0xFFFFFF80  }
0x1ee: {  	[spmem:s2] =	stream.indirect.scatter.add.f32 [tilespmem:s14], [sflag:$0x2], $0x1, s29, s19, $0xb8;
	[tilespmem:$0x3070] =	vst v63  }
0x1ef: {  	_ =	swait.ge [sflag:s22], $0x80  }
0x1f0: {  	[sflag:s22] =	ssyncset.done $0x0  }
0x1f1: {  	[sflag:s22] =	ssyncadd.s32 $0xFFFFFF80  }
0x1f2: {  	[spmem:s2] =	stream.indirect.scatter.add.f32 [tilespmem:s14], [sflag:$0x3], $0x1, s30, s19, $0xb8;
	[tilespmem:$0x3070] =	vst v63  }
0x1f3: {  	_ =	swait.ge [sflag:s23], $0x80  }
0x1f4: {  	[sflag:s23] =	ssyncset.done $0x0  }
0x1f5: {  	[sflag:s23] =	ssyncadd.s32 $0xFFFFFF80  }
0x1f6: {  	[spmem:s2] =	stream.indirect.scatter.add.f32 [tilespmem:s14], [sflag:$0x4], $0x1, s31, s19, $0xb8;
	[tilespmem:$0x3070] =	vst v63  }
0x1f7: {  	_ =	swait.ge [sflag:s20], $0x80  }
0x1f8: {  	[sflag:s20] =	ssyncset.done $0x0  }
0x1f9: {  	[sflag:s20] =	ssyncadd.s32 $0xFFFFFF80  }
0x1fa: {  	[spmem:s2] =	stream.indirect.scatter.add.f32 [tilespmem:s14], [sflag:$0x1], $0x1, s0, s19, $0xb8;
	[tilespmem:$0x3070] =	vst v63  }
0x1fb: {  	_ =	swait.ge [sflag:s21], $0x80  }
0x1fc: {  	[sflag:s21] =	ssyncset.done $0x0  }
0x1fd: {  	[sflag:s21] =	ssyncadd.s32 $0xFFFFFF80  }
0x1fe: {  	[spmem:s2] =	stream.indirect.scatter.add.f32 [tilespmem:s14], [sflag:$0x2], $0x1, s1, s19, $0xb8;
	[tilespmem:$0x3070] =	vst v63  }
0x1ff: {  	_ =	swait.ge [sflag:s22], $0x80  }
0x200: {  	[sflag:s22] =	ssyncset.done $0x0  }
0x201: {  	[sflag:s22] =	ssyncadd.s32 $0xFFFFFF80  }
0x202: {  	[spmem:s2] =	stream.indirect.scatter.add.f32 [tilespmem:s14], [sflag:$0x3], $0x1, s6, s19, $0xb8;
	[tilespmem:$0x3070] =	vst v63  }
0x203: {  	_ =	swait.ge [sflag:s23], $0x80  }
0x204: {  	[sflag:s23] =	ssyncset.done $0x0  }
0x205: {  	[sflag:s23] =	ssyncadd.s32 $0xFFFFFF80  }
0x206: {  	[spmem:s2] =	stream.indirect.scatter.add.f32 [tilespmem:s14], [sflag:$0x4], $0x1, s8, s19, $0xb8;
	[tilespmem:$0x3070] =	vst v63  }
0x207: {  	_ =	swait.ge [sflag:s20], $0x80  }
0x208: {  	[sflag:s20] =	ssyncset.done $0x0  }
0x209: {  	[sflag:s20] =	ssyncadd.s32 $0xFFFFFF80  }
0x20a: {  	[spmem:s2] =	stream.indirect.scatter.add.f32 [tilespmem:s14], [sflag:$0x1], $0x1, s9, s19, $0xb8;
	[tilespmem:$0x3070] =	vst v63  }
0x20b: {  	_ =	swait.ge [sflag:s21], $0x80  }
0x20c: {  	[sflag:s21] =	ssyncset.done $0x0  }
0x20d: {  	[sflag:s21] =	ssyncadd.s32 $0xFFFFFF80  }
0x20e: {  	[spmem:s2] =	stream.indirect.scatter.add.f32 [tilespmem:s14], [sflag:$0x2], $0x1, s10, s19, $0xb8;
	[tilespmem:$0x3070] =	vst v63  }
0x20f: {  	_ =	swait.ge [sflag:s22], $0x80  }
0x210: {  	[sflag:s22] =	ssyncset.done $0x0  }
0x211: {  	[sflag:s22] =	ssyncadd.s32 $0xFFFFFF80  }
0x212: {  	[spmem:s2] =	stream.indirect.scatter.add.f32 [tilespmem:s14], [sflag:$0x3], $0x1, s11, s19, $0xb8;
	[tilespmem:$0x3070] =	vst v63  }
0x213: {  	_ =	swait.ge [sflag:s23], $0x80  }
0x214: {  	[sflag:s23] =	ssyncset.done $0x0  }
0x215: {  	[sflag:s23] =	ssyncadd.s32 $0xFFFFFF80  }
0x216: {  	[spmem:s2] =	stream.indirect.scatter.add.f32 [tilespmem:s14], [sflag:$0x4], $0x1, s12, s19, $0xb8;
	[tilespmem:$0x3070] =	vst v63  }
0x217: {  	_ =	swait.ge [sflag:s20], $0x80  }
0x218: {  	[sflag:s20] =	ssyncset.done $0x0  }
0x219: {  	[sflag:s20] =	ssyncadd.s32 $0xFFFFFF80  }
0x21a: {  	[spmem:s2] =	stream.indirect.scatter.add.f32 [tilespmem:s14], [sflag:$0x1], $0x1, s13, s19, $0xb8;
	[tilespmem:$0x3070] =	vst v63  }
0x21b: {  	_ =	swait.ge [sflag:s21], $0x80  }
0x21c: {  	[sflag:s21] =	ssyncset.done $0x0  }
0x21d: {  	[sflag:s21] =	ssyncadd.s32 $0xFFFFFF80  }
0x21e: {  	[spmem:s2] =	stream.indirect.scatter.add.f32 [tilespmem:s14], [sflag:$0x2], $0x1, s3, s19, $0xb8;
	[tilespmem:$0x3070] =	vst v63  }
0x21f: {  	_ =	swait.ge [sflag:s22], $0x80  }
0x220: {  	[sflag:s22] =	ssyncset.done $0x0  }
0x221: {  	[sflag:s22] =	ssyncadd.s32 $0xFFFFFF80  }
0x222: {  	[spmem:s2] =	stream.indirect.scatter.add.f32 [tilespmem:s14], [sflag:$0x3], $0x1, s16, s19, $0xb8;
	[tilespmem:$0x3070] =	vst v63  }
0x223: {  	_ =	swait.ge [sflag:s23], $0x80  }
0x224: {  	[sflag:s23] =	ssyncset.done $0x0  }
0x225: {  	[sflag:s23] =	ssyncadd.s32 $0xFFFFFF80  }
0x226: {  	[spmem:s2] =	stream.indirect.scatter.add.f32 [tilespmem:s14], [sflag:$0x4], $0x1, s17, s19, $0xb8;
	[tilespmem:$0x3070] =	vst v63  }
0x227: {  	_ =	swait.ge [sflag:s20], $0x80  }
0x228: {  	[sflag:s20] =	ssyncset.done $0x0  }
0x229: {  	[sflag:s20] =	ssyncadd.s32 $0xFFFFFF80  }
0x22a: {  	_ =	swait.ge [sflag:s21], $0x80  }
0x22b: {  	[sflag:s21] =	ssyncset.done $0x0  }
0x22c: {  	[sflag:s21] =	ssyncadd.s32 $0xFFFFFF80  }
0x22d: {  	_ =	swait.ge [sflag:s22], $0x80  }
0x22e: {  	[sflag:s22] =	ssyncset.done $0x0  }
0x22f: {  	[sflag:s22] =	ssyncadd.s32 $0xFFFFFF80  }
0x230: {  	_ =	swait.ge [sflag:s23], $0x80  }
0x231: {  	[sflag:s23] =	ssyncset.done $0x0  }
0x232: {  	[sflag:s23] =	ssyncadd.s32 $0xFFFFFF80  }
0x233: {  	[bflag:$0x0] =	sbarrier.arrive $0xFFFF  }
0x234: {  	s18 =	rddreg [dreg:$0x1a]  }
0x235: {  	s7 =	simm.s32 @!p1 $0x1FC5;
	s24 =	rddreg [dreg:$0x1f];
	s5 =	sshrl.u32 @!p1 s18, $0x3  }
0x236: {  	[hbm:s24], [sflag:s7] =	dma.local @!p1 [spmem:s5], $0x1888  }
0x237: {  	s5 =	simm.s32 @!p1 $0x5  }
0x238: {  	_ =	swait.ge @!p1 [sflag:s5], $0x1888  }
0x239: {  	s7 =	simm.s32 @!p2 $0x1FC5;
	[sflag:s5] =	ssyncset.done @!p1 $0x0  }
0x23a: {  	[sflag:s5] =	ssyncadd.s32 @!p1 $0xFFFFE778;
	s5 =	sshrl.u32 @!p2 s18, $0x3;
	s18 =	rddreg [dreg:$0x1e]  }
0x23b: {  	[hbm:s18], [sflag:s7] =	dma.local @!p2 [spmem:s5], $0x1888  }
0x23c: {  	s5 =	simm.s32 @!p2 $0x5  }
0x23d: {  	_ =	swait.ge @!p2 [sflag:s5], $0x1888  }
0x23e: {  	s7 =	stileid.u32;
	s18 =	rddreg [dreg:$0x18]  }
0x23f: {  	s7 =	sshll.u32 @!p3 s7, $0x6;
	[sflag:s5] =	ssyncset.done @!p2 $0x0;
	s24 =	rddreg [dreg:$0x1d]  }
0x240: {  	[sflag:s5] =	ssyncadd.s32 @!p2 $0xFFFFE778;
	s5 =	sor.u32 @!p3 $0x1C05, s7;
	s7 =	sshrl.u32 @!p3 s18, $0x3  }
0x241: {  	[hbm:s24], [sflag:s5] =	dma.local @!p3 [spmem:s7], $0x1868  }
0x242: {  	s5 =	simm.s32 @!p3 $0x5  }
0x243: {  	_ =	swait.ge @!p3 [sflag:s5], $0x1868  }
0x244: {  	s7 =	stileid.u32;
	[sflag:s5] =	ssyncset.done @!p3 $0x0  }
0x245: {  	s7 =	sshll.u32 @!p4 s7, $0x6;
	[sflag:s5] =	ssyncadd.s32 @!p3 $0xFFFFE798  }
0x246: {  	s5 =	sor.u32 @!p4 $0x1C05, s7;
	s7 =	sshrl.u32 @!p4 s18, $0x3;
	s18 =	rddreg [dreg:$0x1c]  }
0x247: {  	[hbm:s18], [sflag:s5] =	dma.local @!p4 [spmem:s7], $0x1868  }
0x248: {  	s5 =	simm.s32 @!p4 $0x5  }
0x249: {  	_ =	swait.ge @!p4 [sflag:s5], $0x1868  }
0x24a: {  	s7 =	sld [smem:$0x7F9]  }
0x24b: {  	s24 =	sld [smem:$0x7FA];
	_ =	sdelay $0x1  }
0x24c: {  	s18 =	sadd.s32 $0x1, s7  }
0x24d: {  	p5 =	sne.s32 s18, s24  }
.Ltmp1:
0x24e: {  	_ = 	snop;
	(pc) =	sbr.rel @p5 .LBB2_1-.Ltmp1, $3  }
0x24f: {  	_ =	sdelay $0x1  }
0x250: {  	[sflag:s5] =	ssyncset.done @!p4 $0x0  }
0x251: {  	[sflag:s5] =	ssyncadd.s32 @!p4 $0xFFFFE798  }
0x252: {  	_ =	sfence.sel $0x180000  }
0x253: {  	[bflag:$0x0] =	sbarrier.arrive $0xFFFF  }
0x254: {  	_ =	strace $0x90000047  }
0x255: {  	s0 =	stileid.u32;
	[bflag:$0x2] =	sbarrier.arrive $0xFFFF  }
0x256: {  	p0 =	sne.s32 s0, $0x0;
	s0 =	rddreg [dreg:$0x3]  }
0x257: {  	s0 =	sadd.s32 @!p0 $0x100000, s0  }
0x258: {  	[sflag:s0] =	ssyncadd.tile.s32 @!p0 $0x1;
	_ =	shalt  }
.Lfunc_end2:
_tile_overlayer_lowered:
.L_overlay_start_2:
0x259: {  	(tag) =	ssettag $0x2  }
0x25a: {  	s0 =	rddreg [dreg:$0x0];
	s2 =	stileid.u32  }
0x25b: {  	s1 =	rddreg [dreg:$0x1];
	p0 =	sne.s32 s2, $0x0  }
0x25c: {  	s3 =	rddreg [dreg:$0x2];
	[bflag:$0x3] =	sbarrier.arrive $0xFFFF;
	s2 =	simm.s32 @!p0 $0x1C05  }
0x25d: {  	[timem:s3], [sflag:s2] =	dma.local @!p0 [hbm:s0], s1  }
0x25e: {  	s0 =	simm.s32 @!p0 $0x5  }
0x25f: {  	_ =	swait.ge @!p0 [sflag:s0], s1  }
0x260: {  	s1 =	ssub.s32 @!p0 $0x0, s1;
	[sflag:s0] =	ssyncset.done @!p0 $0x0  }
0x261: {  	[sflag:s0] =	ssyncadd.s32 @!p0 s1  }
0x262: {  	[bflag:$0x3] =	sbarrier.arrive $0xFFFF  }
0x263: {  	_ =	shalt  }

</sc_bundles>
